<compile_context>
chip_gen: v7x
topology: tpu7x:2x2x1
jax: 0.10.2.dev20260603
libtpu: 0.0.44.dev20260713+nightly
codegen_flags: <defaults>
</compile_context>

<pallas_src>
import functools

import jax
import jax.numpy as jnp
from jax import lax
from jax.experimental import pallas as pl
from jax.experimental.pallas import tpu as pltpu
from jax.experimental.pallas import tpu_sc as plsc

N = 10000
E = 320000
D = 128
ED = 16
H = 128
L = 3

N_PAD = 10240
E_PAD = 327680
EPW = E_PAD // 32
CHUNK = 128
NCH = EPW // CHUNK
NCHT = E_PAD // CHUNK
NROWC = N_PAD // 16


@functools.lru_cache(maxsize=None)
def _mesh():
    return plsc.VectorSubcoreMesh(
        core_axis_name="c", subcore_axis_name="s", num_cores=2, num_subcores=16
    )




def _gather_body(tbl_hbm, gidx_hbm, out_hbm, idxb, buf, sg1, sg2a, sg2b,
                 swa, swb):
    cid = lax.axis_index("c")
    sid = lax.axis_index("s")
    w = sid * 2 + cid
    base = w * EPW
    pltpu.sync_copy(gidx_hbm.at[pl.ds(w * NCH, NCH)], idxb)

    def g1_start(c):
        pltpu.async_copy(tbl_hbm.at[idxb.at[c, 0]], buf.at[lax.rem(c, 3)], sg1)

    def g1_wait():
        pltpu.make_async_copy(tbl_hbm.at[idxb.at[0, 0]], buf.at[0], sg1).wait()

    def g2_start(c):
        b = lax.rem(c, 3)

        @pl.when(lax.rem(c, 2) == 0)
        def _():
            pltpu.async_copy(tbl_hbm.at[idxb.at[c, 1]], buf.at[b], sg2a,
                             add=True)

        @pl.when(lax.rem(c, 2) == 1)
        def _():
            pltpu.async_copy(tbl_hbm.at[idxb.at[c, 1]], buf.at[b], sg2b,
                             add=True)

    def g2_wait(c):
        @pl.when(lax.rem(c, 2) == 0)
        def _():
            pltpu.make_async_copy(
                tbl_hbm.at[idxb.at[0, 1]], buf.at[0], sg2a
            ).wait()

        @pl.when(lax.rem(c, 2) == 1)
        def _():
            pltpu.make_async_copy(
                tbl_hbm.at[idxb.at[0, 1]], buf.at[0], sg2b
            ).wait()

    def w_start(c):
        b = lax.rem(c, 3)
        dst = out_hbm.at[pl.ds(base + c * CHUNK, CHUNK)]

        @pl.when(lax.rem(c, 2) == 0)
        def _():
            pltpu.async_copy(buf.at[b], dst, swa)

        @pl.when(lax.rem(c, 2) == 1)
        def _():
            pltpu.async_copy(buf.at[b], dst, swb)

    def w_wait(c):
        @pl.when(lax.rem(c, 2) == 0)
        def _():
            pltpu.make_async_copy(
                buf.at[0], out_hbm.at[pl.ds(base, CHUNK)], swa
            ).wait()

        @pl.when(lax.rem(c, 2) == 1)
        def _():
            pltpu.make_async_copy(
                buf.at[0], out_hbm.at[pl.ds(base, CHUNK)], swb
            ).wait()

    g1_start(0)

    @pl.loop(0, NCH)
    def _chunk(c):
        g1_wait()

        @pl.when(c >= 2)
        def _():
            w_wait(c - 2)

        @pl.when(c <= NCH - 2)
        def _():
            g1_start(c + 1)

        g2_start(c)

        @pl.when(c >= 1)
        def _():
            g2_wait(c - 1)
            w_start(c - 1)

    g2_wait(NCH - 1)
    w_start(NCH - 1)
    w_wait(NCH - 2)
    w_wait(NCH - 1)


@functools.lru_cache(maxsize=None)
def _sc_gather_kernel():
    return pl.kernel(
        _gather_body,
        out_type=jax.ShapeDtypeStruct((E_PAD, H), jnp.float32),
        mesh=_mesh(),
        scratch_types=[
            pltpu.VMEM((NCH, 2, CHUNK), jnp.int32),
            pltpu.VMEM((3, CHUNK, H), jnp.float32),
            pltpu.SemaphoreType.DMA,
            pltpu.SemaphoreType.DMA,
            pltpu.SemaphoreType.DMA,
            pltpu.SemaphoreType.DMA,
            pltpu.SemaphoreType.DMA,
        ],
    )


def _scatter_body(m_hbm, sidx_hbm, zrow_hbm, out_hbm, idxb, bufm, shared,
                  sld, ssc):
    cid = lax.axis_index("c")
    sid = lax.axis_index("s")
    w = sid * 2 + cid
    base = w * EPW
    pltpu.sync_copy(sidx_hbm.at[pl.ds(w * NCH, NCH)], idxb)
    pltpu.sync_copy(zrow_hbm, shared.at[pl.ds(sid * NROWC, NROWC)])
    plsc.subcore_barrier()

    def load_start(c, b):
        pltpu.async_copy(
            m_hbm.at[pl.ds(base + c * CHUNK, CHUNK)], bufm.at[b], sld
        )

    def load_wait():
        pltpu.make_async_copy(
            m_hbm.at[pl.ds(base, CHUNK)], bufm.at[0], sld
        ).wait()

    def scat_start(c, b):
        pltpu.async_copy(bufm.at[b], shared.at[idxb.at[c]], ssc, add=True)

    def scat_wait():
        pltpu.make_async_copy(bufm.at[0], shared.at[idxb.at[0]], ssc).wait()

    load_start(0, 0)

    @pl.loop(0, NCH)
    def _chunk(c):
        b = lax.rem(c, 2)
        load_wait()

        @pl.when(c >= 1)
        def _():
            scat_wait()

        scat_start(c, b)

        @pl.when(c <= NCH - 2)
        def _():
            load_start(c + 1, 1 - b)

    scat_wait()
    plsc.subcore_barrier()
    pltpu.sync_copy(
        shared.at[pl.ds(sid * NROWC, NROWC)],
        out_hbm.at[cid, pl.ds(sid * NROWC, NROWC)],
    )


@functools.lru_cache(maxsize=None)
def _sc_scatter_kernel():
    return pl.kernel(
        _scatter_body,
        out_type=jax.ShapeDtypeStruct((2, N_PAD, H), jnp.float32),
        mesh=_mesh(),
        scratch_types=[
            pltpu.VMEM((NCH, CHUNK), jnp.int32),
            pltpu.VMEM((2, CHUNK, H), jnp.float32),
            pltpu.VMEM_SHARED((N_PAD, H), jnp.float32),
            pltpu.SemaphoreType.DMA,
            pltpu.SemaphoreType.DMA,
        ],
    )



_BN = 1024


def _proj_body(x_ref, w_ref, b_ref, out_ref):
    out_ref[...] = (
        jnp.dot(x_ref[...], w_ref[...], preferred_element_type=jnp.float32)
        + b_ref[...]
    )


def _tc_proj(x, w, b):
    return pl.pallas_call(
        _proj_body,
        grid=(N_PAD // _BN,),
        in_specs=[
            pl.BlockSpec((_BN, D), lambda i: (i, 0)),
            pl.BlockSpec((D, H), lambda i: (0, 0)),
            pl.BlockSpec((1, H), lambda i: (0, 0)),
        ],
        out_specs=pl.BlockSpec((_BN, H), lambda i: (i, 0)),
        out_shape=jax.ShapeDtypeStruct((N_PAD, H), jnp.float32),
    )(x, w, b)


def _ab_body(h_ref, wa_ref, wb_ref, b1_ref, out_ref):
    hb = h_ref[...]
    out_ref[0] = (
        jnp.dot(hb, wa_ref[...], preferred_element_type=jnp.float32)
        + b1_ref[...]
    )
    out_ref[1] = jnp.dot(hb, wb_ref[...], preferred_element_type=jnp.float32)


def _tc_ab(h, wa, wb, b1):
    return pl.pallas_call(
        _ab_body,
        grid=(N_PAD // _BN,),
        in_specs=[
            pl.BlockSpec((_BN, H), lambda i: (i, 0)),
            pl.BlockSpec((H, H), lambda i: (0, 0)),
            pl.BlockSpec((H, H), lambda i: (0, 0)),
            pl.BlockSpec((1, H), lambda i: (0, 0)),
        ],
        out_specs=pl.BlockSpec((2, _BN, H), lambda i: (0, i, 0)),
        out_shape=jax.ShapeDtypeStruct((2, N_PAD, H), jnp.float32),
    )(h, wa, wb, b1)


def _edge_body(g_ref, ea_ref, wc_ref, w2_ref, b2_ref, out_ref):
    m1 = jnp.maximum(
        g_ref[...]
        + jnp.dot(ea_ref[...], wc_ref[...], preferred_element_type=jnp.float32),
        0.0,
    )
    out_ref[...] = jnp.maximum(
        jnp.dot(m1, w2_ref[...], preferred_element_type=jnp.float32)
        + b2_ref[...],
        0.0,
    )


def _tc_edge(gsum, ea, wc, w2, b2):
    return pl.pallas_call(
        _edge_body,
        grid=(E_PAD // _BN,),
        in_specs=[
            pl.BlockSpec((_BN, H), lambda i: (i, 0)),
            pl.BlockSpec((_BN, ED), lambda i: (i, 0)),
            pl.BlockSpec((ED, H), lambda i: (0, 0)),
            pl.BlockSpec((H, H), lambda i: (0, 0)),
            pl.BlockSpec((1, H), lambda i: (0, 0)),
        ],
        out_specs=pl.BlockSpec((_BN, H), lambda i: (i, 0)),
        out_shape=jax.ShapeDtypeStruct((E_PAD, H), jnp.float32),
    )(gsum, ea, wc, w2, b2)


def _upd_body(h_ref, a0_ref, a1_ref, wh_ref, wa_ref, bu_ref, g_ref, b_ref,
              out_ref):
    hb = h_ref[...]
    agg = a0_ref[0] + a1_ref[0]
    o = (
        jnp.dot(hb, wh_ref[...], preferred_element_type=jnp.float32)
        + jnp.dot(agg, wa_ref[...], preferred_element_type=jnp.float32)
        + bu_ref[...]
    )
    o = jnp.maximum(o, 0.0) + hb
    mu = jnp.mean(o, axis=1, keepdims=True)
    var = jnp.mean((o - mu) * (o - mu), axis=1, keepdims=True)
    out_ref[...] = (o - mu) * lax.rsqrt(var + 1e-5) * g_ref[...] + b_ref[...]


def _tc_upd(h, scat, wh, wa, bu, g, b):
    return pl.pallas_call(
        _upd_body,
        grid=(N_PAD // _BN,),
        in_specs=[
            pl.BlockSpec((_BN, H), lambda i: (i, 0)),
            pl.BlockSpec((1, _BN, H), lambda i: (0, i, 0)),
            pl.BlockSpec((1, _BN, H), lambda i: (1, i, 0)),
            pl.BlockSpec((H, H), lambda i: (0, 0)),
            pl.BlockSpec((H, H), lambda i: (0, 0)),
            pl.BlockSpec((1, H), lambda i: (0, 0)),
            pl.BlockSpec((1, H), lambda i: (0, 0)),
            pl.BlockSpec((1, H), lambda i: (0, 0)),
        ],
        out_specs=pl.BlockSpec((_BN, H), lambda i: (i, 0)),
        out_shape=jax.ShapeDtypeStruct((N_PAD, H), jnp.float32),
    )(h, scat, scat, wh, wa, bu, g, b)


def _final_body(h_ref, g_ref, b_ref, out_ref):
    i = pl.program_id(0)
    hb = h_ref[...]
    mu = jnp.mean(hb, axis=1, keepdims=True)
    var = jnp.mean((hb - mu) * (hb - mu), axis=1, keepdims=True)
    y = (hb - mu) * lax.rsqrt(var + 1e-5) * g_ref[...] + b_ref[...]
    rows = i * _BN + lax.broadcasted_iota(jnp.int32, (_BN, 1), 0)
    y = jnp.where(rows < N, y, 0.0)
    part = jnp.sum(y, axis=0, keepdims=True)

    @pl.when(i == 0)
    def _():
        out_ref[...] = jnp.zeros_like(out_ref)

    out_ref[...] += part

    @pl.when(i == N_PAD // _BN - 1)
    def _():
        out_ref[...] *= 1.0 / N


def _tc_final(h, g, b):
    return pl.pallas_call(
        _final_body,
        grid=(N_PAD // _BN,),
        in_specs=[
            pl.BlockSpec((_BN, H), lambda i: (i, 0)),
            pl.BlockSpec((1, H), lambda i: (0, 0)),
            pl.BlockSpec((1, H), lambda i: (0, 0)),
        ],
        out_specs=pl.BlockSpec((1, H), lambda i: (0, 0)),
        out_shape=jax.ShapeDtypeStruct((1, H), jnp.float32),
    )(h, g, b)



def kernel(x, edge_index, edge_attr, proj_W, proj_b, msg_W1, msg_b1, msg_W2,
           msg_b2, upd_W, upd_b, ln_g, ln_b, out_g, out_b):
    f32 = jnp.float32
    i_idx = edge_index[0].astype(jnp.int32)
    j_idx = edge_index[1].astype(jnp.int32)
    pad_e = E_PAD - E

    gi = jnp.concatenate([i_idx, jnp.zeros((pad_e,), jnp.int32)])
    gj = jnp.concatenate([j_idx, jnp.zeros((pad_e,), jnp.int32)]) + N_PAD
    gidx = jnp.stack(
        [gi.reshape(NCHT, CHUNK), gj.reshape(NCHT, CHUNK)], axis=1
    )
    sidx = jnp.concatenate(
        [i_idx, jnp.full((pad_e,), N, jnp.int32)]
    ).reshape(NCHT, CHUNK)

    x_pad = jnp.pad(x, ((0, N_PAD - N), (0, 0)))
    ea_pad = jnp.pad(edge_attr, ((0, pad_e), (0, 0)))
    zrow = jnp.zeros((NROWC, H), f32)

    h = _tc_proj(x_pad, proj_W, proj_b.reshape(1, H))
    for l in range(L):
        w1 = msg_W1[l]
        tbl = _tc_ab(
            h, w1[:H], w1[H : 2 * H], msg_b1[l].reshape(1, H)
        ).reshape(2 * N_PAD, H)
        gsum = _sc_gather_kernel()(tbl, gidx)
        m = _tc_edge(
            gsum, ea_pad, w1[2 * H :], msg_W2[l], msg_b2[l].reshape(1, H)
        )
        scat = _sc_scatter_kernel()(m, sidx, zrow)
        h = _tc_upd(
            h,
            scat,
            upd_W[l][:H],
            upd_W[l][H:],
            upd_b[l].reshape(1, H),
            ln_g[l].reshape(1, H),
            ln_b[l].reshape(1, H),
        )
    return _tc_final(h, out_g.reshape(1, H), out_b.reshape(1, H))

# --- scband reference (transcript-rebuilt; emitter-appended) ---
"""Pipeline reference for scband-edge-gnnencoder-89532888252999 (READ-ONLY COPY).

The authoritative reference and input builder live on the scoring server;
editing this copy changes nothing except your own understanding.
"""

import jax, jax.numpy as jnp
import numpy as np

N = 10000
E = 320000
D = 128
ED = 16
H = 128
L = 3


def setup_inputs(seed: int = 0) -> dict:
    key = jax.random.key(seed)
    ks = jax.random.split(key, 16)
    inp = {}
    inp["x"] = jax.random.normal(ks[0], (N, D), dtype=jnp.float32)
    inp["edge_index"] = jax.random.randint(ks[1], (2, E), 0, N, dtype=jnp.int32)
    inp["edge_attr"] = jax.random.normal(ks[2], (E, ED), dtype=jnp.float32)
    # parameters
    inp["proj_W"] = jax.random.normal(ks[3], (D, H), dtype=jnp.float32) * 0.05
    inp["proj_b"] = jnp.zeros((H,), dtype=jnp.float32)
    inp["msg_W1"] = jax.random.normal(ks[4], (L, 2 * H + ED, H), dtype=jnp.float32) * 0.05
    inp["msg_b1"] = jnp.zeros((L, H), dtype=jnp.float32)
    inp["msg_W2"] = jax.random.normal(ks[5], (L, H, H), dtype=jnp.float32) * 0.05
    inp["msg_b2"] = jnp.zeros((L, H), dtype=jnp.float32)
    inp["upd_W"] = jax.random.normal(ks[6], (L, 2 * H, H), dtype=jnp.float32) * 0.05
    inp["upd_b"] = jnp.zeros((L, H), dtype=jnp.float32)
    inp["ln_g"] = jnp.ones((L, H), dtype=jnp.float32)
    inp["ln_b"] = jnp.zeros((L, H), dtype=jnp.float32)
    inp["out_g"] = jnp.ones((H,), dtype=jnp.float32)
    inp["out_b"] = jnp.zeros((H,), dtype=jnp.float32)
    return inp


def _layernorm(h, g, b, eps=1e-5):
    mu = jnp.mean(h, axis=-1, keepdims=True)
    var = jnp.var(h, axis=-1, keepdims=True)
    return (h - mu) / jnp.sqrt(var + eps) * g + b


def _layer(x, i_idx, j_idx, edge_attr, W1, b1, W2, b2, Wu, bu, g, b):
    m_in = jnp.concatenate([x[i_idx], x[j_idx], edge_attr], axis=-1)
    m = jax.nn.relu(m_in @ W1 + b1)
    m = jax.nn.relu(m @ W2 + b2)
    agg = jnp.zeros((x.shape[0], m.shape[1]), dtype=x.dtype).at[i_idx].add(m)
    out = jax.nn.relu(jnp.concatenate([x, agg], axis=-1) @ Wu + bu)
    return _layernorm(out + x, g, b)


def reference(x, edge_index, edge_attr, proj_W, proj_b, msg_W1, msg_b1, msg_W2, msg_b2, upd_W, upd_b, ln_g, ln_b, out_g, out_b):
    i_idx = edge_index[0]
    j_idx = edge_index[1]
    h = x @ proj_W + proj_b
    for l in range(L):
        h = _layer(h, i_idx, j_idx, edge_attr, msg_W1[l], msg_b1[l], msg_W2[l], msg_b2[l], upd_W[l], upd_b[l], ln_g[l], ln_b[l])
    h = _layernorm(h, out_g, out_b)
    emb = jnp.mean(h, axis=0)  # global mean pool
    return emb[None, :]  # unsqueeze(0) -> [1, H]

if __name__ == "__main__":
    import jax
    _d = setup_inputs()
    print(jax.jit(kernel)(*tuple(_d.values())))

</pallas_src>

<mosaic_0001>
#map = affine_map<(d0, d1) -> (0, 0)>
#map1 = affine_map<(d0, d1) -> (0, 0, 0)>
module attributes {stable_mosaic.version = 14 : i64} {
  func.func @_gather_body(%arg0: i32, %arg1: i32, %arg2: memref<20480x128xf32, #tpu.memory_space<hbm>>, %arg3: memref<2560x2x128xi32, #tpu.memory_space<hbm>>, %arg4: memref<327680x128xf32, #tpu.memory_space<hbm>>, %arg5: memref<80x2x128xi32, #tpu.memory_space<vmem>>, %arg6: memref<3x128x128xf32, #tpu.memory_space<vmem>>, %arg7: memref<!tpu.dma_semaphore, #tpu.memory_space<semaphore_mem>>, %arg8: memref<!tpu.dma_semaphore, #tpu.memory_space<semaphore_mem>>, %arg9: memref<!tpu.dma_semaphore, #tpu.memory_space<semaphore_mem>>, %arg10: memref<!tpu.dma_semaphore, #tpu.memory_space<semaphore_mem>>, %arg11: memref<!tpu.dma_semaphore, #tpu.memory_space<semaphore_mem>>) attributes {dimension_semantics = [#tpu.dimension_semantics<core_parallel>, #tpu.dimension_semantics<subcore_parallel>], iteration_bounds = array<i64: 2, 16>, scalar_prefetch = 0 : i64, scratch_operands = 7 : i64, tpu.core_type = #tpu.core_type<sc_vector_subcore>, window_params = [{transform_indices = #map}, {transform_indices = #map1}, {transform_indices = #map}]} {
    %mul3A = arith.constant 2 : i32
    %mul3A_0 = arith.muli %arg1, %mul3A : i32
    %add3A = arith.addi %mul3A_0, %arg0 : i32
    %mul3A_1 = arith.constant 10240 : i32
    %mul3A_2 = arith.muli %add3A, %mul3A_1 : i32
    %mul3A_3 = arith.constant 80 : i32
    %mul3A_4 = arith.muli %add3A, %mul3A_3 : i32
    "tpu.region"() ({
      %run_scoped3A = tpu.sem_alloc : memref<!tpu.dma_semaphore, #tpu.memory_space<semaphore_mem>>
      %dma_start3A_88 = arith.constant 0 : i32
      %dma_start3A_89 = arith.constant 0 : i32
      %dma_start3A_90 = tpu.memref_slice %arg3[%mul3A_4, %dma_start3A_88, %dma_start3A_89] : memref<2560x2x128xi32, #tpu.memory_space<hbm>> -> memref<80x2x128xi32, #tpu.memory_space<hbm>>
      %dma_start3A_91 = arith.constant 0 : i32
      %dma_start3A_92 = arith.constant 0 : i32
      %dma_start3A_93 = tpu.memref_slice %arg3[%mul3A_4, %dma_start3A_91, %dma_start3A_92] : memref<2560x2x128xi32, #tpu.memory_space<hbm>> -> memref<80x2x128xi32, #tpu.memory_space<hbm>>
      tpu.enqueue_dma source(%dma_start3A_93 : memref<80x2x128xi32, #tpu.memory_space<hbm>>) target(%arg5 : memref<80x2x128xi32, #tpu.memory_space<vmem>>) target_semaphore(%run_scoped3A : memref<!tpu.dma_semaphore, #tpu.memory_space<semaphore_mem>>)
      %dma_wait3A = arith.constant 0 : i32
      %dma_wait3A_94 = arith.constant 0 : i32
      %dma_wait3A_95 = tpu.memref_slice %arg3[%mul3A_4, %dma_wait3A, %dma_wait3A_94] : memref<2560x2x128xi32, #tpu.memory_space<hbm>> -> memref<80x2x128xi32, #tpu.memory_space<hbm>>
      %dma_wait3A_96 = arith.constant 0 : i32
      %dma_wait3A_97 = arith.constant 0 : i32
      %dma_wait3A_98 = tpu.memref_slice %arg3[%mul3A_4, %dma_wait3A_96, %dma_wait3A_97] : memref<2560x2x128xi32, #tpu.memory_space<hbm>> -> memref<80x2x128xi32, #tpu.memory_space<hbm>>
      tpu.wait_dma2 semaphore(%run_scoped3A : memref<!tpu.dma_semaphore, #tpu.memory_space<semaphore_mem>>) src(%dma_wait3A_98 : memref<80x2x128xi32, #tpu.memory_space<hbm>>) dst(%arg5 : memref<80x2x128xi32, #tpu.memory_space<vmem>>)
      tpu.yield
    }) : () -> ()
    %rem3A = arith.constant 0 : i32
    %rem3A_5 = arith.constant 3 : i32
    %rem3A_6 = arith.remsi %rem3A, %rem3A_5 : i32
    %dma_start3A = arith.constant 0 : i32
    %dma_start3A_7 = arith.constant 0 : i32
    %dma_start3A_8 = arith.constant 0 : i32
    %dma_start3A_9 = arith.constant 0 : i32
    %dma_start3A_10 = tpu.memref_slice %arg6[%rem3A_6, %dma_start3A_8, %dma_start3A_9] : memref<3x128x128xf32, #tpu.memory_space<vmem>> -> memref<1x128x128xf32, #tpu.memory_space<vmem>>
    %dma_start3A_11 = tpu.memref_squeeze %dma_start3A_10 : memref<1x128x128xf32, #tpu.memory_space<vmem>> -> memref<128x128xf32, #tpu.memory_space<vmem>>
    %dma_start3A_12 = arith.constant 0 : i32
    %dma_start3A_13 = tpu.memref_slice %arg5[%dma_start3A, %dma_start3A_7, %dma_start3A_12] : memref<80x2x128xi32, #tpu.memory_space<vmem>> -> memref<1x1x128xi32, #tpu.memory_space<vmem>>
    %dma_start3A_14 = tpu.memref_squeeze %dma_start3A_13 : memref<1x1x128xi32, #tpu.memory_space<vmem>> -> memref<128xi32, #tpu.memory_space<vmem>>
    %dma_start3A_15 = arith.constant 0 : i32
    %dma_start3A_16 = arith.constant 0 : i32
    %dma_start3A_17 = tpu.memref_slice %arg2[%dma_start3A_15, %dma_start3A_16] : memref<20480x128xf32, #tpu.memory_space<hbm>> -> memref<20480x128xf32, #tpu.memory_space<hbm>>
    tpu.enqueue_indirect_dma source(%dma_start3A_17 : memref<20480x128xf32, #tpu.memory_space<hbm>>) target(%dma_start3A_11 : memref<128x128xf32, #tpu.memory_space<vmem>>) offsets(%dma_start3A_14 : memref<128xi32, #tpu.memory_space<vmem>>) semaphore(%arg7 : memref<!tpu.dma_semaphore, #tpu.memory_space<semaphore_mem>>)
    %scan3A = arith.constant 0 : i32
    %scan3A_18 = arith.constant 80 : i32
    %scan3A_19 = arith.addi %scan3A, %scan3A_18 : i32
    %scan3A_20 = arith.constant 1 : i32
    scf.for %scan3A_88 = %scan3A to %scan3A_19 step %scan3A_20  : i32 {
      %mul3A_89 = arith.constant 1 : i32
      %mul3A_90 = arith.muli %scan3A_88, %mul3A_89 : i32
      %add3A_91 = arith.constant 0 : i32
      %add3A_92 = arith.addi %add3A_91, %mul3A_90 : i32
      %dma_wait3A = arith.constant 0 : i32
      %dma_wait3A_93 = arith.constant 0 : i32
      %dma_wait3A_94 = arith.constant 0 : i32
      %dma_wait3A_95 = arith.constant 0 : i32
      %dma_wait3A_96 = arith.constant 0 : i32
      %dma_wait3A_97 = tpu.memref_slice %arg6[%dma_wait3A_94, %dma_wait3A_95, %dma_wait3A_96] : memref<3x128x128xf32, #tpu.memory_space<vmem>> -> memref<1x128x128xf32, #tpu.memory_space<vmem>>
      %dma_wait3A_98 = tpu.memref_squeeze %dma_wait3A_97 : memref<1x128x128xf32, #tpu.memory_space<vmem>> -> memref<128x128xf32, #tpu.memory_space<vmem>>
      %dma_wait3A_99 = arith.constant 0 : i32
      %dma_wait3A_100 = tpu.memref_slice %arg5[%dma_wait3A, %dma_wait3A_93, %dma_wait3A_99] : memref<80x2x128xi32, #tpu.memory_space<vmem>> -> memref<1x1x128xi32, #tpu.memory_space<vmem>>
      %dma_wait3A_101 = tpu.memref_squeeze %dma_wait3A_100 : memref<1x1x128xi32, #tpu.memory_space<vmem>> -> memref<128xi32, #tpu.memory_space<vmem>>
      %dma_wait3A_102 = arith.constant 0 : i32
      %dma_wait3A_103 = arith.constant 0 : i32
      %dma_wait3A_104 = tpu.memref_slice %arg2[%dma_wait3A_102, %dma_wait3A_103] : memref<20480x128xf32, #tpu.memory_space<hbm>> -> memref<20480x128xf32, #tpu.memory_space<hbm>>
      tpu.wait_indirect_dma semaphore(%arg7 : memref<!tpu.dma_semaphore, #tpu.memory_space<semaphore_mem>>) src(%dma_wait3A_104 : memref<20480x128xf32, #tpu.memory_space<hbm>>) dst(%dma_wait3A_98 : memref<128x128xf32, #tpu.memory_space<vmem>>)
      %ge3A = arith.constant 2 : i32
      %ge3A_105 = arith.cmpi sge, %add3A_92, %ge3A : i32
      %convert_element_type3A_106 = arith.extui %ge3A_105 : i1 to i32
      %cond3A_107 = arith.constant 0 : i32
      %cond3A_108 = arith.cmpi ne, %convert_element_type3A_106, %cond3A_107 : i32
      scf.if %cond3A_108 {
        %sub3A = arith.constant 2 : i32
        %sub3A_134 = arith.subi %add3A_92, %sub3A : i32
        %rem3A_135 = arith.constant 2 : i32
        %rem3A_136 = arith.remsi %sub3A_134, %rem3A_135 : i32
        %eq3A_137 = arith.constant 0 : i32
        %eq3A_138 = arith.cmpi eq, %rem3A_136, %eq3A_137 : i32
        %convert_element_type3A_139 = arith.extui %eq3A_138 : i1 to i32
        %cond3A_140 = arith.constant 0 : i32
        %cond3A_141 = arith.cmpi ne, %convert_element_type3A_139, %cond3A_140 : i32
        scf.if %cond3A_141 {
          %dma_wait3A_149 = arith.constant 0 : i32
          %dma_wait3A_150 = arith.constant 0 : i32
          %dma_wait3A_151 = arith.constant 0 : i32
          %dma_wait3A_152 = tpu.memref_slice %arg6[%dma_wait3A_149, %dma_wait3A_150, %dma_wait3A_151] : memref<3x128x128xf32, #tpu.memory_space<vmem>> -> memref<1x128x128xf32, #tpu.memory_space<vmem>>
          %dma_wait3A_153 = tpu.memref_squeeze %dma_wait3A_152 : memref<1x128x128xf32, #tpu.memory_space<vmem>> -> memref<128x128xf32, #tpu.memory_space<vmem>>
          %dma_wait3A_154 = arith.constant 0 : i32
          %dma_wait3A_155 = tpu.memref_slice %arg4[%mul3A_2, %dma_wait3A_154] : memref<327680x128xf32, #tpu.memory_space<hbm>> -> memref<128x128xf32, #tpu.memory_space<hbm>>
          %dma_wait3A_156 = arith.constant 0 : i32
          %dma_wait3A_157 = tpu.memref_slice %arg4[%mul3A_2, %dma_wait3A_156] : memref<327680x128xf32, #tpu.memory_space<hbm>> -> memref<128x128xf32, #tpu.memory_space<hbm>>
          %dma_wait3A_158 = arith.constant 0 : i32
          %dma_wait3A_159 = arith.constant 0 : i32
          %dma_wait3A_160 = tpu.memref_slice %arg6[%dma_wait3A_149, %dma_wait3A_158, %dma_wait3A_159] : memref<3x128x128xf32, #tpu.memory_space<vmem>> -> memref<1x128x128xf32, #tpu.memory_space<vmem>>
          %dma_wait3A_161 = tpu.memref_squeeze %dma_wait3A_160 : memref<1x128x128xf32, #tpu.memory_space<vmem>> -> memref<128x128xf32, #tpu.memory_space<vmem>>
          tpu.wait_dma2 semaphore(%arg10 : memref<!tpu.dma_semaphore, #tpu.memory_space<semaphore_mem>>) src(%dma_wait3A_161 : memref<128x128xf32, #tpu.memory_space<vmem>>) dst(%dma_wait3A_157 : memref<128x128xf32, #tpu.memory_space<hbm>>)
        } else {
        }
        %rem3A_142 = arith.constant 2 : i32
        %rem3A_143 = arith.remsi %sub3A_134, %rem3A_142 : i32
        %eq3A_144 = arith.constant 1 : i32
        %eq3A_145 = arith.cmpi eq, %rem3A_143, %eq3A_144 : i32
        %convert_element_type3A_146 = arith.extui %eq3A_145 : i1 to i32
        %cond3A_147 = arith.constant 0 : i32
        %cond3A_148 = arith.cmpi ne, %convert_element_type3A_146, %cond3A_147 : i32
        scf.if %cond3A_148 {
          %dma_wait3A_149 = arith.constant 0 : i32
          %dma_wait3A_150 = arith.constant 0 : i32
          %dma_wait3A_151 = arith.constant 0 : i32
          %dma_wait3A_152 = tpu.memref_slice %arg6[%dma_wait3A_149, %dma_wait3A_150, %dma_wait3A_151] : memref<3x128x128xf32, #tpu.memory_space<vmem>> -> memref<1x128x128xf32, #tpu.memory_space<vmem>>
          %dma_wait3A_153 = tpu.memref_squeeze %dma_wait3A_152 : memref<1x128x128xf32, #tpu.memory_space<vmem>> -> memref<128x128xf32, #tpu.memory_space<vmem>>
          %dma_wait3A_154 = arith.constant 0 : i32
          %dma_wait3A_155 = tpu.memref_slice %arg4[%mul3A_2, %dma_wait3A_154] : memref<327680x128xf32, #tpu.memory_space<hbm>> -> memref<128x128xf32, #tpu.memory_space<hbm>>
          %dma_wait3A_156 = arith.constant 0 : i32
          %dma_wait3A_157 = tpu.memref_slice %arg4[%mul3A_2, %dma_wait3A_156] : memref<327680x128xf32, #tpu.memory_space<hbm>> -> memref<128x128xf32, #tpu.memory_space<hbm>>
          %dma_wait3A_158 = arith.constant 0 : i32
          %dma_wait3A_159 = arith.constant 0 : i32
          %dma_wait3A_160 = tpu.memref_slice %arg6[%dma_wait3A_149, %dma_wait3A_158, %dma_wait3A_159] : memref<3x128x128xf32, #tpu.memory_space<vmem>> -> memref<1x128x128xf32, #tpu.memory_space<vmem>>
          %dma_wait3A_161 = tpu.memref_squeeze %dma_wait3A_160 : memref<1x128x128xf32, #tpu.memory_space<vmem>> -> memref<128x128xf32, #tpu.memory_space<vmem>>
          tpu.wait_dma2 semaphore(%arg11 : memref<!tpu.dma_semaphore, #tpu.memory_space<semaphore_mem>>) src(%dma_wait3A_161 : memref<128x128xf32, #tpu.memory_space<vmem>>) dst(%dma_wait3A_157 : memref<128x128xf32, #tpu.memory_space<hbm>>)
        } else {
        }
      } else {
      }
      %le3A = arith.constant 78 : i32
      %le3A_109 = arith.cmpi sle, %add3A_92, %le3A : i32
      %convert_element_type3A_110 = arith.extui %le3A_109 : i1 to i32
      %cond3A_111 = arith.constant 0 : i32
      %cond3A_112 = arith.cmpi ne, %convert_element_type3A_110, %cond3A_111 : i32
      scf.if %cond3A_112 {
        %add3A_134 = arith.constant 1 : i32
        %add3A_135 = arith.addi %add3A_92, %add3A_134 : i32
        %rem3A_136 = arith.constant 3 : i32
        %rem3A_137 = arith.remsi %add3A_135, %rem3A_136 : i32
        %dma_start3A_138 = arith.constant 0 : i32
        %dma_start3A_139 = arith.constant 0 : i32
        %dma_start3A_140 = arith.constant 0 : i32
        %dma_start3A_141 = tpu.memref_slice %arg6[%rem3A_137, %dma_start3A_139, %dma_start3A_140] : memref<3x128x128xf32, #tpu.memory_space<vmem>> -> memref<1x128x128xf32, #tpu.memory_space<vmem>>
        %dma_start3A_142 = tpu.memref_squeeze %dma_start3A_141 : memref<1x128x128xf32, #tpu.memory_space<vmem>> -> memref<128x128xf32, #tpu.memory_space<vmem>>
        %dma_start3A_143 = arith.constant 0 : i32
        %dma_start3A_144 = tpu.memref_slice %arg5[%add3A_135, %dma_start3A_138, %dma_start3A_143] : memref<80x2x128xi32, #tpu.memory_space<vmem>> -> memref<1x1x128xi32, #tpu.memory_space<vmem>>
        %dma_start3A_145 = tpu.memref_squeeze %dma_start3A_144 : memref<1x1x128xi32, #tpu.memory_space<vmem>> -> memref<128xi32, #tpu.memory_space<vmem>>
        %dma_start3A_146 = arith.constant 0 : i32
        %dma_start3A_147 = arith.constant 0 : i32
        %dma_start3A_148 = tpu.memref_slice %arg2[%dma_start3A_146, %dma_start3A_147] : memref<20480x128xf32, #tpu.memory_space<hbm>> -> memref<20480x128xf32, #tpu.memory_space<hbm>>
        tpu.enqueue_indirect_dma source(%dma_start3A_148 : memref<20480x128xf32, #tpu.memory_space<hbm>>) target(%dma_start3A_142 : memref<128x128xf32, #tpu.memory_space<vmem>>) offsets(%dma_start3A_145 : memref<128xi32, #tpu.memory_space<vmem>>) semaphore(%arg7 : memref<!tpu.dma_semaphore, #tpu.memory_space<semaphore_mem>>)
      } else {
      }
      %rem3A_113 = arith.constant 3 : i32
      %rem3A_114 = arith.remsi %add3A_92, %rem3A_113 : i32
      %rem3A_115 = arith.constant 2 : i32
      %rem3A_116 = arith.remsi %add3A_92, %rem3A_115 : i32
      %eq3A_117 = arith.constant 0 : i32
      %eq3A_118 = arith.cmpi eq, %rem3A_116, %eq3A_117 : i32
      %convert_element_type3A_119 = arith.extui %eq3A_118 : i1 to i32
      %cond3A_120 = arith.constant 0 : i32
      %cond3A_121 = arith.cmpi ne, %convert_element_type3A_119, %cond3A_120 : i32
      scf.if %cond3A_121 {
        %dma_start3A_134 = arith.constant 1 : i32
        %dma_start3A_135 = arith.constant 0 : i32
        %dma_start3A_136 = arith.constant 0 : i32
        %dma_start3A_137 = tpu.memref_slice %arg6[%rem3A_114, %dma_start3A_135, %dma_start3A_136] : memref<3x128x128xf32, #tpu.memory_space<vmem>> -> memref<1x128x128xf32, #tpu.memory_space<vmem>>
        %dma_start3A_138 = tpu.memref_squeeze %dma_start3A_137 : memref<1x128x128xf32, #tpu.memory_space<vmem>> -> memref<128x128xf32, #tpu.memory_space<vmem>>
        %dma_start3A_139 = arith.constant 0 : i32
        %dma_start3A_140 = tpu.memref_slice %arg5[%add3A_92, %dma_start3A_134, %dma_start3A_139] : memref<80x2x128xi32, #tpu.memory_space<vmem>> -> memref<1x1x128xi32, #tpu.memory_space<vmem>>
        %dma_start3A_141 = tpu.memref_squeeze %dma_start3A_140 : memref<1x1x128xi32, #tpu.memory_space<vmem>> -> memref<128xi32, #tpu.memory_space<vmem>>
        %dma_start3A_142 = arith.constant 0 : i32
        %dma_start3A_143 = arith.constant 0 : i32
        %dma_start3A_144 = tpu.memref_slice %arg2[%dma_start3A_142, %dma_start3A_143] : memref<20480x128xf32, #tpu.memory_space<hbm>> -> memref<20480x128xf32, #tpu.memory_space<hbm>>
        tpu.enqueue_indirect_dma source(%dma_start3A_144 : memref<20480x128xf32, #tpu.memory_space<hbm>>) target(%dma_start3A_138 : memref<128x128xf32, #tpu.memory_space<vmem>>) offsets(%dma_start3A_141 : memref<128xi32, #tpu.memory_space<vmem>>) semaphore(%arg8 : memref<!tpu.dma_semaphore, #tpu.memory_space<semaphore_mem>>) {add = true}
      } else {
      }
      %rem3A_122 = arith.constant 2 : i32
      %rem3A_123 = arith.remsi %add3A_92, %rem3A_122 : i32
      %eq3A_124 = arith.constant 1 : i32
      %eq3A_125 = arith.cmpi eq, %rem3A_123, %eq3A_124 : i32
      %convert_element_type3A_126 = arith.extui %eq3A_125 : i1 to i32
      %cond3A_127 = arith.constant 0 : i32
      %cond3A_128 = arith.cmpi ne, %convert_element_type3A_126, %cond3A_127 : i32
      scf.if %cond3A_128 {
        %dma_start3A_134 = arith.constant 1 : i32
        %dma_start3A_135 = arith.constant 0 : i32
        %dma_start3A_136 = arith.constant 0 : i32
        %dma_start3A_137 = tpu.memref_slice %arg6[%rem3A_114, %dma_start3A_135, %dma_start3A_136] : memref<3x128x128xf32, #tpu.memory_space<vmem>> -> memref<1x128x128xf32, #tpu.memory_space<vmem>>
        %dma_start3A_138 = tpu.memref_squeeze %dma_start3A_137 : memref<1x128x128xf32, #tpu.memory_space<vmem>> -> memref<128x128xf32, #tpu.memory_space<vmem>>
        %dma_start3A_139 = arith.constant 0 : i32
        %dma_start3A_140 = tpu.memref_slice %arg5[%add3A_92, %dma_start3A_134, %dma_start3A_139] : memref<80x2x128xi32, #tpu.memory_space<vmem>> -> memref<1x1x128xi32, #tpu.memory_space<vmem>>
        %dma_start3A_141 = tpu.memref_squeeze %dma_start3A_140 : memref<1x1x128xi32, #tpu.memory_space<vmem>> -> memref<128xi32, #tpu.memory_space<vmem>>
        %dma_start3A_142 = arith.constant 0 : i32
        %dma_start3A_143 = arith.constant 0 : i32
        %dma_start3A_144 = tpu.memref_slice %arg2[%dma_start3A_142, %dma_start3A_143] : memref<20480x128xf32, #tpu.memory_space<hbm>> -> memref<20480x128xf32, #tpu.memory_space<hbm>>
        tpu.enqueue_indirect_dma source(%dma_start3A_144 : memref<20480x128xf32, #tpu.memory_space<hbm>>) target(%dma_start3A_138 : memref<128x128xf32, #tpu.memory_space<vmem>>) offsets(%dma_start3A_141 : memref<128xi32, #tpu.memory_space<vmem>>) semaphore(%arg9 : memref<!tpu.dma_semaphore, #tpu.memory_space<semaphore_mem>>) {add = true}
      } else {
      }
      %ge3A_129 = arith.constant 1 : i32
      %ge3A_130 = arith.cmpi sge, %add3A_92, %ge3A_129 : i32
      %convert_element_type3A_131 = arith.extui %ge3A_130 : i1 to i32
      %cond3A_132 = arith.constant 0 : i32
      %cond3A_133 = arith.cmpi ne, %convert_element_type3A_131, %cond3A_132 : i32
      scf.if %cond3A_133 {
        %sub3A = arith.constant 1 : i32
        %sub3A_134 = arith.subi %add3A_92, %sub3A : i32
        %rem3A_135 = arith.constant 2 : i32
        %rem3A_136 = arith.remsi %sub3A_134, %rem3A_135 : i32
        %eq3A_137 = arith.constant 0 : i32
        %eq3A_138 = arith.cmpi eq, %rem3A_136, %eq3A_137 : i32
        %convert_element_type3A_139 = arith.extui %eq3A_138 : i1 to i32
        %cond3A_140 = arith.constant 0 : i32
        %cond3A_141 = arith.cmpi ne, %convert_element_type3A_139, %cond3A_140 : i32
        scf.if %cond3A_141 {
          %dma_wait3A_170 = arith.constant 0 : i32
          %dma_wait3A_171 = arith.constant 1 : i32
          %dma_wait3A_172 = arith.constant 0 : i32
          %dma_wait3A_173 = arith.constant 0 : i32
          %dma_wait3A_174 = arith.constant 0 : i32
          %dma_wait3A_175 = tpu.memref_slice %arg6[%dma_wait3A_172, %dma_wait3A_173, %dma_wait3A_174] : memref<3x128x128xf32, #tpu.memory_space<vmem>> -> memref<1x128x128xf32, #tpu.memory_space<vmem>>
          %dma_wait3A_176 = tpu.memref_squeeze %dma_wait3A_175 : memref<1x128x128xf32, #tpu.memory_space<vmem>> -> memref<128x128xf32, #tpu.memory_space<vmem>>
          %dma_wait3A_177 = arith.constant 0 : i32
          %dma_wait3A_178 = tpu.memref_slice %arg5[%dma_wait3A_170, %dma_wait3A_171, %dma_wait3A_177] : memref<80x2x128xi32, #tpu.memory_space<vmem>> -> memref<1x1x128xi32, #tpu.memory_space<vmem>>
          %dma_wait3A_179 = tpu.memref_squeeze %dma_wait3A_178 : memref<1x1x128xi32, #tpu.memory_space<vmem>> -> memref<128xi32, #tpu.memory_space<vmem>>
          %dma_wait3A_180 = arith.constant 0 : i32
          %dma_wait3A_181 = arith.constant 0 : i32
          %dma_wait3A_182 = tpu.memref_slice %arg2[%dma_wait3A_180, %dma_wait3A_181] : memref<20480x128xf32, #tpu.memory_space<hbm>> -> memref<20480x128xf32, #tpu.memory_space<hbm>>
          tpu.wait_indirect_dma semaphore(%arg8 : memref<!tpu.dma_semaphore, #tpu.memory_space<semaphore_mem>>) src(%dma_wait3A_182 : memref<20480x128xf32, #tpu.memory_space<hbm>>) dst(%dma_wait3A_176 : memref<128x128xf32, #tpu.memory_space<vmem>>)
        } else {
        }
        %rem3A_142 = arith.constant 2 : i32
        %rem3A_143 = arith.remsi %sub3A_134, %rem3A_142 : i32
        %eq3A_144 = arith.constant 1 : i32
        %eq3A_145 = arith.cmpi eq, %rem3A_143, %eq3A_144 : i32
        %convert_element_type3A_146 = arith.extui %eq3A_145 : i1 to i32
        %cond3A_147 = arith.constant 0 : i32
        %cond3A_148 = arith.cmpi ne, %convert_element_type3A_146, %cond3A_147 : i32
        scf.if %cond3A_148 {
          %dma_wait3A_170 = arith.constant 0 : i32
          %dma_wait3A_171 = arith.constant 1 : i32
          %dma_wait3A_172 = arith.constant 0 : i32
          %dma_wait3A_173 = arith.constant 0 : i32
          %dma_wait3A_174 = arith.constant 0 : i32
          %dma_wait3A_175 = tpu.memref_slice %arg6[%dma_wait3A_172, %dma_wait3A_173, %dma_wait3A_174] : memref<3x128x128xf32, #tpu.memory_space<vmem>> -> memref<1x128x128xf32, #tpu.memory_space<vmem>>
          %dma_wait3A_176 = tpu.memref_squeeze %dma_wait3A_175 : memref<1x128x128xf32, #tpu.memory_space<vmem>> -> memref<128x128xf32, #tpu.memory_space<vmem>>
          %dma_wait3A_177 = arith.constant 0 : i32
          %dma_wait3A_178 = tpu.memref_slice %arg5[%dma_wait3A_170, %dma_wait3A_171, %dma_wait3A_177] : memref<80x2x128xi32, #tpu.memory_space<vmem>> -> memref<1x1x128xi32, #tpu.memory_space<vmem>>
          %dma_wait3A_179 = tpu.memref_squeeze %dma_wait3A_178 : memref<1x1x128xi32, #tpu.memory_space<vmem>> -> memref<128xi32, #tpu.memory_space<vmem>>
          %dma_wait3A_180 = arith.constant 0 : i32
          %dma_wait3A_181 = arith.constant 0 : i32
          %dma_wait3A_182 = tpu.memref_slice %arg2[%dma_wait3A_180, %dma_wait3A_181] : memref<20480x128xf32, #tpu.memory_space<hbm>> -> memref<20480x128xf32, #tpu.memory_space<hbm>>
          tpu.wait_indirect_dma semaphore(%arg9 : memref<!tpu.dma_semaphore, #tpu.memory_space<semaphore_mem>>) src(%dma_wait3A_182 : memref<20480x128xf32, #tpu.memory_space<hbm>>) dst(%dma_wait3A_176 : memref<128x128xf32, #tpu.memory_space<vmem>>)
        } else {
        }
        %sub3A_149 = arith.constant 1 : i32
        %sub3A_150 = arith.subi %add3A_92, %sub3A_149 : i32
        %rem3A_151 = arith.constant 3 : i32
        %rem3A_152 = arith.remsi %sub3A_150, %rem3A_151 : i32
        %mul3A_153 = arith.constant 128 : i32
        %mul3A_154 = arith.muli %sub3A_150, %mul3A_153 : i32
        %add3A_155 = arith.addi %mul3A_2, %mul3A_154 : i32
        %rem3A_156 = arith.constant 2 : i32
        %rem3A_157 = arith.remsi %sub3A_150, %rem3A_156 : i32
        %eq3A_158 = arith.constant 0 : i32
        %eq3A_159 = arith.cmpi eq, %rem3A_157, %eq3A_158 : i32
        %convert_element_type3A_160 = arith.extui %eq3A_159 : i1 to i32
        %cond3A_161 = arith.constant 0 : i32
        %cond3A_162 = arith.cmpi ne, %convert_element_type3A_160, %cond3A_161 : i32
        scf.if %cond3A_162 {
          %dma_start3A_170 = arith.constant 0 : i32
          %dma_start3A_171 = arith.constant 0 : i32
          %dma_start3A_172 = tpu.memref_slice %arg6[%rem3A_152, %dma_start3A_170, %dma_start3A_171] : memref<3x128x128xf32, #tpu.memory_space<vmem>> -> memref<1x128x128xf32, #tpu.memory_space<vmem>>
          %dma_start3A_173 = tpu.memref_squeeze %dma_start3A_172 : memref<1x128x128xf32, #tpu.memory_space<vmem>> -> memref<128x128xf32, #tpu.memory_space<vmem>>
          %dma_start3A_174 = arith.constant 0 : i32
          %dma_start3A_175 = tpu.memref_slice %arg4[%add3A_155, %dma_start3A_174] : memref<327680x128xf32, #tpu.memory_space<hbm>> -> memref<128x128xf32, #tpu.memory_space<hbm>>
          %dma_start3A_176 = arith.constant 0 : i32
          %dma_start3A_177 = tpu.memref_slice %arg4[%add3A_155, %dma_start3A_176] : memref<327680x128xf32, #tpu.memory_space<hbm>> -> memref<128x128xf32, #tpu.memory_space<hbm>>
          %dma_start3A_178 = arith.constant 0 : i32
          %dma_start3A_179 = arith.constant 0 : i32
          %dma_start3A_180 = tpu.memref_slice %arg6[%rem3A_152, %dma_start3A_178, %dma_start3A_179] : memref<3x128x128xf32, #tpu.memory_space<vmem>> -> memref<1x128x128xf32, #tpu.memory_space<vmem>>
          %dma_start3A_181 = tpu.memref_squeeze %dma_start3A_180 : memref<1x128x128xf32, #tpu.memory_space<vmem>> -> memref<128x128xf32, #tpu.memory_space<vmem>>
          tpu.enqueue_dma source(%dma_start3A_181 : memref<128x128xf32, #tpu.memory_space<vmem>>) target(%dma_start3A_177 : memref<128x128xf32, #tpu.memory_space<hbm>>) target_semaphore(%arg10 : memref<!tpu.dma_semaphore, #tpu.memory_space<semaphore_mem>>)
        } else {
        }
        %rem3A_163 = arith.constant 2 : i32
        %rem3A_164 = arith.remsi %sub3A_150, %rem3A_163 : i32
        %eq3A_165 = arith.constant 1 : i32
        %eq3A_166 = arith.cmpi eq, %rem3A_164, %eq3A_165 : i32
        %convert_element_type3A_167 = arith.extui %eq3A_166 : i1 to i32
        %cond3A_168 = arith.constant 0 : i32
        %cond3A_169 = arith.cmpi ne, %convert_element_type3A_167, %cond3A_168 : i32
        scf.if %cond3A_169 {
          %dma_start3A_170 = arith.constant 0 : i32
          %dma_start3A_171 = arith.constant 0 : i32
          %dma_start3A_172 = tpu.memref_slice %arg6[%rem3A_152, %dma_start3A_170, %dma_start3A_171] : memref<3x128x128xf32, #tpu.memory_space<vmem>> -> memref<1x128x128xf32, #tpu.memory_space<vmem>>
          %dma_start3A_173 = tpu.memref_squeeze %dma_start3A_172 : memref<1x128x128xf32, #tpu.memory_space<vmem>> -> memref<128x128xf32, #tpu.memory_space<vmem>>
          %dma_start3A_174 = arith.constant 0 : i32
          %dma_start3A_175 = tpu.memref_slice %arg4[%add3A_155, %dma_start3A_174] : memref<327680x128xf32, #tpu.memory_space<hbm>> -> memref<128x128xf32, #tpu.memory_space<hbm>>
          %dma_start3A_176 = arith.constant 0 : i32
          %dma_start3A_177 = tpu.memref_slice %arg4[%add3A_155, %dma_start3A_176] : memref<327680x128xf32, #tpu.memory_space<hbm>> -> memref<128x128xf32, #tpu.memory_space<hbm>>
          %dma_start3A_178 = arith.constant 0 : i32
          %dma_start3A_179 = arith.constant 0 : i32
          %dma_start3A_180 = tpu.memref_slice %arg6[%rem3A_152, %dma_start3A_178, %dma_start3A_179] : memref<3x128x128xf32, #tpu.memory_space<vmem>> -> memref<1x128x128xf32, #tpu.memory_space<vmem>>
          %dma_start3A_181 = tpu.memref_squeeze %dma_start3A_180 : memref<1x128x128xf32, #tpu.memory_space<vmem>> -> memref<128x128xf32, #tpu.memory_space<vmem>>
          tpu.enqueue_dma source(%dma_start3A_181 : memref<128x128xf32, #tpu.memory_space<vmem>>) target(%dma_start3A_177 : memref<128x128xf32, #tpu.memory_space<hbm>>) target_semaphore(%arg11 : memref<!tpu.dma_semaphore, #tpu.memory_space<semaphore_mem>>)
        } else {
        }
      } else {
      }
    }
    %scan3A_21 = arith.constant 80 : i32
    %rem3A_22 = arith.constant 79 : i32
    %rem3A_23 = arith.constant 2 : i32
    %rem3A_24 = arith.remsi %rem3A_22, %rem3A_23 : i32
    %eq3A = arith.constant 0 : i32
    %eq3A_25 = arith.cmpi eq, %rem3A_24, %eq3A : i32
    %convert_element_type3A = arith.extui %eq3A_25 : i1 to i32
    %cond3A = arith.constant 0 : i32
    %cond3A_26 = arith.cmpi ne, %convert_element_type3A, %cond3A : i32
    scf.if %cond3A_26 {
      %dma_wait3A = arith.constant 0 : i32
      %dma_wait3A_88 = arith.constant 1 : i32
      %dma_wait3A_89 = arith.constant 0 : i32
      %dma_wait3A_90 = arith.constant 0 : i32
      %dma_wait3A_91 = arith.constant 0 : i32
      %dma_wait3A_92 = tpu.memref_slice %arg6[%dma_wait3A_89, %dma_wait3A_90, %dma_wait3A_91] : memref<3x128x128xf32, #tpu.memory_space<vmem>> -> memref<1x128x128xf32, #tpu.memory_space<vmem>>
      %dma_wait3A_93 = tpu.memref_squeeze %dma_wait3A_92 : memref<1x128x128xf32, #tpu.memory_space<vmem>> -> memref<128x128xf32, #tpu.memory_space<vmem>>
      %dma_wait3A_94 = arith.constant 0 : i32
      %dma_wait3A_95 = tpu.memref_slice %arg5[%dma_wait3A, %dma_wait3A_88, %dma_wait3A_94] : memref<80x2x128xi32, #tpu.memory_space<vmem>> -> memref<1x1x128xi32, #tpu.memory_space<vmem>>
      %dma_wait3A_96 = tpu.memref_squeeze %dma_wait3A_95 : memref<1x1x128xi32, #tpu.memory_space<vmem>> -> memref<128xi32, #tpu.memory_space<vmem>>
      %dma_wait3A_97 = arith.constant 0 : i32
      %dma_wait3A_98 = arith.constant 0 : i32
      %dma_wait3A_99 = tpu.memref_slice %arg2[%dma_wait3A_97, %dma_wait3A_98] : memref<20480x128xf32, #tpu.memory_space<hbm>> -> memref<20480x128xf32, #tpu.memory_space<hbm>>
      tpu.wait_indirect_dma semaphore(%arg8 : memref<!tpu.dma_semaphore, #tpu.memory_space<semaphore_mem>>) src(%dma_wait3A_99 : memref<20480x128xf32, #tpu.memory_space<hbm>>) dst(%dma_wait3A_93 : memref<128x128xf32, #tpu.memory_space<vmem>>)
    } else {
    }
    %rem3A_27 = arith.constant 79 : i32
    %rem3A_28 = arith.constant 2 : i32
    %rem3A_29 = arith.remsi %rem3A_27, %rem3A_28 : i32
    %eq3A_30 = arith.constant 1 : i32
    %eq3A_31 = arith.cmpi eq, %rem3A_29, %eq3A_30 : i32
    %convert_element_type3A_32 = arith.extui %eq3A_31 : i1 to i32
    %cond3A_33 = arith.constant 0 : i32
    %cond3A_34 = arith.cmpi ne, %convert_element_type3A_32, %cond3A_33 : i32
    scf.if %cond3A_34 {
      %dma_wait3A = arith.constant 0 : i32
      %dma_wait3A_88 = arith.constant 1 : i32
      %dma_wait3A_89 = arith.constant 0 : i32
      %dma_wait3A_90 = arith.constant 0 : i32
      %dma_wait3A_91 = arith.constant 0 : i32
      %dma_wait3A_92 = tpu.memref_slice %arg6[%dma_wait3A_89, %dma_wait3A_90, %dma_wait3A_91] : memref<3x128x128xf32, #tpu.memory_space<vmem>> -> memref<1x128x128xf32, #tpu.memory_space<vmem>>
      %dma_wait3A_93 = tpu.memref_squeeze %dma_wait3A_92 : memref<1x128x128xf32, #tpu.memory_space<vmem>> -> memref<128x128xf32, #tpu.memory_space<vmem>>
      %dma_wait3A_94 = arith.constant 0 : i32
      %dma_wait3A_95 = tpu.memref_slice %arg5[%dma_wait3A, %dma_wait3A_88, %dma_wait3A_94] : memref<80x2x128xi32, #tpu.memory_space<vmem>> -> memref<1x1x128xi32, #tpu.memory_space<vmem>>
      %dma_wait3A_96 = tpu.memref_squeeze %dma_wait3A_95 : memref<1x1x128xi32, #tpu.memory_space<vmem>> -> memref<128xi32, #tpu.memory_space<vmem>>
      %dma_wait3A_97 = arith.constant 0 : i32
      %dma_wait3A_98 = arith.constant 0 : i32
      %dma_wait3A_99 = tpu.memref_slice %arg2[%dma_wait3A_97, %dma_wait3A_98] : memref<20480x128xf32, #tpu.memory_space<hbm>> -> memref<20480x128xf32, #tpu.memory_space<hbm>>
      tpu.wait_indirect_dma semaphore(%arg9 : memref<!tpu.dma_semaphore, #tpu.memory_space<semaphore_mem>>) src(%dma_wait3A_99 : memref<20480x128xf32, #tpu.memory_space<hbm>>) dst(%dma_wait3A_93 : memref<128x128xf32, #tpu.memory_space<vmem>>)
    } else {
    }
    %rem3A_35 = arith.constant 79 : i32
    %rem3A_36 = arith.constant 3 : i32
    %rem3A_37 = arith.remsi %rem3A_35, %rem3A_36 : i32
    %add3A_38 = arith.constant 10112 : i32
    %add3A_39 = arith.addi %mul3A_2, %add3A_38 : i32
    %rem3A_40 = arith.constant 79 : i32
    %rem3A_41 = arith.constant 2 : i32
    %rem3A_42 = arith.remsi %rem3A_40, %rem3A_41 : i32
    %eq3A_43 = arith.constant 0 : i32
    %eq3A_44 = arith.cmpi eq, %rem3A_42, %eq3A_43 : i32
    %convert_element_type3A_45 = arith.extui %eq3A_44 : i1 to i32
    %cond3A_46 = arith.constant 0 : i32
    %cond3A_47 = arith.cmpi ne, %convert_element_type3A_45, %cond3A_46 : i32
    scf.if %cond3A_47 {
      %dma_start3A_88 = arith.constant 0 : i32
      %dma_start3A_89 = arith.constant 0 : i32
      %dma_start3A_90 = tpu.memref_slice %arg6[%rem3A_37, %dma_start3A_88, %dma_start3A_89] : memref<3x128x128xf32, #tpu.memory_space<vmem>> -> memref<1x128x128xf32, #tpu.memory_space<vmem>>
      %dma_start3A_91 = tpu.memref_squeeze %dma_start3A_90 : memref<1x128x128xf32, #tpu.memory_space<vmem>> -> memref<128x128xf32, #tpu.memory_space<vmem>>
      %dma_start3A_92 = arith.constant 0 : i32
      %dma_start3A_93 = tpu.memref_slice %arg4[%add3A_39, %dma_start3A_92] : memref<327680x128xf32, #tpu.memory_space<hbm>> -> memref<128x128xf32, #tpu.memory_space<hbm>>
      %dma_start3A_94 = arith.constant 0 : i32
      %dma_start3A_95 = tpu.memref_slice %arg4[%add3A_39, %dma_start3A_94] : memref<327680x128xf32, #tpu.memory_space<hbm>> -> memref<128x128xf32, #tpu.memory_space<hbm>>
      %dma_start3A_96 = arith.constant 0 : i32
      %dma_start3A_97 = arith.constant 0 : i32
      %dma_start3A_98 = tpu.memref_slice %arg6[%rem3A_37, %dma_start3A_96, %dma_start3A_97] : memref<3x128x128xf32, #tpu.memory_space<vmem>> -> memref<1x128x128xf32, #tpu.memory_space<vmem>>
      %dma_start3A_99 = tpu.memref_squeeze %dma_start3A_98 : memref<1x128x128xf32, #tpu.memory_space<vmem>> -> memref<128x128xf32, #tpu.memory_space<vmem>>
      tpu.enqueue_dma source(%dma_start3A_99 : memref<128x128xf32, #tpu.memory_space<vmem>>) target(%dma_start3A_95 : memref<128x128xf32, #tpu.memory_space<hbm>>) target_semaphore(%arg10 : memref<!tpu.dma_semaphore, #tpu.memory_space<semaphore_mem>>)
    } else {
    }
    %rem3A_48 = arith.constant 79 : i32
    %rem3A_49 = arith.constant 2 : i32
    %rem3A_50 = arith.remsi %rem3A_48, %rem3A_49 : i32
    %eq3A_51 = arith.constant 1 : i32
    %eq3A_52 = arith.cmpi eq, %rem3A_50, %eq3A_51 : i32
    %convert_element_type3A_53 = arith.extui %eq3A_52 : i1 to i32
    %cond3A_54 = arith.constant 0 : i32
    %cond3A_55 = arith.cmpi ne, %convert_element_type3A_53, %cond3A_54 : i32
    scf.if %cond3A_55 {
      %dma_start3A_88 = arith.constant 0 : i32
      %dma_start3A_89 = arith.constant 0 : i32
      %dma_start3A_90 = tpu.memref_slice %arg6[%rem3A_37, %dma_start3A_88, %dma_start3A_89] : memref<3x128x128xf32, #tpu.memory_space<vmem>> -> memref<1x128x128xf32, #tpu.memory_space<vmem>>
      %dma_start3A_91 = tpu.memref_squeeze %dma_start3A_90 : memref<1x128x128xf32, #tpu.memory_space<vmem>> -> memref<128x128xf32, #tpu.memory_space<vmem>>
      %dma_start3A_92 = arith.constant 0 : i32
      %dma_start3A_93 = tpu.memref_slice %arg4[%add3A_39, %dma_start3A_92] : memref<327680x128xf32, #tpu.memory_space<hbm>> -> memref<128x128xf32, #tpu.memory_space<hbm>>
      %dma_start3A_94 = arith.constant 0 : i32
      %dma_start3A_95 = tpu.memref_slice %arg4[%add3A_39, %dma_start3A_94] : memref<327680x128xf32, #tpu.memory_space<hbm>> -> memref<128x128xf32, #tpu.memory_space<hbm>>
      %dma_start3A_96 = arith.constant 0 : i32
      %dma_start3A_97 = arith.constant 0 : i32
      %dma_start3A_98 = tpu.memref_slice %arg6[%rem3A_37, %dma_start3A_96, %dma_start3A_97] : memref<3x128x128xf32, #tpu.memory_space<vmem>> -> memref<1x128x128xf32, #tpu.memory_space<vmem>>
      %dma_start3A_99 = tpu.memref_squeeze %dma_start3A_98 : memref<1x128x128xf32, #tpu.memory_space<vmem>> -> memref<128x128xf32, #tpu.memory_space<vmem>>
      tpu.enqueue_dma source(%dma_start3A_99 : memref<128x128xf32, #tpu.memory_space<vmem>>) target(%dma_start3A_95 : memref<128x128xf32, #tpu.memory_space<hbm>>) target_semaphore(%arg11 : memref<!tpu.dma_semaphore, #tpu.memory_space<semaphore_mem>>)
    } else {
    }
    %rem3A_56 = arith.constant 78 : i32
    %rem3A_57 = arith.constant 2 : i32
    %rem3A_58 = arith.remsi %rem3A_56, %rem3A_57 : i32
    %eq3A_59 = arith.constant 0 : i32
    %eq3A_60 = arith.cmpi eq, %rem3A_58, %eq3A_59 : i32
    %convert_element_type3A_61 = arith.extui %eq3A_60 : i1 to i32
    %cond3A_62 = arith.constant 0 : i32
    %cond3A_63 = arith.cmpi ne, %convert_element_type3A_61, %cond3A_62 : i32
    scf.if %cond3A_63 {
      %dma_wait3A = arith.constant 0 : i32
      %dma_wait3A_88 = arith.constant 0 : i32
      %dma_wait3A_89 = arith.constant 0 : i32
      %dma_wait3A_90 = tpu.memref_slice %arg6[%dma_wait3A, %dma_wait3A_88, %dma_wait3A_89] : memref<3x128x128xf32, #tpu.memory_space<vmem>> -> memref<1x128x128xf32, #tpu.memory_space<vmem>>
      %dma_wait3A_91 = tpu.memref_squeeze %dma_wait3A_90 : memref<1x128x128xf32, #tpu.memory_space<vmem>> -> memref<128x128xf32, #tpu.memory_space<vmem>>
      %dma_wait3A_92 = arith.constant 0 : i32
      %dma_wait3A_93 = tpu.memref_slice %arg4[%mul3A_2, %dma_wait3A_92] : memref<327680x128xf32, #tpu.memory_space<hbm>> -> memref<128x128xf32, #tpu.memory_space<hbm>>
      %dma_wait3A_94 = arith.constant 0 : i32
      %dma_wait3A_95 = tpu.memref_slice %arg4[%mul3A_2, %dma_wait3A_94] : memref<327680x128xf32, #tpu.memory_space<hbm>> -> memref<128x128xf32, #tpu.memory_space<hbm>>
      %dma_wait3A_96 = arith.constant 0 : i32
      %dma_wait3A_97 = arith.constant 0 : i32
      %dma_wait3A_98 = tpu.memref_slice %arg6[%dma_wait3A, %dma_wait3A_96, %dma_wait3A_97] : memref<3x128x128xf32, #tpu.memory_space<vmem>> -> memref<1x128x128xf32, #tpu.memory_space<vmem>>
      %dma_wait3A_99 = tpu.memref_squeeze %dma_wait3A_98 : memref<1x128x128xf32, #tpu.memory_space<vmem>> -> memref<128x128xf32, #tpu.memory_space<vmem>>
      tpu.wait_dma2 semaphore(%arg10 : memref<!tpu.dma_semaphore, #tpu.memory_space<semaphore_mem>>) src(%dma_wait3A_99 : memref<128x128xf32, #tpu.memory_space<vmem>>) dst(%dma_wait3A_95 : memref<128x128xf32, #tpu.memory_space<hbm>>)
    } else {
    }
    %rem3A_64 = arith.constant 78 : i32
    %rem3A_65 = arith.constant 2 : i32
    %rem3A_66 = arith.remsi %rem3A_64, %rem3A_65 : i32
    %eq3A_67 = arith.constant 1 : i32
    %eq3A_68 = arith.cmpi eq, %rem3A_66, %eq3A_67 : i32
    %convert_element_type3A_69 = arith.extui %eq3A_68 : i1 to i32
    %cond3A_70 = arith.constant 0 : i32
    %cond3A_71 = arith.cmpi ne, %convert_element_type3A_69, %cond3A_70 : i32
    scf.if %cond3A_71 {
      %dma_wait3A = arith.constant 0 : i32
      %dma_wait3A_88 = arith.constant 0 : i32
      %dma_wait3A_89 = arith.constant 0 : i32
      %dma_wait3A_90 = tpu.memref_slice %arg6[%dma_wait3A, %dma_wait3A_88, %dma_wait3A_89] : memref<3x128x128xf32, #tpu.memory_space<vmem>> -> memref<1x128x128xf32, #tpu.memory_space<vmem>>
      %dma_wait3A_91 = tpu.memref_squeeze %dma_wait3A_90 : memref<1x128x128xf32, #tpu.memory_space<vmem>> -> memref<128x128xf32, #tpu.memory_space<vmem>>
      %dma_wait3A_92 = arith.constant 0 : i32
      %dma_wait3A_93 = tpu.memref_slice %arg4[%mul3A_2, %dma_wait3A_92] : memref<327680x128xf32, #tpu.memory_space<hbm>> -> memref<128x128xf32, #tpu.memory_space<hbm>>
      %dma_wait3A_94 = arith.constant 0 : i32
      %dma_wait3A_95 = tpu.memref_slice %arg4[%mul3A_2, %dma_wait3A_94] : memref<327680x128xf32, #tpu.memory_space<hbm>> -> memref<128x128xf32, #tpu.memory_space<hbm>>
      %dma_wait3A_96 = arith.constant 0 : i32
      %dma_wait3A_97 = arith.constant 0 : i32
      %dma_wait3A_98 = tpu.memref_slice %arg6[%dma_wait3A, %dma_wait3A_96, %dma_wait3A_97] : memref<3x128x128xf32, #tpu.memory_space<vmem>> -> memref<1x128x128xf32, #tpu.memory_space<vmem>>
      %dma_wait3A_99 = tpu.memref_squeeze %dma_wait3A_98 : memref<1x128x128xf32, #tpu.memory_space<vmem>> -> memref<128x128xf32, #tpu.memory_space<vmem>>
      tpu.wait_dma2 semaphore(%arg11 : memref<!tpu.dma_semaphore, #tpu.memory_space<semaphore_mem>>) src(%dma_wait3A_99 : memref<128x128xf32, #tpu.memory_space<vmem>>) dst(%dma_wait3A_95 : memref<128x128xf32, #tpu.memory_space<hbm>>)
    } else {
    }
    %rem3A_72 = arith.constant 79 : i32
    %rem3A_73 = arith.constant 2 : i32
    %rem3A_74 = arith.remsi %rem3A_72, %rem3A_73 : i32
    %eq3A_75 = arith.constant 0 : i32
    %eq3A_76 = arith.cmpi eq, %rem3A_74, %eq3A_75 : i32
    %convert_element_type3A_77 = arith.extui %eq3A_76 : i1 to i32
    %cond3A_78 = arith.constant 0 : i32
    %cond3A_79 = arith.cmpi ne, %convert_element_type3A_77, %cond3A_78 : i32
    scf.if %cond3A_79 {
      %dma_wait3A = arith.constant 0 : i32
      %dma_wait3A_88 = arith.constant 0 : i32
      %dma_wait3A_89 = arith.constant 0 : i32
      %dma_wait3A_90 = tpu.memref_slice %arg6[%dma_wait3A, %dma_wait3A_88, %dma_wait3A_89] : memref<3x128x128xf32, #tpu.memory_space<vmem>> -> memref<1x128x128xf32, #tpu.memory_space<vmem>>
      %dma_wait3A_91 = tpu.memref_squeeze %dma_wait3A_90 : memref<1x128x128xf32, #tpu.memory_space<vmem>> -> memref<128x128xf32, #tpu.memory_space<vmem>>
      %dma_wait3A_92 = arith.constant 0 : i32
      %dma_wait3A_93 = tpu.memref_slice %arg4[%mul3A_2, %dma_wait3A_92] : memref<327680x128xf32, #tpu.memory_space<hbm>> -> memref<128x128xf32, #tpu.memory_space<hbm>>
      %dma_wait3A_94 = arith.constant 0 : i32
      %dma_wait3A_95 = tpu.memref_slice %arg4[%mul3A_2, %dma_wait3A_94] : memref<327680x128xf32, #tpu.memory_space<hbm>> -> memref<128x128xf32, #tpu.memory_space<hbm>>
      %dma_wait3A_96 = arith.constant 0 : i32
      %dma_wait3A_97 = arith.constant 0 : i32
      %dma_wait3A_98 = tpu.memref_slice %arg6[%dma_wait3A, %dma_wait3A_96, %dma_wait3A_97] : memref<3x128x128xf32, #tpu.memory_space<vmem>> -> memref<1x128x128xf32, #tpu.memory_space<vmem>>
      %dma_wait3A_99 = tpu.memref_squeeze %dma_wait3A_98 : memref<1x128x128xf32, #tpu.memory_space<vmem>> -> memref<128x128xf32, #tpu.memory_space<vmem>>
      tpu.wait_dma2 semaphore(%arg10 : memref<!tpu.dma_semaphore, #tpu.memory_space<semaphore_mem>>) src(%dma_wait3A_99 : memref<128x128xf32, #tpu.memory_space<vmem>>) dst(%dma_wait3A_95 : memref<128x128xf32, #tpu.memory_space<hbm>>)
    } else {
    }
    %rem3A_80 = arith.constant 79 : i32
    %rem3A_81 = arith.constant 2 : i32
    %rem3A_82 = arith.remsi %rem3A_80, %rem3A_81 : i32
    %eq3A_83 = arith.constant 1 : i32
    %eq3A_84 = arith.cmpi eq, %rem3A_82, %eq3A_83 : i32
    %convert_element_type3A_85 = arith.extui %eq3A_84 : i1 to i32
    %cond3A_86 = arith.constant 0 : i32
    %cond3A_87 = arith.cmpi ne, %convert_element_type3A_85, %cond3A_86 : i32
    scf.if %cond3A_87 {
      %dma_wait3A = arith.constant 0 : i32
      %dma_wait3A_88 = arith.constant 0 : i32
      %dma_wait3A_89 = arith.constant 0 : i32
      %dma_wait3A_90 = tpu.memref_slice %arg6[%dma_wait3A, %dma_wait3A_88, %dma_wait3A_89] : memref<3x128x128xf32, #tpu.memory_space<vmem>> -> memref<1x128x128xf32, #tpu.memory_space<vmem>>
      %dma_wait3A_91 = tpu.memref_squeeze %dma_wait3A_90 : memref<1x128x128xf32, #tpu.memory_space<vmem>> -> memref<128x128xf32, #tpu.memory_space<vmem>>
      %dma_wait3A_92 = arith.constant 0 : i32
      %dma_wait3A_93 = tpu.memref_slice %arg4[%mul3A_2, %dma_wait3A_92] : memref<327680x128xf32, #tpu.memory_space<hbm>> -> memref<128x128xf32, #tpu.memory_space<hbm>>
      %dma_wait3A_94 = arith.constant 0 : i32
      %dma_wait3A_95 = tpu.memref_slice %arg4[%mul3A_2, %dma_wait3A_94] : memref<327680x128xf32, #tpu.memory_space<hbm>> -> memref<128x128xf32, #tpu.memory_space<hbm>>
      %dma_wait3A_96 = arith.constant 0 : i32
      %dma_wait3A_97 = arith.constant 0 : i32
      %dma_wait3A_98 = tpu.memref_slice %arg6[%dma_wait3A, %dma_wait3A_96, %dma_wait3A_97] : memref<3x128x128xf32, #tpu.memory_space<vmem>> -> memref<1x128x128xf32, #tpu.memory_space<vmem>>
      %dma_wait3A_99 = tpu.memref_squeeze %dma_wait3A_98 : memref<1x128x128xf32, #tpu.memory_space<vmem>> -> memref<128x128xf32, #tpu.memory_space<vmem>>
      tpu.wait_dma2 semaphore(%arg11 : memref<!tpu.dma_semaphore, #tpu.memory_space<semaphore_mem>>) src(%dma_wait3A_99 : memref<128x128xf32, #tpu.memory_space<vmem>>) dst(%dma_wait3A_95 : memref<128x128xf32, #tpu.memory_space<hbm>>)
    } else {
    }
    return
  }
}

#map = affine_map<(d0, d1) -> (0, 0)>
#map1 = affine_map<(d0, d1) -> (0, 0, 0)>
module attributes {stable_mosaic.version = 14 : i64} {
  func.func @_scatter_body(%arg0: i32, %arg1: i32, %arg2: memref<327680x128xf32, #tpu.memory_space<hbm>>, %arg3: memref<2560x128xi32, #tpu.memory_space<hbm>>, %arg4: memref<640x128xf32, #tpu.memory_space<hbm>>, %arg5: memref<2x10240x128xf32, #tpu.memory_space<hbm>>, %arg6: memref<80x128xi32, #tpu.memory_space<vmem>>, %arg7: memref<2x128x128xf32, #tpu.memory_space<vmem>>, %arg8: memref<10240x128xf32, #tpu.memory_space<vmem_shared>>, %arg9: memref<!tpu.dma_semaphore, #tpu.memory_space<semaphore_mem>>, %arg10: memref<!tpu.dma_semaphore, #tpu.memory_space<semaphore_mem>>) attributes {dimension_semantics = [#tpu.dimension_semantics<core_parallel>, #tpu.dimension_semantics<subcore_parallel>], iteration_bounds = array<i64: 2, 16>, scalar_prefetch = 0 : i64, scratch_operands = 5 : i64, tpu.core_type = #tpu.core_type<sc_vector_subcore>, window_params = [{transform_indices = #map}, {transform_indices = #map}, {transform_indices = #map}, {transform_indices = #map1}]} {
    %mul3A = arith.constant 2 : i32
    %mul3A_0 = arith.muli %arg1, %mul3A : i32
    %add3A = arith.addi %mul3A_0, %arg0 : i32
    %mul3A_1 = arith.constant 10240 : i32
    %mul3A_2 = arith.muli %add3A, %mul3A_1 : i32
    %mul3A_3 = arith.constant 80 : i32
    %mul3A_4 = arith.muli %add3A, %mul3A_3 : i32
    "tpu.region"() ({
      %run_scoped3A = tpu.sem_alloc : memref<!tpu.dma_semaphore, #tpu.memory_space<semaphore_mem>>
      %dma_start3A_41 = arith.constant 0 : i32
      %dma_start3A_42 = tpu.memref_slice %arg3[%mul3A_4, %dma_start3A_41] : memref<2560x128xi32, #tpu.memory_space<hbm>> -> memref<80x128xi32, #tpu.memory_space<hbm>>
      %dma_start3A_43 = arith.constant 0 : i32
      %dma_start3A_44 = tpu.memref_slice %arg3[%mul3A_4, %dma_start3A_43] : memref<2560x128xi32, #tpu.memory_space<hbm>> -> memref<80x128xi32, #tpu.memory_space<hbm>>
      tpu.enqueue_dma source(%dma_start3A_44 : memref<80x128xi32, #tpu.memory_space<hbm>>) target(%arg6 : memref<80x128xi32, #tpu.memory_space<vmem>>) target_semaphore(%run_scoped3A : memref<!tpu.dma_semaphore, #tpu.memory_space<semaphore_mem>>)
      %dma_wait3A_45 = arith.constant 0 : i32
      %dma_wait3A_46 = tpu.memref_slice %arg3[%mul3A_4, %dma_wait3A_45] : memref<2560x128xi32, #tpu.memory_space<hbm>> -> memref<80x128xi32, #tpu.memory_space<hbm>>
      %dma_wait3A_47 = arith.constant 0 : i32
      %dma_wait3A_48 = tpu.memref_slice %arg3[%mul3A_4, %dma_wait3A_47] : memref<2560x128xi32, #tpu.memory_space<hbm>> -> memref<80x128xi32, #tpu.memory_space<hbm>>
      tpu.wait_dma2 semaphore(%run_scoped3A : memref<!tpu.dma_semaphore, #tpu.memory_space<semaphore_mem>>) src(%dma_wait3A_48 : memref<80x128xi32, #tpu.memory_space<hbm>>) dst(%arg6 : memref<80x128xi32, #tpu.memory_space<vmem>>)
      tpu.yield
    }) : () -> ()
    %mul3A_5 = arith.constant 640 : i32
    %mul3A_6 = arith.muli %arg1, %mul3A_5 : i32
    "tpu.region"() ({
      %run_scoped3A = tpu.sem_alloc : memref<!tpu.dma_semaphore, #tpu.memory_space<semaphore_mem>>
      %dma_start3A_41 = arith.constant 0 : i32
      %dma_start3A_42 = tpu.memref_slice %arg8[%mul3A_6, %dma_start3A_41] : memref<10240x128xf32, #tpu.memory_space<vmem_shared>> -> memref<640x128xf32, #tpu.memory_space<vmem_shared>>
      tpu.enqueue_dma source(%arg4 : memref<640x128xf32, #tpu.memory_space<hbm>>) target(%dma_start3A_42 : memref<640x128xf32, #tpu.memory_space<vmem_shared>>) target_semaphore(%run_scoped3A : memref<!tpu.dma_semaphore, #tpu.memory_space<semaphore_mem>>)
      %dma_wait3A_43 = arith.constant 0 : i32
      %dma_wait3A_44 = tpu.memref_slice %arg8[%mul3A_6, %dma_wait3A_43] : memref<10240x128xf32, #tpu.memory_space<vmem_shared>> -> memref<640x128xf32, #tpu.memory_space<vmem_shared>>
      tpu.wait_dma2 semaphore(%run_scoped3A : memref<!tpu.dma_semaphore, #tpu.memory_space<semaphore_mem>>) src(%arg4 : memref<640x128xf32, #tpu.memory_space<hbm>>) dst(%dma_wait3A_44 : memref<640x128xf32, #tpu.memory_space<vmem_shared>>)
      tpu.yield
    }) : () -> ()
    %barrier3A = arith.constant 0 : index
    tpu.barrier barrier_id(%barrier3A)
    %add3A_7 = arith.constant 0 : i32
    %add3A_8 = arith.addi %mul3A_2, %add3A_7 : i32
    %dma_start3A = arith.constant 0 : i32
    %dma_start3A_9 = arith.constant 0 : i32
    %dma_start3A_10 = arith.constant 0 : i32
    %dma_start3A_11 = tpu.memref_slice %arg7[%dma_start3A, %dma_start3A_9, %dma_start3A_10] : memref<2x128x128xf32, #tpu.memory_space<vmem>> -> memref<1x128x128xf32, #tpu.memory_space<vmem>>
    %dma_start3A_12 = tpu.memref_squeeze %dma_start3A_11 : memref<1x128x128xf32, #tpu.memory_space<vmem>> -> memref<128x128xf32, #tpu.memory_space<vmem>>
    %dma_start3A_13 = arith.constant 0 : i32
    %dma_start3A_14 = tpu.memref_slice %arg2[%add3A_8, %dma_start3A_13] : memref<327680x128xf32, #tpu.memory_space<hbm>> -> memref<128x128xf32, #tpu.memory_space<hbm>>
    %dma_start3A_15 = arith.constant 0 : i32
    %dma_start3A_16 = arith.constant 0 : i32
    %dma_start3A_17 = tpu.memref_slice %arg7[%dma_start3A, %dma_start3A_15, %dma_start3A_16] : memref<2x128x128xf32, #tpu.memory_space<vmem>> -> memref<1x128x128xf32, #tpu.memory_space<vmem>>
    %dma_start3A_18 = tpu.memref_squeeze %dma_start3A_17 : memref<1x128x128xf32, #tpu.memory_space<vmem>> -> memref<128x128xf32, #tpu.memory_space<vmem>>
    %dma_start3A_19 = arith.constant 0 : i32
    %dma_start3A_20 = tpu.memref_slice %arg2[%add3A_8, %dma_start3A_19] : memref<327680x128xf32, #tpu.memory_space<hbm>> -> memref<128x128xf32, #tpu.memory_space<hbm>>
    tpu.enqueue_dma source(%dma_start3A_20 : memref<128x128xf32, #tpu.memory_space<hbm>>) target(%dma_start3A_18 : memref<128x128xf32, #tpu.memory_space<vmem>>) target_semaphore(%arg9 : memref<!tpu.dma_semaphore, #tpu.memory_space<semaphore_mem>>)
    %scan3A = arith.constant 0 : i32
    %scan3A_21 = arith.constant 80 : i32
    %scan3A_22 = arith.addi %scan3A, %scan3A_21 : i32
    %scan3A_23 = arith.constant 1 : i32
    scf.for %scan3A_41 = %scan3A to %scan3A_22 step %scan3A_23  : i32 {
      %mul3A_42 = arith.constant 1 : i32
      %mul3A_43 = arith.muli %scan3A_41, %mul3A_42 : i32
      %add3A_44 = arith.constant 0 : i32
      %add3A_45 = arith.addi %add3A_44, %mul3A_43 : i32
      %rem3A = arith.constant 2 : i32
      %rem3A_46 = arith.remsi %add3A_45, %rem3A : i32
      %dma_wait3A_47 = arith.constant 0 : i32
      %dma_wait3A_48 = arith.constant 0 : i32
      %dma_wait3A_49 = arith.constant 0 : i32
      %dma_wait3A_50 = tpu.memref_slice %arg7[%dma_wait3A_47, %dma_wait3A_48, %dma_wait3A_49] : memref<2x128x128xf32, #tpu.memory_space<vmem>> -> memref<1x128x128xf32, #tpu.memory_space<vmem>>
      %dma_wait3A_51 = tpu.memref_squeeze %dma_wait3A_50 : memref<1x128x128xf32, #tpu.memory_space<vmem>> -> memref<128x128xf32, #tpu.memory_space<vmem>>
      %dma_wait3A_52 = arith.constant 0 : i32
      %dma_wait3A_53 = tpu.memref_slice %arg2[%mul3A_2, %dma_wait3A_52] : memref<327680x128xf32, #tpu.memory_space<hbm>> -> memref<128x128xf32, #tpu.memory_space<hbm>>
      %dma_wait3A_54 = arith.constant 0 : i32
      %dma_wait3A_55 = arith.constant 0 : i32
      %dma_wait3A_56 = tpu.memref_slice %arg7[%dma_wait3A_47, %dma_wait3A_54, %dma_wait3A_55] : memref<2x128x128xf32, #tpu.memory_space<vmem>> -> memref<1x128x128xf32, #tpu.memory_space<vmem>>
      %dma_wait3A_57 = tpu.memref_squeeze %dma_wait3A_56 : memref<1x128x128xf32, #tpu.memory_space<vmem>> -> memref<128x128xf32, #tpu.memory_space<vmem>>
      %dma_wait3A_58 = arith.constant 0 : i32
      %dma_wait3A_59 = tpu.memref_slice %arg2[%mul3A_2, %dma_wait3A_58] : memref<327680x128xf32, #tpu.memory_space<hbm>> -> memref<128x128xf32, #tpu.memory_space<hbm>>
      tpu.wait_dma2 semaphore(%arg9 : memref<!tpu.dma_semaphore, #tpu.memory_space<semaphore_mem>>) src(%dma_wait3A_59 : memref<128x128xf32, #tpu.memory_space<hbm>>) dst(%dma_wait3A_57 : memref<128x128xf32, #tpu.memory_space<vmem>>)
      %ge3A = arith.constant 1 : i32
      %ge3A_60 = arith.cmpi sge, %add3A_45, %ge3A : i32
      %convert_element_type3A = arith.extui %ge3A_60 : i1 to i32
      %cond3A = arith.constant 0 : i32
      %cond3A_61 = arith.cmpi ne, %convert_element_type3A, %cond3A : i32
      scf.if %cond3A_61 {
        %dma_wait3A_76 = arith.constant 0 : i32
        %dma_wait3A_77 = arith.constant 0 : i32
        %dma_wait3A_78 = arith.constant 0 : i32
        %dma_wait3A_79 = arith.constant 0 : i32
        %dma_wait3A_80 = tpu.memref_slice %arg7[%dma_wait3A_76, %dma_wait3A_78, %dma_wait3A_79] : memref<2x128x128xf32, #tpu.memory_space<vmem>> -> memref<1x128x128xf32, #tpu.memory_space<vmem>>
        %dma_wait3A_81 = tpu.memref_squeeze %dma_wait3A_80 : memref<1x128x128xf32, #tpu.memory_space<vmem>> -> memref<128x128xf32, #tpu.memory_space<vmem>>
        %dma_wait3A_82 = arith.constant 0 : i32
        %dma_wait3A_83 = tpu.memref_slice %arg6[%dma_wait3A_77, %dma_wait3A_82] : memref<80x128xi32, #tpu.memory_space<vmem>> -> memref<1x128xi32, #tpu.memory_space<vmem>>
        %dma_wait3A_84 = tpu.memref_squeeze %dma_wait3A_83 : memref<1x128xi32, #tpu.memory_space<vmem>> -> memref<128xi32, #tpu.memory_space<vmem>>
        %dma_wait3A_85 = arith.constant 0 : i32
        %dma_wait3A_86 = arith.constant 0 : i32
        %dma_wait3A_87 = tpu.memref_slice %arg8[%dma_wait3A_85, %dma_wait3A_86] : memref<10240x128xf32, #tpu.memory_space<vmem_shared>> -> memref<10240x128xf32, #tpu.memory_space<vmem_shared>>
        tpu.wait_indirect_dma semaphore(%arg10 : memref<!tpu.dma_semaphore, #tpu.memory_space<semaphore_mem>>) src(%dma_wait3A_81 : memref<128x128xf32, #tpu.memory_space<vmem>>) dst(%dma_wait3A_87 : memref<10240x128xf32, #tpu.memory_space<vmem_shared>>)
      } else {
      }
      %dma_start3A_62 = arith.constant 0 : i32
      %dma_start3A_63 = arith.constant 0 : i32
      %dma_start3A_64 = tpu.memref_slice %arg7[%rem3A_46, %dma_start3A_62, %dma_start3A_63] : memref<2x128x128xf32, #tpu.memory_space<vmem>> -> memref<1x128x128xf32, #tpu.memory_space<vmem>>
      %dma_start3A_65 = tpu.memref_squeeze %dma_start3A_64 : memref<1x128x128xf32, #tpu.memory_space<vmem>> -> memref<128x128xf32, #tpu.memory_space<vmem>>
      %dma_start3A_66 = arith.constant 0 : i32
      %dma_start3A_67 = tpu.memref_slice %arg6[%add3A_45, %dma_start3A_66] : memref<80x128xi32, #tpu.memory_space<vmem>> -> memref<1x128xi32, #tpu.memory_space<vmem>>
      %dma_start3A_68 = tpu.memref_squeeze %dma_start3A_67 : memref<1x128xi32, #tpu.memory_space<vmem>> -> memref<128xi32, #tpu.memory_space<vmem>>
      %dma_start3A_69 = arith.constant 0 : i32
      %dma_start3A_70 = arith.constant 0 : i32
      %dma_start3A_71 = tpu.memref_slice %arg8[%dma_start3A_69, %dma_start3A_70] : memref<10240x128xf32, #tpu.memory_space<vmem_shared>> -> memref<10240x128xf32, #tpu.memory_space<vmem_shared>>
      tpu.enqueue_indirect_dma source(%dma_start3A_65 : memref<128x128xf32, #tpu.memory_space<vmem>>) target(%dma_start3A_71 : memref<10240x128xf32, #tpu.memory_space<vmem_shared>>) offsets(%dma_start3A_68 : memref<128xi32, #tpu.memory_space<vmem>>) semaphore(%arg10 : memref<!tpu.dma_semaphore, #tpu.memory_space<semaphore_mem>>) {add = true}
      %le3A = arith.constant 78 : i32
      %le3A_72 = arith.cmpi sle, %add3A_45, %le3A : i32
      %convert_element_type3A_73 = arith.extui %le3A_72 : i1 to i32
      %cond3A_74 = arith.constant 0 : i32
      %cond3A_75 = arith.cmpi ne, %convert_element_type3A_73, %cond3A_74 : i32
      scf.if %cond3A_75 {
        %add3A_76 = arith.constant 1 : i32
        %add3A_77 = arith.addi %add3A_45, %add3A_76 : i32
        %sub3A = arith.constant 1 : i32
        %sub3A_78 = arith.subi %sub3A, %rem3A_46 : i32
        %mul3A_79 = arith.constant 128 : i32
        %mul3A_80 = arith.muli %add3A_77, %mul3A_79 : i32
        %add3A_81 = arith.addi %mul3A_2, %mul3A_80 : i32
        %dma_start3A_82 = arith.constant 0 : i32
        %dma_start3A_83 = arith.constant 0 : i32
        %dma_start3A_84 = tpu.memref_slice %arg7[%sub3A_78, %dma_start3A_82, %dma_start3A_83] : memref<2x128x128xf32, #tpu.memory_space<vmem>> -> memref<1x128x128xf32, #tpu.memory_space<vmem>>
        %dma_start3A_85 = tpu.memref_squeeze %dma_start3A_84 : memref<1x128x128xf32, #tpu.memory_space<vmem>> -> memref<128x128xf32, #tpu.memory_space<vmem>>
        %dma_start3A_86 = arith.constant 0 : i32
        %dma_start3A_87 = tpu.memref_slice %arg2[%add3A_81, %dma_start3A_86] : memref<327680x128xf32, #tpu.memory_space<hbm>> -> memref<128x128xf32, #tpu.memory_space<hbm>>
        %dma_start3A_88 = arith.constant 0 : i32
        %dma_start3A_89 = arith.constant 0 : i32
        %dma_start3A_90 = tpu.memref_slice %arg7[%sub3A_78, %dma_start3A_88, %dma_start3A_89] : memref<2x128x128xf32, #tpu.memory_space<vmem>> -> memref<1x128x128xf32, #tpu.memory_space<vmem>>
        %dma_start3A_91 = tpu.memref_squeeze %dma_start3A_90 : memref<1x128x128xf32, #tpu.memory_space<vmem>> -> memref<128x128xf32, #tpu.memory_space<vmem>>
        %dma_start3A_92 = arith.constant 0 : i32
        %dma_start3A_93 = tpu.memref_slice %arg2[%add3A_81, %dma_start3A_92] : memref<327680x128xf32, #tpu.memory_space<hbm>> -> memref<128x128xf32, #tpu.memory_space<hbm>>
        tpu.enqueue_dma source(%dma_start3A_93 : memref<128x128xf32, #tpu.memory_space<hbm>>) target(%dma_start3A_91 : memref<128x128xf32, #tpu.memory_space<vmem>>) target_semaphore(%arg9 : memref<!tpu.dma_semaphore, #tpu.memory_space<semaphore_mem>>)
      } else {
      }
    }
    %scan3A_24 = arith.constant 80 : i32
    %dma_wait3A = arith.constant 0 : i32
    %dma_wait3A_25 = arith.constant 0 : i32
    %dma_wait3A_26 = arith.constant 0 : i32
    %dma_wait3A_27 = arith.constant 0 : i32
    %dma_wait3A_28 = tpu.memref_slice %arg7[%dma_wait3A, %dma_wait3A_26, %dma_wait3A_27] : memref<2x128x128xf32, #tpu.memory_space<vmem>> -> memref<1x128x128xf32, #tpu.memory_space<vmem>>
    %dma_wait3A_29 = tpu.memref_squeeze %dma_wait3A_28 : memref<1x128x128xf32, #tpu.memory_space<vmem>> -> memref<128x128xf32, #tpu.memory_space<vmem>>
    %dma_wait3A_30 = arith.constant 0 : i32
    %dma_wait3A_31 = tpu.memref_slice %arg6[%dma_wait3A_25, %dma_wait3A_30] : memref<80x128xi32, #tpu.memory_space<vmem>> -> memref<1x128xi32, #tpu.memory_space<vmem>>
    %dma_wait3A_32 = tpu.memref_squeeze %dma_wait3A_31 : memref<1x128xi32, #tpu.memory_space<vmem>> -> memref<128xi32, #tpu.memory_space<vmem>>
    %dma_wait3A_33 = arith.constant 0 : i32
    %dma_wait3A_34 = arith.constant 0 : i32
    %dma_wait3A_35 = tpu.memref_slice %arg8[%dma_wait3A_33, %dma_wait3A_34] : memref<10240x128xf32, #tpu.memory_space<vmem_shared>> -> memref<10240x128xf32, #tpu.memory_space<vmem_shared>>
    tpu.wait_indirect_dma semaphore(%arg10 : memref<!tpu.dma_semaphore, #tpu.memory_space<semaphore_mem>>) src(%dma_wait3A_29 : memref<128x128xf32, #tpu.memory_space<vmem>>) dst(%dma_wait3A_35 : memref<10240x128xf32, #tpu.memory_space<vmem_shared>>)
    %barrier3A_36 = arith.constant 0 : index
    tpu.barrier barrier_id(%barrier3A_36)
    %mul3A_37 = arith.constant 640 : i32
    %mul3A_38 = arith.muli %arg1, %mul3A_37 : i32
    %mul3A_39 = arith.constant 640 : i32
    %mul3A_40 = arith.muli %arg1, %mul3A_39 : i32
    "tpu.region"() ({
      %run_scoped3A = tpu.sem_alloc : memref<!tpu.dma_semaphore, #tpu.memory_space<semaphore_mem>>
      %dma_start3A_41 = arith.constant 0 : i32
      %dma_start3A_42 = tpu.memref_slice %arg5[%arg0, %mul3A_40, %dma_start3A_41] : memref<2x10240x128xf32, #tpu.memory_space<hbm>> -> memref<1x640x128xf32, #tpu.memory_space<hbm>>
      %dma_start3A_43 = tpu.memref_squeeze %dma_start3A_42 : memref<1x640x128xf32, #tpu.memory_space<hbm>> -> memref<640x128xf32, #tpu.memory_space<hbm>>
      %dma_start3A_44 = arith.constant 0 : i32
      %dma_start3A_45 = tpu.memref_slice %arg8[%mul3A_38, %dma_start3A_44] : memref<10240x128xf32, #tpu.memory_space<vmem_shared>> -> memref<640x128xf32, #tpu.memory_space<vmem_shared>>
      tpu.enqueue_dma source(%dma_start3A_45 : memref<640x128xf32, #tpu.memory_space<vmem_shared>>) target(%dma_start3A_43 : memref<640x128xf32, #tpu.memory_space<hbm>>) target_semaphore(%run_scoped3A : memref<!tpu.dma_semaphore, #tpu.memory_space<semaphore_mem>>)
      %dma_wait3A_46 = arith.constant 0 : i32
      %dma_wait3A_47 = tpu.memref_slice %arg5[%arg0, %mul3A_40, %dma_wait3A_46] : memref<2x10240x128xf32, #tpu.memory_space<hbm>> -> memref<1x640x128xf32, #tpu.memory_space<hbm>>
      %dma_wait3A_48 = tpu.memref_squeeze %dma_wait3A_47 : memref<1x640x128xf32, #tpu.memory_space<hbm>> -> memref<640x128xf32, #tpu.memory_space<hbm>>
      %dma_wait3A_49 = arith.constant 0 : i32
      %dma_wait3A_50 = tpu.memref_slice %arg8[%mul3A_38, %dma_wait3A_49] : memref<10240x128xf32, #tpu.memory_space<vmem_shared>> -> memref<640x128xf32, #tpu.memory_space<vmem_shared>>
      tpu.wait_dma2 semaphore(%run_scoped3A : memref<!tpu.dma_semaphore, #tpu.memory_space<semaphore_mem>>) src(%dma_wait3A_50 : memref<640x128xf32, #tpu.memory_space<vmem_shared>>) dst(%dma_wait3A_48 : memref<640x128xf32, #tpu.memory_space<hbm>>)
      tpu.yield
    }) : () -> ()
    return
  }
}

#map = affine_map<(d0, d1) -> (0, 0)>
#map1 = affine_map<(d0, d1) -> (0, 0, 0)>
module attributes {stable_mosaic.version = 14 : i64} {
  func.func @_gather_body(%arg0: i32, %arg1: i32, %arg2: memref<20480x128xf32, #tpu.memory_space<hbm>>, %arg3: memref<2560x2x128xi32, #tpu.memory_space<hbm>>, %arg4: memref<327680x128xf32, #tpu.memory_space<hbm>>, %arg5: memref<80x2x128xi32, #tpu.memory_space<vmem>>, %arg6: memref<3x128x128xf32, #tpu.memory_space<vmem>>, %arg7: memref<!tpu.dma_semaphore, #tpu.memory_space<semaphore_mem>>, %arg8: memref<!tpu.dma_semaphore, #tpu.memory_space<semaphore_mem>>, %arg9: memref<!tpu.dma_semaphore, #tpu.memory_space<semaphore_mem>>, %arg10: memref<!tpu.dma_semaphore, #tpu.memory_space<semaphore_mem>>, %arg11: memref<!tpu.dma_semaphore, #tpu.memory_space<semaphore_mem>>) attributes {dimension_semantics = [#tpu.dimension_semantics<core_parallel>, #tpu.dimension_semantics<subcore_parallel>], iteration_bounds = array<i64: 2, 16>, scalar_prefetch = 0 : i64, scratch_operands = 7 : i64, tpu.core_type = #tpu.core_type<sc_vector_subcore>, window_params = [{transform_indices = #map}, {transform_indices = #map1}, {transform_indices = #map}]} {
    %mul3A = arith.constant 2 : i32
    %mul3A_0 = arith.muli %arg1, %mul3A : i32
    %add3A = arith.addi %mul3A_0, %arg0 : i32
    %mul3A_1 = arith.constant 10240 : i32
    %mul3A_2 = arith.muli %add3A, %mul3A_1 : i32
    %mul3A_3 = arith.constant 80 : i32
    %mul3A_4 = arith.muli %add3A, %mul3A_3 : i32
    "tpu.region"() ({
      %run_scoped3A = tpu.sem_alloc : memref<!tpu.dma_semaphore, #tpu.memory_space<semaphore_mem>>
      %dma_start3A_88 = arith.constant 0 : i32
      %dma_start3A_89 = arith.constant 0 : i32
      %dma_start3A_90 = tpu.memref_slice %arg3[%mul3A_4, %dma_start3A_88, %dma_start3A_89] : memref<2560x2x128xi32, #tpu.memory_space<hbm>> -> memref<80x2x128xi32, #tpu.memory_space<hbm>>
      %dma_start3A_91 = arith.constant 0 : i32
      %dma_start3A_92 = arith.constant 0 : i32
      %dma_start3A_93 = tpu.memref_slice %arg3[%mul3A_4, %dma_start3A_91, %dma_start3A_92] : memref<2560x2x128xi32, #tpu.memory_space<hbm>> -> memref<80x2x128xi32, #tpu.memory_space<hbm>>
      tpu.enqueue_dma source(%dma_start3A_93 : memref<80x2x128xi32, #tpu.memory_space<hbm>>) target(%arg5 : memref<80x2x128xi32, #tpu.memory_space<vmem>>) target_semaphore(%run_scoped3A : memref<!tpu.dma_semaphore, #tpu.memory_space<semaphore_mem>>)
      %dma_wait3A = arith.constant 0 : i32
      %dma_wait3A_94 = arith.constant 0 : i32
      %dma_wait3A_95 = tpu.memref_slice %arg3[%mul3A_4, %dma_wait3A, %dma_wait3A_94] : memref<2560x2x128xi32, #tpu.memory_space<hbm>> -> memref<80x2x128xi32, #tpu.memory_space<hbm>>
      %dma_wait3A_96 = arith.constant 0 : i32
      %dma_wait3A_97 = arith.constant 0 : i32
      %dma_wait3A_98 = tpu.memref_slice %arg3[%mul3A_4, %dma_wait3A_96, %dma_wait3A_97] : memref<2560x2x128xi32, #tpu.memory_space<hbm>> -> memref<80x2x128xi32, #tpu.memory_space<hbm>>
      tpu.wait_dma2 semaphore(%run_scoped3A : memref<!tpu.dma_semaphore, #tpu.memory_space<semaphore_mem>>) src(%dma_wait3A_98 : memref<80x2x128xi32, #tpu.memory_space<hbm>>) dst(%arg5 : memref<80x2x128xi32, #tpu.memory_space<vmem>>)
      tpu.yield
    }) : () -> ()
    %rem3A = arith.constant 0 : i32
    %rem3A_5 = arith.constant 3 : i32
    %rem3A_6 = arith.remsi %rem3A, %rem3A_5 : i32
    %dma_start3A = arith.constant 0 : i32
    %dma_start3A_7 = arith.constant 0 : i32
    %dma_start3A_8 = arith.constant 0 : i32
    %dma_start3A_9 = arith.constant 0 : i32
    %dma_start3A_10 = tpu.memref_slice %arg6[%rem3A_6, %dma_start3A_8, %dma_start3A_9] : memref<3x128x128xf32, #tpu.memory_space<vmem>> -> memref<1x128x128xf32, #tpu.memory_space<vmem>>
    %dma_start3A_11 = tpu.memref_squeeze %dma_start3A_10 : memref<1x128x128xf32, #tpu.memory_space<vmem>> -> memref<128x128xf32, #tpu.memory_space<vmem>>
    %dma_start3A_12 = arith.constant 0 : i32
    %dma_start3A_13 = tpu.memref_slice %arg5[%dma_start3A, %dma_start3A_7, %dma_start3A_12] : memref<80x2x128xi32, #tpu.memory_space<vmem>> -> memref<1x1x128xi32, #tpu.memory_space<vmem>>
    %dma_start3A_14 = tpu.memref_squeeze %dma_start3A_13 : memref<1x1x128xi32, #tpu.memory_space<vmem>> -> memref<128xi32, #tpu.memory_space<vmem>>
    %dma_start3A_15 = arith.constant 0 : i32
    %dma_start3A_16 = arith.constant 0 : i32
    %dma_start3A_17 = tpu.memref_slice %arg2[%dma_start3A_15, %dma_start3A_16] : memref<20480x128xf32, #tpu.memory_space<hbm>> -> memref<20480x128xf32, #tpu.memory_space<hbm>>
    tpu.enqueue_indirect_dma source(%dma_start3A_17 : memref<20480x128xf32, #tpu.memory_space<hbm>>) target(%dma_start3A_11 : memref<128x128xf32, #tpu.memory_space<vmem>>) offsets(%dma_start3A_14 : memref<128xi32, #tpu.memory_space<vmem>>) semaphore(%arg7 : memref<!tpu.dma_semaphore, #tpu.memory_space<semaphore_mem>>)
    %scan3A = arith.constant 0 : i32
    %scan3A_18 = arith.constant 80 : i32
    %scan3A_19 = arith.addi %scan3A, %scan3A_18 : i32
    %scan3A_20 = arith.constant 1 : i32
    scf.for %scan3A_88 = %scan3A to %scan3A_19 step %scan3A_20  : i32 {
      %mul3A_89 = arith.constant 1 : i32
      %mul3A_90 = arith.muli %scan3A_88, %mul3A_89 : i32
      %add3A_91 = arith.constant 0 : i32
      %add3A_92 = arith.addi %add3A_91, %mul3A_90 : i32
      %dma_wait3A = arith.constant 0 : i32
      %dma_wait3A_93 = arith.constant 0 : i32
      %dma_wait3A_94 = arith.constant 0 : i32
      %dma_wait3A_95 = arith.constant 0 : i32
      %dma_wait3A_96 = arith.constant 0 : i32
      %dma_wait3A_97 = tpu.memref_slice %arg6[%dma_wait3A_94, %dma_wait3A_95, %dma_wait3A_96] : memref<3x128x128xf32, #tpu.memory_space<vmem>> -> memref<1x128x128xf32, #tpu.memory_space<vmem>>
      %dma_wait3A_98 = tpu.memref_squeeze %dma_wait3A_97 : memref<1x128x128xf32, #tpu.memory_space<vmem>> -> memref<128x128xf32, #tpu.memory_space<vmem>>
      %dma_wait3A_99 = arith.constant 0 : i32
      %dma_wait3A_100 = tpu.memref_slice %arg5[%dma_wait3A, %dma_wait3A_93, %dma_wait3A_99] : memref<80x2x128xi32, #tpu.memory_space<vmem>> -> memref<1x1x128xi32, #tpu.memory_space<vmem>>
      %dma_wait3A_101 = tpu.memref_squeeze %dma_wait3A_100 : memref<1x1x128xi32, #tpu.memory_space<vmem>> -> memref<128xi32, #tpu.memory_space<vmem>>
      %dma_wait3A_102 = arith.constant 0 : i32
      %dma_wait3A_103 = arith.constant 0 : i32
      %dma_wait3A_104 = tpu.memref_slice %arg2[%dma_wait3A_102, %dma_wait3A_103] : memref<20480x128xf32, #tpu.memory_space<hbm>> -> memref<20480x128xf32, #tpu.memory_space<hbm>>
      tpu.wait_indirect_dma semaphore(%arg7 : memref<!tpu.dma_semaphore, #tpu.memory_space<semaphore_mem>>) src(%dma_wait3A_104 : memref<20480x128xf32, #tpu.memory_space<hbm>>) dst(%dma_wait3A_98 : memref<128x128xf32, #tpu.memory_space<vmem>>)
      %ge3A = arith.constant 2 : i32
      %ge3A_105 = arith.cmpi sge, %add3A_92, %ge3A : i32
      %convert_element_type3A_106 = arith.extui %ge3A_105 : i1 to i32
      %cond3A_107 = arith.constant 0 : i32
      %cond3A_108 = arith.cmpi ne, %convert_element_type3A_106, %cond3A_107 : i32
      scf.if %cond3A_108 {
        %sub3A = arith.constant 2 : i32
        %sub3A_134 = arith.subi %add3A_92, %sub3A : i32
        %rem3A_135 = arith.constant 2 : i32
        %rem3A_136 = arith.remsi %sub3A_134, %rem3A_135 : i32
        %eq3A_137 = arith.constant 0 : i32
        %eq3A_138 = arith.cmpi eq, %rem3A_136, %eq3A_137 : i32
        %convert_element_type3A_139 = arith.extui %eq3A_138 : i1 to i32
        %cond3A_140 = arith.constant 0 : i32
        %cond3A_141 = arith.cmpi ne, %convert_element_type3A_139, %cond3A_140 : i32
        scf.if %cond3A_141 {
          %dma_wait3A_149 = arith.constant 0 : i32
          %dma_wait3A_150 = arith.constant 0 : i32
          %dma_wait3A_151 = arith.constant 0 : i32
          %dma_wait3A_152 = tpu.memref_slice %arg6[%dma_wait3A_149, %dma_wait3A_150, %dma_wait3A_151] : memref<3x128x128xf32, #tpu.memory_space<vmem>> -> memref<1x128x128xf32, #tpu.memory_space<vmem>>
          %dma_wait3A_153 = tpu.memref_squeeze %dma_wait3A_152 : memref<1x128x128xf32, #tpu.memory_space<vmem>> -> memref<128x128xf32, #tpu.memory_space<vmem>>
          %dma_wait3A_154 = arith.constant 0 : i32
          %dma_wait3A_155 = tpu.memref_slice %arg4[%mul3A_2, %dma_wait3A_154] : memref<327680x128xf32, #tpu.memory_space<hbm>> -> memref<128x128xf32, #tpu.memory_space<hbm>>
          %dma_wait3A_156 = arith.constant 0 : i32
          %dma_wait3A_157 = tpu.memref_slice %arg4[%mul3A_2, %dma_wait3A_156] : memref<327680x128xf32, #tpu.memory_space<hbm>> -> memref<128x128xf32, #tpu.memory_space<hbm>>
          %dma_wait3A_158 = arith.constant 0 : i32
          %dma_wait3A_159 = arith.constant 0 : i32
          %dma_wait3A_160 = tpu.memref_slice %arg6[%dma_wait3A_149, %dma_wait3A_158, %dma_wait3A_159] : memref<3x128x128xf32, #tpu.memory_space<vmem>> -> memref<1x128x128xf32, #tpu.memory_space<vmem>>
          %dma_wait3A_161 = tpu.memref_squeeze %dma_wait3A_160 : memref<1x128x128xf32, #tpu.memory_space<vmem>> -> memref<128x128xf32, #tpu.memory_space<vmem>>
          tpu.wait_dma2 semaphore(%arg10 : memref<!tpu.dma_semaphore, #tpu.memory_space<semaphore_mem>>) src(%dma_wait3A_161 : memref<128x128xf32, #tpu.memory_space<vmem>>) dst(%dma_wait3A_157 : memref<128x128xf32, #tpu.memory_space<hbm>>)
        } else {
        }
        %rem3A_142 = arith.constant 2 : i32
        %rem3A_143 = arith.remsi %sub3A_134, %rem3A_142 : i32
        %eq3A_144 = arith.constant 1 : i32
        %eq3A_145 = arith.cmpi eq, %rem3A_143, %eq3A_144 : i32
        %convert_element_type3A_146 = arith.extui %eq3A_145 : i1 to i32
        %cond3A_147 = arith.constant 0 : i32
        %cond3A_148 = arith.cmpi ne, %convert_element_type3A_146, %cond3A_147 : i32
        scf.if %cond3A_148 {
          %dma_wait3A_149 = arith.constant 0 : i32
          %dma_wait3A_150 = arith.constant 0 : i32
          %dma_wait3A_151 = arith.constant 0 : i32
          %dma_wait3A_152 = tpu.memref_slice %arg6[%dma_wait3A_149, %dma_wait3A_150, %dma_wait3A_151] : memref<3x128x128xf32, #tpu.memory_space<vmem>> -> memref<1x128x128xf32, #tpu.memory_space<vmem>>
          %dma_wait3A_153 = tpu.memref_squeeze %dma_wait3A_152 : memref<1x128x128xf32, #tpu.memory_space<vmem>> -> memref<128x128xf32, #tpu.memory_space<vmem>>
          %dma_wait3A_154 = arith.constant 0 : i32
          %dma_wait3A_155 = tpu.memref_slice %arg4[%mul3A_2, %dma_wait3A_154] : memref<327680x128xf32, #tpu.memory_space<hbm>> -> memref<128x128xf32, #tpu.memory_space<hbm>>
          %dma_wait3A_156 = arith.constant 0 : i32
          %dma_wait3A_157 = tpu.memref_slice %arg4[%mul3A_2, %dma_wait3A_156] : memref<327680x128xf32, #tpu.memory_space<hbm>> -> memref<128x128xf32, #tpu.memory_space<hbm>>
          %dma_wait3A_158 = arith.constant 0 : i32
          %dma_wait3A_159 = arith.constant 0 : i32
          %dma_wait3A_160 = tpu.memref_slice %arg6[%dma_wait3A_149, %dma_wait3A_158, %dma_wait3A_159] : memref<3x128x128xf32, #tpu.memory_space<vmem>> -> memref<1x128x128xf32, #tpu.memory_space<vmem>>
          %dma_wait3A_161 = tpu.memref_squeeze %dma_wait3A_160 : memref<1x128x128xf32, #tpu.memory_space<vmem>> -> memref<128x128xf32, #tpu.memory_space<vmem>>
          tpu.wait_dma2 semaphore(%arg11 : memref<!tpu.dma_semaphore, #tpu.memory_space<semaphore_mem>>) src(%dma_wait3A_161 : memref<128x128xf32, #tpu.memory_space<vmem>>) dst(%dma_wait3A_157 : memref<128x128xf32, #tpu.memory_space<hbm>>)
        } else {
        }
      } else {
      }
      %le3A = arith.constant 78 : i32
      %le3A_109 = arith.cmpi sle, %add3A_92, %le3A : i32
      %convert_element_type3A_110 = arith.extui %le3A_109 : i1 to i32
      %cond3A_111 = arith.constant 0 : i32
      %cond3A_112 = arith.cmpi ne, %convert_element_type3A_110, %cond3A_111 : i32
      scf.if %cond3A_112 {
        %add3A_134 = arith.constant 1 : i32
        %add3A_135 = arith.addi %add3A_92, %add3A_134 : i32
        %rem3A_136 = arith.constant 3 : i32
        %rem3A_137 = arith.remsi %add3A_135, %rem3A_136 : i32
        %dma_start3A_138 = arith.constant 0 : i32
        %dma_start3A_139 = arith.constant 0 : i32
        %dma_start3A_140 = arith.constant 0 : i32
        %dma_start3A_141 = tpu.memref_slice %arg6[%rem3A_137, %dma_start3A_139, %dma_start3A_140] : memref<3x128x128xf32, #tpu.memory_space<vmem>> -> memref<1x128x128xf32, #tpu.memory_space<vmem>>
        %dma_start3A_142 = tpu.memref_squeeze %dma_start3A_141 : memref<1x128x128xf32, #tpu.memory_space<vmem>> -> memref<128x128xf32, #tpu.memory_space<vmem>>
        %dma_start3A_143 = arith.constant 0 : i32
        %dma_start3A_144 = tpu.memref_slice %arg5[%add3A_135, %dma_start3A_138, %dma_start3A_143] : memref<80x2x128xi32, #tpu.memory_space<vmem>> -> memref<1x1x128xi32, #tpu.memory_space<vmem>>
        %dma_start3A_145 = tpu.memref_squeeze %dma_start3A_144 : memref<1x1x128xi32, #tpu.memory_space<vmem>> -> memref<128xi32, #tpu.memory_space<vmem>>
        %dma_start3A_146 = arith.constant 0 : i32
        %dma_start3A_147 = arith.constant 0 : i32
        %dma_start3A_148 = tpu.memref_slice %arg2[%dma_start3A_146, %dma_start3A_147] : memref<20480x128xf32, #tpu.memory_space<hbm>> -> memref<20480x128xf32, #tpu.memory_space<hbm>>
        tpu.enqueue_indirect_dma source(%dma_start3A_148 : memref<20480x128xf32, #tpu.memory_space<hbm>>) target(%dma_start3A_142 : memref<128x128xf32, #tpu.memory_space<vmem>>) offsets(%dma_start3A_145 : memref<128xi32, #tpu.memory_space<vmem>>) semaphore(%arg7 : memref<!tpu.dma_semaphore, #tpu.memory_space<semaphore_mem>>)
      } else {
      }
      %rem3A_113 = arith.constant 3 : i32
      %rem3A_114 = arith.remsi %add3A_92, %rem3A_113 : i32
      %rem3A_115 = arith.constant 2 : i32
      %rem3A_116 = arith.remsi %add3A_92, %rem3A_115 : i32
      %eq3A_117 = arith.constant 0 : i32
      %eq3A_118 = arith.cmpi eq, %rem3A_116, %eq3A_117 : i32
      %convert_element_type3A_119 = arith.extui %eq3A_118 : i1 to i32
      %cond3A_120 = arith.constant 0 : i32
      %cond3A_121 = arith.cmpi ne, %convert_element_type3A_119, %cond3A_120 : i32
      scf.if %cond3A_121 {
        %dma_start3A_134 = arith.constant 1 : i32
        %dma_start3A_135 = arith.constant 0 : i32
        %dma_start3A_136 = arith.constant 0 : i32
        %dma_start3A_137 = tpu.memref_slice %arg6[%rem3A_114, %dma_start3A_135, %dma_start3A_136] : memref<3x128x128xf32, #tpu.memory_space<vmem>> -> memref<1x128x128xf32, #tpu.memory_space<vmem>>
        %dma_start3A_138 = tpu.memref_squeeze %dma_start3A_137 : memref<1x128x128xf32, #tpu.memory_space<vmem>> -> memref<128x128xf32, #tpu.memory_space<vmem>>
        %dma_start3A_139 = arith.constant 0 : i32
        %dma_start3A_140 = tpu.memref_slice %arg5[%add3A_92, %dma_start3A_134, %dma_start3A_139] : memref<80x2x128xi32, #tpu.memory_space<vmem>> -> memref<1x1x128xi32, #tpu.memory_space<vmem>>
        %dma_start3A_141 = tpu.memref_squeeze %dma_start3A_140 : memref<1x1x128xi32, #tpu.memory_space<vmem>> -> memref<128xi32, #tpu.memory_space<vmem>>
        %dma_start3A_142 = arith.constant 0 : i32
        %dma_start3A_143 = arith.constant 0 : i32
        %dma_start3A_144 = tpu.memref_slice %arg2[%dma_start3A_142, %dma_start3A_143] : memref<20480x128xf32, #tpu.memory_space<hbm>> -> memref<20480x128xf32, #tpu.memory_space<hbm>>
        tpu.enqueue_indirect_dma source(%dma_start3A_144 : memref<20480x128xf32, #tpu.memory_space<hbm>>) target(%dma_start3A_138 : memref<128x128xf32, #tpu.memory_space<vmem>>) offsets(%dma_start3A_141 : memref<128xi32, #tpu.memory_space<vmem>>) semaphore(%arg8 : memref<!tpu.dma_semaphore, #tpu.memory_space<semaphore_mem>>) {add = true}
      } else {
      }
      %rem3A_122 = arith.constant 2 : i32
      %rem3A_123 = arith.remsi %add3A_92, %rem3A_122 : i32
      %eq3A_124 = arith.constant 1 : i32
      %eq3A_125 = arith.cmpi eq, %rem3A_123, %eq3A_124 : i32
      %convert_element_type3A_126 = arith.extui %eq3A_125 : i1 to i32
      %cond3A_127 = arith.constant 0 : i32
      %cond3A_128 = arith.cmpi ne, %convert_element_type3A_126, %cond3A_127 : i32
      scf.if %cond3A_128 {
        %dma_start3A_134 = arith.constant 1 : i32
        %dma_start3A_135 = arith.constant 0 : i32
        %dma_start3A_136 = arith.constant 0 : i32
        %dma_start3A_137 = tpu.memref_slice %arg6[%rem3A_114, %dma_start3A_135, %dma_start3A_136] : memref<3x128x128xf32, #tpu.memory_space<vmem>> -> memref<1x128x128xf32, #tpu.memory_space<vmem>>
        %dma_start3A_138 = tpu.memref_squeeze %dma_start3A_137 : memref<1x128x128xf32, #tpu.memory_space<vmem>> -> memref<128x128xf32, #tpu.memory_space<vmem>>
        %dma_start3A_139 = arith.constant 0 : i32
        %dma_start3A_140 = tpu.memref_slice %arg5[%add3A_92, %dma_start3A_134, %dma_start3A_139] : memref<80x2x128xi32, #tpu.memory_space<vmem>> -> memref<1x1x128xi32, #tpu.memory_space<vmem>>
        %dma_start3A_141 = tpu.memref_squeeze %dma_start3A_140 : memref<1x1x128xi32, #tpu.memory_space<vmem>> -> memref<128xi32, #tpu.memory_space<vmem>>
        %dma_start3A_142 = arith.constant 0 : i32
        %dma_start3A_143 = arith.constant 0 : i32
        %dma_start3A_144 = tpu.memref_slice %arg2[%dma_start3A_142, %dma_start3A_143] : memref<20480x128xf32, #tpu.memory_space<hbm>> -> memref<20480x128xf32, #tpu.memory_space<hbm>>
        tpu.enqueue_indirect_dma source(%dma_start3A_144 : memref<20480x128xf32, #tpu.memory_space<hbm>>) target(%dma_start3A_138 : memref<128x128xf32, #tpu.memory_space<vmem>>) offsets(%dma_start3A_141 : memref<128xi32, #tpu.memory_space<vmem>>) semaphore(%arg9 : memref<!tpu.dma_semaphore, #tpu.memory_space<semaphore_mem>>) {add = true}
      } else {
      }
      %ge3A_129 = arith.constant 1 : i32
      %ge3A_130 = arith.cmpi sge, %add3A_92, %ge3A_129 : i32
      %convert_element_type3A_131 = arith.extui %ge3A_130 : i1 to i32
      %cond3A_132 = arith.constant 0 : i32
      %cond3A_133 = arith.cmpi ne, %convert_element_type3A_131, %cond3A_132 : i32
      scf.if %cond3A_133 {
        %sub3A = arith.constant 1 : i32
        %sub3A_134 = arith.subi %add3A_92, %sub3A : i32
        %rem3A_135 = arith.constant 2 : i32
        %rem3A_136 = arith.remsi %sub3A_134, %rem3A_135 : i32
        %eq3A_137 = arith.constant 0 : i32
        %eq3A_138 = arith.cmpi eq, %rem3A_136, %eq3A_137 : i32
        %convert_element_type3A_139 = arith.extui %eq3A_138 : i1 to i32
        %cond3A_140 = arith.constant 0 : i32
        %cond3A_141 = arith.cmpi ne, %convert_element_type3A_139, %cond3A_140 : i32
        scf.if %cond3A_141 {
          %dma_wait3A_170 = arith.constant 0 : i32
          %dma_wait3A_171 = arith.constant 1 : i32
          %dma_wait3A_172 = arith.constant 0 : i32
          %dma_wait3A_173 = arith.constant 0 : i32
          %dma_wait3A_174 = arith.constant 0 : i32
          %dma_wait3A_175 = tpu.memref_slice %arg6[%dma_wait3A_172, %dma_wait3A_173, %dma_wait3A_174] : memref<3x128x128xf32, #tpu.memory_space<vmem>> -> memref<1x128x128xf32, #tpu.memory_space<vmem>>
          %dma_wait3A_176 = tpu.memref_squeeze %dma_wait3A_175 : memref<1x128x128xf32, #tpu.memory_space<vmem>> -> memref<128x128xf32, #tpu.memory_space<vmem>>
          %dma_wait3A_177 = arith.constant 0 : i32
          %dma_wait3A_178 = tpu.memref_slice %arg5[%dma_wait3A_170, %dma_wait3A_171, %dma_wait3A_177] : memref<80x2x128xi32, #tpu.memory_space<vmem>> -> memref<1x1x128xi32, #tpu.memory_space<vmem>>
          %dma_wait3A_179 = tpu.memref_squeeze %dma_wait3A_178 : memref<1x1x128xi32, #tpu.memory_space<vmem>> -> memref<128xi32, #tpu.memory_space<vmem>>
          %dma_wait3A_180 = arith.constant 0 : i32
          %dma_wait3A_181 = arith.constant 0 : i32
          %dma_wait3A_182 = tpu.memref_slice %arg2[%dma_wait3A_180, %dma_wait3A_181] : memref<20480x128xf32, #tpu.memory_space<hbm>> -> memref<20480x128xf32, #tpu.memory_space<hbm>>
          tpu.wait_indirect_dma semaphore(%arg8 : memref<!tpu.dma_semaphore, #tpu.memory_space<semaphore_mem>>) src(%dma_wait3A_182 : memref<20480x128xf32, #tpu.memory_space<hbm>>) dst(%dma_wait3A_176 : memref<128x128xf32, #tpu.memory_space<vmem>>)
        } else {
        }
        %rem3A_142 = arith.constant 2 : i32
        %rem3A_143 = arith.remsi %sub3A_134, %rem3A_142 : i32
        %eq3A_144 = arith.constant 1 : i32
        %eq3A_145 = arith.cmpi eq, %rem3A_143, %eq3A_144 : i32
        %convert_element_type3A_146 = arith.extui %eq3A_145 : i1 to i32
        %cond3A_147 = arith.constant 0 : i32
        %cond3A_148 = arith.cmpi ne, %convert_element_type3A_146, %cond3A_147 : i32
        scf.if %cond3A_148 {
          %dma_wait3A_170 = arith.constant 0 : i32
          %dma_wait3A_171 = arith.constant 1 : i32
          %dma_wait3A_172 = arith.constant 0 : i32
          %dma_wait3A_173 = arith.constant 0 : i32
          %dma_wait3A_174 = arith.constant 0 : i32
          %dma_wait3A_175 = tpu.memref_slice %arg6[%dma_wait3A_172, %dma_wait3A_173, %dma_wait3A_174] : memref<3x128x128xf32, #tpu.memory_space<vmem>> -> memref<1x128x128xf32, #tpu.memory_space<vmem>>
          %dma_wait3A_176 = tpu.memref_squeeze %dma_wait3A_175 : memref<1x128x128xf32, #tpu.memory_space<vmem>> -> memref<128x128xf32, #tpu.memory_space<vmem>>
          %dma_wait3A_177 = arith.constant 0 : i32
          %dma_wait3A_178 = tpu.memref_slice %arg5[%dma_wait3A_170, %dma_wait3A_171, %dma_wait3A_177] : memref<80x2x128xi32, #tpu.memory_space<vmem>> -> memref<1x1x128xi32, #tpu.memory_space<vmem>>
          %dma_wait3A_179 = tpu.memref_squeeze %dma_wait3A_178 : memref<1x1x128xi32, #tpu.memory_space<vmem>> -> memref<128xi32, #tpu.memory_space<vmem>>
          %dma_wait3A_180 = arith.constant 0 : i32
          %dma_wait3A_181 = arith.constant 0 : i32
          %dma_wait3A_182 = tpu.memref_slice %arg2[%dma_wait3A_180, %dma_wait3A_181] : memref<20480x128xf32, #tpu.memory_space<hbm>> -> memref<20480x128xf32, #tpu.memory_space<hbm>>
          tpu.wait_indirect_dma semaphore(%arg9 : memref<!tpu.dma_semaphore, #tpu.memory_space<semaphore_mem>>) src(%dma_wait3A_182 : memref<20480x128xf32, #tpu.memory_space<hbm>>) dst(%dma_wait3A_176 : memref<128x128xf32, #tpu.memory_space<vmem>>)
        } else {
        }
        %sub3A_149 = arith.constant 1 : i32
        %sub3A_150 = arith.subi %add3A_92, %sub3A_149 : i32
        %rem3A_151 = arith.constant 3 : i32
        %rem3A_152 = arith.remsi %sub3A_150, %rem3A_151 : i32
        %mul3A_153 = arith.constant 128 : i32
        %mul3A_154 = arith.muli %sub3A_150, %mul3A_153 : i32
        %add3A_155 = arith.addi %mul3A_2, %mul3A_154 : i32
        %rem3A_156 = arith.constant 2 : i32
        %rem3A_157 = arith.remsi %sub3A_150, %rem3A_156 : i32
        %eq3A_158 = arith.constant 0 : i32
        %eq3A_159 = arith.cmpi eq, %rem3A_157, %eq3A_158 : i32
        %convert_element_type3A_160 = arith.extui %eq3A_159 : i1 to i32
        %cond3A_161 = arith.constant 0 : i32
        %cond3A_162 = arith.cmpi ne, %convert_element_type3A_160, %cond3A_161 : i32
        scf.if %cond3A_162 {
          %dma_start3A_170 = arith.constant 0 : i32
          %dma_start3A_171 = arith.constant 0 : i32
          %dma_start3A_172 = tpu.memref_slice %arg6[%rem3A_152, %dma_start3A_170, %dma_start3A_171] : memref<3x128x128xf32, #tpu.memory_space<vmem>> -> memref<1x128x128xf32, #tpu.memory_space<vmem>>
          %dma_start3A_173 = tpu.memref_squeeze %dma_start3A_172 : memref<1x128x128xf32, #tpu.memory_space<vmem>> -> memref<128x128xf32, #tpu.memory_space<vmem>>
          %dma_start3A_174 = arith.constant 0 : i32
          %dma_start3A_175 = tpu.memref_slice %arg4[%add3A_155, %dma_start3A_174] : memref<327680x128xf32, #tpu.memory_space<hbm>> -> memref<128x128xf32, #tpu.memory_space<hbm>>
          %dma_start3A_176 = arith.constant 0 : i32
          %dma_start3A_177 = tpu.memref_slice %arg4[%add3A_155, %dma_start3A_176] : memref<327680x128xf32, #tpu.memory_space<hbm>> -> memref<128x128xf32, #tpu.memory_space<hbm>>
          %dma_start3A_178 = arith.constant 0 : i32
          %dma_start3A_179 = arith.constant 0 : i32
          %dma_start3A_180 = tpu.memref_slice %arg6[%rem3A_152, %dma_start3A_178, %dma_start3A_179] : memref<3x128x128xf32, #tpu.memory_space<vmem>> -> memref<1x128x128xf32, #tpu.memory_space<vmem>>
          %dma_start3A_181 = tpu.memref_squeeze %dma_start3A_180 : memref<1x128x128xf32, #tpu.memory_space<vmem>> -> memref<128x128xf32, #tpu.memory_space<vmem>>
          tpu.enqueue_dma source(%dma_start3A_181 : memref<128x128xf32, #tpu.memory_space<vmem>>) target(%dma_start3A_177 : memref<128x128xf32, #tpu.memory_space<hbm>>) target_semaphore(%arg10 : memref<!tpu.dma_semaphore, #tpu.memory_space<semaphore_mem>>)
        } else {
        }
        %rem3A_163 = arith.constant 2 : i32
        %rem3A_164 = arith.remsi %sub3A_150, %rem3A_163 : i32
        %eq3A_165 = arith.constant 1 : i32
        %eq3A_166 = arith.cmpi eq, %rem3A_164, %eq3A_165 : i32
        %convert_element_type3A_167 = arith.extui %eq3A_166 : i1 to i32
        %cond3A_168 = arith.constant 0 : i32
        %cond3A_169 = arith.cmpi ne, %convert_element_type3A_167, %cond3A_168 : i32
        scf.if %cond3A_169 {
          %dma_start3A_170 = arith.constant 0 : i32
          %dma_start3A_171 = arith.constant 0 : i32
          %dma_start3A_172 = tpu.memref_slice %arg6[%rem3A_152, %dma_start3A_170, %dma_start3A_171] : memref<3x128x128xf32, #tpu.memory_space<vmem>> -> memref<1x128x128xf32, #tpu.memory_space<vmem>>
          %dma_start3A_173 = tpu.memref_squeeze %dma_start3A_172 : memref<1x128x128xf32, #tpu.memory_space<vmem>> -> memref<128x128xf32, #tpu.memory_space<vmem>>
          %dma_start3A_174 = arith.constant 0 : i32
          %dma_start3A_175 = tpu.memref_slice %arg4[%add3A_155, %dma_start3A_174] : memref<327680x128xf32, #tpu.memory_space<hbm>> -> memref<128x128xf32, #tpu.memory_space<hbm>>
          %dma_start3A_176 = arith.constant 0 : i32
          %dma_start3A_177 = tpu.memref_slice %arg4[%add3A_155, %dma_start3A_176] : memref<327680x128xf32, #tpu.memory_space<hbm>> -> memref<128x128xf32, #tpu.memory_space<hbm>>
          %dma_start3A_178 = arith.constant 0 : i32
          %dma_start3A_179 = arith.constant 0 : i32
          %dma_start3A_180 = tpu.memref_slice %arg6[%rem3A_152, %dma_start3A_178, %dma_start3A_179] : memref<3x128x128xf32, #tpu.memory_space<vmem>> -> memref<1x128x128xf32, #tpu.memory_space<vmem>>
          %dma_start3A_181 = tpu.memref_squeeze %dma_start3A_180 : memref<1x128x128xf32, #tpu.memory_space<vmem>> -> memref<128x128xf32, #tpu.memory_space<vmem>>
          tpu.enqueue_dma source(%dma_start3A_181 : memref<128x128xf32, #tpu.memory_space<vmem>>) target(%dma_start3A_177 : memref<128x128xf32, #tpu.memory_space<hbm>>) target_semaphore(%arg11 : memref<!tpu.dma_semaphore, #tpu.memory_space<semaphore_mem>>)
        } else {
        }
      } else {
      }
    }
    %scan3A_21 = arith.constant 80 : i32
    %rem3A_22 = arith.constant 79 : i32
    %rem3A_23 = arith.constant 2 : i32
    %rem3A_24 = arith.remsi %rem3A_22, %rem3A_23 : i32
    %eq3A = arith.constant 0 : i32
    %eq3A_25 = arith.cmpi eq, %rem3A_24, %eq3A : i32
    %convert_element_type3A = arith.extui %eq3A_25 : i1 to i32
    %cond3A = arith.constant 0 : i32
    %cond3A_26 = arith.cmpi ne, %convert_element_type3A, %cond3A : i32
    scf.if %cond3A_26 {
      %dma_wait3A = arith.constant 0 : i32
      %dma_wait3A_88 = arith.constant 1 : i32
      %dma_wait3A_89 = arith.constant 0 : i32
      %dma_wait3A_90 = arith.constant 0 : i32
      %dma_wait3A_91 = arith.constant 0 : i32
      %dma_wait3A_92 = tpu.memref_slice %arg6[%dma_wait3A_89, %dma_wait3A_90, %dma_wait3A_91] : memref<3x128x128xf32, #tpu.memory_space<vmem>> -> memref<1x128x128xf32, #tpu.memory_space<vmem>>
      %dma_wait3A_93 = tpu.memref_squeeze %dma_wait3A_92 : memref<1x128x128xf32, #tpu.memory_space<vmem>> -> memref<128x128xf32, #tpu.memory_space<vmem>>
      %dma_wait3A_94 = arith.constant 0 : i32
      %dma_wait3A_95 = tpu.memref_slice %arg5[%dma_wait3A, %dma_wait3A_88, %dma_wait3A_94] : memref<80x2x128xi32, #tpu.memory_space<vmem>> -> memref<1x1x128xi32, #tpu.memory_space<vmem>>
      %dma_wait3A_96 = tpu.memref_squeeze %dma_wait3A_95 : memref<1x1x128xi32, #tpu.memory_space<vmem>> -> memref<128xi32, #tpu.memory_space<vmem>>
      %dma_wait3A_97 = arith.constant 0 : i32
      %dma_wait3A_98 = arith.constant 0 : i32
      %dma_wait3A_99 = tpu.memref_slice %arg2[%dma_wait3A_97, %dma_wait3A_98] : memref<20480x128xf32, #tpu.memory_space<hbm>> -> memref<20480x128xf32, #tpu.memory_space<hbm>>
      tpu.wait_indirect_dma semaphore(%arg8 : memref<!tpu.dma_semaphore, #tpu.memory_space<semaphore_mem>>) src(%dma_wait3A_99 : memref<20480x128xf32, #tpu.memory_space<hbm>>) dst(%dma_wait3A_93 : memref<128x128xf32, #tpu.memory_space<vmem>>)
    } else {
    }
    %rem3A_27 = arith.constant 79 : i32
    %rem3A_28 = arith.constant 2 : i32
    %rem3A_29 = arith.remsi %rem3A_27, %rem3A_28 : i32
    %eq3A_30 = arith.constant 1 : i32
    %eq3A_31 = arith.cmpi eq, %rem3A_29, %eq3A_30 : i32
    %convert_element_type3A_32 = arith.extui %eq3A_31 : i1 to i32
    %cond3A_33 = arith.constant 0 : i32
    %cond3A_34 = arith.cmpi ne, %convert_element_type3A_32, %cond3A_33 : i32
    scf.if %cond3A_34 {
      %dma_wait3A = arith.constant 0 : i32
      %dma_wait3A_88 = arith.constant 1 : i32
      %dma_wait3A_89 = arith.constant 0 : i32
      %dma_wait3A_90 = arith.constant 0 : i32
      %dma_wait3A_91 = arith.constant 0 : i32
      %dma_wait3A_92 = tpu.memref_slice %arg6[%dma_wait3A_89, %dma_wait3A_90, %dma_wait3A_91] : memref<3x128x128xf32, #tpu.memory_space<vmem>> -> memref<1x128x128xf32, #tpu.memory_space<vmem>>
      %dma_wait3A_93 = tpu.memref_squeeze %dma_wait3A_92 : memref<1x128x128xf32, #tpu.memory_space<vmem>> -> memref<128x128xf32, #tpu.memory_space<vmem>>
      %dma_wait3A_94 = arith.constant 0 : i32
      %dma_wait3A_95 = tpu.memref_slice %arg5[%dma_wait3A, %dma_wait3A_88, %dma_wait3A_94] : memref<80x2x128xi32, #tpu.memory_space<vmem>> -> memref<1x1x128xi32, #tpu.memory_space<vmem>>
      %dma_wait3A_96 = tpu.memref_squeeze %dma_wait3A_95 : memref<1x1x128xi32, #tpu.memory_space<vmem>> -> memref<128xi32, #tpu.memory_space<vmem>>
      %dma_wait3A_97 = arith.constant 0 : i32
      %dma_wait3A_98 = arith.constant 0 : i32
      %dma_wait3A_99 = tpu.memref_slice %arg2[%dma_wait3A_97, %dma_wait3A_98] : memref<20480x128xf32, #tpu.memory_space<hbm>> -> memref<20480x128xf32, #tpu.memory_space<hbm>>
      tpu.wait_indirect_dma semaphore(%arg9 : memref<!tpu.dma_semaphore, #tpu.memory_space<semaphore_mem>>) src(%dma_wait3A_99 : memref<20480x128xf32, #tpu.memory_space<hbm>>) dst(%dma_wait3A_93 : memref<128x128xf32, #tpu.memory_space<vmem>>)
    } else {
    }
    %rem3A_35 = arith.constant 79 : i32
    %rem3A_36 = arith.constant 3 : i32
    %rem3A_37 = arith.remsi %rem3A_35, %rem3A_36 : i32
    %add3A_38 = arith.constant 10112 : i32
    %add3A_39 = arith.addi %mul3A_2, %add3A_38 : i32
    %rem3A_40 = arith.constant 79 : i32
    %rem3A_41 = arith.constant 2 : i32
    %rem3A_42 = arith.remsi %rem3A_40, %rem3A_41 : i32
    %eq3A_43 = arith.constant 0 : i32
    %eq3A_44 = arith.cmpi eq, %rem3A_42, %eq3A_43 : i32
    %convert_element_type3A_45 = arith.extui %eq3A_44 : i1 to i32
    %cond3A_46 = arith.constant 0 : i32
    %cond3A_47 = arith.cmpi ne, %convert_element_type3A_45, %cond3A_46 : i32
    scf.if %cond3A_47 {
      %dma_start3A_88 = arith.constant 0 : i32
      %dma_start3A_89 = arith.constant 0 : i32
      %dma_start3A_90 = tpu.memref_slice %arg6[%rem3A_37, %dma_start3A_88, %dma_start3A_89] : memref<3x128x128xf32, #tpu.memory_space<vmem>> -> memref<1x128x128xf32, #tpu.memory_space<vmem>>
      %dma_start3A_91 = tpu.memref_squeeze %dma_start3A_90 : memref<1x128x128xf32, #tpu.memory_space<vmem>> -> memref<128x128xf32, #tpu.memory_space<vmem>>
      %dma_start3A_92 = arith.constant 0 : i32
      %dma_start3A_93 = tpu.memref_slice %arg4[%add3A_39, %dma_start3A_92] : memref<327680x128xf32, #tpu.memory_space<hbm>> -> memref<128x128xf32, #tpu.memory_space<hbm>>
      %dma_start3A_94 = arith.constant 0 : i32
      %dma_start3A_95 = tpu.memref_slice %arg4[%add3A_39, %dma_start3A_94] : memref<327680x128xf32, #tpu.memory_space<hbm>> -> memref<128x128xf32, #tpu.memory_space<hbm>>
      %dma_start3A_96 = arith.constant 0 : i32
      %dma_start3A_97 = arith.constant 0 : i32
      %dma_start3A_98 = tpu.memref_slice %arg6[%rem3A_37, %dma_start3A_96, %dma_start3A_97] : memref<3x128x128xf32, #tpu.memory_space<vmem>> -> memref<1x128x128xf32, #tpu.memory_space<vmem>>
      %dma_start3A_99 = tpu.memref_squeeze %dma_start3A_98 : memref<1x128x128xf32, #tpu.memory_space<vmem>> -> memref<128x128xf32, #tpu.memory_space<vmem>>
      tpu.enqueue_dma source(%dma_start3A_99 : memref<128x128xf32, #tpu.memory_space<vmem>>) target(%dma_start3A_95 : memref<128x128xf32, #tpu.memory_space<hbm>>) target_semaphore(%arg10 : memref<!tpu.dma_semaphore, #tpu.memory_space<semaphore_mem>>)
    } else {
    }
    %rem3A_48 = arith.constant 79 : i32
    %rem3A_49 = arith.constant 2 : i32
    %rem3A_50 = arith.remsi %rem3A_48, %rem3A_49 : i32
    %eq3A_51 = arith.constant 1 : i32
    %eq3A_52 = arith.cmpi eq, %rem3A_50, %eq3A_51 : i32
    %convert_element_type3A_53 = arith.extui %eq3A_52 : i1 to i32
    %cond3A_54 = arith.constant 0 : i32
    %cond3A_55 = arith.cmpi ne, %convert_element_type3A_53, %cond3A_54 : i32
    scf.if %cond3A_55 {
      %dma_start3A_88 = arith.constant 0 : i32
      %dma_start3A_89 = arith.constant 0 : i32
      %dma_start3A_90 = tpu.memref_slice %arg6[%rem3A_37, %dma_start3A_88, %dma_start3A_89] : memref<3x128x128xf32, #tpu.memory_space<vmem>> -> memref<1x128x128xf32, #tpu.memory_space<vmem>>
      %dma_start3A_91 = tpu.memref_squeeze %dma_start3A_90 : memref<1x128x128xf32, #tpu.memory_space<vmem>> -> memref<128x128xf32, #tpu.memory_space<vmem>>
      %dma_start3A_92 = arith.constant 0 : i32
      %dma_start3A_93 = tpu.memref_slice %arg4[%add3A_39, %dma_start3A_92] : memref<327680x128xf32, #tpu.memory_space<hbm>> -> memref<128x128xf32, #tpu.memory_space<hbm>>
      %dma_start3A_94 = arith.constant 0 : i32
      %dma_start3A_95 = tpu.memref_slice %arg4[%add3A_39, %dma_start3A_94] : memref<327680x128xf32, #tpu.memory_space<hbm>> -> memref<128x128xf32, #tpu.memory_space<hbm>>
      %dma_start3A_96 = arith.constant 0 : i32
      %dma_start3A_97 = arith.constant 0 : i32
      %dma_start3A_98 = tpu.memref_slice %arg6[%rem3A_37, %dma_start3A_96, %dma_start3A_97] : memref<3x128x128xf32, #tpu.memory_space<vmem>> -> memref<1x128x128xf32, #tpu.memory_space<vmem>>
      %dma_start3A_99 = tpu.memref_squeeze %dma_start3A_98 : memref<1x128x128xf32, #tpu.memory_space<vmem>> -> memref<128x128xf32, #tpu.memory_space<vmem>>
      tpu.enqueue_dma source(%dma_start3A_99 : memref<128x128xf32, #tpu.memory_space<vmem>>) target(%dma_start3A_95 : memref<128x128xf32, #tpu.memory_space<hbm>>) target_semaphore(%arg11 : memref<!tpu.dma_semaphore, #tpu.memory_space<semaphore_mem>>)
    } else {
    }
    %rem3A_56 = arith.constant 78 : i32
    %rem3A_57 = arith.constant 2 : i32
    %rem3A_58 = arith.remsi %rem3A_56, %rem3A_57 : i32
    %eq3A_59 = arith.constant 0 : i32
    %eq3A_60 = arith.cmpi eq, %rem3A_58, %eq3A_59 : i32
    %convert_element_type3A_61 = arith.extui %eq3A_60 : i1 to i32
    %cond3A_62 = arith.constant 0 : i32
    %cond3A_63 = arith.cmpi ne, %convert_element_type3A_61, %cond3A_62 : i32
    scf.if %cond3A_63 {
      %dma_wait3A = arith.constant 0 : i32
      %dma_wait3A_88 = arith.constant 0 : i32
      %dma_wait3A_89 = arith.constant 0 : i32
      %dma_wait3A_90 = tpu.memref_slice %arg6[%dma_wait3A, %dma_wait3A_88, %dma_wait3A_89] : memref<3x128x128xf32, #tpu.memory_space<vmem>> -> memref<1x128x128xf32, #tpu.memory_space<vmem>>
      %dma_wait3A_91 = tpu.memref_squeeze %dma_wait3A_90 : memref<1x128x128xf32, #tpu.memory_space<vmem>> -> memref<128x128xf32, #tpu.memory_space<vmem>>
      %dma_wait3A_92 = arith.constant 0 : i32
      %dma_wait3A_93 = tpu.memref_slice %arg4[%mul3A_2, %dma_wait3A_92] : memref<327680x128xf32, #tpu.memory_space<hbm>> -> memref<128x128xf32, #tpu.memory_space<hbm>>
      %dma_wait3A_94 = arith.constant 0 : i32
      %dma_wait3A_95 = tpu.memref_slice %arg4[%mul3A_2, %dma_wait3A_94] : memref<327680x128xf32, #tpu.memory_space<hbm>> -> memref<128x128xf32, #tpu.memory_space<hbm>>
      %dma_wait3A_96 = arith.constant 0 : i32
      %dma_wait3A_97 = arith.constant 0 : i32
      %dma_wait3A_98 = tpu.memref_slice %arg6[%dma_wait3A, %dma_wait3A_96, %dma_wait3A_97] : memref<3x128x128xf32, #tpu.memory_space<vmem>> -> memref<1x128x128xf32, #tpu.memory_space<vmem>>
      %dma_wait3A_99 = tpu.memref_squeeze %dma_wait3A_98 : memref<1x128x128xf32, #tpu.memory_space<vmem>> -> memref<128x128xf32, #tpu.memory_space<vmem>>
      tpu.wait_dma2 semaphore(%arg10 : memref<!tpu.dma_semaphore, #tpu.memory_space<semaphore_mem>>) src(%dma_wait3A_99 : memref<128x128xf32, #tpu.memory_space<vmem>>) dst(%dma_wait3A_95 : memref<128x128xf32, #tpu.memory_space<hbm>>)
    } else {
    }
    %rem3A_64 = arith.constant 78 : i32
    %rem3A_65 = arith.constant 2 : i32
    %rem3A_66 = arith.remsi %rem3A_64, %rem3A_65 : i32
    %eq3A_67 = arith.constant 1 : i32
    %eq3A_68 = arith.cmpi eq, %rem3A_66, %eq3A_67 : i32
    %convert_element_type3A_69 = arith.extui %eq3A_68 : i1 to i32
    %cond3A_70 = arith.constant 0 : i32
    %cond3A_71 = arith.cmpi ne, %convert_element_type3A_69, %cond3A_70 : i32
    scf.if %cond3A_71 {
      %dma_wait3A = arith.constant 0 : i32
      %dma_wait3A_88 = arith.constant 0 : i32
      %dma_wait3A_89 = arith.constant 0 : i32
      %dma_wait3A_90 = tpu.memref_slice %arg6[%dma_wait3A, %dma_wait3A_88, %dma_wait3A_89] : memref<3x128x128xf32, #tpu.memory_space<vmem>> -> memref<1x128x128xf32, #tpu.memory_space<vmem>>
      %dma_wait3A_91 = tpu.memref_squeeze %dma_wait3A_90 : memref<1x128x128xf32, #tpu.memory_space<vmem>> -> memref<128x128xf32, #tpu.memory_space<vmem>>
      %dma_wait3A_92 = arith.constant 0 : i32
      %dma_wait3A_93 = tpu.memref_slice %arg4[%mul3A_2, %dma_wait3A_92] : memref<327680x128xf32, #tpu.memory_space<hbm>> -> memref<128x128xf32, #tpu.memory_space<hbm>>
      %dma_wait3A_94 = arith.constant 0 : i32
      %dma_wait3A_95 = tpu.memref_slice %arg4[%mul3A_2, %dma_wait3A_94] : memref<327680x128xf32, #tpu.memory_space<hbm>> -> memref<128x128xf32, #tpu.memory_space<hbm>>
      %dma_wait3A_96 = arith.constant 0 : i32
      %dma_wait3A_97 = arith.constant 0 : i32
      %dma_wait3A_98 = tpu.memref_slice %arg6[%dma_wait3A, %dma_wait3A_96, %dma_wait3A_97] : memref<3x128x128xf32, #tpu.memory_space<vmem>> -> memref<1x128x128xf32, #tpu.memory_space<vmem>>
      %dma_wait3A_99 = tpu.memref_squeeze %dma_wait3A_98 : memref<1x128x128xf32, #tpu.memory_space<vmem>> -> memref<128x128xf32, #tpu.memory_space<vmem>>
      tpu.wait_dma2 semaphore(%arg11 : memref<!tpu.dma_semaphore, #tpu.memory_space<semaphore_mem>>) src(%dma_wait3A_99 : memref<128x128xf32, #tpu.memory_space<vmem>>) dst(%dma_wait3A_95 : memref<128x128xf32, #tpu.memory_space<hbm>>)
    } else {
    }
    %rem3A_72 = arith.constant 79 : i32
    %rem3A_73 = arith.constant 2 : i32
    %rem3A_74 = arith.remsi %rem3A_72, %rem3A_73 : i32
    %eq3A_75 = arith.constant 0 : i32
    %eq3A_76 = arith.cmpi eq, %rem3A_74, %eq3A_75 : i32
    %convert_element_type3A_77 = arith.extui %eq3A_76 : i1 to i32
    %cond3A_78 = arith.constant 0 : i32
    %cond3A_79 = arith.cmpi ne, %convert_element_type3A_77, %cond3A_78 : i32
    scf.if %cond3A_79 {
      %dma_wait3A = arith.constant 0 : i32
      %dma_wait3A_88 = arith.constant 0 : i32
      %dma_wait3A_89 = arith.constant 0 : i32
      %dma_wait3A_90 = tpu.memref_slice %arg6[%dma_wait3A, %dma_wait3A_88, %dma_wait3A_89] : memref<3x128x128xf32, #tpu.memory_space<vmem>> -> memref<1x128x128xf32, #tpu.memory_space<vmem>>
      %dma_wait3A_91 = tpu.memref_squeeze %dma_wait3A_90 : memref<1x128x128xf32, #tpu.memory_space<vmem>> -> memref<128x128xf32, #tpu.memory_space<vmem>>
      %dma_wait3A_92 = arith.constant 0 : i32
      %dma_wait3A_93 = tpu.memref_slice %arg4[%mul3A_2, %dma_wait3A_92] : memref<327680x128xf32, #tpu.memory_space<hbm>> -> memref<128x128xf32, #tpu.memory_space<hbm>>
      %dma_wait3A_94 = arith.constant 0 : i32
      %dma_wait3A_95 = tpu.memref_slice %arg4[%mul3A_2, %dma_wait3A_94] : memref<327680x128xf32, #tpu.memory_space<hbm>> -> memref<128x128xf32, #tpu.memory_space<hbm>>
      %dma_wait3A_96 = arith.constant 0 : i32
      %dma_wait3A_97 = arith.constant 0 : i32
      %dma_wait3A_98 = tpu.memref_slice %arg6[%dma_wait3A, %dma_wait3A_96, %dma_wait3A_97] : memref<3x128x128xf32, #tpu.memory_space<vmem>> -> memref<1x128x128xf32, #tpu.memory_space<vmem>>
      %dma_wait3A_99 = tpu.memref_squeeze %dma_wait3A_98 : memref<1x128x128xf32, #tpu.memory_space<vmem>> -> memref<128x128xf32, #tpu.memory_space<vmem>>
      tpu.wait_dma2 semaphore(%arg10 : memref<!tpu.dma_semaphore, #tpu.memory_space<semaphore_mem>>) src(%dma_wait3A_99 : memref<128x128xf32, #tpu.memory_space<vmem>>) dst(%dma_wait3A_95 : memref<128x128xf32, #tpu.memory_space<hbm>>)
    } else {
    }
    %rem3A_80 = arith.constant 79 : i32
    %rem3A_81 = arith.constant 2 : i32
    %rem3A_82 = arith.remsi %rem3A_80, %rem3A_81 : i32
    %eq3A_83 = arith.constant 1 : i32
    %eq3A_84 = arith.cmpi eq, %rem3A_82, %eq3A_83 : i32
    %convert_element_type3A_85 = arith.extui %eq3A_84 : i1 to i32
    %cond3A_86 = arith.constant 0 : i32
    %cond3A_87 = arith.cmpi ne, %convert_element_type3A_85, %cond3A_86 : i32
    scf.if %cond3A_87 {
      %dma_wait3A = arith.constant 0 : i32
      %dma_wait3A_88 = arith.constant 0 : i32
      %dma_wait3A_89 = arith.constant 0 : i32
      %dma_wait3A_90 = tpu.memref_slice %arg6[%dma_wait3A, %dma_wait3A_88, %dma_wait3A_89] : memref<3x128x128xf32, #tpu.memory_space<vmem>> -> memref<1x128x128xf32, #tpu.memory_space<vmem>>
      %dma_wait3A_91 = tpu.memref_squeeze %dma_wait3A_90 : memref<1x128x128xf32, #tpu.memory_space<vmem>> -> memref<128x128xf32, #tpu.memory_space<vmem>>
      %dma_wait3A_92 = arith.constant 0 : i32
      %dma_wait3A_93 = tpu.memref_slice %arg4[%mul3A_2, %dma_wait3A_92] : memref<327680x128xf32, #tpu.memory_space<hbm>> -> memref<128x128xf32, #tpu.memory_space<hbm>>
      %dma_wait3A_94 = arith.constant 0 : i32
      %dma_wait3A_95 = tpu.memref_slice %arg4[%mul3A_2, %dma_wait3A_94] : memref<327680x128xf32, #tpu.memory_space<hbm>> -> memref<128x128xf32, #tpu.memory_space<hbm>>
      %dma_wait3A_96 = arith.constant 0 : i32
      %dma_wait3A_97 = arith.constant 0 : i32
      %dma_wait3A_98 = tpu.memref_slice %arg6[%dma_wait3A, %dma_wait3A_96, %dma_wait3A_97] : memref<3x128x128xf32, #tpu.memory_space<vmem>> -> memref<1x128x128xf32, #tpu.memory_space<vmem>>
      %dma_wait3A_99 = tpu.memref_squeeze %dma_wait3A_98 : memref<1x128x128xf32, #tpu.memory_space<vmem>> -> memref<128x128xf32, #tpu.memory_space<vmem>>
      tpu.wait_dma2 semaphore(%arg11 : memref<!tpu.dma_semaphore, #tpu.memory_space<semaphore_mem>>) src(%dma_wait3A_99 : memref<128x128xf32, #tpu.memory_space<vmem>>) dst(%dma_wait3A_95 : memref<128x128xf32, #tpu.memory_space<hbm>>)
    } else {
    }
    return
  }
}

#map = affine_map<(d0, d1) -> (0, 0)>
#map1 = affine_map<(d0, d1) -> (0, 0, 0)>
module attributes {stable_mosaic.version = 14 : i64} {
  func.func @_scatter_body(%arg0: i32, %arg1: i32, %arg2: memref<327680x128xf32, #tpu.memory_space<hbm>>, %arg3: memref<2560x128xi32, #tpu.memory_space<hbm>>, %arg4: memref<640x128xf32, #tpu.memory_space<hbm>>, %arg5: memref<2x10240x128xf32, #tpu.memory_space<hbm>>, %arg6: memref<80x128xi32, #tpu.memory_space<vmem>>, %arg7: memref<2x128x128xf32, #tpu.memory_space<vmem>>, %arg8: memref<10240x128xf32, #tpu.memory_space<vmem_shared>>, %arg9: memref<!tpu.dma_semaphore, #tpu.memory_space<semaphore_mem>>, %arg10: memref<!tpu.dma_semaphore, #tpu.memory_space<semaphore_mem>>) attributes {dimension_semantics = [#tpu.dimension_semantics<core_parallel>, #tpu.dimension_semantics<subcore_parallel>], iteration_bounds = array<i64: 2, 16>, scalar_prefetch = 0 : i64, scratch_operands = 5 : i64, tpu.core_type = #tpu.core_type<sc_vector_subcore>, window_params = [{transform_indices = #map}, {transform_indices = #map}, {transform_indices = #map}, {transform_indices = #map1}]} {
    %mul3A = arith.constant 2 : i32
    %mul3A_0 = arith.muli %arg1, %mul3A : i32
    %add3A = arith.addi %mul3A_0, %arg0 : i32
    %mul3A_1 = arith.constant 10240 : i32
    %mul3A_2 = arith.muli %add3A, %mul3A_1 : i32
    %mul3A_3 = arith.constant 80 : i32
    %mul3A_4 = arith.muli %add3A, %mul3A_3 : i32
    "tpu.region"() ({
      %run_scoped3A = tpu.sem_alloc : memref<!tpu.dma_semaphore, #tpu.memory_space<semaphore_mem>>
      %dma_start3A_41 = arith.constant 0 : i32
      %dma_start3A_42 = tpu.memref_slice %arg3[%mul3A_4, %dma_start3A_41] : memref<2560x128xi32, #tpu.memory_space<hbm>> -> memref<80x128xi32, #tpu.memory_space<hbm>>
      %dma_start3A_43 = arith.constant 0 : i32
      %dma_start3A_44 = tpu.memref_slice %arg3[%mul3A_4, %dma_start3A_43] : memref<2560x128xi32, #tpu.memory_space<hbm>> -> memref<80x128xi32, #tpu.memory_space<hbm>>
      tpu.enqueue_dma source(%dma_start3A_44 : memref<80x128xi32, #tpu.memory_space<hbm>>) target(%arg6 : memref<80x128xi32, #tpu.memory_space<vmem>>) target_semaphore(%run_scoped3A : memref<!tpu.dma_semaphore, #tpu.memory_space<semaphore_mem>>)
      %dma_wait3A_45 = arith.constant 0 : i32
      %dma_wait3A_46 = tpu.memref_slice %arg3[%mul3A_4, %dma_wait3A_45] : memref<2560x128xi32, #tpu.memory_space<hbm>> -> memref<80x128xi32, #tpu.memory_space<hbm>>
      %dma_wait3A_47 = arith.constant 0 : i32
      %dma_wait3A_48 = tpu.memref_slice %arg3[%mul3A_4, %dma_wait3A_47] : memref<2560x128xi32, #tpu.memory_space<hbm>> -> memref<80x128xi32, #tpu.memory_space<hbm>>
      tpu.wait_dma2 semaphore(%run_scoped3A : memref<!tpu.dma_semaphore, #tpu.memory_space<semaphore_mem>>) src(%dma_wait3A_48 : memref<80x128xi32, #tpu.memory_space<hbm>>) dst(%arg6 : memref<80x128xi32, #tpu.memory_space<vmem>>)
      tpu.yield
    }) : () -> ()
    %mul3A_5 = arith.constant 640 : i32
    %mul3A_6 = arith.muli %arg1, %mul3A_5 : i32
    "tpu.region"() ({
      %run_scoped3A = tpu.sem_alloc : memref<!tpu.dma_semaphore, #tpu.memory_space<semaphore_mem>>
      %dma_start3A_41 = arith.constant 0 : i32
      %dma_start3A_42 = tpu.memref_slice %arg8[%mul3A_6, %dma_start3A_41] : memref<10240x128xf32, #tpu.memory_space<vmem_shared>> -> memref<640x128xf32, #tpu.memory_space<vmem_shared>>
      tpu.enqueue_dma source(%arg4 : memref<640x128xf32, #tpu.memory_space<hbm>>) target(%dma_start3A_42 : memref<640x128xf32, #tpu.memory_space<vmem_shared>>) target_semaphore(%run_scoped3A : memref<!tpu.dma_semaphore, #tpu.memory_space<semaphore_mem>>)
      %dma_wait3A_43 = arith.constant 0 : i32
      %dma_wait3A_44 = tpu.memref_slice %arg8[%mul3A_6, %dma_wait3A_43] : memref<10240x128xf32, #tpu.memory_space<vmem_shared>> -> memref<640x128xf32, #tpu.memory_space<vmem_shared>>
      tpu.wait_dma2 semaphore(%run_scoped3A : memref<!tpu.dma_semaphore, #tpu.memory_space<semaphore_mem>>) src(%arg4 : memref<640x128xf32, #tpu.memory_space<hbm>>) dst(%dma_wait3A_44 : memref<640x128xf32, #tpu.memory_space<vmem_shared>>)
      tpu.yield
    }) : () -> ()
    %barrier3A = arith.constant 0 : index
    tpu.barrier barrier_id(%barrier3A)
    %add3A_7 = arith.constant 0 : i32
    %add3A_8 = arith.addi %mul3A_2, %add3A_7 : i32
    %dma_start3A = arith.constant 0 : i32
    %dma_start3A_9 = arith.constant 0 : i32
    %dma_start3A_10 = arith.constant 0 : i32
    %dma_start3A_11 = tpu.memref_slice %arg7[%dma_start3A, %dma_start3A_9, %dma_start3A_10] : memref<2x128x128xf32, #tpu.memory_space<vmem>> -> memref<1x128x128xf32, #tpu.memory_space<vmem>>
    %dma_start3A_12 = tpu.memref_squeeze %dma_start3A_11 : memref<1x128x128xf32, #tpu.memory_space<vmem>> -> memref<128x128xf32, #tpu.memory_space<vmem>>
    %dma_start3A_13 = arith.constant 0 : i32
    %dma_start3A_14 = tpu.memref_slice %arg2[%add3A_8, %dma_start3A_13] : memref<327680x128xf32, #tpu.memory_space<hbm>> -> memref<128x128xf32, #tpu.memory_space<hbm>>
    %dma_start3A_15 = arith.constant 0 : i32
    %dma_start3A_16 = arith.constant 0 : i32
    %dma_start3A_17 = tpu.memref_slice %arg7[%dma_start3A, %dma_start3A_15, %dma_start3A_16] : memref<2x128x128xf32, #tpu.memory_space<vmem>> -> memref<1x128x128xf32, #tpu.memory_space<vmem>>
    %dma_start3A_18 = tpu.memref_squeeze %dma_start3A_17 : memref<1x128x128xf32, #tpu.memory_space<vmem>> -> memref<128x128xf32, #tpu.memory_space<vmem>>
    %dma_start3A_19 = arith.constant 0 : i32
    %dma_start3A_20 = tpu.memref_slice %arg2[%add3A_8, %dma_start3A_19] : memref<327680x128xf32, #tpu.memory_space<hbm>> -> memref<128x128xf32, #tpu.memory_space<hbm>>
    tpu.enqueue_dma source(%dma_start3A_20 : memref<128x128xf32, #tpu.memory_space<hbm>>) target(%dma_start3A_18 : memref<128x128xf32, #tpu.memory_space<vmem>>) target_semaphore(%arg9 : memref<!tpu.dma_semaphore, #tpu.memory_space<semaphore_mem>>)
    %scan3A = arith.constant 0 : i32
    %scan3A_21 = arith.constant 80 : i32
    %scan3A_22 = arith.addi %scan3A, %scan3A_21 : i32
    %scan3A_23 = arith.constant 1 : i32
    scf.for %scan3A_41 = %scan3A to %scan3A_22 step %scan3A_23  : i32 {
      %mul3A_42 = arith.constant 1 : i32
      %mul3A_43 = arith.muli %scan3A_41, %mul3A_42 : i32
      %add3A_44 = arith.constant 0 : i32
      %add3A_45 = arith.addi %add3A_44, %mul3A_43 : i32
      %rem3A = arith.constant 2 : i32
      %rem3A_46 = arith.remsi %add3A_45, %rem3A : i32
      %dma_wait3A_47 = arith.constant 0 : i32
      %dma_wait3A_48 = arith.constant 0 : i32
      %dma_wait3A_49 = arith.constant 0 : i32
      %dma_wait3A_50 = tpu.memref_slice %arg7[%dma_wait3A_47, %dma_wait3A_48, %dma_wait3A_49] : memref<2x128x128xf32, #tpu.memory_space<vmem>> -> memref<1x128x128xf32, #tpu.memory_space<vmem>>
      %dma_wait3A_51 = tpu.memref_squeeze %dma_wait3A_50 : memref<1x128x128xf32, #tpu.memory_space<vmem>> -> memref<128x128xf32, #tpu.memory_space<vmem>>
      %dma_wait3A_52 = arith.constant 0 : i32
      %dma_wait3A_53 = tpu.memref_slice %arg2[%mul3A_2, %dma_wait3A_52] : memref<327680x128xf32, #tpu.memory_space<hbm>> -> memref<128x128xf32, #tpu.memory_space<hbm>>
      %dma_wait3A_54 = arith.constant 0 : i32
      %dma_wait3A_55 = arith.constant 0 : i32
      %dma_wait3A_56 = tpu.memref_slice %arg7[%dma_wait3A_47, %dma_wait3A_54, %dma_wait3A_55] : memref<2x128x128xf32, #tpu.memory_space<vmem>> -> memref<1x128x128xf32, #tpu.memory_space<vmem>>
      %dma_wait3A_57 = tpu.memref_squeeze %dma_wait3A_56 : memref<1x128x128xf32, #tpu.memory_space<vmem>> -> memref<128x128xf32, #tpu.memory_space<vmem>>
      %dma_wait3A_58 = arith.constant 0 : i32
      %dma_wait3A_59 = tpu.memref_slice %arg2[%mul3A_2, %dma_wait3A_58] : memref<327680x128xf32, #tpu.memory_space<hbm>> -> memref<128x128xf32, #tpu.memory_space<hbm>>
      tpu.wait_dma2 semaphore(%arg9 : memref<!tpu.dma_semaphore, #tpu.memory_space<semaphore_mem>>) src(%dma_wait3A_59 : memref<128x128xf32, #tpu.memory_space<hbm>>) dst(%dma_wait3A_57 : memref<128x128xf32, #tpu.memory_space<vmem>>)
      %ge3A = arith.constant 1 : i32
      %ge3A_60 = arith.cmpi sge, %add3A_45, %ge3A : i32
      %convert_element_type3A = arith.extui %ge3A_60 : i1 to i32
      %cond3A = arith.constant 0 : i32
      %cond3A_61 = arith.cmpi ne, %convert_element_type3A, %cond3A : i32
      scf.if %cond3A_61 {
        %dma_wait3A_76 = arith.constant 0 : i32
        %dma_wait3A_77 = arith.constant 0 : i32
        %dma_wait3A_78 = arith.constant 0 : i32
        %dma_wait3A_79 = arith.constant 0 : i32
        %dma_wait3A_80 = tpu.memref_slice %arg7[%dma_wait3A_76, %dma_wait3A_78, %dma_wait3A_79] : memref<2x128x128xf32, #tpu.memory_space<vmem>> -> memref<1x128x128xf32, #tpu.memory_space<vmem>>
        %dma_wait3A_81 = tpu.memref_squeeze %dma_wait3A_80 : memref<1x128x128xf32, #tpu.memory_space<vmem>> -> memref<128x128xf32, #tpu.memory_space<vmem>>
        %dma_wait3A_82 = arith.constant 0 : i32
        %dma_wait3A_83 = tpu.memref_slice %arg6[%dma_wait3A_77, %dma_wait3A_82] : memref<80x128xi32, #tpu.memory_space<vmem>> -> memref<1x128xi32, #tpu.memory_space<vmem>>
        %dma_wait3A_84 = tpu.memref_squeeze %dma_wait3A_83 : memref<1x128xi32, #tpu.memory_space<vmem>> -> memref<128xi32, #tpu.memory_space<vmem>>
        %dma_wait3A_85 = arith.constant 0 : i32
        %dma_wait3A_86 = arith.constant 0 : i32
        %dma_wait3A_87 = tpu.memref_slice %arg8[%dma_wait3A_85, %dma_wait3A_86] : memref<10240x128xf32, #tpu.memory_space<vmem_shared>> -> memref<10240x128xf32, #tpu.memory_space<vmem_shared>>
        tpu.wait_indirect_dma semaphore(%arg10 : memref<!tpu.dma_semaphore, #tpu.memory_space<semaphore_mem>>) src(%dma_wait3A_81 : memref<128x128xf32, #tpu.memory_space<vmem>>) dst(%dma_wait3A_87 : memref<10240x128xf32, #tpu.memory_space<vmem_shared>>)
      } else {
      }
      %dma_start3A_62 = arith.constant 0 : i32
      %dma_start3A_63 = arith.constant 0 : i32
      %dma_start3A_64 = tpu.memref_slice %arg7[%rem3A_46, %dma_start3A_62, %dma_start3A_63] : memref<2x128x128xf32, #tpu.memory_space<vmem>> -> memref<1x128x128xf32, #tpu.memory_space<vmem>>
      %dma_start3A_65 = tpu.memref_squeeze %dma_start3A_64 : memref<1x128x128xf32, #tpu.memory_space<vmem>> -> memref<128x128xf32, #tpu.memory_space<vmem>>
      %dma_start3A_66 = arith.constant 0 : i32
      %dma_start3A_67 = tpu.memref_slice %arg6[%add3A_45, %dma_start3A_66] : memref<80x128xi32, #tpu.memory_space<vmem>> -> memref<1x128xi32, #tpu.memory_space<vmem>>
      %dma_start3A_68 = tpu.memref_squeeze %dma_start3A_67 : memref<1x128xi32, #tpu.memory_space<vmem>> -> memref<128xi32, #tpu.memory_space<vmem>>
      %dma_start3A_69 = arith.constant 0 : i32
      %dma_start3A_70 = arith.constant 0 : i32
      %dma_start3A_71 = tpu.memref_slice %arg8[%dma_start3A_69, %dma_start3A_70] : memref<10240x128xf32, #tpu.memory_space<vmem_shared>> -> memref<10240x128xf32, #tpu.memory_space<vmem_shared>>
      tpu.enqueue_indirect_dma source(%dma_start3A_65 : memref<128x128xf32, #tpu.memory_space<vmem>>) target(%dma_start3A_71 : memref<10240x128xf32, #tpu.memory_space<vmem_shared>>) offsets(%dma_start3A_68 : memref<128xi32, #tpu.memory_space<vmem>>) semaphore(%arg10 : memref<!tpu.dma_semaphore, #tpu.memory_space<semaphore_mem>>) {add = true}
      %le3A = arith.constant 78 : i32
      %le3A_72 = arith.cmpi sle, %add3A_45, %le3A : i32
      %convert_element_type3A_73 = arith.extui %le3A_72 : i1 to i32
      %cond3A_74 = arith.constant 0 : i32
      %cond3A_75 = arith.cmpi ne, %convert_element_type3A_73, %cond3A_74 : i32
      scf.if %cond3A_75 {
        %add3A_76 = arith.constant 1 : i32
        %add3A_77 = arith.addi %add3A_45, %add3A_76 : i32
        %sub3A = arith.constant 1 : i32
        %sub3A_78 = arith.subi %sub3A, %rem3A_46 : i32
        %mul3A_79 = arith.constant 128 : i32
        %mul3A_80 = arith.muli %add3A_77, %mul3A_79 : i32
        %add3A_81 = arith.addi %mul3A_2, %mul3A_80 : i32
        %dma_start3A_82 = arith.constant 0 : i32
        %dma_start3A_83 = arith.constant 0 : i32
        %dma_start3A_84 = tpu.memref_slice %arg7[%sub3A_78, %dma_start3A_82, %dma_start3A_83] : memref<2x128x128xf32, #tpu.memory_space<vmem>> -> memref<1x128x128xf32, #tpu.memory_space<vmem>>
        %dma_start3A_85 = tpu.memref_squeeze %dma_start3A_84 : memref<1x128x128xf32, #tpu.memory_space<vmem>> -> memref<128x128xf32, #tpu.memory_space<vmem>>
        %dma_start3A_86 = arith.constant 0 : i32
        %dma_start3A_87 = tpu.memref_slice %arg2[%add3A_81, %dma_start3A_86] : memref<327680x128xf32, #tpu.memory_space<hbm>> -> memref<128x128xf32, #tpu.memory_space<hbm>>
        %dma_start3A_88 = arith.constant 0 : i32
        %dma_start3A_89 = arith.constant 0 : i32
        %dma_start3A_90 = tpu.memref_slice %arg7[%sub3A_78, %dma_start3A_88, %dma_start3A_89] : memref<2x128x128xf32, #tpu.memory_space<vmem>> -> memref<1x128x128xf32, #tpu.memory_space<vmem>>
        %dma_start3A_91 = tpu.memref_squeeze %dma_start3A_90 : memref<1x128x128xf32, #tpu.memory_space<vmem>> -> memref<128x128xf32, #tpu.memory_space<vmem>>
        %dma_start3A_92 = arith.constant 0 : i32
        %dma_start3A_93 = tpu.memref_slice %arg2[%add3A_81, %dma_start3A_92] : memref<327680x128xf32, #tpu.memory_space<hbm>> -> memref<128x128xf32, #tpu.memory_space<hbm>>
        tpu.enqueue_dma source(%dma_start3A_93 : memref<128x128xf32, #tpu.memory_space<hbm>>) target(%dma_start3A_91 : memref<128x128xf32, #tpu.memory_space<vmem>>) target_semaphore(%arg9 : memref<!tpu.dma_semaphore, #tpu.memory_space<semaphore_mem>>)
      } else {
      }
    }
    %scan3A_24 = arith.constant 80 : i32
    %dma_wait3A = arith.constant 0 : i32
    %dma_wait3A_25 = arith.constant 0 : i32
    %dma_wait3A_26 = arith.constant 0 : i32
    %dma_wait3A_27 = arith.constant 0 : i32
    %dma_wait3A_28 = tpu.memref_slice %arg7[%dma_wait3A, %dma_wait3A_26, %dma_wait3A_27] : memref<2x128x128xf32, #tpu.memory_space<vmem>> -> memref<1x128x128xf32, #tpu.memory_space<vmem>>
    %dma_wait3A_29 = tpu.memref_squeeze %dma_wait3A_28 : memref<1x128x128xf32, #tpu.memory_space<vmem>> -> memref<128x128xf32, #tpu.memory_space<vmem>>
    %dma_wait3A_30 = arith.constant 0 : i32
    %dma_wait3A_31 = tpu.memref_slice %arg6[%dma_wait3A_25, %dma_wait3A_30] : memref<80x128xi32, #tpu.memory_space<vmem>> -> memref<1x128xi32, #tpu.memory_space<vmem>>
    %dma_wait3A_32 = tpu.memref_squeeze %dma_wait3A_31 : memref<1x128xi32, #tpu.memory_space<vmem>> -> memref<128xi32, #tpu.memory_space<vmem>>
    %dma_wait3A_33 = arith.constant 0 : i32
    %dma_wait3A_34 = arith.constant 0 : i32
    %dma_wait3A_35 = tpu.memref_slice %arg8[%dma_wait3A_33, %dma_wait3A_34] : memref<10240x128xf32, #tpu.memory_space<vmem_shared>> -> memref<10240x128xf32, #tpu.memory_space<vmem_shared>>
    tpu.wait_indirect_dma semaphore(%arg10 : memref<!tpu.dma_semaphore, #tpu.memory_space<semaphore_mem>>) src(%dma_wait3A_29 : memref<128x128xf32, #tpu.memory_space<vmem>>) dst(%dma_wait3A_35 : memref<10240x128xf32, #tpu.memory_space<vmem_shared>>)
    %barrier3A_36 = arith.constant 0 : index
    tpu.barrier barrier_id(%barrier3A_36)
    %mul3A_37 = arith.constant 640 : i32
    %mul3A_38 = arith.muli %arg1, %mul3A_37 : i32
    %mul3A_39 = arith.constant 640 : i32
    %mul3A_40 = arith.muli %arg1, %mul3A_39 : i32
    "tpu.region"() ({
      %run_scoped3A = tpu.sem_alloc : memref<!tpu.dma_semaphore, #tpu.memory_space<semaphore_mem>>
      %dma_start3A_41 = arith.constant 0 : i32
      %dma_start3A_42 = tpu.memref_slice %arg5[%arg0, %mul3A_40, %dma_start3A_41] : memref<2x10240x128xf32, #tpu.memory_space<hbm>> -> memref<1x640x128xf32, #tpu.memory_space<hbm>>
      %dma_start3A_43 = tpu.memref_squeeze %dma_start3A_42 : memref<1x640x128xf32, #tpu.memory_space<hbm>> -> memref<640x128xf32, #tpu.memory_space<hbm>>
      %dma_start3A_44 = arith.constant 0 : i32
      %dma_start3A_45 = tpu.memref_slice %arg8[%mul3A_38, %dma_start3A_44] : memref<10240x128xf32, #tpu.memory_space<vmem_shared>> -> memref<640x128xf32, #tpu.memory_space<vmem_shared>>
      tpu.enqueue_dma source(%dma_start3A_45 : memref<640x128xf32, #tpu.memory_space<vmem_shared>>) target(%dma_start3A_43 : memref<640x128xf32, #tpu.memory_space<hbm>>) target_semaphore(%run_scoped3A : memref<!tpu.dma_semaphore, #tpu.memory_space<semaphore_mem>>)
      %dma_wait3A_46 = arith.constant 0 : i32
      %dma_wait3A_47 = tpu.memref_slice %arg5[%arg0, %mul3A_40, %dma_wait3A_46] : memref<2x10240x128xf32, #tpu.memory_space<hbm>> -> memref<1x640x128xf32, #tpu.memory_space<hbm>>
      %dma_wait3A_48 = tpu.memref_squeeze %dma_wait3A_47 : memref<1x640x128xf32, #tpu.memory_space<hbm>> -> memref<640x128xf32, #tpu.memory_space<hbm>>
      %dma_wait3A_49 = arith.constant 0 : i32
      %dma_wait3A_50 = tpu.memref_slice %arg8[%mul3A_38, %dma_wait3A_49] : memref<10240x128xf32, #tpu.memory_space<vmem_shared>> -> memref<640x128xf32, #tpu.memory_space<vmem_shared>>
      tpu.wait_dma2 semaphore(%run_scoped3A : memref<!tpu.dma_semaphore, #tpu.memory_space<semaphore_mem>>) src(%dma_wait3A_50 : memref<640x128xf32, #tpu.memory_space<vmem_shared>>) dst(%dma_wait3A_48 : memref<640x128xf32, #tpu.memory_space<hbm>>)
      tpu.yield
    }) : () -> ()
    return
  }
}

#map = affine_map<(d0, d1) -> (0, 0)>
#map1 = affine_map<(d0, d1) -> (0, 0, 0)>
module attributes {stable_mosaic.version = 14 : i64} {
  func.func @_gather_body(%arg0: i32, %arg1: i32, %arg2: memref<20480x128xf32, #tpu.memory_space<hbm>>, %arg3: memref<2560x2x128xi32, #tpu.memory_space<hbm>>, %arg4: memref<327680x128xf32, #tpu.memory_space<hbm>>, %arg5: memref<80x2x128xi32, #tpu.memory_space<vmem>>, %arg6: memref<3x128x128xf32, #tpu.memory_space<vmem>>, %arg7: memref<!tpu.dma_semaphore, #tpu.memory_space<semaphore_mem>>, %arg8: memref<!tpu.dma_semaphore, #tpu.memory_space<semaphore_mem>>, %arg9: memref<!tpu.dma_semaphore, #tpu.memory_space<semaphore_mem>>, %arg10: memref<!tpu.dma_semaphore, #tpu.memory_space<semaphore_mem>>, %arg11: memref<!tpu.dma_semaphore, #tpu.memory_space<semaphore_mem>>) attributes {dimension_semantics = [#tpu.dimension_semantics<core_parallel>, #tpu.dimension_semantics<subcore_parallel>], iteration_bounds = array<i64: 2, 16>, scalar_prefetch = 0 : i64, scratch_operands = 7 : i64, tpu.core_type = #tpu.core_type<sc_vector_subcore>, window_params = [{transform_indices = #map}, {transform_indices = #map1}, {transform_indices = #map}]} {
    %mul3A = arith.constant 2 : i32
    %mul3A_0 = arith.muli %arg1, %mul3A : i32
    %add3A = arith.addi %mul3A_0, %arg0 : i32
    %mul3A_1 = arith.constant 10240 : i32
    %mul3A_2 = arith.muli %add3A, %mul3A_1 : i32
    %mul3A_3 = arith.constant 80 : i32
    %mul3A_4 = arith.muli %add3A, %mul3A_3 : i32
    "tpu.region"() ({
      %run_scoped3A = tpu.sem_alloc : memref<!tpu.dma_semaphore, #tpu.memory_space<semaphore_mem>>
      %dma_start3A_88 = arith.constant 0 : i32
      %dma_start3A_89 = arith.constant 0 : i32
      %dma_start3A_90 = tpu.memref_slice %arg3[%mul3A_4, %dma_start3A_88, %dma_start3A_89] : memref<2560x2x128xi32, #tpu.memory_space<hbm>> -> memref<80x2x128xi32, #tpu.memory_space<hbm>>
      %dma_start3A_91 = arith.constant 0 : i32
      %dma_start3A_92 = arith.constant 0 : i32
      %dma_start3A_93 = tpu.memref_slice %arg3[%mul3A_4, %dma_start3A_91, %dma_start3A_92] : memref<2560x2x128xi32, #tpu.memory_space<hbm>> -> memref<80x2x128xi32, #tpu.memory_space<hbm>>
      tpu.enqueue_dma source(%dma_start3A_93 : memref<80x2x128xi32, #tpu.memory_space<hbm>>) target(%arg5 : memref<80x2x128xi32, #tpu.memory_space<vmem>>) target_semaphore(%run_scoped3A : memref<!tpu.dma_semaphore, #tpu.memory_space<semaphore_mem>>)
      %dma_wait3A = arith.constant 0 : i32
      %dma_wait3A_94 = arith.constant 0 : i32
      %dma_wait3A_95 = tpu.memref_slice %arg3[%mul3A_4, %dma_wait3A, %dma_wait3A_94] : memref<2560x2x128xi32, #tpu.memory_space<hbm>> -> memref<80x2x128xi32, #tpu.memory_space<hbm>>
      %dma_wait3A_96 = arith.constant 0 : i32
      %dma_wait3A_97 = arith.constant 0 : i32
      %dma_wait3A_98 = tpu.memref_slice %arg3[%mul3A_4, %dma_wait3A_96, %dma_wait3A_97] : memref<2560x2x128xi32, #tpu.memory_space<hbm>> -> memref<80x2x128xi32, #tpu.memory_space<hbm>>
      tpu.wait_dma2 semaphore(%run_scoped3A : memref<!tpu.dma_semaphore, #tpu.memory_space<semaphore_mem>>) src(%dma_wait3A_98 : memref<80x2x128xi32, #tpu.memory_space<hbm>>) dst(%arg5 : memref<80x2x128xi32, #tpu.memory_space<vmem>>)
      tpu.yield
    }) : () -> ()
    %rem3A = arith.constant 0 : i32
    %rem3A_5 = arith.constant 3 : i32
    %rem3A_6 = arith.remsi %rem3A, %rem3A_5 : i32
    %dma_start3A = arith.constant 0 : i32
    %dma_start3A_7 = arith.constant 0 : i32
    %dma_start3A_8 = arith.constant 0 : i32
    %dma_start3A_9 = arith.constant 0 : i32
    %dma_start3A_10 = tpu.memref_slice %arg6[%rem3A_6, %dma_start3A_8, %dma_start3A_9] : memref<3x128x128xf32, #tpu.memory_space<vmem>> -> memref<1x128x128xf32, #tpu.memory_space<vmem>>
    %dma_start3A_11 = tpu.memref_squeeze %dma_start3A_10 : memref<1x128x128xf32, #tpu.memory_space<vmem>> -> memref<128x128xf32, #tpu.memory_space<vmem>>
    %dma_start3A_12 = arith.constant 0 : i32
    %dma_start3A_13 = tpu.memref_slice %arg5[%dma_start3A, %dma_start3A_7, %dma_start3A_12] : memref<80x2x128xi32, #tpu.memory_space<vmem>> -> memref<1x1x128xi32, #tpu.memory_space<vmem>>
    %dma_start3A_14 = tpu.memref_squeeze %dma_start3A_13 : memref<1x1x128xi32, #tpu.memory_space<vmem>> -> memref<128xi32, #tpu.memory_space<vmem>>
    %dma_start3A_15 = arith.constant 0 : i32
    %dma_start3A_16 = arith.constant 0 : i32
    %dma_start3A_17 = tpu.memref_slice %arg2[%dma_start3A_15, %dma_start3A_16] : memref<20480x128xf32, #tpu.memory_space<hbm>> -> memref<20480x128xf32, #tpu.memory_space<hbm>>
    tpu.enqueue_indirect_dma source(%dma_start3A_17 : memref<20480x128xf32, #tpu.memory_space<hbm>>) target(%dma_start3A_11 : memref<128x128xf32, #tpu.memory_space<vmem>>) offsets(%dma_start3A_14 : memref<128xi32, #tpu.memory_space<vmem>>) semaphore(%arg7 : memref<!tpu.dma_semaphore, #tpu.memory_space<semaphore_mem>>)
    %scan3A = arith.constant 0 : i32
    %scan3A_18 = arith.constant 80 : i32
    %scan3A_19 = arith.addi %scan3A, %scan3A_18 : i32
    %scan3A_20 = arith.constant 1 : i32
    scf.for %scan3A_88 = %scan3A to %scan3A_19 step %scan3A_20  : i32 {
      %mul3A_89 = arith.constant 1 : i32
      %mul3A_90 = arith.muli %scan3A_88, %mul3A_89 : i32
      %add3A_91 = arith.constant 0 : i32
      %add3A_92 = arith.addi %add3A_91, %mul3A_90 : i32
      %dma_wait3A = arith.constant 0 : i32
      %dma_wait3A_93 = arith.constant 0 : i32
      %dma_wait3A_94 = arith.constant 0 : i32
      %dma_wait3A_95 = arith.constant 0 : i32
      %dma_wait3A_96 = arith.constant 0 : i32
      %dma_wait3A_97 = tpu.memref_slice %arg6[%dma_wait3A_94, %dma_wait3A_95, %dma_wait3A_96] : memref<3x128x128xf32, #tpu.memory_space<vmem>> -> memref<1x128x128xf32, #tpu.memory_space<vmem>>
      %dma_wait3A_98 = tpu.memref_squeeze %dma_wait3A_97 : memref<1x128x128xf32, #tpu.memory_space<vmem>> -> memref<128x128xf32, #tpu.memory_space<vmem>>
      %dma_wait3A_99 = arith.constant 0 : i32
      %dma_wait3A_100 = tpu.memref_slice %arg5[%dma_wait3A, %dma_wait3A_93, %dma_wait3A_99] : memref<80x2x128xi32, #tpu.memory_space<vmem>> -> memref<1x1x128xi32, #tpu.memory_space<vmem>>
      %dma_wait3A_101 = tpu.memref_squeeze %dma_wait3A_100 : memref<1x1x128xi32, #tpu.memory_space<vmem>> -> memref<128xi32, #tpu.memory_space<vmem>>
      %dma_wait3A_102 = arith.constant 0 : i32
      %dma_wait3A_103 = arith.constant 0 : i32
      %dma_wait3A_104 = tpu.memref_slice %arg2[%dma_wait3A_102, %dma_wait3A_103] : memref<20480x128xf32, #tpu.memory_space<hbm>> -> memref<20480x128xf32, #tpu.memory_space<hbm>>
      tpu.wait_indirect_dma semaphore(%arg7 : memref<!tpu.dma_semaphore, #tpu.memory_space<semaphore_mem>>) src(%dma_wait3A_104 : memref<20480x128xf32, #tpu.memory_space<hbm>>) dst(%dma_wait3A_98 : memref<128x128xf32, #tpu.memory_space<vmem>>)
      %ge3A = arith.constant 2 : i32
      %ge3A_105 = arith.cmpi sge, %add3A_92, %ge3A : i32
      %convert_element_type3A_106 = arith.extui %ge3A_105 : i1 to i32
      %cond3A_107 = arith.constant 0 : i32
      %cond3A_108 = arith.cmpi ne, %convert_element_type3A_106, %cond3A_107 : i32
      scf.if %cond3A_108 {
        %sub3A = arith.constant 2 : i32
        %sub3A_134 = arith.subi %add3A_92, %sub3A : i32
        %rem3A_135 = arith.constant 2 : i32
        %rem3A_136 = arith.remsi %sub3A_134, %rem3A_135 : i32
        %eq3A_137 = arith.constant 0 : i32
        %eq3A_138 = arith.cmpi eq, %rem3A_136, %eq3A_137 : i32
        %convert_element_type3A_139 = arith.extui %eq3A_138 : i1 to i32
        %cond3A_140 = arith.constant 0 : i32
        %cond3A_141 = arith.cmpi ne, %convert_element_type3A_139, %cond3A_140 : i32
        scf.if %cond3A_141 {
          %dma_wait3A_149 = arith.constant 0 : i32
          %dma_wait3A_150 = arith.constant 0 : i32
          %dma_wait3A_151 = arith.constant 0 : i32
          %dma_wait3A_152 = tpu.memref_slice %arg6[%dma_wait3A_149, %dma_wait3A_150, %dma_wait3A_151] : memref<3x128x128xf32, #tpu.memory_space<vmem>> -> memref<1x128x128xf32, #tpu.memory_space<vmem>>
          %dma_wait3A_153 = tpu.memref_squeeze %dma_wait3A_152 : memref<1x128x128xf32, #tpu.memory_space<vmem>> -> memref<128x128xf32, #tpu.memory_space<vmem>>
          %dma_wait3A_154 = arith.constant 0 : i32
          %dma_wait3A_155 = tpu.memref_slice %arg4[%mul3A_2, %dma_wait3A_154] : memref<327680x128xf32, #tpu.memory_space<hbm>> -> memref<128x128xf32, #tpu.memory_space<hbm>>
          %dma_wait3A_156 = arith.constant 0 : i32
          %dma_wait3A_157 = tpu.memref_slice %arg4[%mul3A_2, %dma_wait3A_156] : memref<327680x128xf32, #tpu.memory_space<hbm>> -> memref<128x128xf32, #tpu.memory_space<hbm>>
          %dma_wait3A_158 = arith.constant 0 : i32
          %dma_wait3A_159 = arith.constant 0 : i32
          %dma_wait3A_160 = tpu.memref_slice %arg6[%dma_wait3A_149, %dma_wait3A_158, %dma_wait3A_159] : memref<3x128x128xf32, #tpu.memory_space<vmem>> -> memref<1x128x128xf32, #tpu.memory_space<vmem>>
          %dma_wait3A_161 = tpu.memref_squeeze %dma_wait3A_160 : memref<1x128x128xf32, #tpu.memory_space<vmem>> -> memref<128x128xf32, #tpu.memory_space<vmem>>
          tpu.wait_dma2 semaphore(%arg10 : memref<!tpu.dma_semaphore, #tpu.memory_space<semaphore_mem>>) src(%dma_wait3A_161 : memref<128x128xf32, #tpu.memory_space<vmem>>) dst(%dma_wait3A_157 : memref<128x128xf32, #tpu.memory_space<hbm>>)
        } else {
        }
        %rem3A_142 = arith.constant 2 : i32
        %rem3A_143 = arith.remsi %sub3A_134, %rem3A_142 : i32
        %eq3A_144 = arith.constant 1 : i32
        %eq3A_145 = arith.cmpi eq, %rem3A_143, %eq3A_144 : i32
        %convert_element_type3A_146 = arith.extui %eq3A_145 : i1 to i32
        %cond3A_147 = arith.constant 0 : i32
        %cond3A_148 = arith.cmpi ne, %convert_element_type3A_146, %cond3A_147 : i32
        scf.if %cond3A_148 {
          %dma_wait3A_149 = arith.constant 0 : i32
          %dma_wait3A_150 = arith.constant 0 : i32
          %dma_wait3A_151 = arith.constant 0 : i32
          %dma_wait3A_152 = tpu.memref_slice %arg6[%dma_wait3A_149, %dma_wait3A_150, %dma_wait3A_151] : memref<3x128x128xf32, #tpu.memory_space<vmem>> -> memref<1x128x128xf32, #tpu.memory_space<vmem>>
          %dma_wait3A_153 = tpu.memref_squeeze %dma_wait3A_152 : memref<1x128x128xf32, #tpu.memory_space<vmem>> -> memref<128x128xf32, #tpu.memory_space<vmem>>
          %dma_wait3A_154 = arith.constant 0 : i32
          %dma_wait3A_155 = tpu.memref_slice %arg4[%mul3A_2, %dma_wait3A_154] : memref<327680x128xf32, #tpu.memory_space<hbm>> -> memref<128x128xf32, #tpu.memory_space<hbm>>
          %dma_wait3A_156 = arith.constant 0 : i32
          %dma_wait3A_157 = tpu.memref_slice %arg4[%mul3A_2, %dma_wait3A_156] : memref<327680x128xf32, #tpu.memory_space<hbm>> -> memref<128x128xf32, #tpu.memory_space<hbm>>
          %dma_wait3A_158 = arith.constant 0 : i32
          %dma_wait3A_159 = arith.constant 0 : i32
          %dma_wait3A_160 = tpu.memref_slice %arg6[%dma_wait3A_149, %dma_wait3A_158, %dma_wait3A_159] : memref<3x128x128xf32, #tpu.memory_space<vmem>> -> memref<1x128x128xf32, #tpu.memory_space<vmem>>
          %dma_wait3A_161 = tpu.memref_squeeze %dma_wait3A_160 : memref<1x128x128xf32, #tpu.memory_space<vmem>> -> memref<128x128xf32, #tpu.memory_space<vmem>>
          tpu.wait_dma2 semaphore(%arg11 : memref<!tpu.dma_semaphore, #tpu.memory_space<semaphore_mem>>) src(%dma_wait3A_161 : memref<128x128xf32, #tpu.memory_space<vmem>>) dst(%dma_wait3A_157 : memref<128x128xf32, #tpu.memory_space<hbm>>)
        } else {
        }
      } else {
      }
      %le3A = arith.constant 78 : i32
      %le3A_109 = arith.cmpi sle, %add3A_92, %le3A : i32
      %convert_element_type3A_110 = arith.extui %le3A_109 : i1 to i32
      %cond3A_111 = arith.constant 0 : i32
      %cond3A_112 = arith.cmpi ne, %convert_element_type3A_110, %cond3A_111 : i32
      scf.if %cond3A_112 {
        %add3A_134 = arith.constant 1 : i32
        %add3A_135 = arith.addi %add3A_92, %add3A_134 : i32
        %rem3A_136 = arith.constant 3 : i32
        %rem3A_137 = arith.remsi %add3A_135, %rem3A_136 : i32
        %dma_start3A_138 = arith.constant 0 : i32
        %dma_start3A_139 = arith.constant 0 : i32
        %dma_start3A_140 = arith.constant 0 : i32
        %dma_start3A_141 = tpu.memref_slice %arg6[%rem3A_137, %dma_start3A_139, %dma_start3A_140] : memref<3x128x128xf32, #tpu.memory_space<vmem>> -> memref<1x128x128xf32, #tpu.memory_space<vmem>>
        %dma_start3A_142 = tpu.memref_squeeze %dma_start3A_141 : memref<1x128x128xf32, #tpu.memory_space<vmem>> -> memref<128x128xf32, #tpu.memory_space<vmem>>
        %dma_start3A_143 = arith.constant 0 : i32
        %dma_start3A_144 = tpu.memref_slice %arg5[%add3A_135, %dma_start3A_138, %dma_start3A_143] : memref<80x2x128xi32, #tpu.memory_space<vmem>> -> memref<1x1x128xi32, #tpu.memory_space<vmem>>
        %dma_start3A_145 = tpu.memref_squeeze %dma_start3A_144 : memref<1x1x128xi32, #tpu.memory_space<vmem>> -> memref<128xi32, #tpu.memory_space<vmem>>
        %dma_start3A_146 = arith.constant 0 : i32
        %dma_start3A_147 = arith.constant 0 : i32
        %dma_start3A_148 = tpu.memref_slice %arg2[%dma_start3A_146, %dma_start3A_147] : memref<20480x128xf32, #tpu.memory_space<hbm>> -> memref<20480x128xf32, #tpu.memory_space<hbm>>
        tpu.enqueue_indirect_dma source(%dma_start3A_148 : memref<20480x128xf32, #tpu.memory_space<hbm>>) target(%dma_start3A_142 : memref<128x128xf32, #tpu.memory_space<vmem>>) offsets(%dma_start3A_145 : memref<128xi32, #tpu.memory_space<vmem>>) semaphore(%arg7 : memref<!tpu.dma_semaphore, #tpu.memory_space<semaphore_mem>>)
      } else {
      }
      %rem3A_113 = arith.constant 3 : i32
      %rem3A_114 = arith.remsi %add3A_92, %rem3A_113 : i32
      %rem3A_115 = arith.constant 2 : i32
      %rem3A_116 = arith.remsi %add3A_92, %rem3A_115 : i32
      %eq3A_117 = arith.constant 0 : i32
      %eq3A_118 = arith.cmpi eq, %rem3A_116, %eq3A_117 : i32
      %convert_element_type3A_119 = arith.extui %eq3A_118 : i1 to i32
      %cond3A_120 = arith.constant 0 : i32
      %cond3A_121 = arith.cmpi ne, %convert_element_type3A_119, %cond3A_120 : i32
      scf.if %cond3A_121 {
        %dma_start3A_134 = arith.constant 1 : i32
        %dma_start3A_135 = arith.constant 0 : i32
        %dma_start3A_136 = arith.constant 0 : i32
        %dma_start3A_137 = tpu.memref_slice %arg6[%rem3A_114, %dma_start3A_135, %dma_start3A_136] : memref<3x128x128xf32, #tpu.memory_space<vmem>> -> memref<1x128x128xf32, #tpu.memory_space<vmem>>
        %dma_start3A_138 = tpu.memref_squeeze %dma_start3A_137 : memref<1x128x128xf32, #tpu.memory_space<vmem>> -> memref<128x128xf32, #tpu.memory_space<vmem>>
        %dma_start3A_139 = arith.constant 0 : i32
        %dma_start3A_140 = tpu.memref_slice %arg5[%add3A_92, %dma_start3A_134, %dma_start3A_139] : memref<80x2x128xi32, #tpu.memory_space<vmem>> -> memref<1x1x128xi32, #tpu.memory_space<vmem>>
        %dma_start3A_141 = tpu.memref_squeeze %dma_start3A_140 : memref<1x1x128xi32, #tpu.memory_space<vmem>> -> memref<128xi32, #tpu.memory_space<vmem>>
        %dma_start3A_142 = arith.constant 0 : i32
        %dma_start3A_143 = arith.constant 0 : i32
        %dma_start3A_144 = tpu.memref_slice %arg2[%dma_start3A_142, %dma_start3A_143] : memref<20480x128xf32, #tpu.memory_space<hbm>> -> memref<20480x128xf32, #tpu.memory_space<hbm>>
        tpu.enqueue_indirect_dma source(%dma_start3A_144 : memref<20480x128xf32, #tpu.memory_space<hbm>>) target(%dma_start3A_138 : memref<128x128xf32, #tpu.memory_space<vmem>>) offsets(%dma_start3A_141 : memref<128xi32, #tpu.memory_space<vmem>>) semaphore(%arg8 : memref<!tpu.dma_semaphore, #tpu.memory_space<semaphore_mem>>) {add = true}
      } else {
      }
      %rem3A_122 = arith.constant 2 : i32
      %rem3A_123 = arith.remsi %add3A_92, %rem3A_122 : i32
      %eq3A_124 = arith.constant 1 : i32
      %eq3A_125 = arith.cmpi eq, %rem3A_123, %eq3A_124 : i32
      %convert_element_type3A_126 = arith.extui %eq3A_125 : i1 to i32
      %cond3A_127 = arith.constant 0 : i32
      %cond3A_128 = arith.cmpi ne, %convert_element_type3A_126, %cond3A_127 : i32
      scf.if %cond3A_128 {
        %dma_start3A_134 = arith.constant 1 : i32
        %dma_start3A_135 = arith.constant 0 : i32
        %dma_start3A_136 = arith.constant 0 : i32
        %dma_start3A_137 = tpu.memref_slice %arg6[%rem3A_114, %dma_start3A_135, %dma_start3A_136] : memref<3x128x128xf32, #tpu.memory_space<vmem>> -> memref<1x128x128xf32, #tpu.memory_space<vmem>>
        %dma_start3A_138 = tpu.memref_squeeze %dma_start3A_137 : memref<1x128x128xf32, #tpu.memory_space<vmem>> -> memref<128x128xf32, #tpu.memory_space<vmem>>
        %dma_start3A_139 = arith.constant 0 : i32
        %dma_start3A_140 = tpu.memref_slice %arg5[%add3A_92, %dma_start3A_134, %dma_start3A_139] : memref<80x2x128xi32, #tpu.memory_space<vmem>> -> memref<1x1x128xi32, #tpu.memory_space<vmem>>
        %dma_start3A_141 = tpu.memref_squeeze %dma_start3A_140 : memref<1x1x128xi32, #tpu.memory_space<vmem>> -> memref<128xi32, #tpu.memory_space<vmem>>
        %dma_start3A_142 = arith.constant 0 : i32
        %dma_start3A_143 = arith.constant 0 : i32
        %dma_start3A_144 = tpu.memref_slice %arg2[%dma_start3A_142, %dma_start3A_143] : memref<20480x128xf32, #tpu.memory_space<hbm>> -> memref<20480x128xf32, #tpu.memory_space<hbm>>
        tpu.enqueue_indirect_dma source(%dma_start3A_144 : memref<20480x128xf32, #tpu.memory_space<hbm>>) target(%dma_start3A_138 : memref<128x128xf32, #tpu.memory_space<vmem>>) offsets(%dma_start3A_141 : memref<128xi32, #tpu.memory_space<vmem>>) semaphore(%arg9 : memref<!tpu.dma_semaphore, #tpu.memory_space<semaphore_mem>>) {add = true}
      } else {
      }
      %ge3A_129 = arith.constant 1 : i32
      %ge3A_130 = arith.cmpi sge, %add3A_92, %ge3A_129 : i32
      %convert_element_type3A_131 = arith.extui %ge3A_130 : i1 to i32
      %cond3A_132 = arith.constant 0 : i32
      %cond3A_133 = arith.cmpi ne, %convert_element_type3A_131, %cond3A_132 : i32
      scf.if %cond3A_133 {
        %sub3A = arith.constant 1 : i32
        %sub3A_134 = arith.subi %add3A_92, %sub3A : i32
        %rem3A_135 = arith.constant 2 : i32
        %rem3A_136 = arith.remsi %sub3A_134, %rem3A_135 : i32
        %eq3A_137 = arith.constant 0 : i32
        %eq3A_138 = arith.cmpi eq, %rem3A_136, %eq3A_137 : i32
        %convert_element_type3A_139 = arith.extui %eq3A_138 : i1 to i32
        %cond3A_140 = arith.constant 0 : i32
        %cond3A_141 = arith.cmpi ne, %convert_element_type3A_139, %cond3A_140 : i32
        scf.if %cond3A_141 {
          %dma_wait3A_170 = arith.constant 0 : i32
          %dma_wait3A_171 = arith.constant 1 : i32
          %dma_wait3A_172 = arith.constant 0 : i32
          %dma_wait3A_173 = arith.constant 0 : i32
          %dma_wait3A_174 = arith.constant 0 : i32
          %dma_wait3A_175 = tpu.memref_slice %arg6[%dma_wait3A_172, %dma_wait3A_173, %dma_wait3A_174] : memref<3x128x128xf32, #tpu.memory_space<vmem>> -> memref<1x128x128xf32, #tpu.memory_space<vmem>>
          %dma_wait3A_176 = tpu.memref_squeeze %dma_wait3A_175 : memref<1x128x128xf32, #tpu.memory_space<vmem>> -> memref<128x128xf32, #tpu.memory_space<vmem>>
          %dma_wait3A_177 = arith.constant 0 : i32
          %dma_wait3A_178 = tpu.memref_slice %arg5[%dma_wait3A_170, %dma_wait3A_171, %dma_wait3A_177] : memref<80x2x128xi32, #tpu.memory_space<vmem>> -> memref<1x1x128xi32, #tpu.memory_space<vmem>>
          %dma_wait3A_179 = tpu.memref_squeeze %dma_wait3A_178 : memref<1x1x128xi32, #tpu.memory_space<vmem>> -> memref<128xi32, #tpu.memory_space<vmem>>
          %dma_wait3A_180 = arith.constant 0 : i32
          %dma_wait3A_181 = arith.constant 0 : i32
          %dma_wait3A_182 = tpu.memref_slice %arg2[%dma_wait3A_180, %dma_wait3A_181] : memref<20480x128xf32, #tpu.memory_space<hbm>> -> memref<20480x128xf32, #tpu.memory_space<hbm>>
          tpu.wait_indirect_dma semaphore(%arg8 : memref<!tpu.dma_semaphore, #tpu.memory_space<semaphore_mem>>) src(%dma_wait3A_182 : memref<20480x128xf32, #tpu.memory_space<hbm>>) dst(%dma_wait3A_176 : memref<128x128xf32, #tpu.memory_space<vmem>>)
        } else {
        }
        %rem3A_142 = arith.constant 2 : i32
        %rem3A_143 = arith.remsi %sub3A_134, %rem3A_142 : i32
        %eq3A_144 = arith.constant 1 : i32
        %eq3A_145 = arith.cmpi eq, %rem3A_143, %eq3A_144 : i32
        %convert_element_type3A_146 = arith.extui %eq3A_145 : i1 to i32
        %cond3A_147 = arith.constant 0 : i32
        %cond3A_148 = arith.cmpi ne, %convert_element_type3A_146, %cond3A_147 : i32
        scf.if %cond3A_148 {
          %dma_wait3A_170 = arith.constant 0 : i32
          %dma_wait3A_171 = arith.constant 1 : i32
          %dma_wait3A_172 = arith.constant 0 : i32
          %dma_wait3A_173 = arith.constant 0 : i32
          %dma_wait3A_174 = arith.constant 0 : i32
          %dma_wait3A_175 = tpu.memref_slice %arg6[%dma_wait3A_172, %dma_wait3A_173, %dma_wait3A_174] : memref<3x128x128xf32, #tpu.memory_space<vmem>> -> memref<1x128x128xf32, #tpu.memory_space<vmem>>
          %dma_wait3A_176 = tpu.memref_squeeze %dma_wait3A_175 : memref<1x128x128xf32, #tpu.memory_space<vmem>> -> memref<128x128xf32, #tpu.memory_space<vmem>>
          %dma_wait3A_177 = arith.constant 0 : i32
          %dma_wait3A_178 = tpu.memref_slice %arg5[%dma_wait3A_170, %dma_wait3A_171, %dma_wait3A_177] : memref<80x2x128xi32, #tpu.memory_space<vmem>> -> memref<1x1x128xi32, #tpu.memory_space<vmem>>
          %dma_wait3A_179 = tpu.memref_squeeze %dma_wait3A_178 : memref<1x1x128xi32, #tpu.memory_space<vmem>> -> memref<128xi32, #tpu.memory_space<vmem>>
          %dma_wait3A_180 = arith.constant 0 : i32
          %dma_wait3A_181 = arith.constant 0 : i32
          %dma_wait3A_182 = tpu.memref_slice %arg2[%dma_wait3A_180, %dma_wait3A_181] : memref<20480x128xf32, #tpu.memory_space<hbm>> -> memref<20480x128xf32, #tpu.memory_space<hbm>>
          tpu.wait_indirect_dma semaphore(%arg9 : memref<!tpu.dma_semaphore, #tpu.memory_space<semaphore_mem>>) src(%dma_wait3A_182 : memref<20480x128xf32, #tpu.memory_space<hbm>>) dst(%dma_wait3A_176 : memref<128x128xf32, #tpu.memory_space<vmem>>)
        } else {
        }
        %sub3A_149 = arith.constant 1 : i32
        %sub3A_150 = arith.subi %add3A_92, %sub3A_149 : i32
        %rem3A_151 = arith.constant 3 : i32
        %rem3A_152 = arith.remsi %sub3A_150, %rem3A_151 : i32
        %mul3A_153 = arith.constant 128 : i32
        %mul3A_154 = arith.muli %sub3A_150, %mul3A_153 : i32
        %add3A_155 = arith.addi %mul3A_2, %mul3A_154 : i32
        %rem3A_156 = arith.constant 2 : i32
        %rem3A_157 = arith.remsi %sub3A_150, %rem3A_156 : i32
        %eq3A_158 = arith.constant 0 : i32
        %eq3A_159 = arith.cmpi eq, %rem3A_157, %eq3A_158 : i32
        %convert_element_type3A_160 = arith.extui %eq3A_159 : i1 to i32
        %cond3A_161 = arith.constant 0 : i32
        %cond3A_162 = arith.cmpi ne, %convert_element_type3A_160, %cond3A_161 : i32
        scf.if %cond3A_162 {
          %dma_start3A_170 = arith.constant 0 : i32
          %dma_start3A_171 = arith.constant 0 : i32
          %dma_start3A_172 = tpu.memref_slice %arg6[%rem3A_152, %dma_start3A_170, %dma_start3A_171] : memref<3x128x128xf32, #tpu.memory_space<vmem>> -> memref<1x128x128xf32, #tpu.memory_space<vmem>>
          %dma_start3A_173 = tpu.memref_squeeze %dma_start3A_172 : memref<1x128x128xf32, #tpu.memory_space<vmem>> -> memref<128x128xf32, #tpu.memory_space<vmem>>
          %dma_start3A_174 = arith.constant 0 : i32
          %dma_start3A_175 = tpu.memref_slice %arg4[%add3A_155, %dma_start3A_174] : memref<327680x128xf32, #tpu.memory_space<hbm>> -> memref<128x128xf32, #tpu.memory_space<hbm>>
          %dma_start3A_176 = arith.constant 0 : i32
          %dma_start3A_177 = tpu.memref_slice %arg4[%add3A_155, %dma_start3A_176] : memref<327680x128xf32, #tpu.memory_space<hbm>> -> memref<128x128xf32, #tpu.memory_space<hbm>>
          %dma_start3A_178 = arith.constant 0 : i32
          %dma_start3A_179 = arith.constant 0 : i32
          %dma_start3A_180 = tpu.memref_slice %arg6[%rem3A_152, %dma_start3A_178, %dma_start3A_179] : memref<3x128x128xf32, #tpu.memory_space<vmem>> -> memref<1x128x128xf32, #tpu.memory_space<vmem>>
          %dma_start3A_181 = tpu.memref_squeeze %dma_start3A_180 : memref<1x128x128xf32, #tpu.memory_space<vmem>> -> memref<128x128xf32, #tpu.memory_space<vmem>>
          tpu.enqueue_dma source(%dma_start3A_181 : memref<128x128xf32, #tpu.memory_space<vmem>>) target(%dma_start3A_177 : memref<128x128xf32, #tpu.memory_space<hbm>>) target_semaphore(%arg10 : memref<!tpu.dma_semaphore, #tpu.memory_space<semaphore_mem>>)
        } else {
        }
        %rem3A_163 = arith.constant 2 : i32
        %rem3A_164 = arith.remsi %sub3A_150, %rem3A_163 : i32
        %eq3A_165 = arith.constant 1 : i32
        %eq3A_166 = arith.cmpi eq, %rem3A_164, %eq3A_165 : i32
        %convert_element_type3A_167 = arith.extui %eq3A_166 : i1 to i32
        %cond3A_168 = arith.constant 0 : i32
        %cond3A_169 = arith.cmpi ne, %convert_element_type3A_167, %cond3A_168 : i32
        scf.if %cond3A_169 {
          %dma_start3A_170 = arith.constant 0 : i32
          %dma_start3A_171 = arith.constant 0 : i32
          %dma_start3A_172 = tpu.memref_slice %arg6[%rem3A_152, %dma_start3A_170, %dma_start3A_171] : memref<3x128x128xf32, #tpu.memory_space<vmem>> -> memref<1x128x128xf32, #tpu.memory_space<vmem>>
          %dma_start3A_173 = tpu.memref_squeeze %dma_start3A_172 : memref<1x128x128xf32, #tpu.memory_space<vmem>> -> memref<128x128xf32, #tpu.memory_space<vmem>>
          %dma_start3A_174 = arith.constant 0 : i32
          %dma_start3A_175 = tpu.memref_slice %arg4[%add3A_155, %dma_start3A_174] : memref<327680x128xf32, #tpu.memory_space<hbm>> -> memref<128x128xf32, #tpu.memory_space<hbm>>
          %dma_start3A_176 = arith.constant 0 : i32
          %dma_start3A_177 = tpu.memref_slice %arg4[%add3A_155, %dma_start3A_176] : memref<327680x128xf32, #tpu.memory_space<hbm>> -> memref<128x128xf32, #tpu.memory_space<hbm>>
          %dma_start3A_178 = arith.constant 0 : i32
          %dma_start3A_179 = arith.constant 0 : i32
          %dma_start3A_180 = tpu.memref_slice %arg6[%rem3A_152, %dma_start3A_178, %dma_start3A_179] : memref<3x128x128xf32, #tpu.memory_space<vmem>> -> memref<1x128x128xf32, #tpu.memory_space<vmem>>
          %dma_start3A_181 = tpu.memref_squeeze %dma_start3A_180 : memref<1x128x128xf32, #tpu.memory_space<vmem>> -> memref<128x128xf32, #tpu.memory_space<vmem>>
          tpu.enqueue_dma source(%dma_start3A_181 : memref<128x128xf32, #tpu.memory_space<vmem>>) target(%dma_start3A_177 : memref<128x128xf32, #tpu.memory_space<hbm>>) target_semaphore(%arg11 : memref<!tpu.dma_semaphore, #tpu.memory_space<semaphore_mem>>)
        } else {
        }
      } else {
      }
    }
    %scan3A_21 = arith.constant 80 : i32
    %rem3A_22 = arith.constant 79 : i32
    %rem3A_23 = arith.constant 2 : i32
    %rem3A_24 = arith.remsi %rem3A_22, %rem3A_23 : i32
    %eq3A = arith.constant 0 : i32
    %eq3A_25 = arith.cmpi eq, %rem3A_24, %eq3A : i32
    %convert_element_type3A = arith.extui %eq3A_25 : i1 to i32
    %cond3A = arith.constant 0 : i32
    %cond3A_26 = arith.cmpi ne, %convert_element_type3A, %cond3A : i32
    scf.if %cond3A_26 {
      %dma_wait3A = arith.constant 0 : i32
      %dma_wait3A_88 = arith.constant 1 : i32
      %dma_wait3A_89 = arith.constant 0 : i32
      %dma_wait3A_90 = arith.constant 0 : i32
      %dma_wait3A_91 = arith.constant 0 : i32
      %dma_wait3A_92 = tpu.memref_slice %arg6[%dma_wait3A_89, %dma_wait3A_90, %dma_wait3A_91] : memref<3x128x128xf32, #tpu.memory_space<vmem>> -> memref<1x128x128xf32, #tpu.memory_space<vmem>>
      %dma_wait3A_93 = tpu.memref_squeeze %dma_wait3A_92 : memref<1x128x128xf32, #tpu.memory_space<vmem>> -> memref<128x128xf32, #tpu.memory_space<vmem>>
      %dma_wait3A_94 = arith.constant 0 : i32
      %dma_wait3A_95 = tpu.memref_slice %arg5[%dma_wait3A, %dma_wait3A_88, %dma_wait3A_94] : memref<80x2x128xi32, #tpu.memory_space<vmem>> -> memref<1x1x128xi32, #tpu.memory_space<vmem>>
      %dma_wait3A_96 = tpu.memref_squeeze %dma_wait3A_95 : memref<1x1x128xi32, #tpu.memory_space<vmem>> -> memref<128xi32, #tpu.memory_space<vmem>>
      %dma_wait3A_97 = arith.constant 0 : i32
      %dma_wait3A_98 = arith.constant 0 : i32
      %dma_wait3A_99 = tpu.memref_slice %arg2[%dma_wait3A_97, %dma_wait3A_98] : memref<20480x128xf32, #tpu.memory_space<hbm>> -> memref<20480x128xf32, #tpu.memory_space<hbm>>
      tpu.wait_indirect_dma semaphore(%arg8 : memref<!tpu.dma_semaphore, #tpu.memory_space<semaphore_mem>>) src(%dma_wait3A_99 : memref<20480x128xf32, #tpu.memory_space<hbm>>) dst(%dma_wait3A_93 : memref<128x128xf32, #tpu.memory_space<vmem>>)
    } else {
    }
    %rem3A_27 = arith.constant 79 : i32
    %rem3A_28 = arith.constant 2 : i32
    %rem3A_29 = arith.remsi %rem3A_27, %rem3A_28 : i32
    %eq3A_30 = arith.constant 1 : i32
    %eq3A_31 = arith.cmpi eq, %rem3A_29, %eq3A_30 : i32
    %convert_element_type3A_32 = arith.extui %eq3A_31 : i1 to i32
    %cond3A_33 = arith.constant 0 : i32
    %cond3A_34 = arith.cmpi ne, %convert_element_type3A_32, %cond3A_33 : i32
    scf.if %cond3A_34 {
      %dma_wait3A = arith.constant 0 : i32
      %dma_wait3A_88 = arith.constant 1 : i32
      %dma_wait3A_89 = arith.constant 0 : i32
      %dma_wait3A_90 = arith.constant 0 : i32
      %dma_wait3A_91 = arith.constant 0 : i32
      %dma_wait3A_92 = tpu.memref_slice %arg6[%dma_wait3A_89, %dma_wait3A_90, %dma_wait3A_91] : memref<3x128x128xf32, #tpu.memory_space<vmem>> -> memref<1x128x128xf32, #tpu.memory_space<vmem>>
      %dma_wait3A_93 = tpu.memref_squeeze %dma_wait3A_92 : memref<1x128x128xf32, #tpu.memory_space<vmem>> -> memref<128x128xf32, #tpu.memory_space<vmem>>
      %dma_wait3A_94 = arith.constant 0 : i32
      %dma_wait3A_95 = tpu.memref_slice %arg5[%dma_wait3A, %dma_wait3A_88, %dma_wait3A_94] : memref<80x2x128xi32, #tpu.memory_space<vmem>> -> memref<1x1x128xi32, #tpu.memory_space<vmem>>
      %dma_wait3A_96 = tpu.memref_squeeze %dma_wait3A_95 : memref<1x1x128xi32, #tpu.memory_space<vmem>> -> memref<128xi32, #tpu.memory_space<vmem>>
      %dma_wait3A_97 = arith.constant 0 : i32
      %dma_wait3A_98 = arith.constant 0 : i32
      %dma_wait3A_99 = tpu.memref_slice %arg2[%dma_wait3A_97, %dma_wait3A_98] : memref<20480x128xf32, #tpu.memory_space<hbm>> -> memref<20480x128xf32, #tpu.memory_space<hbm>>
      tpu.wait_indirect_dma semaphore(%arg9 : memref<!tpu.dma_semaphore, #tpu.memory_space<semaphore_mem>>) src(%dma_wait3A_99 : memref<20480x128xf32, #tpu.memory_space<hbm>>) dst(%dma_wait3A_93 : memref<128x128xf32, #tpu.memory_space<vmem>>)
    } else {
    }
    %rem3A_35 = arith.constant 79 : i32
    %rem3A_36 = arith.constant 3 : i32
    %rem3A_37 = arith.remsi %rem3A_35, %rem3A_36 : i32
    %add3A_38 = arith.constant 10112 : i32
    %add3A_39 = arith.addi %mul3A_2, %add3A_38 : i32
    %rem3A_40 = arith.constant 79 : i32
    %rem3A_41 = arith.constant 2 : i32
    %rem3A_42 = arith.remsi %rem3A_40, %rem3A_41 : i32
    %eq3A_43 = arith.constant 0 : i32
    %eq3A_44 = arith.cmpi eq, %rem3A_42, %eq3A_43 : i32
    %convert_element_type3A_45 = arith.extui %eq3A_44 : i1 to i32
    %cond3A_46 = arith.constant 0 : i32
    %cond3A_47 = arith.cmpi ne, %convert_element_type3A_45, %cond3A_46 : i32
    scf.if %cond3A_47 {
      %dma_start3A_88 = arith.constant 0 : i32
      %dma_start3A_89 = arith.constant 0 : i32
      %dma_start3A_90 = tpu.memref_slice %arg6[%rem3A_37, %dma_start3A_88, %dma_start3A_89] : memref<3x128x128xf32, #tpu.memory_space<vmem>> -> memref<1x128x128xf32, #tpu.memory_space<vmem>>
      %dma_start3A_91 = tpu.memref_squeeze %dma_start3A_90 : memref<1x128x128xf32, #tpu.memory_space<vmem>> -> memref<128x128xf32, #tpu.memory_space<vmem>>
      %dma_start3A_92 = arith.constant 0 : i32
      %dma_start3A_93 = tpu.memref_slice %arg4[%add3A_39, %dma_start3A_92] : memref<327680x128xf32, #tpu.memory_space<hbm>> -> memref<128x128xf32, #tpu.memory_space<hbm>>
      %dma_start3A_94 = arith.constant 0 : i32
      %dma_start3A_95 = tpu.memref_slice %arg4[%add3A_39, %dma_start3A_94] : memref<327680x128xf32, #tpu.memory_space<hbm>> -> memref<128x128xf32, #tpu.memory_space<hbm>>
      %dma_start3A_96 = arith.constant 0 : i32
      %dma_start3A_97 = arith.constant 0 : i32
      %dma_start3A_98 = tpu.memref_slice %arg6[%rem3A_37, %dma_start3A_96, %dma_start3A_97] : memref<3x128x128xf32, #tpu.memory_space<vmem>> -> memref<1x128x128xf32, #tpu.memory_space<vmem>>
      %dma_start3A_99 = tpu.memref_squeeze %dma_start3A_98 : memref<1x128x128xf32, #tpu.memory_space<vmem>> -> memref<128x128xf32, #tpu.memory_space<vmem>>
      tpu.enqueue_dma source(%dma_start3A_99 : memref<128x128xf32, #tpu.memory_space<vmem>>) target(%dma_start3A_95 : memref<128x128xf32, #tpu.memory_space<hbm>>) target_semaphore(%arg10 : memref<!tpu.dma_semaphore, #tpu.memory_space<semaphore_mem>>)
    } else {
    }
    %rem3A_48 = arith.constant 79 : i32
    %rem3A_49 = arith.constant 2 : i32
    %rem3A_50 = arith.remsi %rem3A_48, %rem3A_49 : i32
    %eq3A_51 = arith.constant 1 : i32
    %eq3A_52 = arith.cmpi eq, %rem3A_50, %eq3A_51 : i32
    %convert_element_type3A_53 = arith.extui %eq3A_52 : i1 to i32
    %cond3A_54 = arith.constant 0 : i32
    %cond3A_55 = arith.cmpi ne, %convert_element_type3A_53, %cond3A_54 : i32
    scf.if %cond3A_55 {
      %dma_start3A_88 = arith.constant 0 : i32
      %dma_start3A_89 = arith.constant 0 : i32
      %dma_start3A_90 = tpu.memref_slice %arg6[%rem3A_37, %dma_start3A_88, %dma_start3A_89] : memref<3x128x128xf32, #tpu.memory_space<vmem>> -> memref<1x128x128xf32, #tpu.memory_space<vmem>>
      %dma_start3A_91 = tpu.memref_squeeze %dma_start3A_90 : memref<1x128x128xf32, #tpu.memory_space<vmem>> -> memref<128x128xf32, #tpu.memory_space<vmem>>
      %dma_start3A_92 = arith.constant 0 : i32
      %dma_start3A_93 = tpu.memref_slice %arg4[%add3A_39, %dma_start3A_92] : memref<327680x128xf32, #tpu.memory_space<hbm>> -> memref<128x128xf32, #tpu.memory_space<hbm>>
      %dma_start3A_94 = arith.constant 0 : i32
      %dma_start3A_95 = tpu.memref_slice %arg4[%add3A_39, %dma_start3A_94] : memref<327680x128xf32, #tpu.memory_space<hbm>> -> memref<128x128xf32, #tpu.memory_space<hbm>>
      %dma_start3A_96 = arith.constant 0 : i32
      %dma_start3A_97 = arith.constant 0 : i32
      %dma_start3A_98 = tpu.memref_slice %arg6[%rem3A_37, %dma_start3A_96, %dma_start3A_97] : memref<3x128x128xf32, #tpu.memory_space<vmem>> -> memref<1x128x128xf32, #tpu.memory_space<vmem>>
      %dma_start3A_99 = tpu.memref_squeeze %dma_start3A_98 : memref<1x128x128xf32, #tpu.memory_space<vmem>> -> memref<128x128xf32, #tpu.memory_space<vmem>>
      tpu.enqueue_dma source(%dma_start3A_99 : memref<128x128xf32, #tpu.memory_space<vmem>>) target(%dma_start3A_95 : memref<128x128xf32, #tpu.memory_space<hbm>>) target_semaphore(%arg11 : memref<!tpu.dma_semaphore, #tpu.memory_space<semaphore_mem>>)
    } else {
    }
    %rem3A_56 = arith.constant 78 : i32
    %rem3A_57 = arith.constant 2 : i32
    %rem3A_58 = arith.remsi %rem3A_56, %rem3A_57 : i32
    %eq3A_59 = arith.constant 0 : i32
    %eq3A_60 = arith.cmpi eq, %rem3A_58, %eq3A_59 : i32
    %convert_element_type3A_61 = arith.extui %eq3A_60 : i1 to i32
    %cond3A_62 = arith.constant 0 : i32
    %cond3A_63 = arith.cmpi ne, %convert_element_type3A_61, %cond3A_62 : i32
    scf.if %cond3A_63 {
      %dma_wait3A = arith.constant 0 : i32
      %dma_wait3A_88 = arith.constant 0 : i32
      %dma_wait3A_89 = arith.constant 0 : i32
      %dma_wait3A_90 = tpu.memref_slice %arg6[%dma_wait3A, %dma_wait3A_88, %dma_wait3A_89] : memref<3x128x128xf32, #tpu.memory_space<vmem>> -> memref<1x128x128xf32, #tpu.memory_space<vmem>>
      %dma_wait3A_91 = tpu.memref_squeeze %dma_wait3A_90 : memref<1x128x128xf32, #tpu.memory_space<vmem>> -> memref<128x128xf32, #tpu.memory_space<vmem>>
      %dma_wait3A_92 = arith.constant 0 : i32
      %dma_wait3A_93 = tpu.memref_slice %arg4[%mul3A_2, %dma_wait3A_92] : memref<327680x128xf32, #tpu.memory_space<hbm>> -> memref<128x128xf32, #tpu.memory_space<hbm>>
      %dma_wait3A_94 = arith.constant 0 : i32
      %dma_wait3A_95 = tpu.memref_slice %arg4[%mul3A_2, %dma_wait3A_94] : memref<327680x128xf32, #tpu.memory_space<hbm>> -> memref<128x128xf32, #tpu.memory_space<hbm>>
      %dma_wait3A_96 = arith.constant 0 : i32
      %dma_wait3A_97 = arith.constant 0 : i32
      %dma_wait3A_98 = tpu.memref_slice %arg6[%dma_wait3A, %dma_wait3A_96, %dma_wait3A_97] : memref<3x128x128xf32, #tpu.memory_space<vmem>> -> memref<1x128x128xf32, #tpu.memory_space<vmem>>
      %dma_wait3A_99 = tpu.memref_squeeze %dma_wait3A_98 : memref<1x128x128xf32, #tpu.memory_space<vmem>> -> memref<128x128xf32, #tpu.memory_space<vmem>>
      tpu.wait_dma2 semaphore(%arg10 : memref<!tpu.dma_semaphore, #tpu.memory_space<semaphore_mem>>) src(%dma_wait3A_99 : memref<128x128xf32, #tpu.memory_space<vmem>>) dst(%dma_wait3A_95 : memref<128x128xf32, #tpu.memory_space<hbm>>)
    } else {
    }
    %rem3A_64 = arith.constant 78 : i32
    %rem3A_65 = arith.constant 2 : i32
    %rem3A_66 = arith.remsi %rem3A_64, %rem3A_65 : i32
    %eq3A_67 = arith.constant 1 : i32
    %eq3A_68 = arith.cmpi eq, %rem3A_66, %eq3A_67 : i32
    %convert_element_type3A_69 = arith.extui %eq3A_68 : i1 to i32
    %cond3A_70 = arith.constant 0 : i32
    %cond3A_71 = arith.cmpi ne, %convert_element_type3A_69, %cond3A_70 : i32
    scf.if %cond3A_71 {
      %dma_wait3A = arith.constant 0 : i32
      %dma_wait3A_88 = arith.constant 0 : i32
      %dma_wait3A_89 = arith.constant 0 : i32
      %dma_wait3A_90 = tpu.memref_slice %arg6[%dma_wait3A, %dma_wait3A_88, %dma_wait3A_89] : memref<3x128x128xf32, #tpu.memory_space<vmem>> -> memref<1x128x128xf32, #tpu.memory_space<vmem>>
      %dma_wait3A_91 = tpu.memref_squeeze %dma_wait3A_90 : memref<1x128x128xf32, #tpu.memory_space<vmem>> -> memref<128x128xf32, #tpu.memory_space<vmem>>
      %dma_wait3A_92 = arith.constant 0 : i32
      %dma_wait3A_93 = tpu.memref_slice %arg4[%mul3A_2, %dma_wait3A_92] : memref<327680x128xf32, #tpu.memory_space<hbm>> -> memref<128x128xf32, #tpu.memory_space<hbm>>
      %dma_wait3A_94 = arith.constant 0 : i32
      %dma_wait3A_95 = tpu.memref_slice %arg4[%mul3A_2, %dma_wait3A_94] : memref<327680x128xf32, #tpu.memory_space<hbm>> -> memref<128x128xf32, #tpu.memory_space<hbm>>
      %dma_wait3A_96 = arith.constant 0 : i32
      %dma_wait3A_97 = arith.constant 0 : i32
      %dma_wait3A_98 = tpu.memref_slice %arg6[%dma_wait3A, %dma_wait3A_96, %dma_wait3A_97] : memref<3x128x128xf32, #tpu.memory_space<vmem>> -> memref<1x128x128xf32, #tpu.memory_space<vmem>>
      %dma_wait3A_99 = tpu.memref_squeeze %dma_wait3A_98 : memref<1x128x128xf32, #tpu.memory_space<vmem>> -> memref<128x128xf32, #tpu.memory_space<vmem>>
      tpu.wait_dma2 semaphore(%arg11 : memref<!tpu.dma_semaphore, #tpu.memory_space<semaphore_mem>>) src(%dma_wait3A_99 : memref<128x128xf32, #tpu.memory_space<vmem>>) dst(%dma_wait3A_95 : memref<128x128xf32, #tpu.memory_space<hbm>>)
    } else {
    }
    %rem3A_72 = arith.constant 79 : i32
    %rem3A_73 = arith.constant 2 : i32
    %rem3A_74 = arith.remsi %rem3A_72, %rem3A_73 : i32
    %eq3A_75 = arith.constant 0 : i32
    %eq3A_76 = arith.cmpi eq, %rem3A_74, %eq3A_75 : i32
    %convert_element_type3A_77 = arith.extui %eq3A_76 : i1 to i32
    %cond3A_78 = arith.constant 0 : i32
    %cond3A_79 = arith.cmpi ne, %convert_element_type3A_77, %cond3A_78 : i32
    scf.if %cond3A_79 {
      %dma_wait3A = arith.constant 0 : i32
      %dma_wait3A_88 = arith.constant 0 : i32
      %dma_wait3A_89 = arith.constant 0 : i32
      %dma_wait3A_90 = tpu.memref_slice %arg6[%dma_wait3A, %dma_wait3A_88, %dma_wait3A_89] : memref<3x128x128xf32, #tpu.memory_space<vmem>> -> memref<1x128x128xf32, #tpu.memory_space<vmem>>
      %dma_wait3A_91 = tpu.memref_squeeze %dma_wait3A_90 : memref<1x128x128xf32, #tpu.memory_space<vmem>> -> memref<128x128xf32, #tpu.memory_space<vmem>>
      %dma_wait3A_92 = arith.constant 0 : i32
      %dma_wait3A_93 = tpu.memref_slice %arg4[%mul3A_2, %dma_wait3A_92] : memref<327680x128xf32, #tpu.memory_space<hbm>> -> memref<128x128xf32, #tpu.memory_space<hbm>>
      %dma_wait3A_94 = arith.constant 0 : i32
      %dma_wait3A_95 = tpu.memref_slice %arg4[%mul3A_2, %dma_wait3A_94] : memref<327680x128xf32, #tpu.memory_space<hbm>> -> memref<128x128xf32, #tpu.memory_space<hbm>>
      %dma_wait3A_96 = arith.constant 0 : i32
      %dma_wait3A_97 = arith.constant 0 : i32
      %dma_wait3A_98 = tpu.memref_slice %arg6[%dma_wait3A, %dma_wait3A_96, %dma_wait3A_97] : memref<3x128x128xf32, #tpu.memory_space<vmem>> -> memref<1x128x128xf32, #tpu.memory_space<vmem>>
      %dma_wait3A_99 = tpu.memref_squeeze %dma_wait3A_98 : memref<1x128x128xf32, #tpu.memory_space<vmem>> -> memref<128x128xf32, #tpu.memory_space<vmem>>
      tpu.wait_dma2 semaphore(%arg10 : memref<!tpu.dma_semaphore, #tpu.memory_space<semaphore_mem>>) src(%dma_wait3A_99 : memref<128x128xf32, #tpu.memory_space<vmem>>) dst(%dma_wait3A_95 : memref<128x128xf32, #tpu.memory_space<hbm>>)
    } else {
    }
    %rem3A_80 = arith.constant 79 : i32
    %rem3A_81 = arith.constant 2 : i32
    %rem3A_82 = arith.remsi %rem3A_80, %rem3A_81 : i32
    %eq3A_83 = arith.constant 1 : i32
    %eq3A_84 = arith.cmpi eq, %rem3A_82, %eq3A_83 : i32
    %convert_element_type3A_85 = arith.extui %eq3A_84 : i1 to i32
    %cond3A_86 = arith.constant 0 : i32
    %cond3A_87 = arith.cmpi ne, %convert_element_type3A_85, %cond3A_86 : i32
    scf.if %cond3A_87 {
      %dma_wait3A = arith.constant 0 : i32
      %dma_wait3A_88 = arith.constant 0 : i32
      %dma_wait3A_89 = arith.constant 0 : i32
      %dma_wait3A_90 = tpu.memref_slice %arg6[%dma_wait3A, %dma_wait3A_88, %dma_wait3A_89] : memref<3x128x128xf32, #tpu.memory_space<vmem>> -> memref<1x128x128xf32, #tpu.memory_space<vmem>>
      %dma_wait3A_91 = tpu.memref_squeeze %dma_wait3A_90 : memref<1x128x128xf32, #tpu.memory_space<vmem>> -> memref<128x128xf32, #tpu.memory_space<vmem>>
      %dma_wait3A_92 = arith.constant 0 : i32
      %dma_wait3A_93 = tpu.memref_slice %arg4[%mul3A_2, %dma_wait3A_92] : memref<327680x128xf32, #tpu.memory_space<hbm>> -> memref<128x128xf32, #tpu.memory_space<hbm>>
      %dma_wait3A_94 = arith.constant 0 : i32
      %dma_wait3A_95 = tpu.memref_slice %arg4[%mul3A_2, %dma_wait3A_94] : memref<327680x128xf32, #tpu.memory_space<hbm>> -> memref<128x128xf32, #tpu.memory_space<hbm>>
      %dma_wait3A_96 = arith.constant 0 : i32
      %dma_wait3A_97 = arith.constant 0 : i32
      %dma_wait3A_98 = tpu.memref_slice %arg6[%dma_wait3A, %dma_wait3A_96, %dma_wait3A_97] : memref<3x128x128xf32, #tpu.memory_space<vmem>> -> memref<1x128x128xf32, #tpu.memory_space<vmem>>
      %dma_wait3A_99 = tpu.memref_squeeze %dma_wait3A_98 : memref<1x128x128xf32, #tpu.memory_space<vmem>> -> memref<128x128xf32, #tpu.memory_space<vmem>>
      tpu.wait_dma2 semaphore(%arg11 : memref<!tpu.dma_semaphore, #tpu.memory_space<semaphore_mem>>) src(%dma_wait3A_99 : memref<128x128xf32, #tpu.memory_space<vmem>>) dst(%dma_wait3A_95 : memref<128x128xf32, #tpu.memory_space<hbm>>)
    } else {
    }
    return
  }
}

#map = affine_map<(d0, d1) -> (0, 0)>
#map1 = affine_map<(d0, d1) -> (0, 0, 0)>
module attributes {stable_mosaic.version = 14 : i64} {
  func.func @_scatter_body(%arg0: i32, %arg1: i32, %arg2: memref<327680x128xf32, #tpu.memory_space<hbm>>, %arg3: memref<2560x128xi32, #tpu.memory_space<hbm>>, %arg4: memref<640x128xf32, #tpu.memory_space<hbm>>, %arg5: memref<2x10240x128xf32, #tpu.memory_space<hbm>>, %arg6: memref<80x128xi32, #tpu.memory_space<vmem>>, %arg7: memref<2x128x128xf32, #tpu.memory_space<vmem>>, %arg8: memref<10240x128xf32, #tpu.memory_space<vmem_shared>>, %arg9: memref<!tpu.dma_semaphore, #tpu.memory_space<semaphore_mem>>, %arg10: memref<!tpu.dma_semaphore, #tpu.memory_space<semaphore_mem>>) attributes {dimension_semantics = [#tpu.dimension_semantics<core_parallel>, #tpu.dimension_semantics<subcore_parallel>], iteration_bounds = array<i64: 2, 16>, scalar_prefetch = 0 : i64, scratch_operands = 5 : i64, tpu.core_type = #tpu.core_type<sc_vector_subcore>, window_params = [{transform_indices = #map}, {transform_indices = #map}, {transform_indices = #map}, {transform_indices = #map1}]} {
    %mul3A = arith.constant 2 : i32
    %mul3A_0 = arith.muli %arg1, %mul3A : i32
    %add3A = arith.addi %mul3A_0, %arg0 : i32
    %mul3A_1 = arith.constant 10240 : i32
    %mul3A_2 = arith.muli %add3A, %mul3A_1 : i32
    %mul3A_3 = arith.constant 80 : i32
    %mul3A_4 = arith.muli %add3A, %mul3A_3 : i32
    "tpu.region"() ({
      %run_scoped3A = tpu.sem_alloc : memref<!tpu.dma_semaphore, #tpu.memory_space<semaphore_mem>>
      %dma_start3A_41 = arith.constant 0 : i32
      %dma_start3A_42 = tpu.memref_slice %arg3[%mul3A_4, %dma_start3A_41] : memref<2560x128xi32, #tpu.memory_space<hbm>> -> memref<80x128xi32, #tpu.memory_space<hbm>>
      %dma_start3A_43 = arith.constant 0 : i32
      %dma_start3A_44 = tpu.memref_slice %arg3[%mul3A_4, %dma_start3A_43] : memref<2560x128xi32, #tpu.memory_space<hbm>> -> memref<80x128xi32, #tpu.memory_space<hbm>>
      tpu.enqueue_dma source(%dma_start3A_44 : memref<80x128xi32, #tpu.memory_space<hbm>>) target(%arg6 : memref<80x128xi32, #tpu.memory_space<vmem>>) target_semaphore(%run_scoped3A : memref<!tpu.dma_semaphore, #tpu.memory_space<semaphore_mem>>)
      %dma_wait3A_45 = arith.constant 0 : i32
      %dma_wait3A_46 = tpu.memref_slice %arg3[%mul3A_4, %dma_wait3A_45] : memref<2560x128xi32, #tpu.memory_space<hbm>> -> memref<80x128xi32, #tpu.memory_space<hbm>>
      %dma_wait3A_47 = arith.constant 0 : i32
      %dma_wait3A_48 = tpu.memref_slice %arg3[%mul3A_4, %dma_wait3A_47] : memref<2560x128xi32, #tpu.memory_space<hbm>> -> memref<80x128xi32, #tpu.memory_space<hbm>>
      tpu.wait_dma2 semaphore(%run_scoped3A : memref<!tpu.dma_semaphore, #tpu.memory_space<semaphore_mem>>) src(%dma_wait3A_48 : memref<80x128xi32, #tpu.memory_space<hbm>>) dst(%arg6 : memref<80x128xi32, #tpu.memory_space<vmem>>)
      tpu.yield
    }) : () -> ()
    %mul3A_5 = arith.constant 640 : i32
    %mul3A_6 = arith.muli %arg1, %mul3A_5 : i32
    "tpu.region"() ({
      %run_scoped3A = tpu.sem_alloc : memref<!tpu.dma_semaphore, #tpu.memory_space<semaphore_mem>>
      %dma_start3A_41 = arith.constant 0 : i32
      %dma_start3A_42 = tpu.memref_slice %arg8[%mul3A_6, %dma_start3A_41] : memref<10240x128xf32, #tpu.memory_space<vmem_shared>> -> memref<640x128xf32, #tpu.memory_space<vmem_shared>>
      tpu.enqueue_dma source(%arg4 : memref<640x128xf32, #tpu.memory_space<hbm>>) target(%dma_start3A_42 : memref<640x128xf32, #tpu.memory_space<vmem_shared>>) target_semaphore(%run_scoped3A : memref<!tpu.dma_semaphore, #tpu.memory_space<semaphore_mem>>)
      %dma_wait3A_43 = arith.constant 0 : i32
      %dma_wait3A_44 = tpu.memref_slice %arg8[%mul3A_6, %dma_wait3A_43] : memref<10240x128xf32, #tpu.memory_space<vmem_shared>> -> memref<640x128xf32, #tpu.memory_space<vmem_shared>>
      tpu.wait_dma2 semaphore(%run_scoped3A : memref<!tpu.dma_semaphore, #tpu.memory_space<semaphore_mem>>) src(%arg4 : memref<640x128xf32, #tpu.memory_space<hbm>>) dst(%dma_wait3A_44 : memref<640x128xf32, #tpu.memory_space<vmem_shared>>)
      tpu.yield
    }) : () -> ()
    %barrier3A = arith.constant 0 : index
    tpu.barrier barrier_id(%barrier3A)
    %add3A_7 = arith.constant 0 : i32
    %add3A_8 = arith.addi %mul3A_2, %add3A_7 : i32
    %dma_start3A = arith.constant 0 : i32
    %dma_start3A_9 = arith.constant 0 : i32
    %dma_start3A_10 = arith.constant 0 : i32
    %dma_start3A_11 = tpu.memref_slice %arg7[%dma_start3A, %dma_start3A_9, %dma_start3A_10] : memref<2x128x128xf32, #tpu.memory_space<vmem>> -> memref<1x128x128xf32, #tpu.memory_space<vmem>>
    %dma_start3A_12 = tpu.memref_squeeze %dma_start3A_11 : memref<1x128x128xf32, #tpu.memory_space<vmem>> -> memref<128x128xf32, #tpu.memory_space<vmem>>
    %dma_start3A_13 = arith.constant 0 : i32
    %dma_start3A_14 = tpu.memref_slice %arg2[%add3A_8, %dma_start3A_13] : memref<327680x128xf32, #tpu.memory_space<hbm>> -> memref<128x128xf32, #tpu.memory_space<hbm>>
    %dma_start3A_15 = arith.constant 0 : i32
    %dma_start3A_16 = arith.constant 0 : i32
    %dma_start3A_17 = tpu.memref_slice %arg7[%dma_start3A, %dma_start3A_15, %dma_start3A_16] : memref<2x128x128xf32, #tpu.memory_space<vmem>> -> memref<1x128x128xf32, #tpu.memory_space<vmem>>
    %dma_start3A_18 = tpu.memref_squeeze %dma_start3A_17 : memref<1x128x128xf32, #tpu.memory_space<vmem>> -> memref<128x128xf32, #tpu.memory_space<vmem>>
    %dma_start3A_19 = arith.constant 0 : i32
    %dma_start3A_20 = tpu.memref_slice %arg2[%add3A_8, %dma_start3A_19] : memref<327680x128xf32, #tpu.memory_space<hbm>> -> memref<128x128xf32, #tpu.memory_space<hbm>>
    tpu.enqueue_dma source(%dma_start3A_20 : memref<128x128xf32, #tpu.memory_space<hbm>>) target(%dma_start3A_18 : memref<128x128xf32, #tpu.memory_space<vmem>>) target_semaphore(%arg9 : memref<!tpu.dma_semaphore, #tpu.memory_space<semaphore_mem>>)
    %scan3A = arith.constant 0 : i32
    %scan3A_21 = arith.constant 80 : i32
    %scan3A_22 = arith.addi %scan3A, %scan3A_21 : i32
    %scan3A_23 = arith.constant 1 : i32
    scf.for %scan3A_41 = %scan3A to %scan3A_22 step %scan3A_23  : i32 {
      %mul3A_42 = arith.constant 1 : i32
      %mul3A_43 = arith.muli %scan3A_41, %mul3A_42 : i32
      %add3A_44 = arith.constant 0 : i32
      %add3A_45 = arith.addi %add3A_44, %mul3A_43 : i32
      %rem3A = arith.constant 2 : i32
      %rem3A_46 = arith.remsi %add3A_45, %rem3A : i32
      %dma_wait3A_47 = arith.constant 0 : i32
      %dma_wait3A_48 = arith.constant 0 : i32
      %dma_wait3A_49 = arith.constant 0 : i32
      %dma_wait3A_50 = tpu.memref_slice %arg7[%dma_wait3A_47, %dma_wait3A_48, %dma_wait3A_49] : memref<2x128x128xf32, #tpu.memory_space<vmem>> -> memref<1x128x128xf32, #tpu.memory_space<vmem>>
      %dma_wait3A_51 = tpu.memref_squeeze %dma_wait3A_50 : memref<1x128x128xf32, #tpu.memory_space<vmem>> -> memref<128x128xf32, #tpu.memory_space<vmem>>
      %dma_wait3A_52 = arith.constant 0 : i32
      %dma_wait3A_53 = tpu.memref_slice %arg2[%mul3A_2, %dma_wait3A_52] : memref<327680x128xf32, #tpu.memory_space<hbm>> -> memref<128x128xf32, #tpu.memory_space<hbm>>
      %dma_wait3A_54 = arith.constant 0 : i32
      %dma_wait3A_55 = arith.constant 0 : i32
      %dma_wait3A_56 = tpu.memref_slice %arg7[%dma_wait3A_47, %dma_wait3A_54, %dma_wait3A_55] : memref<2x128x128xf32, #tpu.memory_space<vmem>> -> memref<1x128x128xf32, #tpu.memory_space<vmem>>
      %dma_wait3A_57 = tpu.memref_squeeze %dma_wait3A_56 : memref<1x128x128xf32, #tpu.memory_space<vmem>> -> memref<128x128xf32, #tpu.memory_space<vmem>>
      %dma_wait3A_58 = arith.constant 0 : i32
      %dma_wait3A_59 = tpu.memref_slice %arg2[%mul3A_2, %dma_wait3A_58] : memref<327680x128xf32, #tpu.memory_space<hbm>> -> memref<128x128xf32, #tpu.memory_space<hbm>>
      tpu.wait_dma2 semaphore(%arg9 : memref<!tpu.dma_semaphore, #tpu.memory_space<semaphore_mem>>) src(%dma_wait3A_59 : memref<128x128xf32, #tpu.memory_space<hbm>>) dst(%dma_wait3A_57 : memref<128x128xf32, #tpu.memory_space<vmem>>)
      %ge3A = arith.constant 1 : i32
      %ge3A_60 = arith.cmpi sge, %add3A_45, %ge3A : i32
      %convert_element_type3A = arith.extui %ge3A_60 : i1 to i32
      %cond3A = arith.constant 0 : i32
      %cond3A_61 = arith.cmpi ne, %convert_element_type3A, %cond3A : i32
      scf.if %cond3A_61 {
        %dma_wait3A_76 = arith.constant 0 : i32
        %dma_wait3A_77 = arith.constant 0 : i32
        %dma_wait3A_78 = arith.constant 0 : i32
        %dma_wait3A_79 = arith.constant 0 : i32
        %dma_wait3A_80 = tpu.memref_slice %arg7[%dma_wait3A_76, %dma_wait3A_78, %dma_wait3A_79] : memref<2x128x128xf32, #tpu.memory_space<vmem>> -> memref<1x128x128xf32, #tpu.memory_space<vmem>>
        %dma_wait3A_81 = tpu.memref_squeeze %dma_wait3A_80 : memref<1x128x128xf32, #tpu.memory_space<vmem>> -> memref<128x128xf32, #tpu.memory_space<vmem>>
        %dma_wait3A_82 = arith.constant 0 : i32
        %dma_wait3A_83 = tpu.memref_slice %arg6[%dma_wait3A_77, %dma_wait3A_82] : memref<80x128xi32, #tpu.memory_space<vmem>> -> memref<1x128xi32, #tpu.memory_space<vmem>>
        %dma_wait3A_84 = tpu.memref_squeeze %dma_wait3A_83 : memref<1x128xi32, #tpu.memory_space<vmem>> -> memref<128xi32, #tpu.memory_space<vmem>>
        %dma_wait3A_85 = arith.constant 0 : i32
        %dma_wait3A_86 = arith.constant 0 : i32
        %dma_wait3A_87 = tpu.memref_slice %arg8[%dma_wait3A_85, %dma_wait3A_86] : memref<10240x128xf32, #tpu.memory_space<vmem_shared>> -> memref<10240x128xf32, #tpu.memory_space<vmem_shared>>
        tpu.wait_indirect_dma semaphore(%arg10 : memref<!tpu.dma_semaphore, #tpu.memory_space<semaphore_mem>>) src(%dma_wait3A_81 : memref<128x128xf32, #tpu.memory_space<vmem>>) dst(%dma_wait3A_87 : memref<10240x128xf32, #tpu.memory_space<vmem_shared>>)
      } else {
      }
      %dma_start3A_62 = arith.constant 0 : i32
      %dma_start3A_63 = arith.constant 0 : i32
      %dma_start3A_64 = tpu.memref_slice %arg7[%rem3A_46, %dma_start3A_62, %dma_start3A_63] : memref<2x128x128xf32, #tpu.memory_space<vmem>> -> memref<1x128x128xf32, #tpu.memory_space<vmem>>
      %dma_start3A_65 = tpu.memref_squeeze %dma_start3A_64 : memref<1x128x128xf32, #tpu.memory_space<vmem>> -> memref<128x128xf32, #tpu.memory_space<vmem>>
      %dma_start3A_66 = arith.constant 0 : i32
      %dma_start3A_67 = tpu.memref_slice %arg6[%add3A_45, %dma_start3A_66] : memref<80x128xi32, #tpu.memory_space<vmem>> -> memref<1x128xi32, #tpu.memory_space<vmem>>
      %dma_start3A_68 = tpu.memref_squeeze %dma_start3A_67 : memref<1x128xi32, #tpu.memory_space<vmem>> -> memref<128xi32, #tpu.memory_space<vmem>>
      %dma_start3A_69 = arith.constant 0 : i32
      %dma_start3A_70 = arith.constant 0 : i32
      %dma_start3A_71 = tpu.memref_slice %arg8[%dma_start3A_69, %dma_start3A_70] : memref<10240x128xf32, #tpu.memory_space<vmem_shared>> -> memref<10240x128xf32, #tpu.memory_space<vmem_shared>>
      tpu.enqueue_indirect_dma source(%dma_start3A_65 : memref<128x128xf32, #tpu.memory_space<vmem>>) target(%dma_start3A_71 : memref<10240x128xf32, #tpu.memory_space<vmem_shared>>) offsets(%dma_start3A_68 : memref<128xi32, #tpu.memory_space<vmem>>) semaphore(%arg10 : memref<!tpu.dma_semaphore, #tpu.memory_space<semaphore_mem>>) {add = true}
      %le3A = arith.constant 78 : i32
      %le3A_72 = arith.cmpi sle, %add3A_45, %le3A : i32
      %convert_element_type3A_73 = arith.extui %le3A_72 : i1 to i32
      %cond3A_74 = arith.constant 0 : i32
      %cond3A_75 = arith.cmpi ne, %convert_element_type3A_73, %cond3A_74 : i32
      scf.if %cond3A_75 {
        %add3A_76 = arith.constant 1 : i32
        %add3A_77 = arith.addi %add3A_45, %add3A_76 : i32
        %sub3A = arith.constant 1 : i32
        %sub3A_78 = arith.subi %sub3A, %rem3A_46 : i32
        %mul3A_79 = arith.constant 128 : i32
        %mul3A_80 = arith.muli %add3A_77, %mul3A_79 : i32
        %add3A_81 = arith.addi %mul3A_2, %mul3A_80 : i32
        %dma_start3A_82 = arith.constant 0 : i32
        %dma_start3A_83 = arith.constant 0 : i32
        %dma_start3A_84 = tpu.memref_slice %arg7[%sub3A_78, %dma_start3A_82, %dma_start3A_83] : memref<2x128x128xf32, #tpu.memory_space<vmem>> -> memref<1x128x128xf32, #tpu.memory_space<vmem>>
        %dma_start3A_85 = tpu.memref_squeeze %dma_start3A_84 : memref<1x128x128xf32, #tpu.memory_space<vmem>> -> memref<128x128xf32, #tpu.memory_space<vmem>>
        %dma_start3A_86 = arith.constant 0 : i32
        %dma_start3A_87 = tpu.memref_slice %arg2[%add3A_81, %dma_start3A_86] : memref<327680x128xf32, #tpu.memory_space<hbm>> -> memref<128x128xf32, #tpu.memory_space<hbm>>
        %dma_start3A_88 = arith.constant 0 : i32
        %dma_start3A_89 = arith.constant 0 : i32
        %dma_start3A_90 = tpu.memref_slice %arg7[%sub3A_78, %dma_start3A_88, %dma_start3A_89] : memref<2x128x128xf32, #tpu.memory_space<vmem>> -> memref<1x128x128xf32, #tpu.memory_space<vmem>>
        %dma_start3A_91 = tpu.memref_squeeze %dma_start3A_90 : memref<1x128x128xf32, #tpu.memory_space<vmem>> -> memref<128x128xf32, #tpu.memory_space<vmem>>
        %dma_start3A_92 = arith.constant 0 : i32
        %dma_start3A_93 = tpu.memref_slice %arg2[%add3A_81, %dma_start3A_92] : memref<327680x128xf32, #tpu.memory_space<hbm>> -> memref<128x128xf32, #tpu.memory_space<hbm>>
        tpu.enqueue_dma source(%dma_start3A_93 : memref<128x128xf32, #tpu.memory_space<hbm>>) target(%dma_start3A_91 : memref<128x128xf32, #tpu.memory_space<vmem>>) target_semaphore(%arg9 : memref<!tpu.dma_semaphore, #tpu.memory_space<semaphore_mem>>)
      } else {
      }
    }
    %scan3A_24 = arith.constant 80 : i32
    %dma_wait3A = arith.constant 0 : i32
    %dma_wait3A_25 = arith.constant 0 : i32
    %dma_wait3A_26 = arith.constant 0 : i32
    %dma_wait3A_27 = arith.constant 0 : i32
    %dma_wait3A_28 = tpu.memref_slice %arg7[%dma_wait3A, %dma_wait3A_26, %dma_wait3A_27] : memref<2x128x128xf32, #tpu.memory_space<vmem>> -> memref<1x128x128xf32, #tpu.memory_space<vmem>>
    %dma_wait3A_29 = tpu.memref_squeeze %dma_wait3A_28 : memref<1x128x128xf32, #tpu.memory_space<vmem>> -> memref<128x128xf32, #tpu.memory_space<vmem>>
    %dma_wait3A_30 = arith.constant 0 : i32
    %dma_wait3A_31 = tpu.memref_slice %arg6[%dma_wait3A_25, %dma_wait3A_30] : memref<80x128xi32, #tpu.memory_space<vmem>> -> memref<1x128xi32, #tpu.memory_space<vmem>>
    %dma_wait3A_32 = tpu.memref_squeeze %dma_wait3A_31 : memref<1x128xi32, #tpu.memory_space<vmem>> -> memref<128xi32, #tpu.memory_space<vmem>>
    %dma_wait3A_33 = arith.constant 0 : i32
    %dma_wait3A_34 = arith.constant 0 : i32
    %dma_wait3A_35 = tpu.memref_slice %arg8[%dma_wait3A_33, %dma_wait3A_34] : memref<10240x128xf32, #tpu.memory_space<vmem_shared>> -> memref<10240x128xf32, #tpu.memory_space<vmem_shared>>
    tpu.wait_indirect_dma semaphore(%arg10 : memref<!tpu.dma_semaphore, #tpu.memory_space<semaphore_mem>>) src(%dma_wait3A_29 : memref<128x128xf32, #tpu.memory_space<vmem>>) dst(%dma_wait3A_35 : memref<10240x128xf32, #tpu.memory_space<vmem_shared>>)
    %barrier3A_36 = arith.constant 0 : index
    tpu.barrier barrier_id(%barrier3A_36)
    %mul3A_37 = arith.constant 640 : i32
    %mul3A_38 = arith.muli %arg1, %mul3A_37 : i32
    %mul3A_39 = arith.constant 640 : i32
    %mul3A_40 = arith.muli %arg1, %mul3A_39 : i32
    "tpu.region"() ({
      %run_scoped3A = tpu.sem_alloc : memref<!tpu.dma_semaphore, #tpu.memory_space<semaphore_mem>>
      %dma_start3A_41 = arith.constant 0 : i32
      %dma_start3A_42 = tpu.memref_slice %arg5[%arg0, %mul3A_40, %dma_start3A_41] : memref<2x10240x128xf32, #tpu.memory_space<hbm>> -> memref<1x640x128xf32, #tpu.memory_space<hbm>>
      %dma_start3A_43 = tpu.memref_squeeze %dma_start3A_42 : memref<1x640x128xf32, #tpu.memory_space<hbm>> -> memref<640x128xf32, #tpu.memory_space<hbm>>
      %dma_start3A_44 = arith.constant 0 : i32
      %dma_start3A_45 = tpu.memref_slice %arg8[%mul3A_38, %dma_start3A_44] : memref<10240x128xf32, #tpu.memory_space<vmem_shared>> -> memref<640x128xf32, #tpu.memory_space<vmem_shared>>
      tpu.enqueue_dma source(%dma_start3A_45 : memref<640x128xf32, #tpu.memory_space<vmem_shared>>) target(%dma_start3A_43 : memref<640x128xf32, #tpu.memory_space<hbm>>) target_semaphore(%run_scoped3A : memref<!tpu.dma_semaphore, #tpu.memory_space<semaphore_mem>>)
      %dma_wait3A_46 = arith.constant 0 : i32
      %dma_wait3A_47 = tpu.memref_slice %arg5[%arg0, %mul3A_40, %dma_wait3A_46] : memref<2x10240x128xf32, #tpu.memory_space<hbm>> -> memref<1x640x128xf32, #tpu.memory_space<hbm>>
      %dma_wait3A_48 = tpu.memref_squeeze %dma_wait3A_47 : memref<1x640x128xf32, #tpu.memory_space<hbm>> -> memref<640x128xf32, #tpu.memory_space<hbm>>
      %dma_wait3A_49 = arith.constant 0 : i32
      %dma_wait3A_50 = tpu.memref_slice %arg8[%mul3A_38, %dma_wait3A_49] : memref<10240x128xf32, #tpu.memory_space<vmem_shared>> -> memref<640x128xf32, #tpu.memory_space<vmem_shared>>
      tpu.wait_dma2 semaphore(%run_scoped3A : memref<!tpu.dma_semaphore, #tpu.memory_space<semaphore_mem>>) src(%dma_wait3A_50 : memref<640x128xf32, #tpu.memory_space<vmem_shared>>) dst(%dma_wait3A_48 : memref<640x128xf32, #tpu.memory_space<hbm>>)
      tpu.yield
    }) : () -> ()
    return
  }
}

module attributes {stable_mosaic.version = 14 : i64} {
  func.func @_ab_body(%arg0: i32, %arg1: memref<1024x128xf32, #tpu.memory_space<vmem>>, %arg2: memref<128x128xf32, #tpu.memory_space<vmem>>, %arg3: memref<128x128xf32, #tpu.memory_space<vmem>>, %arg4: memref<1x128xf32, #tpu.memory_space<vmem>>, %arg5: memref<2x1024x128xf32, #tpu.memory_space<vmem>>) attributes {dimension_semantics = [#tpu.dimension_semantics<arbitrary>], iteration_bounds = array<i64: 10>, scalar_prefetch = 0 : i64, scratch_operands = 0 : i64, tpu.core_type = #tpu.core_type<tc>, window_params = [{transform_indices = @transform_0, window_bounds = array<i64: 1024, 128>}, {pipeline_mode = #tpu.pipeline_mode<synchronous>, transform_indices = @transform_1, window_bounds = array<i64: 128, 128>}, {pipeline_mode = #tpu.pipeline_mode<synchronous>, transform_indices = @transform_2, window_bounds = array<i64: 128, 128>}, {pipeline_mode = #tpu.pipeline_mode<synchronous>, transform_indices = @transform_3, window_bounds = array<i64: 1, 128>}, {transform_indices = @transform_4, window_bounds = array<i64: 2, 1024, 128>}]} {
    %get3A = arith.constant 0 : index
    %get3A_0 = arith.constant 0 : index
    %get3A_1 = vector.load %arg1[%get3A, %get3A_0] : memref<1024x128xf32, #tpu.memory_space<vmem>>, vector<1024x128xf32>
    %get3A_2 = arith.constant 0 : index
    %get3A_3 = arith.constant 0 : index
    %get3A_4 = vector.load %arg2[%get3A_2, %get3A_3] : memref<128x128xf32, #tpu.memory_space<vmem>>, vector<128x128xf32>
    %dot_general3A = arith.constant dense<0.000000e+00> : vector<1024x128xf32>
    %dot_general3A_5 = tpu.matmul %get3A_1, %get3A_4, %dot_general3A {dimension_numbers = #tpu.dot_dimension_numbers<[1], [0], [0], [1], [0, 0, 1, 1], [], []>, transpose_lhs_hint = false} : vector<1024x128xf32>, vector<128x128xf32>, vector<1024x128xf32> -> vector<1024x128xf32>
    %get3A_6 = arith.constant 0 : index
    %get3A_7 = arith.constant 0 : index
    %get3A_8 = vector.load %arg4[%get3A_6, %get3A_7] : memref<1x128xf32, #tpu.memory_space<vmem>>, vector<1x128xf32>
    %add3A = vector.broadcast %get3A_8 : vector<1x128xf32> to vector<1024x128xf32>
    %add3A_9 = arith.addf %dot_general3A_5, %add3A : vector<1024x128xf32>
    %swap3A = arith.constant 0 : index
    %swap3A_10 = arith.constant 0 : index
    %swap3A_11 = arith.constant 0 : index
    %swap3A_12 = vector.load %arg5[%swap3A, %swap3A_10, %swap3A_11] : memref<2x1024x128xf32, #tpu.memory_space<vmem>>, vector<1x1024x128xf32>
    %swap3A_13 = vector.shape_cast %swap3A_12 : vector<1x1024x128xf32> to vector<1024x128xf32>
    %swap3A_14 = vector.shape_cast %add3A_9 : vector<1024x128xf32> to vector<1x1024x128xf32>
    tpu.vector_store %arg5[%swap3A, %swap3A_10, %swap3A_11], %swap3A_14 {strides = array<i32>} : memref<2x1024x128xf32, #tpu.memory_space<vmem>>, vector<1x1024x128xf32>,
    %get3A_15 = arith.constant 0 : index
    %get3A_16 = arith.constant 0 : index
    %get3A_17 = vector.load %arg3[%get3A_15, %get3A_16] : memref<128x128xf32, #tpu.memory_space<vmem>>, vector<128x128xf32>
    %dot_general3A_18 = arith.constant dense<0.000000e+00> : vector<1024x128xf32>
    %dot_general3A_19 = tpu.matmul %get3A_1, %get3A_17, %dot_general3A_18 {dimension_numbers = #tpu.dot_dimension_numbers<[1], [0], [0], [1], [0, 0, 1, 1], [], []>, transpose_lhs_hint = false} : vector<1024x128xf32>, vector<128x128xf32>, vector<1024x128xf32> -> vector<1024x128xf32>
    %swap3A_20 = arith.constant 1 : index
    %swap3A_21 = arith.constant 0 : index
    %swap3A_22 = arith.constant 0 : index
    %swap3A_23 = vector.load %arg5[%swap3A_20, %swap3A_21, %swap3A_22] : memref<2x1024x128xf32, #tpu.memory_space<vmem>>, vector<1x1024x128xf32>
    %swap3A_24 = vector.shape_cast %swap3A_23 : vector<1x1024x128xf32> to vector<1024x128xf32>
    %swap3A_25 = vector.shape_cast %dot_general3A_19 : vector<1024x128xf32> to vector<1x1024x128xf32>
    tpu.vector_store %arg5[%swap3A_20, %swap3A_21, %swap3A_22], %swap3A_25 {strides = array<i32>} : memref<2x1024x128xf32, #tpu.memory_space<vmem>>, vector<1x1024x128xf32>,
    return
  }
  func.func @transform_0(%arg0: i32) -> (i32, i32) {
    %c0_i32 = arith.constant 0 : i32
    %c0_i32_0 = arith.constant 0 : i32
    return %arg0, %c0_i32 : i32, i32
  }
  func.func @transform_1(%arg0: i32) -> (i32, i32) {
    %c0_i32 = arith.constant 0 : i32
    %c0_i32_0 = arith.constant 0 : i32
    %c0_i32_1 = arith.constant 0 : i32
    return %c0_i32, %c0_i32_0 : i32, i32
  }
  func.func @transform_2(%arg0: i32) -> (i32, i32) {
    %c0_i32 = arith.constant 0 : i32
    %c0_i32_0 = arith.constant 0 : i32
    %c0_i32_1 = arith.constant 0 : i32
    return %c0_i32, %c0_i32_0 : i32, i32
  }
  func.func @transform_3(%arg0: i32) -> (i32, i32) {
    %c0_i32 = arith.constant 0 : i32
    %c0_i32_0 = arith.constant 0 : i32
    %c0_i32_1 = arith.constant 0 : i32
    return %c0_i32, %c0_i32_0 : i32, i32
  }
  func.func @transform_4(%arg0: i32) -> (i32, i32, i32) {
    %c0_i32 = arith.constant 0 : i32
    %c0_i32_0 = arith.constant 0 : i32
    %c0_i32_1 = arith.constant 0 : i32
    return %c0_i32, %arg0, %c0_i32_0 : i32, i32, i32
  }
}

module attributes {stable_mosaic.version = 14 : i64} {
  func.func @_proj_body(%arg0: i32, %arg1: memref<1024x128xf32, #tpu.memory_space<vmem>>, %arg2: memref<128x128xf32, #tpu.memory_space<vmem>>, %arg3: memref<1x128xf32, #tpu.memory_space<vmem>>, %arg4: memref<1024x128xf32, #tpu.memory_space<vmem>>) attributes {dimension_semantics = [#tpu.dimension_semantics<arbitrary>], iteration_bounds = array<i64: 10>, scalar_prefetch = 0 : i64, scratch_operands = 0 : i64, tpu.core_type = #tpu.core_type<tc>, window_params = [{transform_indices = @transform_0, window_bounds = array<i64: 1024, 128>}, {pipeline_mode = #tpu.pipeline_mode<synchronous>, transform_indices = @transform_1, window_bounds = array<i64: 128, 128>}, {pipeline_mode = #tpu.pipeline_mode<synchronous>, transform_indices = @transform_2, window_bounds = array<i64: 1, 128>}, {transform_indices = @transform_3, window_bounds = array<i64: 1024, 128>}]} {
    %get3A = arith.constant 0 : index
    %get3A_0 = arith.constant 0 : index
    %get3A_1 = vector.load %arg1[%get3A, %get3A_0] : memref<1024x128xf32, #tpu.memory_space<vmem>>, vector<1024x128xf32>
    %get3A_2 = arith.constant 0 : index
    %get3A_3 = arith.constant 0 : index
    %get3A_4 = vector.load %arg2[%get3A_2, %get3A_3] : memref<128x128xf32, #tpu.memory_space<vmem>>, vector<128x128xf32>
    %dot_general3A = arith.constant dense<0.000000e+00> : vector<1024x128xf32>
    %dot_general3A_5 = tpu.matmul %get3A_1, %get3A_4, %dot_general3A {dimension_numbers = #tpu.dot_dimension_numbers<[1], [0], [0], [1], [0, 0, 1, 1], [], []>, transpose_lhs_hint = false} : vector<1024x128xf32>, vector<128x128xf32>, vector<1024x128xf32> -> vector<1024x128xf32>
    %get3A_6 = arith.constant 0 : index
    %get3A_7 = arith.constant 0 : index
    %get3A_8 = vector.load %arg3[%get3A_6, %get3A_7] : memref<1x128xf32, #tpu.memory_space<vmem>>, vector<1x128xf32>
    %add3A = vector.broadcast %get3A_8 : vector<1x128xf32> to vector<1024x128xf32>
    %add3A_9 = arith.addf %dot_general3A_5, %add3A : vector<1024x128xf32>
    %swap3A = arith.constant 0 : index
    %swap3A_10 = arith.constant 0 : index
    %swap3A_11 = vector.load %arg4[%swap3A, %swap3A_10] : memref<1024x128xf32, #tpu.memory_space<vmem>>, vector<1024x128xf32>
    tpu.vector_store %arg4[%swap3A, %swap3A_10], %add3A_9 {strides = array<i32>} : memref<1024x128xf32, #tpu.memory_space<vmem>>, vector<1024x128xf32>,
    return
  }
  func.func @transform_0(%arg0: i32) -> (i32, i32) {
    %c0_i32 = arith.constant 0 : i32
    %c0_i32_0 = arith.constant 0 : i32
    return %arg0, %c0_i32 : i32, i32
  }
  func.func @transform_1(%arg0: i32) -> (i32, i32) {
    %c0_i32 = arith.constant 0 : i32
    %c0_i32_0 = arith.constant 0 : i32
    %c0_i32_1 = arith.constant 0 : i32
    return %c0_i32, %c0_i32_0 : i32, i32
  }
  func.func @transform_2(%arg0: i32) -> (i32, i32) {
    %c0_i32 = arith.constant 0 : i32
    %c0_i32_0 = arith.constant 0 : i32
    %c0_i32_1 = arith.constant 0 : i32
    return %c0_i32, %c0_i32_0 : i32, i32
  }
  func.func @transform_3(%arg0: i32) -> (i32, i32) {
    %c0_i32 = arith.constant 0 : i32
    %c0_i32_0 = arith.constant 0 : i32
    return %arg0, %c0_i32 : i32, i32
  }
}

module attributes {stable_mosaic.version = 14 : i64} {
  func.func @_edge_body(%arg0: i32, %arg1: memref<1024x128xf32, #tpu.memory_space<vmem>>, %arg2: memref<1024x16xf32, #tpu.memory_space<vmem>>, %arg3: memref<16x128xf32, #tpu.memory_space<vmem>>, %arg4: memref<128x128xf32, #tpu.memory_space<vmem>>, %arg5: memref<1x128xf32, #tpu.memory_space<vmem>>, %arg6: memref<1024x128xf32, #tpu.memory_space<vmem>>) attributes {dimension_semantics = [#tpu.dimension_semantics<arbitrary>], iteration_bounds = array<i64: 320>, scalar_prefetch = 0 : i64, scratch_operands = 0 : i64, tpu.core_type = #tpu.core_type<tc>, window_params = [{transform_indices = @transform_0, window_bounds = array<i64: 1024, 128>}, {transform_indices = @transform_1, window_bounds = array<i64: 1024, 16>}, {pipeline_mode = #tpu.pipeline_mode<synchronous>, transform_indices = @transform_2, window_bounds = array<i64: 16, 128>}, {pipeline_mode = #tpu.pipeline_mode<synchronous>, transform_indices = @transform_3, window_bounds = array<i64: 128, 128>}, {pipeline_mode = #tpu.pipeline_mode<synchronous>, transform_indices = @transform_4, window_bounds = array<i64: 1, 128>}, {transform_indices = @transform_5, window_bounds = array<i64: 1024, 128>}]} {
    %get3A = arith.constant 0 : index
    %get3A_0 = arith.constant 0 : index
    %get3A_1 = vector.load %arg1[%get3A, %get3A_0] : memref<1024x128xf32, #tpu.memory_space<vmem>>, vector<1024x128xf32>
    %get3A_2 = arith.constant 0 : index
    %get3A_3 = arith.constant 0 : index
    %get3A_4 = vector.load %arg2[%get3A_2, %get3A_3] : memref<1024x16xf32, #tpu.memory_space<vmem>>, vector<1024x16xf32>
    %get3A_5 = arith.constant 0 : index
    %get3A_6 = arith.constant 0 : index
    %get3A_7 = vector.load %arg3[%get3A_5, %get3A_6] : memref<16x128xf32, #tpu.memory_space<vmem>>, vector<16x128xf32>
    %dot_general3A = arith.constant dense<0.000000e+00> : vector<1024x128xf32>
    %dot_general3A_8 = tpu.matmul %get3A_4, %get3A_7, %dot_general3A {dimension_numbers = #tpu.dot_dimension_numbers<[1], [0], [0], [1], [0, 0, 1, 1], [], []>, transpose_lhs_hint = false} : vector<1024x16xf32>, vector<16x128xf32>, vector<1024x128xf32> -> vector<1024x128xf32>
    %add3A = arith.addf %get3A_1, %dot_general3A_8 : vector<1024x128xf32>
    %max3A = arith.constant 0.000000e+00 : f32
    %max3A_9 = vector.broadcast %max3A : f32 to vector<1024x128xf32>
    %max3A_10 = arith.maximumf %add3A, %max3A_9 : vector<1024x128xf32>
    %get3A_11 = arith.constant 0 : index
    %get3A_12 = arith.constant 0 : index
    %get3A_13 = vector.load %arg4[%get3A_11, %get3A_12] : memref<128x128xf32, #tpu.memory_space<vmem>>, vector<128x128xf32>
    %dot_general3A_14 = arith.constant dense<0.000000e+00> : vector<1024x128xf32>
    %dot_general3A_15 = tpu.matmul %max3A_10, %get3A_13, %dot_general3A_14 {dimension_numbers = #tpu.dot_dimension_numbers<[1], [0], [0], [1], [0, 0, 1, 1], [], []>, transpose_lhs_hint = false} : vector<1024x128xf32>, vector<128x128xf32>, vector<1024x128xf32> -> vector<1024x128xf32>
    %get3A_16 = arith.constant 0 : index
    %get3A_17 = arith.constant 0 : index
    %get3A_18 = vector.load %arg5[%get3A_16, %get3A_17] : memref<1x128xf32, #tpu.memory_space<vmem>>, vector<1x128xf32>
    %add3A_19 = vector.broadcast %get3A_18 : vector<1x128xf32> to vector<1024x128xf32>
    %add3A_20 = arith.addf %dot_general3A_15, %add3A_19 : vector<1024x128xf32>
    %max3A_21 = arith.constant 0.000000e+00 : f32
    %max3A_22 = vector.broadcast %max3A_21 : f32 to vector<1024x128xf32>
    %max3A_23 = arith.maximumf %add3A_20, %max3A_22 : vector<1024x128xf32>
    %swap3A = arith.constant 0 : index
    %swap3A_24 = arith.constant 0 : index
    %swap3A_25 = vector.load %arg6[%swap3A, %swap3A_24] : memref<1024x128xf32, #tpu.memory_space<vmem>>, vector<1024x128xf32>
    tpu.vector_store %arg6[%swap3A, %swap3A_24], %max3A_23 {strides = array<i32>} : memref<1024x128xf32, #tpu.memory_space<vmem>>, vector<1024x128xf32>,
    return
  }
  func.func @transform_0(%arg0: i32) -> (i32, i32) {
    %c0_i32 = arith.constant 0 : i32
    %c0_i32_0 = arith.constant 0 : i32
    return %arg0, %c0_i32 : i32, i32
  }
  func.func @transform_1(%arg0: i32) -> (i32, i32) {
    %c0_i32 = arith.constant 0 : i32
    %c0_i32_0 = arith.constant 0 : i32
    return %arg0, %c0_i32 : i32, i32
  }
  func.func @transform_2(%arg0: i32) -> (i32, i32) {
    %c0_i32 = arith.constant 0 : i32
    %c0_i32_0 = arith.constant 0 : i32
    %c0_i32_1 = arith.constant 0 : i32
    return %c0_i32, %c0_i32_0 : i32, i32
  }
  func.func @transform_3(%arg0: i32) -> (i32, i32) {
    %c0_i32 = arith.constant 0 : i32
    %c0_i32_0 = arith.constant 0 : i32
    %c0_i32_1 = arith.constant 0 : i32
    return %c0_i32, %c0_i32_0 : i32, i32
  }
  func.func @transform_4(%arg0: i32) -> (i32, i32) {
    %c0_i32 = arith.constant 0 : i32
    %c0_i32_0 = arith.constant 0 : i32
    %c0_i32_1 = arith.constant 0 : i32
    return %c0_i32, %c0_i32_0 : i32, i32
  }
  func.func @transform_5(%arg0: i32) -> (i32, i32) {
    %c0_i32 = arith.constant 0 : i32
    %c0_i32_0 = arith.constant 0 : i32
    return %arg0, %c0_i32 : i32, i32
  }
}

module attributes {stable_mosaic.version = 14 : i64} {
  func.func @_upd_body(%arg0: i32, %arg1: memref<1024x128xf32, #tpu.memory_space<vmem>>, %arg2: memref<1x1024x128xf32, #tpu.memory_space<vmem>>, %arg3: memref<1x1024x128xf32, #tpu.memory_space<vmem>>, %arg4: memref<128x128xf32, #tpu.memory_space<vmem>>, %arg5: memref<128x128xf32, #tpu.memory_space<vmem>>, %arg6: memref<1x128xf32, #tpu.memory_space<vmem>>, %arg7: memref<1x128xf32, #tpu.memory_space<vmem>>, %arg8: memref<1x128xf32, #tpu.memory_space<vmem>>, %arg9: memref<1024x128xf32, #tpu.memory_space<vmem>>) attributes {dimension_semantics = [#tpu.dimension_semantics<arbitrary>], iteration_bounds = array<i64: 10>, scalar_prefetch = 0 : i64, scratch_operands = 0 : i64, tpu.core_type = #tpu.core_type<tc>, window_params = [{transform_indices = @transform_0, window_bounds = array<i64: 1024, 128>}, {transform_indices = @transform_1, window_bounds = array<i64: 1, 1024, 128>}, {transform_indices = @transform_2, window_bounds = array<i64: 1, 1024, 128>}, {pipeline_mode = #tpu.pipeline_mode<synchronous>, transform_indices = @transform_3, window_bounds = array<i64: 128, 128>}, {pipeline_mode = #tpu.pipeline_mode<synchronous>, transform_indices = @transform_4, window_bounds = array<i64: 128, 128>}, {pipeline_mode = #tpu.pipeline_mode<synchronous>, transform_indices = @transform_5, window_bounds = array<i64: 1, 128>}, {pipeline_mode = #tpu.pipeline_mode<synchronous>, transform_indices = @transform_6, window_bounds = array<i64: 1, 128>}, {pipeline_mode = #tpu.pipeline_mode<synchronous>, transform_indices = @transform_7, window_bounds = array<i64: 1, 128>}, {transform_indices = @transform_8, window_bounds = array<i64: 1024, 128>}]} {
    %get3A = arith.constant 0 : index
    %get3A_0 = arith.constant 0 : index
    %get3A_1 = vector.load %arg1[%get3A, %get3A_0] : memref<1024x128xf32, #tpu.memory_space<vmem>>, vector<1024x128xf32>
    %get3A_2 = arith.constant 0 : index
    %get3A_3 = arith.constant 0 : index
    %get3A_4 = arith.constant 0 : index
    %get3A_5 = vector.load %arg2[%get3A_2, %get3A_3, %get3A_4] : memref<1x1024x128xf32, #tpu.memory_space<vmem>>, vector<1x1024x128xf32>
    %get3A_6 = vector.shape_cast %get3A_5 : vector<1x1024x128xf32> to vector<1024x128xf32>
    %get3A_7 = arith.constant 0 : index
    %get3A_8 = arith.constant 0 : index
    %get3A_9 = arith.constant 0 : index
    %get3A_10 = vector.load %arg3[%get3A_7, %get3A_8, %get3A_9] : memref<1x1024x128xf32, #tpu.memory_space<vmem>>, vector<1x1024x128xf32>
    %get3A_11 = vector.shape_cast %get3A_10 : vector<1x1024x128xf32> to vector<1024x128xf32>
    %add3A = arith.addf %get3A_6, %get3A_11 : vector<1024x128xf32>
    %get3A_12 = arith.constant 0 : index
    %get3A_13 = arith.constant 0 : index
    %get3A_14 = vector.load %arg4[%get3A_12, %get3A_13] : memref<128x128xf32, #tpu.memory_space<vmem>>, vector<128x128xf32>
    %dot_general3A = arith.constant dense<0.000000e+00> : vector<1024x128xf32>
    %dot_general3A_15 = tpu.matmul %get3A_1, %get3A_14, %dot_general3A {dimension_numbers = #tpu.dot_dimension_numbers<[1], [0], [0], [1], [0, 0, 1, 1], [], []>, transpose_lhs_hint = false} : vector<1024x128xf32>, vector<128x128xf32>, vector<1024x128xf32> -> vector<1024x128xf32>
    %get3A_16 = arith.constant 0 : index
    %get3A_17 = arith.constant 0 : index
    %get3A_18 = vector.load %arg5[%get3A_16, %get3A_17] : memref<128x128xf32, #tpu.memory_space<vmem>>, vector<128x128xf32>
    %dot_general3A_19 = arith.constant dense<0.000000e+00> : vector<1024x128xf32>
    %dot_general3A_20 = tpu.matmul %add3A, %get3A_18, %dot_general3A_19 {dimension_numbers = #tpu.dot_dimension_numbers<[1], [0], [0], [1], [0, 0, 1, 1], [], []>, transpose_lhs_hint = false} : vector<1024x128xf32>, vector<128x128xf32>, vector<1024x128xf32> -> vector<1024x128xf32>
    %add3A_21 = arith.addf %dot_general3A_15, %dot_general3A_20 : vector<1024x128xf32>
    %get3A_22 = arith.constant 0 : index
    %get3A_23 = arith.constant 0 : index
    %get3A_24 = vector.load %arg6[%get3A_22, %get3A_23] : memref<1x128xf32, #tpu.memory_space<vmem>>, vector<1x128xf32>
    %add3A_25 = vector.broadcast %get3A_24 : vector<1x128xf32> to vector<1024x128xf32>
    %add3A_26 = arith.addf %add3A_21, %add3A_25 : vector<1024x128xf32>
    %max3A = arith.constant 0.000000e+00 : f32
    %max3A_27 = vector.broadcast %max3A : f32 to vector<1024x128xf32>
    %max3A_28 = arith.maximumf %add3A_26, %max3A_27 : vector<1024x128xf32>
    %add3A_29 = arith.addf %max3A_28, %get3A_1 : vector<1024x128xf32>
    %reduce_sum3A = arith.constant dense<0.000000e+00> : vector<1024xf32>
    %reduce_sum3A_30 = vector.multi_reduction <add>, %add3A_29, %reduce_sum3A [1] : vector<1024x128xf32> to vector<1024xf32>
    %broadcast_in_dim3A = vector.shape_cast %reduce_sum3A_30 : vector<1024xf32> to vector<1024x1xf32>
    %div3A = arith.constant 1.280000e+02 : f32
    %div3A_31 = vector.broadcast %div3A : f32 to vector<1024x1xf32>
    %div3A_32 = arith.divf %broadcast_in_dim3A, %div3A_31 : vector<1024x1xf32>
    %sub3A = vector.broadcast %div3A_32 : vector<1024x1xf32> to vector<1024x128xf32>
    %sub3A_33 = arith.subf %add3A_29, %sub3A : vector<1024x128xf32>
    %sub3A_34 = vector.broadcast %div3A_32 : vector<1024x1xf32> to vector<1024x128xf32>
    %sub3A_35 = arith.subf %add3A_29, %sub3A_34 : vector<1024x128xf32>
    %mul3A = arith.mulf %sub3A_33, %sub3A_35 : vector<1024x128xf32>
    %reduce_sum3A_36 = arith.constant dense<0.000000e+00> : vector<1024xf32>
    %reduce_sum3A_37 = vector.multi_reduction <add>, %mul3A, %reduce_sum3A_36 [1] : vector<1024x128xf32> to vector<1024xf32>
    %broadcast_in_dim3A_38 = vector.shape_cast %reduce_sum3A_37 : vector<1024xf32> to vector<1024x1xf32>
    %div3A_39 = arith.constant 1.280000e+02 : f32
    %div3A_40 = vector.broadcast %div3A_39 : f32 to vector<1024x1xf32>
    %div3A_41 = arith.divf %broadcast_in_dim3A_38, %div3A_40 : vector<1024x1xf32>
    %sub3A_42 = vector.broadcast %div3A_32 : vector<1024x1xf32> to vector<1024x128xf32>
    %sub3A_43 = arith.subf %add3A_29, %sub3A_42 : vector<1024x128xf32>
    %add3A_44 = arith.constant 9.99999974E-6 : f32
    %add3A_45 = vector.broadcast %add3A_44 : f32 to vector<1024x1xf32>
    %add3A_46 = arith.addf %div3A_41, %add3A_45 : vector<1024x1xf32>
    %rsqrt3A = math.rsqrt %add3A_46 : vector<1024x1xf32>
    %mul3A_47 = vector.broadcast %rsqrt3A : vector<1024x1xf32> to vector<1024x128xf32>
    %mul3A_48 = arith.mulf %sub3A_43, %mul3A_47 : vector<1024x128xf32>
    %get3A_49 = arith.constant 0 : index
    %get3A_50 = arith.constant 0 : index
    %get3A_51 = vector.load %arg7[%get3A_49, %get3A_50] : memref<1x128xf32, #tpu.memory_space<vmem>>, vector<1x128xf32>
    %mul3A_52 = vector.broadcast %get3A_51 : vector<1x128xf32> to vector<1024x128xf32>
    %mul3A_53 = arith.mulf %mul3A_48, %mul3A_52 : vector<1024x128xf32>
    %get3A_54 = arith.constant 0 : index
    %get3A_55 = arith.constant 0 : index
    %get3A_56 = vector.load %arg8[%get3A_54, %get3A_55] : memref<1x128xf32, #tpu.memory_space<vmem>>, vector<1x128xf32>
    %add3A_57 = vector.broadcast %get3A_56 : vector<1x128xf32> to vector<1024x128xf32>
    %add3A_58 = arith.addf %mul3A_53, %add3A_57 : vector<1024x128xf32>
    %swap3A = arith.constant 0 : index
    %swap3A_59 = arith.constant 0 : index
    %swap3A_60 = vector.load %arg9[%swap3A, %swap3A_59] : memref<1024x128xf32, #tpu.memory_space<vmem>>, vector<1024x128xf32>
    tpu.vector_store %arg9[%swap3A, %swap3A_59], %add3A_58 {strides = array<i32>} : memref<1024x128xf32, #tpu.memory_space<vmem>>, vector<1024x128xf32>,
    return
  }
  func.func @transform_0(%arg0: i32) -> (i32, i32) {
    %c0_i32 = arith.constant 0 : i32
    %c0_i32_0 = arith.constant 0 : i32
    return %arg0, %c0_i32 : i32, i32
  }
  func.func @transform_1(%arg0: i32) -> (i32, i32, i32) {
    %c0_i32 = arith.constant 0 : i32
    %c0_i32_0 = arith.constant 0 : i32
    %c0_i32_1 = arith.constant 0 : i32
    return %c0_i32, %arg0, %c0_i32_0 : i32, i32, i32
  }
  func.func @transform_2(%arg0: i32) -> (i32, i32, i32) {
    %c1_i32 = arith.constant 1 : i32
    %c0_i32 = arith.constant 0 : i32
    %c0_i32_0 = arith.constant 0 : i32
    return %c1_i32, %arg0, %c0_i32 : i32, i32, i32
  }
  func.func @transform_3(%arg0: i32) -> (i32, i32) {
    %c0_i32 = arith.constant 0 : i32
    %c0_i32_0 = arith.constant 0 : i32
    %c0_i32_1 = arith.constant 0 : i32
    return %c0_i32, %c0_i32_0 : i32, i32
  }
  func.func @transform_4(%arg0: i32) -> (i32, i32) {
    %c0_i32 = arith.constant 0 : i32
    %c0_i32_0 = arith.constant 0 : i32
    %c0_i32_1 = arith.constant 0 : i32
    return %c0_i32, %c0_i32_0 : i32, i32
  }
  func.func @transform_5(%arg0: i32) -> (i32, i32) {
    %c0_i32 = arith.constant 0 : i32
    %c0_i32_0 = arith.constant 0 : i32
    %c0_i32_1 = arith.constant 0 : i32
    return %c0_i32, %c0_i32_0 : i32, i32
  }
  func.func @transform_6(%arg0: i32) -> (i32, i32) {
    %c0_i32 = arith.constant 0 : i32
    %c0_i32_0 = arith.constant 0 : i32
    %c0_i32_1 = arith.constant 0 : i32
    return %c0_i32, %c0_i32_0 : i32, i32
  }
  func.func @transform_7(%arg0: i32) -> (i32, i32) {
    %c0_i32 = arith.constant 0 : i32
    %c0_i32_0 = arith.constant 0 : i32
    %c0_i32_1 = arith.constant 0 : i32
    return %c0_i32, %c0_i32_0 : i32, i32
  }
  func.func @transform_8(%arg0: i32) -> (i32, i32) {
    %c0_i32 = arith.constant 0 : i32
    %c0_i32_0 = arith.constant 0 : i32
    return %arg0, %c0_i32 : i32, i32
  }
}

module attributes {stable_mosaic.version = 14 : i64} {
  func.func @_final_body(%arg0: i32, %arg1: memref<1024x128xf32, #tpu.memory_space<vmem>>, %arg2: memref<1x128xf32, #tpu.memory_space<vmem>>, %arg3: memref<1x128xf32, #tpu.memory_space<vmem>>, %arg4: memref<1x128xf32, #tpu.memory_space<vmem>>) attributes {dimension_semantics = [#tpu.dimension_semantics<arbitrary>], iteration_bounds = array<i64: 10>, scalar_prefetch = 0 : i64, scratch_operands = 0 : i64, tpu.core_type = #tpu.core_type<tc>, window_params = [{transform_indices = @transform_0, window_bounds = array<i64: 1024, 128>}, {pipeline_mode = #tpu.pipeline_mode<synchronous>, transform_indices = @transform_1, window_bounds = array<i64: 1, 128>}, {pipeline_mode = #tpu.pipeline_mode<synchronous>, transform_indices = @transform_2, window_bounds = array<i64: 1, 128>}, {pipeline_mode = #tpu.pipeline_mode<synchronous>, transform_indices = @transform_3, window_bounds = array<i64: 1, 128>}]} {
    %get3A = arith.constant 0 : index
    %get3A_0 = arith.constant 0 : index
    %get3A_1 = vector.load %arg1[%get3A, %get3A_0] : memref<1024x128xf32, #tpu.memory_space<vmem>>, vector<1024x128xf32>
    %reduce_sum3A = arith.constant dense<0.000000e+00> : vector<1024xf32>
    %reduce_sum3A_2 = vector.multi_reduction <add>, %get3A_1, %reduce_sum3A [1] : vector<1024x128xf32> to vector<1024xf32>
    %broadcast_in_dim3A = vector.shape_cast %reduce_sum3A_2 : vector<1024xf32> to vector<1024x1xf32>
    %div3A = arith.constant 1.280000e+02 : f32
    %div3A_3 = vector.broadcast %div3A : f32 to vector<1024x1xf32>
    %div3A_4 = arith.divf %broadcast_in_dim3A, %div3A_3 : vector<1024x1xf32>
    %sub3A = vector.broadcast %div3A_4 : vector<1024x1xf32> to vector<1024x128xf32>
    %sub3A_5 = arith.subf %get3A_1, %sub3A : vector<1024x128xf32>
    %sub3A_6 = vector.broadcast %div3A_4 : vector<1024x1xf32> to vector<1024x128xf32>
    %sub3A_7 = arith.subf %get3A_1, %sub3A_6 : vector<1024x128xf32>
    %mul3A = arith.mulf %sub3A_5, %sub3A_7 : vector<1024x128xf32>
    %reduce_sum3A_8 = arith.constant dense<0.000000e+00> : vector<1024xf32>
    %reduce_sum3A_9 = vector.multi_reduction <add>, %mul3A, %reduce_sum3A_8 [1] : vector<1024x128xf32> to vector<1024xf32>
    %broadcast_in_dim3A_10 = vector.shape_cast %reduce_sum3A_9 : vector<1024xf32> to vector<1024x1xf32>
    %div3A_11 = arith.constant 1.280000e+02 : f32
    %div3A_12 = vector.broadcast %div3A_11 : f32 to vector<1024x1xf32>
    %div3A_13 = arith.divf %broadcast_in_dim3A_10, %div3A_12 : vector<1024x1xf32>
    %sub3A_14 = vector.broadcast %div3A_4 : vector<1024x1xf32> to vector<1024x128xf32>
    %sub3A_15 = arith.subf %get3A_1, %sub3A_14 : vector<1024x128xf32>
    %add3A = arith.constant 9.99999974E-6 : f32
    %add3A_16 = vector.broadcast %add3A : f32 to vector<1024x1xf32>
    %add3A_17 = arith.addf %div3A_13, %add3A_16 : vector<1024x1xf32>
    %rsqrt3A = math.rsqrt %add3A_17 : vector<1024x1xf32>
    %mul3A_18 = vector.broadcast %rsqrt3A : vector<1024x1xf32> to vector<1024x128xf32>
    %mul3A_19 = arith.mulf %sub3A_15, %mul3A_18 : vector<1024x128xf32>
    %get3A_20 = arith.constant 0 : index
    %get3A_21 = arith.constant 0 : index
    %get3A_22 = vector.load %arg2[%get3A_20, %get3A_21] : memref<1x128xf32, #tpu.memory_space<vmem>>, vector<1x128xf32>
    %mul3A_23 = vector.broadcast %get3A_22 : vector<1x128xf32> to vector<1024x128xf32>
    %mul3A_24 = arith.mulf %mul3A_19, %mul3A_23 : vector<1024x128xf32>
    %get3A_25 = arith.constant 0 : index
    %get3A_26 = arith.constant 0 : index
    %get3A_27 = vector.load %arg3[%get3A_25, %get3A_26] : memref<1x128xf32, #tpu.memory_space<vmem>>, vector<1x128xf32>
    %add3A_28 = vector.broadcast %get3A_27 : vector<1x128xf32> to vector<1024x128xf32>
    %add3A_29 = arith.addf %mul3A_24, %add3A_28 : vector<1024x128xf32>
    %mul3A_30 = arith.constant 1024 : i32
    %mul3A_31 = arith.muli %arg0, %mul3A_30 : i32
    %iota3A = tpu.iota {dimensions = array<i32: 0>} : vector<1024x1xi32>
    %add3A_32 = vector.broadcast %mul3A_31 : i32 to vector<1024x1xi32>
    %add3A_33 = arith.addi %add3A_32, %iota3A : vector<1024x1xi32>
    %lt3A = arith.constant 10000 : i32
    %lt3A_34 = vector.broadcast %lt3A : i32 to vector<1024x1xi32>
    %lt3A_35 = arith.cmpi slt, %add3A_33, %lt3A_34 : vector<1024x1xi32>
    %jit3A = arith.constant 0.000000e+00 : f32
    %broadcast_in_dim3A_36 = vector.shape_cast %lt3A_35 : vector<1024x1xi1> to vector<1024x1xi1>
    %broadcast_in_dim3A_37 = vector.broadcast %broadcast_in_dim3A_36 : vector<1024x1xi1> to vector<1024x128xi1>
    %broadcast_in_dim3A_38 = vector.broadcast %jit3A : f32 to vector<1024x128xf32>
    %select_n3A = arith.select %broadcast_in_dim3A_37, %add3A_29, %broadcast_in_dim3A_38 : vector<1024x128xi1>, vector<1024x128xf32>
    %reduce_sum3A_39 = arith.constant dense<0.000000e+00> : vector<128xf32>
    %reduce_sum3A_40 = vector.multi_reduction <add>, %select_n3A, %reduce_sum3A_39 [0] : vector<1024x128xf32> to vector<128xf32>
    %broadcast_in_dim3A_41 = vector.shape_cast %reduce_sum3A_40 : vector<128xf32> to vector<1x128xf32>
    %eq3A = arith.constant 0 : i32
    %eq3A_42 = arith.cmpi eq, %arg0, %eq3A : i32
    %convert_element_type3A = arith.extui %eq3A_42 : i1 to i32
    %cond3A = arith.constant 0 : i32
    %cond3A_43 = arith.cmpi ne, %convert_element_type3A, %cond3A : i32
    scf.if %cond3A_43 {
      %broadcast_in_dim3A_55 = arith.constant 0.000000e+00 : f32
      %broadcast_in_dim3A_56 = vector.broadcast %broadcast_in_dim3A_55 : f32 to vector<1x128xf32>
      %swap3A_57 = arith.constant 0 : index
      %swap3A_58 = arith.constant 0 : index
      %swap3A_59 = vector.load %arg4[%swap3A_57, %swap3A_58] : memref<1x128xf32, #tpu.memory_space<vmem>>, vector<1x128xf32>
      tpu.vector_store %arg4[%swap3A_57, %swap3A_58], %broadcast_in_dim3A_56 {strides = array<i32>} : memref<1x128xf32, #tpu.memory_space<vmem>>, vector<1x128xf32>,
    } else {
    }
    %get3A_44 = arith.constant 0 : index
    %get3A_45 = arith.constant 0 : index
    %get3A_46 = vector.load %arg4[%get3A_44, %get3A_45] : memref<1x128xf32, #tpu.memory_space<vmem>>, vector<1x128xf32>
    %add3A_47 = arith.addf %get3A_46, %broadcast_in_dim3A_41 : vector<1x128xf32>
    %swap3A = arith.constant 0 : index
    %swap3A_48 = arith.constant 0 : index
    %swap3A_49 = vector.load %arg4[%swap3A, %swap3A_48] : memref<1x128xf32, #tpu.memory_space<vmem>>, vector<1x128xf32>
    tpu.vector_store %arg4[%swap3A, %swap3A_48], %add3A_47 {strides = array<i32>} : memref<1x128xf32, #tpu.memory_space<vmem>>, vector<1x128xf32>,
    %eq3A_50 = arith.constant 9 : i32
    %eq3A_51 = arith.cmpi eq, %arg0, %eq3A_50 : i32
    %convert_element_type3A_52 = arith.extui %eq3A_51 : i1 to i32
    %cond3A_53 = arith.constant 0 : i32
    %cond3A_54 = arith.cmpi ne, %convert_element_type3A_52, %cond3A_53 : i32
    scf.if %cond3A_54 {
      %get3A_55 = arith.constant 0 : index
      %get3A_56 = arith.constant 0 : index
      %get3A_57 = vector.load %arg4[%get3A_55, %get3A_56] : memref<1x128xf32, #tpu.memory_space<vmem>>, vector<1x128xf32>
      %mul3A_58 = arith.constant 9.99999974E-5 : f32
      %mul3A_59 = vector.broadcast %mul3A_58 : f32 to vector<1x128xf32>
      %mul3A_60 = arith.mulf %get3A_57, %mul3A_59 : vector<1x128xf32>
      %swap3A_61 = arith.constant 0 : index
      %swap3A_62 = arith.constant 0 : index
      %swap3A_63 = vector.load %arg4[%swap3A_61, %swap3A_62] : memref<1x128xf32, #tpu.memory_space<vmem>>, vector<1x128xf32>
      tpu.vector_store %arg4[%swap3A_61, %swap3A_62], %mul3A_60 {strides = array<i32>} : memref<1x128xf32, #tpu.memory_space<vmem>>, vector<1x128xf32>,
    } else {
    }
    return
  }
  func.func @transform_0(%arg0: i32) -> (i32, i32) {
    %c0_i32 = arith.constant 0 : i32
    %c0_i32_0 = arith.constant 0 : i32
    return %arg0, %c0_i32 : i32, i32
  }
  func.func @transform_1(%arg0: i32) -> (i32, i32) {
    %c0_i32 = arith.constant 0 : i32
    %c0_i32_0 = arith.constant 0 : i32
    %c0_i32_1 = arith.constant 0 : i32
    return %c0_i32, %c0_i32_0 : i32, i32
  }
  func.func @transform_2(%arg0: i32) -> (i32, i32) {
    %c0_i32 = arith.constant 0 : i32
    %c0_i32_0 = arith.constant 0 : i32
    %c0_i32_1 = arith.constant 0 : i32
    return %c0_i32, %c0_i32_0 : i32, i32
  }
  func.func @transform_3(%arg0: i32) -> (i32, i32) {
    %c0_i32 = arith.constant 0 : i32
    %c0_i32_0 = arith.constant 0 : i32
    %c0_i32_1 = arith.constant 0 : i32
    return %c0_i32, %c0_i32_0 : i32, i32
  }
}

</mosaic_0001>

<sc_bundles>
// kernel: kernel.19.cloned.1.call-start
scs
__scs_entry_jumppad:
0x0: {  	(pc) =	sbr.rel $0x88, $3  }
0x1: {  	(tag) =	ssettag $0x0;
	lr =	simm.s32 $0x1  }
0x2: {  	[smem:$0x3F92] =	sst lr;
	_ =	strace $0xD0000000  }
0x3: {  	_ = 	snop  }
0x4: {  	_ = 	snop  }
0x5: {  	_ = 	snop  }
0x6: {  	_ = 	snop  }
0x7: {  	_ = 	snop  }
__scs_overlays_trampoline_lowered:
0x8: {  	[smem:$0x3FA1] =	sst s0  }
0x9: {  	[smem:$0x3FA2] =	sst s1  }
0xa: {  	[smem:$0x3FA3] =	sst s2  }
0xb: {  	[smem:$0x3FA4] =	sst s3  }
0xc: {  	[smem:$0x3FA5] =	sst s4  }
0xd: {  	[smem:$0x3FA6] =	sst s5  }
0xe: {  	[smem:$0x3FA7] =	sst s6  }
0xf: {  	[smem:$0x3FA8] =	sst s7  }
0x10: {  	[smem:$0x3FA9] =	sst s8  }
0x11: {  	[smem:$0x3FAA] =	sst s9;
	s0 =	simm.s32 @!p0 $0x0  }
0x12: {  	s1 =	sld [smem:$0x3F90];
	s0 =	simm.s32 @p0 $0x1  }
0x13: {  	[smem:$0x3FAB] =	sst s0;
	s0 =	simm.s32 @!p1 $0x0  }
0x14: {  	s2 =	sld [smem:$0x3F8F];
	s0 =	simm.s32 @p1 $0x1  }
0x15: {  	[smem:$0x3FAC] =	sst s0;
	s0 =	simm.s32 @!p2 $0x0  }
0x16: {  	s3 =	sld [smem:$0x3FDB];
	s0 =	simm.s32 @p2 $0x1  }
0x17: {  	s4 =	simm.s32 $0x1BF5;
	[smem:$0x3FAE] =	sst s0  }
0x18: {  	s0 =	sld [smem:$0x3F91];
	_ =	swait.ge [sflag:s4], $0x0  }
0x19: {  	s7 =	sld [smem:$0x3F92]  }
0x1a: {  	s8 =	sadd.s32 $0xFFFFE003, lr  }
0x1b: {  	s9 =	sadd.s32 $0xFFFFFEF7, lr;
	s5 =	simm.s32 $0xFFFFFFFF;
	p2 =	slt.u32 s8, $0xFFFFF086  }
0x1c: {  	p1 =	slt.u32 s9, $0xF7A;
	s5 =	simm.s32 @!p2 $0x0  }
0x1d: {  	s5 =	simm.s32 @p1 $0x1;
	p0 =	seq.s32 s7, s2  }
0x1e: {  	s7 =	smul.u32 @!p0 $0xF7A, s2;
	p2 =	seq.s32 @!p0 s5, $0x0  }
0x1f: {  	s9 =	smul.u32 $0xF7A, s1;
	s8 =	simm.s32 @!p0 $0x1BF5;
	p2 =	por !p2, p0  }
0x20: {  	[sflag:s8] =	ssyncset.s32 @!p0 $0xFFFFF086;
	s6 =	sadd.s32 @!p0 s3, s7;
	s7 =	simm.s32 @!p0 $0x108  }
0x21: {  	s3 =	sadd.s32 s3, s9;
	s6 =	sadd.s32 @!p0 $0x88, s6;
	s7 =	simm.s32 @p2 $0x1082  }
0x22: {  	[simem:s7], [sflag:s8] =	dma.local @!p0 [hbm:s6], $0xF7A  }
0x23: {  	s9 =	sor.u32 $0xD0000000, s2;
	s6 =	simm.s32 $0x108;
	_ =	swait.ge @!p0 [sflag:s8], $0x0  }
0x24: {  	s3 =	sadd.s32 $0x88, s3;
	s6 =	simm.s32 @!p1 $0x1082;
	[sflag:s4] =	ssyncset.s32 $0xFFFFF086  }
0x25: {  	[simem:s6], [sflag:s4] =	dma.local [hbm:s3], $0xF7A  }
0x26: {  	[smem:$0x3F92] =	sst s1;
	(tag) =	ssettag s2;
	_ =	strace s9  }
0x27: {  	s1 =	sld [smem:$0x3FA2]  }
0x28: {  	s2 =	sld [smem:$0x3FA3]  }
0x29: {  	s4 =	sld [smem:$0x3FA5]  }
0x2a: {  	p0 =	seq.s32 s5, $0x0;
	s5 =	sld [smem:$0x3FA6]  }
0x2b: {  	s6 =	sld [smem:$0x3FA7]  }
0x2c: {  	s7 =	sld [smem:$0x3FA8]  }
0x2d: {  	s3 =	simm.s32 $0x108;
	s8 =	sld [smem:$0x3FA9]  }
0x2e: {  	s3 =	simm.s32 @!p0 $0x1082;
	s9 =	sld [smem:$0x3FAA]  }
0x2f: {  	lr =	sadd.s32 s0, s3;
	s0 =	sld [smem:$0x3FA1]  }
0x30: {  	s3 =	sld [smem:$0x3FA4]  }
0x31: {  	[smem:$0x3FAD] =	sst s10  }
0x32: {  	s10 =	sld [smem:$0x3FAB];
	_ =	sdelay $0x3  }
0x33: {  	p0 =	seq.s32 s10, $0x1;
	s10 =	sld [smem:$0x3FAD];
	_ =	sdelay $0x3  }
0x34: {  	[smem:$0x3FAD] =	sst s10  }
0x35: {  	s10 =	sld [smem:$0x3FAC];
	_ =	sdelay $0x3  }
0x36: {  	p1 =	seq.s32 s10, $0x1;
	s10 =	sld [smem:$0x3FAD];
	_ =	sdelay $0x3  }
0x37: {  	[smem:$0x3FAD] =	sst s10  }
0x38: {  	s10 =	sld [smem:$0x3FAE]  }
0x39: {  	_ = 	snop;
	(pc) =	sbr.ind lr, $3  }
0x3a: {  	_ = 	snop  }
0x3b: {  	_ = 	snop  }
0x3c: {  	p2 =	seq.s32 s10, $0x1;
	s10 =	sld [smem:$0x3FAD]  }
0x3d: {  	_ =	shalt  }
0x3e: {  	_ =	shalt  }
0x3f: {  	_ =	shalt  }
0x40: {  	_ =	shalt  }
0x41: {  	_ =	shalt  }
0x42: {  	_ =	shalt  }
0x43: {  	_ =	shalt  }
0x44: {  	_ =	shalt  }
0x45: {  	_ =	shalt  }
0x46: {  	_ =	shalt  }
0x47: {  	_ =	shalt  }
0x48: {  	_ =	shalt  }
0x49: {  	_ =	shalt  }
0x4a: {  	_ =	shalt  }
0x4b: {  	_ =	shalt  }
0x4c: {  	_ =	shalt  }
0x4d: {  	_ =	shalt  }
0x4e: {  	_ =	shalt  }
0x4f: {  	_ =	shalt  }
0x50: {  	_ =	shalt  }
0x51: {  	_ =	shalt  }
0x52: {  	_ =	shalt  }
0x53: {  	_ =	shalt  }
0x54: {  	_ =	shalt  }
0x55: {  	_ =	shalt  }
0x56: {  	_ =	shalt  }
0x57: {  	_ =	shalt  }
0x58: {  	_ =	shalt  }
0x59: {  	_ =	shalt  }
0x5a: {  	_ =	shalt  }
0x5b: {  	_ =	shalt  }
0x5c: {  	_ =	shalt  }
0x5d: {  	_ =	shalt  }
0x5e: {  	_ =	shalt  }
0x5f: {  	_ =	shalt  }
0x60: {  	_ =	shalt  }
0x61: {  	_ =	shalt  }
0x62: {  	_ =	shalt  }
0x63: {  	_ =	shalt  }
0x64: {  	_ =	shalt  }
0x65: {  	_ =	shalt  }
0x66: {  	_ =	shalt  }
0x67: {  	_ =	shalt  }
0x68: {  	_ =	shalt  }
0x69: {  	_ =	shalt  }
0x6a: {  	_ =	shalt  }
0x6b: {  	_ =	shalt  }
0x6c: {  	_ =	shalt  }
0x6d: {  	_ =	shalt  }
0x6e: {  	_ =	shalt  }
0x6f: {  	_ =	shalt  }
0x70: {  	_ =	shalt  }
0x71: {  	_ =	shalt  }
0x72: {  	_ =	shalt  }
0x73: {  	_ =	shalt  }
0x74: {  	_ =	shalt  }
0x75: {  	_ =	shalt  }
0x76: {  	_ =	shalt  }
0x77: {  	_ =	shalt  }
0x78: {  	_ =	shalt  }
0x79: {  	_ =	shalt  }
0x7a: {  	_ =	shalt  }
0x7b: {  	_ =	shalt  }
0x7c: {  	_ =	shalt  }
0x7d: {  	_ =	shalt  }
0x7e: {  	_ =	shalt  }
0x7f: {  	_ =	shalt  }
0x80: {  	_ =	shalt  }
0x81: {  	_ =	shalt  }
0x82: {  	_ =	shalt  }
0x83: {  	_ =	shalt  }
0x84: {  	_ =	shalt  }
0x85: {  	_ =	shalt  }
0x86: {  	_ =	shalt  }
0x87: {  	_ =	shalt  }
.Lfunc_end0:
.L_simem_size_0:
called_computation_lowered:
.L_overlay_start_0:
0x88: {  	s2 =	sld [smem:$0x3FD9]  }
0x89: {  	s3 =	sld [smem:$0x3FFE];
	_ =	sdelay $0x1  }
0x8a: {  	s1 =	srdreg.scid  }
0x8b: {  	s0 =	sand.u32 $0x1, s1  }
0x8c: {  	s16 =	sshll.u32 s0, $0xA;
	s2 =	sadd.s32 s3, s2  }
0x8d: {  	s2 =	sadd.s32 s2, s16  }
0x8e: {  	[smem:$0x3FB9] =	sst s2  }
0x8f: {  	_ = 	snop  }
0x90: {  	(tm) =	ssettm $0x1  }
0x91: {  	s17 =	sld [smem:$0x3FFB];
	_ =	sdelay $0x3  }
0x92: {  	_ =	strace s17  }
0x93: {  	s2 =	sld [smem:$0x3FFC];
	_ =	sdelay $0x3  }
0x94: {  	_ =	strace s2  }
0x95: {  	s2 =	sld [smem:$0x3FFD];
	_ =	sdelay $0x3  }
0x96: {  	_ =	strace s2  }
0x97: {  	_ =	strace $0x8FFFFFFF  }
0x98: {  	s18 =	sld [smem:$0x3FDB];
	_ =	sdelay $0x1  }
0x99: {  	s19 =	simm.s32 $_scs_section_size  }
0x9a: {  	s4 =	simm.s32 $_size__tile_overlayer_lowered;
	s5 =	simm.s32 $_tile_overlayer_lowered  }
0x9b: {  	s22 =	simm.s32 $0x1BFF;
	s21 =	sshll.u32 s5, $0x1;
	s2 =	sadd.s32 s19, s18  }
0x9c: {  	s6 =	simm.s32 $0x0;
	s20 =	sshll.u32 s4, $0x1;
	s4 =	sadd.s32 s21, s2  }
0x9d: {  	[timem:s6], [sflag:s22] =	dma.local [hbm:s4], s20  }
0x9e: {  	_ =	swait.ge [sflag:s22], s20  }
0x9f: {  	s3 =	ssub.s32 $0x0, s20;
	[sflag:s22] =	ssyncset.done $0x0  }
0xa0: {  	[sflag:s22] =	ssyncadd.s32 s3;
	_ =	sdelay $0x1  }
0xa1: {  	s23 =	simm.s32 $0x1B8B  }
0xa2: {  	_ =	swait.ge [sflag:s23], $0x1  }
0xa3: {  	[sflag:s23] =	ssyncset.done $0x0  }
0xa4: {  	s25 =	simm.s32 $0x1B8E;
	s24 =	sld [smem:$0x3FFE];
	[sflag:s23] =	ssyncadd.s32 $0xFFFFFFFF  }
0xa5: {  	s26 =	simm.s32 $execute0_lowered;
	[smem:$0x3FD2] =	sst s25  }
0xa6: {  	s4 =	sshll.u32 s26, $0x1;
	_ =	strace $0x80000046;
	[dreg:$0x1] =	wrdreg $0xFFFFFFFF  }
0xa7: {  	s28 =	simm.s32 $_size_execute0_lowered;
	s2 =	sadd.s32 s2, s4;
	[dreg:$0x0] =	wrdreg $0x0  }
0xa8: {  	s4 =	sshll.u32 s28, $0x1;
	[dreg:$0x2] =	wrdreg s2  }
0xa9: {  	[dreg:$0x3] =	wrdreg s4  }
0xaa: {  	[dreg:$0x4] =	wrdreg $0xC0  }
0xab: {  	_ =	task [dreg:s6], $0x5FFFF  }
0xac: {  	[dreg:$0x1] =	wrdreg $0xFFFFFFFF  }
0xad: {  	[dreg:$0x0] =	wrdreg $0x60  }
0xae: {  	[dreg:$0x2] =	wrdreg s24  }
0xaf: {  	[dreg:$0x3] =	wrdreg $0x9  }
0xb0: {  	_ =	task.clear_ibuf [dreg:s6], $0x4FFFF;
	_ =	strace $0x90000046  }
0xb1: {  	s29 =	simm.s32 $0x9;
	_ =	strace $0x80000048  }
0xb2: {  	_ =	swait.ge [sflag:s29], $0x1  }
0xb3: {  	[sflag:s29] =	ssyncadd.s32 $0xFFFFFFFF  }
0xb4: {  	_ =	strace $0x90000048  }
0xb5: {  	_ =	sfence  }
0xb6: {  	s30 =	sld [smem:$0x0];
	_ =	sdelay $0x2  }
0xb7: {  	s31 =	sshll.u32 s1, $0xD;
	s1 =	sshrl.u32 s1, $0x2  }
0xb8: {  	s3 =	sand.u32 $0x4000, s31;
	s1 =	sadd.s32 s1, s30  }
0xb9: {  	s0 =	sor.u32 s3, s0;
	s1 =	sshll.u32 s1, $0x11  }
0xba: {  	s0 =	sor.u32 s1, s0  }
0xbb: {  	s0 =	sadd.s32 $0x8F2B, s0  }
0xbc: {  	[sflag:s0] =	ssyncadd.remote.s32 $0x1  }
0xbd: {  	_ =	sfence.sel $0xFFFF  }
0xbe: {  	[dreg:$0x0] =	wrdreg $0xFFFFFFFF;
	(pc) =	sbr.abs _section_cstart, $3  }
0xbf: {  	[dreg:$0x1] =	wrdreg $0xFFFFFFFF  }
0xc0: {  	_ =	task.clear_ibuf [dreg:s6], $0x2FFFF;
	_ =	strace $0x9FFFFFFF  }
0xc1: {  	(tm) =	ssettm $0x7FFFFFFF  }
tec
execute0_lowered:
.L_overlay_start_1:
0x0: {  	(tag) =	ssettag $0x1  }
0x1: {  	s1 =	srdreg.scid;
	s0 =	stileid.u32  }
0x2: {  	s4 =	rddreg [dreg:$0x0];
	s2 =	simm.s32 $0x0;
	s11 =	simm.s32 $0x80  }
0x3: {  	s12 =	simm.s32 $0x3;
	s13 =	simm.s32 $0x5;
	s14 =	simm.s32 $0x9000  }
0x4: {  	s15 =	simm.s32 $0x4;
	s16 =	simm.s32 $0x0;
	s5 =	sand.u32 $0x1, s1  }
0x5: {  	s3 =	sshll.u32 s0, $0x1;
	s1 =	rddreg [dreg:$0x1];
	s9 =	smul.u32 $0x50000, s0  }
0x6: {  	s6 =	sor.u32 s5, s3;
	s8 =	ssub.s32 $0x2, s5;
	s5 =	smul.u32 $0x28000, s5  }
0x7: {  	[smem:$0x7FF] =	sst s2;
	s10 =	sadd.s32 $0xA2800, s4;
	s7 =	smul.u32 $0xA00, s6  }
0x8: {  	_ =	strace $0x80000047;
	s3 =	sadd.s32 $0x52800, s4;
	s6 =	smul.u32 $0x140000, s6  }
.Ltmp0:
0x9: {  	s30 =	sshrl.u32 s8, $0x1;
	s9 =	sadd.s32 s9, s10;
	(pc) =	sbr.rel .LBB2_1-.Ltmp0, $4  }
0xa: {  	s8 =	ssub.s32 s8, s30;
	s31 =	sadd.s32 s5, s9;
	s7 =	sadd.s32 s7, s4  }
0xb: {  	s9 =	simm.s32 $0x5000;
	s6 =	sshrl.u32 s6, $0x3;
	s4 =	sadd.s32 $0x16800, s7  }
0xc: {  	s6 =	sadd.s32 s10, s6;
	s7 =	sadd.s32 $0xFFFFF800, s31;
	s10 =	simm.s32 $0x1  }
0xd: {  	s5 =	sadd.s32 $0x27800, s6;
	s6 =	smax.u32 s8, $0x1;
	s8 =	simm.s32 $0x6  }
.LBB2_7:
0xe: {  	_ =	swait.ge [sflag:s12], $0x4000  }
0xf: {  	[sflag:s12] =	ssyncset.done $0x0  }
0x10: {  	s16 =	sadd.s32 $0x1, s16;
	[sflag:s12] =	ssyncadd.s32 $0xFFFFC000  }
0x11: {  	[hbm4b:s5+s2] =	stream.linear.scatter [tilespmem:s14], [sflag:$0x5], $0x4000, $0x38;
	[tilespmem:$0x11000] =	vst v63  }
0x12: {  	p0 =	sne.s32 s16, s6;
	_ =	swait.ge [sflag:s15], $0x4000  }
.Ltmp1:
0x13: {  	[sflag:s15] =	ssyncset.done $0x0;
	(pc) =	sbr.rel @!p0 .LBB2_8-.Ltmp1, $4  }
0x14: {  	[sflag:s15] =	ssyncadd.s32 $0xFFFFC000  }
0x15: {  	_ =	swait.ge [sflag:s13], $0x4000  }
0x16: {  	[sflag:s13] =	ssyncset.done $0x0  }
0x17: {  	[sflag:s13] =	ssyncadd.s32 $0xFFFFC000  }
.LBB2_1:
0x18: {  	[tilespmem:s2], [sflag:$0x6] =	stream.linear.gather [hbm4b:s4+s2], $0x5000, $0x38;
	[tilespmem:$0x11000] =	vst v63  }
.Ltmp2:
0x19: {  	_ = 	snop;
	(pc) =	sbr.rel .LBB2_2-.Ltmp2, $4  }
0x1a: {  	_ =	swait.ge [sflag:s8], $0x5000  }
0x1b: {  	s17 =	simm.s32 $0x80;
	[sflag:s8] =	ssyncset.done $0x0  }
0x1c: {  	s18 =	smov.u32 s7;
	s19 =	simm.s32 $0x0;
	[sflag:s8] =	ssyncadd.s32 $0xFFFFB000  }
0x1d: {  	[tilespmem:s9], [sflag:$0x1] =	stream.indirect.gather [hbm4b:s3+s11], $0x80, s2, s11, $0xb8;
	[tilespmem:$0x11000] =	vst v63  }
.LBB2_3:
0x1e: {  	s20 =	simm.s32 @!p0 $0x1  }
0x1f: {  	s20 =	sshll.u32 s20, $0xE  }
0x20: {  	s20 =	sadd.s32 $0x5000, s20  }
0x21: {  	[tilespmem:s20], [sflag:$0x3] =	stream.indirect.gather.add.f32 [hbm:s3], $0x80, s17, s11, $0xb8;
	[tilespmem:$0x11000] =	vst v63  }
.LBB2_5:
0x22: {  	s20 =	sadd.s32 $0xFFFFFFFF, s19  }
0x23: {  	s21 =	sand.u32 $0xFF, s20  }
0x24: {  	s21 =	smul.u32 $0xAB, s21;
	_ =	sdelay $0x1  }
0x25: {  	s21 =	sshrl.u32 s21, $0x9  }
0x26: {  	s22 =	sand.u32 $0x1, s20;
	s21 =	smul.u32 $0x3, s21  }
0x27: {  	p0 =	seq.s32 s22, $0x1;
	s22 =	simm.s32 $0x3  }
0x28: {  	s22 =	simm.s32 @!p0 $0x2;
	s20 =	ssub.s32 s20, s21  }
0x29: {  	_ =	swait.ge [sflag:s22], $0x4000;
	s20 =	sand.u32 $0xFF, s20  }
0x2a: {  	[sflag:s22] =	ssyncset.done $0x0;
	s21 =	simm.s32 $0x5;
	s20 =	sshll.u32 s20, $0xE  }
0x2b: {  	[sflag:s22] =	ssyncadd.s32 $0xFFFFC000;
	s21 =	simm.s32 @!p0 $0x4;
	s20 =	sadd.s32 $0x5000, s20  }
0x2c: {  	[hbm4b:s18+s2] =	stream.linear.scatter [tilespmem:s20], [sflag:s21], $0x4000, $0x38;
	[tilespmem:$0x11000] =	vst v63  }
.LBB2_6:
0x2d: {  	s19 =	sadd.s32 $0x1, s19  }
0x2e: {  	p0 =	sne.s32 s19, $0x50  }
.Ltmp3:
0x2f: {  	_ = 	snop;
	(pc) =	sbr.rel @!p0 .LBB2_7-.Ltmp3, $2  }
0x30: {  	_ =	sdelay $0x2  }
0x31: {  	s18 =	sadd.s32 $0x800, s18;
	s17 =	sadd.s32 $0x100, s17  }
.LBB2_2:
0x32: {  	p1 =	slt.u32 s19, $0x2  }
0x33: {  	p0 =	seq.s32 @!p1 s19, $0x4F  }
0x34: {  	p0 =	por p1, !p0  }
0x35: {  	_ =	swait.ge [sflag:s10], $0x4000;
	s22 =	sand.u32 $0x1, s19;
	s20 =	smul.u32 @p0 $0xAB, s19  }
0x36: {  	[sflag:s10] =	ssyncset.done $0x0;
	p2 =	seq.s32 s22, $0x1  }
0x37: {  	s22 =	simm.s32 @!p1 $0x5;
	p3 =	por !p2, p1;
	s21 =	sadd.s32 @p0 $0xAB, s20  }
0x38: {  	[sflag:s10] =	ssyncadd.s32 $0xFFFFC000;
	s22 =	simm.s32 @p3 $0x4;
	s21 =	sshrl.u32 @p0 s21, $0x9  }
0x39: {  	_ =	swait.ge @!p1 [sflag:s22], $0x4000;
	s21 =	sand.u32 @p0 $0x7F, s21  }
0x3a: {  	[sflag:s22] =	ssyncset.done @!p1 $0x0;
	s20 =	sshrl.u32 @p0 s20, $0x9;
	s21 =	smul.u32 @p0 $0x3, s21  }
0x3b: {  	[sflag:s22] =	ssyncadd.s32 @!p1 $0xFFFFC000;
	s20 =	sand.u32 @p0 $0x7F, s20  }
0x3c: {  	p1 =	por !p0, p2;
	s20 =	smul.u32 @p0 $0x3, s20;
	s21 =	ssub.s32 @p0 s19, s21  }
.Ltmp4:
0x3d: {  	s21 =	sadd.s32 @p0 $0x1, s21;
	(pc) =	sbr.rel @p1 .LBB2_3-.Ltmp4, $4  }
0x3e: {  	s21 =	sand.u32 @p0 $0xFF, s21  }
0x3f: {  	s23 =	simm.s32 @p0 $0x80;
	s20 =	ssub.s32 @p0 s19, s20;
	s21 =	sshll.u32 @p0 s21, $0xE  }
0x40: {  	s22 =	sadd.s32 @p0 $0x80, s17;
	s20 =	sand.u32 @p0 $0xFF, s20;
	s21 =	sadd.s32 @p0 $0x5000, s21  }
0x41: {  	[tilespmem:s21], [sflag:$0x1] =	stream.indirect.gather @p0 [hbm4b:s3+s23], $0x80, s22, s23, $0xb8;
	[tilespmem:$0x11000] =	vst v63  }
0x42: {  	p0 =	seq.s32 s19, $0x0  }
.Ltmp5:
0x43: {  	_ = 	snop;
	(pc) =	sbr.rel @!p0 .LBB2_5-.Ltmp5, $4  }
.Ltmp6:
0x44: {  	_ = 	snop;
	(pc) =	sbr.rel @p0 .LBB2_6-.Ltmp6, $4  }
0x45: {  	s20 =	sshll.u32 s20, $0xE  }
0x46: {  	s20 =	sadd.s32 $0x5000, s20  }
0x47: {  	[tilespmem:s20], [sflag:$0x2] =	stream.indirect.gather.add.f32 [hbm:s3], $0x80, s17, s11, $0xb8;
	[tilespmem:$0x11000] =	vst v63  }
0x48: {  	_ = 	snop  }
.LBB2_8:
0x49: {  	_ =	sfence.sel $0x180000  }
0x4a: {  	[bflag:$0x0] =	sbarrier.arrive $0xFFFF  }
0x4b: {  	p0 =	sne.s32 s0, $0x0;
	_ =	strace $0x90000047  }
0x4c: {  	s0 =	sadd.s32 @!p0 $0x100000, s1;
	[bflag:$0x2] =	sbarrier.arrive $0xFFFF  }
0x4d: {  	[sflag:s0] =	ssyncadd.tile.s32 @!p0 $0x1;
	_ =	shalt  }
.Lfunc_end2:
_tile_overlayer_lowered:
.L_overlay_start_2:
0x4e: {  	(tag) =	ssettag $0x2  }
0x4f: {  	s0 =	rddreg [dreg:$0x0];
	s2 =	stileid.u32  }
0x50: {  	s1 =	rddreg [dreg:$0x1];
	p0 =	sne.s32 s2, $0x0  }
0x51: {  	s3 =	rddreg [dreg:$0x2];
	[bflag:$0x3] =	sbarrier.arrive $0xFFFF;
	s2 =	simm.s32 @!p0 $0x1C06  }
0x52: {  	[timem:s3], [sflag:s2] =	dma.local @!p0 [hbm:s0], s1  }
0x53: {  	s0 =	simm.s32 @!p0 $0x6  }
0x54: {  	_ =	swait.ge @!p0 [sflag:s0], s1  }
0x55: {  	s1 =	ssub.s32 @!p0 $0x0, s1;
	[sflag:s0] =	ssyncset.done @!p0 $0x0  }
0x56: {  	[sflag:s0] =	ssyncadd.s32 @!p0 s1  }
0x57: {  	[bflag:$0x3] =	sbarrier.arrive $0xFFFF  }
0x58: {  	_ =	shalt  }

// kernel: kernel.22.cloned.1.call-start
scs
__scs_entry_jumppad:
0x0: {  	(pc) =	sbr.rel $0x88, $3  }
0x1: {  	(tag) =	ssettag $0x0;
	lr =	simm.s32 $0x1  }
0x2: {  	[smem:$0x3F92] =	sst lr;
	_ =	strace $0xD0000000  }
0x3: {  	_ = 	snop  }
0x4: {  	_ = 	snop  }
0x5: {  	_ = 	snop  }
0x6: {  	_ = 	snop  }
0x7: {  	_ = 	snop  }
__scs_overlays_trampoline_lowered:
0x8: {  	[smem:$0x3FA1] =	sst s0  }
0x9: {  	[smem:$0x3FA2] =	sst s1  }
0xa: {  	[smem:$0x3FA3] =	sst s2  }
0xb: {  	[smem:$0x3FA4] =	sst s3  }
0xc: {  	[smem:$0x3FA5] =	sst s4  }
0xd: {  	[smem:$0x3FA6] =	sst s5  }
0xe: {  	[smem:$0x3FA7] =	sst s6  }
0xf: {  	[smem:$0x3FA8] =	sst s7  }
0x10: {  	[smem:$0x3FA9] =	sst s8  }
0x11: {  	[smem:$0x3FAA] =	sst s9;
	s0 =	simm.s32 @!p0 $0x0  }
0x12: {  	s1 =	sld [smem:$0x3F90];
	s0 =	simm.s32 @p0 $0x1  }
0x13: {  	[smem:$0x3FAB] =	sst s0;
	s0 =	simm.s32 @!p1 $0x0  }
0x14: {  	s2 =	sld [smem:$0x3F8F];
	s0 =	simm.s32 @p1 $0x1  }
0x15: {  	[smem:$0x3FAC] =	sst s0;
	s0 =	simm.s32 @!p2 $0x0  }
0x16: {  	s3 =	sld [smem:$0x3FDB];
	s0 =	simm.s32 @p2 $0x1  }
0x17: {  	s4 =	simm.s32 $0x1BF5;
	[smem:$0x3FAE] =	sst s0  }
0x18: {  	s0 =	sld [smem:$0x3F91];
	_ =	swait.ge [sflag:s4], $0x0  }
0x19: {  	s7 =	sld [smem:$0x3F92]  }
0x1a: {  	s8 =	sadd.s32 $0xFFFFE003, lr  }
0x1b: {  	s9 =	sadd.s32 $0xFFFFFEF7, lr;
	s5 =	simm.s32 $0xFFFFFFFF;
	p2 =	slt.u32 s8, $0xFFFFF086  }
0x1c: {  	p1 =	slt.u32 s9, $0xF7A;
	s5 =	simm.s32 @!p2 $0x0  }
0x1d: {  	s5 =	simm.s32 @p1 $0x1;
	p0 =	seq.s32 s7, s2  }
0x1e: {  	s7 =	smul.u32 @!p0 $0xF7A, s2;
	p2 =	seq.s32 @!p0 s5, $0x0  }
0x1f: {  	s9 =	smul.u32 $0xF7A, s1;
	s8 =	simm.s32 @!p0 $0x1BF5;
	p2 =	por !p2, p0  }
0x20: {  	[sflag:s8] =	ssyncset.s32 @!p0 $0xFFFFF086;
	s6 =	sadd.s32 @!p0 s3, s7;
	s7 =	simm.s32 @!p0 $0x108  }
0x21: {  	s3 =	sadd.s32 s3, s9;
	s6 =	sadd.s32 @!p0 $0x88, s6;
	s7 =	simm.s32 @p2 $0x1082  }
0x22: {  	[simem:s7], [sflag:s8] =	dma.local @!p0 [hbm:s6], $0xF7A  }
0x23: {  	s9 =	sor.u32 $0xD0000000, s2;
	s6 =	simm.s32 $0x108;
	_ =	swait.ge @!p0 [sflag:s8], $0x0  }
0x24: {  	s3 =	sadd.s32 $0x88, s3;
	s6 =	simm.s32 @!p1 $0x1082;
	[sflag:s4] =	ssyncset.s32 $0xFFFFF086  }
0x25: {  	[simem:s6], [sflag:s4] =	dma.local [hbm:s3], $0xF7A  }
0x26: {  	[smem:$0x3F92] =	sst s1;
	(tag) =	ssettag s2;
	_ =	strace s9  }
0x27: {  	s1 =	sld [smem:$0x3FA2]  }
0x28: {  	s2 =	sld [smem:$0x3FA3]  }
0x29: {  	s4 =	sld [smem:$0x3FA5]  }
0x2a: {  	p0 =	seq.s32 s5, $0x0;
	s5 =	sld [smem:$0x3FA6]  }
0x2b: {  	s6 =	sld [smem:$0x3FA7]  }
0x2c: {  	s7 =	sld [smem:$0x3FA8]  }
0x2d: {  	s3 =	simm.s32 $0x108;
	s8 =	sld [smem:$0x3FA9]  }
0x2e: {  	s3 =	simm.s32 @!p0 $0x1082;
	s9 =	sld [smem:$0x3FAA]  }
0x2f: {  	lr =	sadd.s32 s0, s3;
	s0 =	sld [smem:$0x3FA1]  }
0x30: {  	s3 =	sld [smem:$0x3FA4]  }
0x31: {  	[smem:$0x3FAD] =	sst s10  }
0x32: {  	s10 =	sld [smem:$0x3FAB];
	_ =	sdelay $0x3  }
0x33: {  	p0 =	seq.s32 s10, $0x1;
	s10 =	sld [smem:$0x3FAD];
	_ =	sdelay $0x3  }
0x34: {  	[smem:$0x3FAD] =	sst s10  }
0x35: {  	s10 =	sld [smem:$0x3FAC];
	_ =	sdelay $0x3  }
0x36: {  	p1 =	seq.s32 s10, $0x1;
	s10 =	sld [smem:$0x3FAD];
	_ =	sdelay $0x3  }
0x37: {  	[smem:$0x3FAD] =	sst s10  }
0x38: {  	s10 =	sld [smem:$0x3FAE]  }
0x39: {  	_ = 	snop;
	(pc) =	sbr.ind lr, $3  }
0x3a: {  	_ = 	snop  }
0x3b: {  	_ = 	snop  }
0x3c: {  	p2 =	seq.s32 s10, $0x1;
	s10 =	sld [smem:$0x3FAD]  }
0x3d: {  	_ =	shalt  }
0x3e: {  	_ =	shalt  }
0x3f: {  	_ =	shalt  }
0x40: {  	_ =	shalt  }
0x41: {  	_ =	shalt  }
0x42: {  	_ =	shalt  }
0x43: {  	_ =	shalt  }
0x44: {  	_ =	shalt  }
0x45: {  	_ =	shalt  }
0x46: {  	_ =	shalt  }
0x47: {  	_ =	shalt  }
0x48: {  	_ =	shalt  }
0x49: {  	_ =	shalt  }
0x4a: {  	_ =	shalt  }
0x4b: {  	_ =	shalt  }
0x4c: {  	_ =	shalt  }
0x4d: {  	_ =	shalt  }
0x4e: {  	_ =	shalt  }
0x4f: {  	_ =	shalt  }
0x50: {  	_ =	shalt  }
0x51: {  	_ =	shalt  }
0x52: {  	_ =	shalt  }
0x53: {  	_ =	shalt  }
0x54: {  	_ =	shalt  }
0x55: {  	_ =	shalt  }
0x56: {  	_ =	shalt  }
0x57: {  	_ =	shalt  }
0x58: {  	_ =	shalt  }
0x59: {  	_ =	shalt  }
0x5a: {  	_ =	shalt  }
0x5b: {  	_ =	shalt  }
0x5c: {  	_ =	shalt  }
0x5d: {  	_ =	shalt  }
0x5e: {  	_ =	shalt  }
0x5f: {  	_ =	shalt  }
0x60: {  	_ =	shalt  }
0x61: {  	_ =	shalt  }
0x62: {  	_ =	shalt  }
0x63: {  	_ =	shalt  }
0x64: {  	_ =	shalt  }
0x65: {  	_ =	shalt  }
0x66: {  	_ =	shalt  }
0x67: {  	_ =	shalt  }
0x68: {  	_ =	shalt  }
0x69: {  	_ =	shalt  }
0x6a: {  	_ =	shalt  }
0x6b: {  	_ =	shalt  }
0x6c: {  	_ =	shalt  }
0x6d: {  	_ =	shalt  }
0x6e: {  	_ =	shalt  }
0x6f: {  	_ =	shalt  }
0x70: {  	_ =	shalt  }
0x71: {  	_ =	shalt  }
0x72: {  	_ =	shalt  }
0x73: {  	_ =	shalt  }
0x74: {  	_ =	shalt  }
0x75: {  	_ =	shalt  }
0x76: {  	_ =	shalt  }
0x77: {  	_ =	shalt  }
0x78: {  	_ =	shalt  }
0x79: {  	_ =	shalt  }
0x7a: {  	_ =	shalt  }
0x7b: {  	_ =	shalt  }
0x7c: {  	_ =	shalt  }
0x7d: {  	_ =	shalt  }
0x7e: {  	_ =	shalt  }
0x7f: {  	_ =	shalt  }
0x80: {  	_ =	shalt  }
0x81: {  	_ =	shalt  }
0x82: {  	_ =	shalt  }
0x83: {  	_ =	shalt  }
0x84: {  	_ =	shalt  }
0x85: {  	_ =	shalt  }
0x86: {  	_ =	shalt  }
0x87: {  	_ =	shalt  }
.Lfunc_end0:
.L_simem_size_0:
called_computation.1_lowered:
.L_overlay_start_0:
0x88: {  	s2 =	sld [smem:$0x3FD9]  }
0x89: {  	s3 =	sld [smem:$0x3FFE];
	_ =	sdelay $0x1  }
0x8a: {  	s1 =	srdreg.scid  }
0x8b: {  	s0 =	sand.u32 $0x1, s1  }
0x8c: {  	s16 =	sshll.u32 s0, $0xA;
	s2 =	sadd.s32 s3, s2  }
0x8d: {  	s2 =	sadd.s32 s2, s16  }
0x8e: {  	[smem:$0x3FB9] =	sst s2  }
0x8f: {  	_ = 	snop  }
0x90: {  	(tm) =	ssettm $0x1  }
0x91: {  	s17 =	sld [smem:$0x3FFB];
	_ =	sdelay $0x3  }
0x92: {  	_ =	strace s17  }
0x93: {  	s2 =	sld [smem:$0x3FFC];
	_ =	sdelay $0x3  }
0x94: {  	_ =	strace s2  }
0x95: {  	s2 =	sld [smem:$0x3FFD];
	_ =	sdelay $0x3  }
0x96: {  	_ =	strace s2  }
0x97: {  	_ =	strace $0x8FFFFFFF  }
0x98: {  	s18 =	sld [smem:$0x3FDB];
	_ =	sdelay $0x1  }
0x99: {  	s19 =	simm.s32 $_scs_section_size  }
0x9a: {  	s4 =	simm.s32 $_size__tile_overlayer_lowered;
	s5 =	simm.s32 $_tile_overlayer_lowered  }
0x9b: {  	s22 =	simm.s32 $0x1BFF;
	s21 =	sshll.u32 s5, $0x1;
	s2 =	sadd.s32 s19, s18  }
0x9c: {  	s6 =	simm.s32 $0x0;
	s20 =	sshll.u32 s4, $0x1;
	s4 =	sadd.s32 s21, s2  }
0x9d: {  	[timem:s6], [sflag:s22] =	dma.local [hbm:s4], s20  }
0x9e: {  	_ =	swait.ge [sflag:s22], s20  }
0x9f: {  	s3 =	ssub.s32 $0x0, s20;
	[sflag:s22] =	ssyncset.done $0x0  }
0xa0: {  	[sflag:s22] =	ssyncadd.s32 s3;
	_ =	sdelay $0x1  }
0xa1: {  	s23 =	simm.s32 $0x1B8B  }
0xa2: {  	_ =	swait.ge [sflag:s23], $0x1  }
0xa3: {  	[sflag:s23] =	ssyncset.done $0x0  }
0xa4: {  	s25 =	simm.s32 $0x1B8E;
	s24 =	sld [smem:$0x3FFE];
	[sflag:s23] =	ssyncadd.s32 $0xFFFFFFFF  }
0xa5: {  	s26 =	simm.s32 $execute0_lowered;
	[smem:$0x3FD2] =	sst s25  }
0xa6: {  	s4 =	sshll.u32 s26, $0x1;
	_ =	strace $0x80000049;
	[dreg:$0x1] =	wrdreg $0xFFFFFFFF  }
0xa7: {  	s28 =	simm.s32 $_size_execute0_lowered;
	s2 =	sadd.s32 s2, s4;
	[dreg:$0x0] =	wrdreg $0x0  }
0xa8: {  	s4 =	sshll.u32 s28, $0x1;
	[dreg:$0x2] =	wrdreg s2  }
0xa9: {  	[dreg:$0x3] =	wrdreg s4  }
0xaa: {  	[dreg:$0x4] =	wrdreg $0xC0  }
0xab: {  	_ =	task [dreg:s6], $0x5FFFF  }
0xac: {  	[dreg:$0x1] =	wrdreg $0xFFFFFFFF  }
0xad: {  	[dreg:$0x0] =	wrdreg $0x60  }
0xae: {  	[dreg:$0x2] =	wrdreg s24  }
0xaf: {  	[dreg:$0x3] =	wrdreg $0xA8000  }
0xb0: {  	[dreg:$0x4] =	wrdreg $0x9  }
0xb1: {  	_ =	task.clear_ibuf [dreg:s6], $0x5FFFF;
	_ =	strace $0x90000049  }
0xb2: {  	s29 =	simm.s32 $0x9;
	_ =	strace $0x8000004B  }
0xb3: {  	_ =	swait.ge [sflag:s29], $0x1  }
0xb4: {  	[sflag:s29] =	ssyncadd.s32 $0xFFFFFFFF  }
0xb5: {  	_ =	strace $0x9000004B  }
0xb6: {  	_ =	sfence  }
0xb7: {  	s30 =	sld [smem:$0x0];
	_ =	sdelay $0x2  }
0xb8: {  	s31 =	sshll.u32 s1, $0xD;
	s1 =	sshrl.u32 s1, $0x2  }
0xb9: {  	s3 =	sand.u32 $0x4000, s31;
	s1 =	sadd.s32 s1, s30  }
0xba: {  	s0 =	sor.u32 s3, s0;
	s1 =	sshll.u32 s1, $0x11  }
0xbb: {  	s0 =	sor.u32 s1, s0  }
0xbc: {  	s0 =	sadd.s32 $0x8F2B, s0  }
0xbd: {  	[sflag:s0] =	ssyncadd.remote.s32 $0x1  }
0xbe: {  	_ =	sfence.sel $0xFFFF  }
0xbf: {  	[dreg:$0x0] =	wrdreg $0xFFFFFFFF;
	(pc) =	sbr.abs _section_cstart, $3  }
0xc0: {  	[dreg:$0x1] =	wrdreg $0xFFFFFFFF  }
0xc1: {  	_ =	task.clear_ibuf [dreg:s6], $0x2FFFF;
	_ =	strace $0x9FFFFFFF  }
0xc2: {  	(tm) =	ssettm $0x7FFFFFFF  }
0xc3: {  	_ =	shalt  }
tec
execute0_lowered:
.L_overlay_start_1:
0x0: {  	(tag) =	ssettag $0x1  }
0x1: {  	s1 =	srdreg.scid;
	s5 =	rddreg [dreg:$0x0]  }
0x2: {  	s0 =	stileid.u32;
	s2 =	rddreg [dreg:$0x1]  }
0x3: {  	s3 =	simm.s32 $0x0;
	s15 =	simm.s32 $0x80;
	s16 =	simm.s32 $0x6800  }
0x4: {  	s17 =	simm.s32 $0x1;
	s18 =	simm.s32 $0x2;
	s19 =	simm.s32 $0x0  }
0x5: {  	s6 =	sand.u32 $0x1, s1;
	s1 =	rddreg [dreg:$0x2];
	s9 =	smul.u32 $0x14000, s0  }
0x6: {  	s26 =	sshll.u32 s0, $0x1;
	[smem:$0x7FF] =	sst s3;
	s13 =	smul.u32 $0x50000, s0  }
0x7: {  	s10 =	sadd.s32 $0xF84800, s5;
	s31 =	sshll.u32 s0, $0x6;
	s8 =	smul.u32 $0x140000, s6  }
0x8: {  	s7 =	sor.u32 s6, s26;
	s28 =	ssub.s32 $0x2, s6;
	s30 =	smul.u32 $0x28000, s6  }
0x9: {  	_ =	strace $0x8000004A;
	s4 =	smul.u32 $0x500, s7;
	s12 =	sshrl.u32 s28, $0x1  }
0xa: {  	s7 =	smul.u32 $0x28000, s7;
	s29 =	sshrl.u32 s13, $0x2;
	s8 =	sadd.s32 s9, s8  }
0xb: {  	s9 =	ssub.s32 s28, s12;
	s14 =	sadd.s32 s29, s2;
	s12 =	sor.u32 $0x1C03, s31  }
0xc: {  	s11 =	sadd.s32 s4, s5;
	s4 =	sadd.s32 $0x5A3000, s5;
	s8 =	sshrl.u32 s8, $0x3  }
0xd: {  	s6 =	sadd.s32 s10, s7;
	s10 =	sadd.s32 s13, s10;
	s13 =	sshrl.u32 s14, $0x3  }
0xe: {  	s14 =	simm.s32 $0x2800;
	s8 =	sadd.s32 s8, s5;
	s5 =	sadd.s32 $0xC800, s11  }
0xf: {  	s10 =	sadd.s32 s30, s10;
	s11 =	simm.s32 $0x3;
	s7 =	sadd.s32 $0x5A5800, s8  }
0x10: {  	s8 =	smax.u32 s9, $0x1;
	s9 =	sadd.s32 $0x800, s6;
	s10 =	sadd.s32 $0x1000, s10  }
.LBB2_1:
0x11: {  	[tilespmem:s3], [sflag:$0x3] =	stream.linear.gather [hbm4b:s5+s3], $0x2800, $0x38;
	[tilespmem:$0x1E800] =	vst v63  }
0x12: {  	_ =	swait.ge [sflag:s11], $0x2800  }
0x13: {  	[sflag:s11] =	ssyncset.done $0x0  }
0x14: {  	[sflag:s11] =	ssyncadd.s32 $0xFFFFD800  }
0x15: {  	[spmem:s13], [sflag:s12] =	dma.local [hbm:s4], $0x2800  }
0x16: {  	_ =	swait.ge [sflag:s11], $0x2800  }
0x17: {  	[sflag:s11] =	ssyncset.done $0x0  }
0x18: {  	[sflag:s11] =	ssyncadd.s32 $0xFFFFD800  }
0x19: {  	[bflag:$0x0] =	sbarrier.arrive $0xFFFF  }
0x1a: {  	[tilespmem:s14], [sflag:$0x1] =	stream.linear.gather [hbm4b:s6+s3], $0x4000, $0x38;
	[tilespmem:$0x1E800] =	vst v63  }
0x1b: {  	_ =	swait.ge [sflag:s17], $0x4000  }
0x1c: {  	[sflag:s17] =	ssyncset.done $0x0  }
0x1d: {  	[sflag:s17] =	ssyncadd.s32 $0xFFFFC000  }
0x1e: {  	[spmem:s2] =	stream.indirect.scatter.add.f32 [tilespmem:s14], [sflag:$0x2], $0x80, s3, s15, $0xb8;
	[tilespmem:$0x1E800] =	vst v63  }
0x1f: {  	_ = 	snop  }
0x20: {  	[tilespmem:s16], [sflag:$0x1] =	stream.linear.gather [hbm4b:s9+s3], $0x4000, $0x38;
	[tilespmem:$0x1E800] =	vst v63  }
0x21: {  	_ =	swait.ge [sflag:s17], $0x4000  }
0x22: {  	[sflag:s17] =	ssyncset.done $0x0  }
0x23: {  	[sflag:s17] =	ssyncadd.s32 $0xFFFFC000  }
0x24: {  	_ =	swait.ge [sflag:s18], $0x4000  }
0x25: {  	[sflag:s18] =	ssyncset.done $0x0  }
0x26: {  	[sflag:s18] =	ssyncadd.s32 $0xFFFFC000  }
0x27: {  	[spmem:s2] =	stream.indirect.scatter.add.f32 [tilespmem:s16], [sflag:$0x2], $0x80, s15, s15, $0xb8;
	[tilespmem:$0x1E800] =	vst v63  }
0x28: {  	s20 =	simm.s32 $0x2800  }
0x29: {  	[tilespmem:s20], [sflag:$0x1] =	stream.linear.gather [hbm4b:s10+s3], $0x4000, $0x38;
	[tilespmem:$0x1E800] =	vst v63  }
0x2a: {  	_ =	swait.ge [sflag:s17], $0x4000  }
0x2b: {  	s21 =	simm.s32 $0x100;
	s31 =	sand.u32 $0x1, s18;
	[sflag:s17] =	ssyncset.done $0x0  }
0x2c: {  	s24 =	simm.s32 $0x3;
	s25 =	simm.s32 $0x4;
	[sflag:s17] =	ssyncadd.s32 $0xFFFFC000  }
0x2d: {  	s23 =	sadd.s32 $0x800, s10;
	s22 =	sshll.u32 s31, $0xE;
	_ =	swait.ge [sflag:s18], $0x4000  }
0x2e: {  	s26 =	sshll.u32 s31, $0xE;
	s24 =	sand.u32 $0x1, s24;
	[sflag:s18] =	ssyncset.done $0x0  }
0x2f: {  	s26 =	sor.u32 $0x2800, s26;
	s20 =	simm.s32 $0x180;
	[sflag:s18] =	ssyncadd.s32 $0xFFFFC000  }
.LBB2_2:
0x30: {  	[spmem:s2] =	stream.indirect.scatter.add.f32 [tilespmem:s26], [sflag:$0x2], $0x80, s21, s15, $0xb8;
	[tilespmem:$0x1E800] =	vst v63  }
0x31: {  	s26 =	smov.u32 s25;
	s21 =	smov.u32 s20  }
0x32: {  	s28 =	sadd.s32 $0x1, s25;
	s29 =	ssub.s32 $0x6800, s22;
	s22 =	sshll.u32 s24, $0xE  }
0x33: {  	[tilespmem:s29], [sflag:$0x1] =	stream.linear.gather [hbm4b:s23+s3], $0x4000, $0x38;
	[tilespmem:$0x1E800] =	vst v63  }
0x34: {  	p0 =	sne.s32 s25, $0x4F;
	_ =	swait.ge [sflag:s17], $0x4000  }
.Ltmp0:
0x35: {  	[sflag:s17] =	ssyncset.done $0x0;
	(pc) =	sbr.rel @p0 .LBB2_2-.Ltmp0, $4  }
0x36: {  	[sflag:s17] =	ssyncadd.s32 $0xFFFFC000  }
0x37: {  	s23 =	sadd.s32 $0x800, s23;
	_ =	swait.ge [sflag:s18], $0x4000  }
0x38: {  	s20 =	sadd.s32 $0x80, s20;
	s24 =	sand.u32 $0x1, s26;
	[sflag:s18] =	ssyncset.done $0x0  }
0x39: {  	s26 =	sor.u32 $0x2800, s22;
	s25 =	smov.u32 s28;
	[sflag:s18] =	ssyncadd.s32 $0xFFFFC000  }
0x3a: {  	[spmem:s2] =	stream.indirect.scatter.add.f32 [tilespmem:s26], [sflag:$0x2], $0x80, s21, s15, $0xb8;
	[tilespmem:$0x1E800] =	vst v63  }
0x3b: {  	s30 =	ssub.s32 $0x6800, s22  }
0x3c: {  	[tilespmem:s30], [sflag:$0x1] =	stream.linear.gather [hbm4b:s23+s3], $0x4000, $0x38;
	[tilespmem:$0x1E800] =	vst v63  }
0x3d: {  	_ =	swait.ge [sflag:s17], $0x4000  }
0x3e: {  	[sflag:s17] =	ssyncset.done $0x0  }
0x3f: {  	[sflag:s17] =	ssyncadd.s32 $0xFFFFC000  }
0x40: {  	_ =	swait.ge [sflag:s18], $0x4000  }
0x41: {  	s31 =	sshll.u32 s24, $0xE;
	[sflag:s18] =	ssyncset.done $0x0  }
0x42: {  	s21 =	sor.u32 $0x2800, s31;
	[sflag:s18] =	ssyncadd.s32 $0xFFFFC000  }
0x43: {  	[spmem:s2] =	stream.indirect.scatter.add.f32 [tilespmem:s21], [sflag:$0x2], $0x80, s20, s15, $0xb8;
	[tilespmem:$0x1E800] =	vst v63  }
0x44: {  	_ =	swait.ge [sflag:s18], $0x4000  }
0x45: {  	s19 =	sadd.s32 $0x1, s19;
	[sflag:s18] =	ssyncset.done $0x0  }
0x46: {  	p0 =	sne.s32 s19, s8;
	[sflag:s18] =	ssyncadd.s32 $0xFFFFC000  }
.Ltmp1:
0x47: {  	[bflag:$0x0] =	sbarrier.arrive $0xFFFF;
	(pc) =	sbr.rel @p0 .LBB2_1-.Ltmp1, $4  }
0x48: {  	[hbm:s7], [sflag:s12] =	dma.local [spmem:s13], $0x2800  }
0x49: {  	_ =	swait.ge [sflag:s11], $0x2800  }
0x4a: {  	[sflag:s11] =	ssyncset.done $0x0  }
0x4b: {  	[sflag:s11] =	ssyncadd.s32 $0xFFFFD800  }
0x4c: {  	_ =	sfence.sel $0x180000  }
0x4d: {  	[bflag:$0x0] =	sbarrier.arrive $0xFFFF  }
0x4e: {  	p0 =	sne.s32 s0, $0x0;
	_ =	strace $0x9000004A  }
0x4f: {  	s0 =	sadd.s32 @!p0 $0x100000, s1;
	[bflag:$0x2] =	sbarrier.arrive $0xFFFF  }
0x50: {  	[sflag:s0] =	ssyncadd.tile.s32 @!p0 $0x1;
	_ =	shalt  }
.Lfunc_end2:
_tile_overlayer_lowered:
.L_overlay_start_2:
0x51: {  	(tag) =	ssettag $0x2  }
0x52: {  	s0 =	rddreg [dreg:$0x0];
	s2 =	stileid.u32  }
0x53: {  	s1 =	rddreg [dreg:$0x1];
	p0 =	sne.s32 s2, $0x0  }
0x54: {  	s3 =	rddreg [dreg:$0x2];
	[bflag:$0x3] =	sbarrier.arrive $0xFFFF;
	s2 =	simm.s32 @!p0 $0x1C03  }
0x55: {  	[timem:s3], [sflag:s2] =	dma.local @!p0 [hbm:s0], s1  }
0x56: {  	s0 =	simm.s32 @!p0 $0x3  }
0x57: {  	_ =	swait.ge @!p0 [sflag:s0], s1  }
0x58: {  	s1 =	ssub.s32 @!p0 $0x0, s1;
	[sflag:s0] =	ssyncset.done @!p0 $0x0  }
0x59: {  	[sflag:s0] =	ssyncadd.s32 @!p0 s1  }
0x5a: {  	[bflag:$0x3] =	sbarrier.arrive $0xFFFF  }
0x5b: {  	_ =	shalt  }

// kernel: kernel.25.cloned.1.call-start
scs
__scs_entry_jumppad:
0x0: {  	(pc) =	sbr.rel $0x88, $3  }
0x1: {  	(tag) =	ssettag $0x0;
	lr =	simm.s32 $0x1  }
0x2: {  	[smem:$0x3F92] =	sst lr;
	_ =	strace $0xD0000000  }
0x3: {  	_ = 	snop  }
0x4: {  	_ = 	snop  }
0x5: {  	_ = 	snop  }
0x6: {  	_ = 	snop  }
0x7: {  	_ = 	snop  }
__scs_overlays_trampoline_lowered:
0x8: {  	[smem:$0x3FA1] =	sst s0  }
0x9: {  	[smem:$0x3FA2] =	sst s1  }
0xa: {  	[smem:$0x3FA3] =	sst s2  }
0xb: {  	[smem:$0x3FA4] =	sst s3  }
0xc: {  	[smem:$0x3FA5] =	sst s4  }
0xd: {  	[smem:$0x3FA6] =	sst s5  }
0xe: {  	[smem:$0x3FA7] =	sst s6  }
0xf: {  	[smem:$0x3FA8] =	sst s7  }
0x10: {  	[smem:$0x3FA9] =	sst s8  }
0x11: {  	[smem:$0x3FAA] =	sst s9;
	s0 =	simm.s32 @!p0 $0x0  }
0x12: {  	s1 =	sld [smem:$0x3F90];
	s0 =	simm.s32 @p0 $0x1  }
0x13: {  	[smem:$0x3FAB] =	sst s0;
	s0 =	simm.s32 @!p1 $0x0  }
0x14: {  	s2 =	sld [smem:$0x3F8F];
	s0 =	simm.s32 @p1 $0x1  }
0x15: {  	[smem:$0x3FAC] =	sst s0;
	s0 =	simm.s32 @!p2 $0x0  }
0x16: {  	s3 =	sld [smem:$0x3FDB];
	s0 =	simm.s32 @p2 $0x1  }
0x17: {  	s4 =	simm.s32 $0x1BF5;
	[smem:$0x3FAE] =	sst s0  }
0x18: {  	s0 =	sld [smem:$0x3F91];
	_ =	swait.ge [sflag:s4], $0x0  }
0x19: {  	s7 =	sld [smem:$0x3F92]  }
0x1a: {  	s8 =	sadd.s32 $0xFFFFE003, lr  }
0x1b: {  	s9 =	sadd.s32 $0xFFFFFEF7, lr;
	s5 =	simm.s32 $0xFFFFFFFF;
	p2 =	slt.u32 s8, $0xFFFFF086  }
0x1c: {  	p1 =	slt.u32 s9, $0xF7A;
	s5 =	simm.s32 @!p2 $0x0  }
0x1d: {  	s5 =	simm.s32 @p1 $0x1;
	p0 =	seq.s32 s7, s2  }
0x1e: {  	s7 =	smul.u32 @!p0 $0xF7A, s2;
	p2 =	seq.s32 @!p0 s5, $0x0  }
0x1f: {  	s9 =	smul.u32 $0xF7A, s1;
	s8 =	simm.s32 @!p0 $0x1BF5;
	p2 =	por !p2, p0  }
0x20: {  	[sflag:s8] =	ssyncset.s32 @!p0 $0xFFFFF086;
	s6 =	sadd.s32 @!p0 s3, s7;
	s7 =	simm.s32 @!p0 $0x108  }
0x21: {  	s3 =	sadd.s32 s3, s9;
	s6 =	sadd.s32 @!p0 $0x88, s6;
	s7 =	simm.s32 @p2 $0x1082  }
0x22: {  	[simem:s7], [sflag:s8] =	dma.local @!p0 [hbm:s6], $0xF7A  }
0x23: {  	s9 =	sor.u32 $0xD0000000, s2;
	s6 =	simm.s32 $0x108;
	_ =	swait.ge @!p0 [sflag:s8], $0x0  }
0x24: {  	s3 =	sadd.s32 $0x88, s3;
	s6 =	simm.s32 @!p1 $0x1082;
	[sflag:s4] =	ssyncset.s32 $0xFFFFF086  }
0x25: {  	[simem:s6], [sflag:s4] =	dma.local [hbm:s3], $0xF7A  }
0x26: {  	[smem:$0x3F92] =	sst s1;
	(tag) =	ssettag s2;
	_ =	strace s9  }
0x27: {  	s1 =	sld [smem:$0x3FA2]  }
0x28: {  	s2 =	sld [smem:$0x3FA3]  }
0x29: {  	s4 =	sld [smem:$0x3FA5]  }
0x2a: {  	p0 =	seq.s32 s5, $0x0;
	s5 =	sld [smem:$0x3FA6]  }
0x2b: {  	s6 =	sld [smem:$0x3FA7]  }
0x2c: {  	s7 =	sld [smem:$0x3FA8]  }
0x2d: {  	s3 =	simm.s32 $0x108;
	s8 =	sld [smem:$0x3FA9]  }
0x2e: {  	s3 =	simm.s32 @!p0 $0x1082;
	s9 =	sld [smem:$0x3FAA]  }
0x2f: {  	lr =	sadd.s32 s0, s3;
	s0 =	sld [smem:$0x3FA1]  }
0x30: {  	s3 =	sld [smem:$0x3FA4]  }
0x31: {  	[smem:$0x3FAD] =	sst s10  }
0x32: {  	s10 =	sld [smem:$0x3FAB];
	_ =	sdelay $0x3  }
0x33: {  	p0 =	seq.s32 s10, $0x1;
	s10 =	sld [smem:$0x3FAD];
	_ =	sdelay $0x3  }
0x34: {  	[smem:$0x3FAD] =	sst s10  }
0x35: {  	s10 =	sld [smem:$0x3FAC];
	_ =	sdelay $0x3  }
0x36: {  	p1 =	seq.s32 s10, $0x1;
	s10 =	sld [smem:$0x3FAD];
	_ =	sdelay $0x3  }
0x37: {  	[smem:$0x3FAD] =	sst s10  }
0x38: {  	s10 =	sld [smem:$0x3FAE]  }
0x39: {  	_ = 	snop;
	(pc) =	sbr.ind lr, $3  }
0x3a: {  	_ = 	snop  }
0x3b: {  	_ = 	snop  }
0x3c: {  	p2 =	seq.s32 s10, $0x1;
	s10 =	sld [smem:$0x3FAD]  }
0x3d: {  	_ =	shalt  }
0x3e: {  	_ =	shalt  }
0x3f: {  	_ =	shalt  }
0x40: {  	_ =	shalt  }
0x41: {  	_ =	shalt  }
0x42: {  	_ =	shalt  }
0x43: {  	_ =	shalt  }
0x44: {  	_ =	shalt  }
0x45: {  	_ =	shalt  }
0x46: {  	_ =	shalt  }
0x47: {  	_ =	shalt  }
0x48: {  	_ =	shalt  }
0x49: {  	_ =	shalt  }
0x4a: {  	_ =	shalt  }
0x4b: {  	_ =	shalt  }
0x4c: {  	_ =	shalt  }
0x4d: {  	_ =	shalt  }
0x4e: {  	_ =	shalt  }
0x4f: {  	_ =	shalt  }
0x50: {  	_ =	shalt  }
0x51: {  	_ =	shalt  }
0x52: {  	_ =	shalt  }
0x53: {  	_ =	shalt  }
0x54: {  	_ =	shalt  }
0x55: {  	_ =	shalt  }
0x56: {  	_ =	shalt  }
0x57: {  	_ =	shalt  }
0x58: {  	_ =	shalt  }
0x59: {  	_ =	shalt  }
0x5a: {  	_ =	shalt  }
0x5b: {  	_ =	shalt  }
0x5c: {  	_ =	shalt  }
0x5d: {  	_ =	shalt  }
0x5e: {  	_ =	shalt  }
0x5f: {  	_ =	shalt  }
0x60: {  	_ =	shalt  }
0x61: {  	_ =	shalt  }
0x62: {  	_ =	shalt  }
0x63: {  	_ =	shalt  }
0x64: {  	_ =	shalt  }
0x65: {  	_ =	shalt  }
0x66: {  	_ =	shalt  }
0x67: {  	_ =	shalt  }
0x68: {  	_ =	shalt  }
0x69: {  	_ =	shalt  }
0x6a: {  	_ =	shalt  }
0x6b: {  	_ =	shalt  }
0x6c: {  	_ =	shalt  }
0x6d: {  	_ =	shalt  }
0x6e: {  	_ =	shalt  }
0x6f: {  	_ =	shalt  }
0x70: {  	_ =	shalt  }
0x71: {  	_ =	shalt  }
0x72: {  	_ =	shalt  }
0x73: {  	_ =	shalt  }
0x74: {  	_ =	shalt  }
0x75: {  	_ =	shalt  }
0x76: {  	_ =	shalt  }
0x77: {  	_ =	shalt  }
0x78: {  	_ =	shalt  }
0x79: {  	_ =	shalt  }
0x7a: {  	_ =	shalt  }
0x7b: {  	_ =	shalt  }
0x7c: {  	_ =	shalt  }
0x7d: {  	_ =	shalt  }
0x7e: {  	_ =	shalt  }
0x7f: {  	_ =	shalt  }
0x80: {  	_ =	shalt  }
0x81: {  	_ =	shalt  }
0x82: {  	_ =	shalt  }
0x83: {  	_ =	shalt  }
0x84: {  	_ =	shalt  }
0x85: {  	_ =	shalt  }
0x86: {  	_ =	shalt  }
0x87: {  	_ =	shalt  }
.Lfunc_end0:
.L_simem_size_0:
called_computation.2_lowered:
.L_overlay_start_0:
0x88: {  	s2 =	sld [smem:$0x3FD9]  }
0x89: {  	s3 =	sld [smem:$0x3FFE];
	_ =	sdelay $0x1  }
0x8a: {  	s1 =	srdreg.scid  }
0x8b: {  	s0 =	sand.u32 $0x1, s1  }
0x8c: {  	s16 =	sshll.u32 s0, $0xA;
	s2 =	sadd.s32 s3, s2  }
0x8d: {  	s2 =	sadd.s32 s2, s16  }
0x8e: {  	[smem:$0x3FB9] =	sst s2  }
0x8f: {  	_ = 	snop  }
0x90: {  	(tm) =	ssettm $0x1  }
0x91: {  	s17 =	sld [smem:$0x3FFB];
	_ =	sdelay $0x3  }
0x92: {  	_ =	strace s17  }
0x93: {  	s2 =	sld [smem:$0x3FFC];
	_ =	sdelay $0x3  }
0x94: {  	_ =	strace s2  }
0x95: {  	s2 =	sld [smem:$0x3FFD];
	_ =	sdelay $0x3  }
0x96: {  	_ =	strace s2  }
0x97: {  	_ =	strace $0x8FFFFFFF  }
0x98: {  	s18 =	sld [smem:$0x3FDB];
	_ =	sdelay $0x1  }
0x99: {  	s19 =	simm.s32 $_scs_section_size  }
0x9a: {  	s4 =	simm.s32 $_size__tile_overlayer_lowered;
	s5 =	simm.s32 $_tile_overlayer_lowered  }
0x9b: {  	s22 =	simm.s32 $0x1BFF;
	s21 =	sshll.u32 s5, $0x1;
	s2 =	sadd.s32 s19, s18  }
0x9c: {  	s6 =	simm.s32 $0x0;
	s20 =	sshll.u32 s4, $0x1;
	s4 =	sadd.s32 s21, s2  }
0x9d: {  	[timem:s6], [sflag:s22] =	dma.local [hbm:s4], s20  }
0x9e: {  	_ =	swait.ge [sflag:s22], s20  }
0x9f: {  	s3 =	ssub.s32 $0x0, s20;
	[sflag:s22] =	ssyncset.done $0x0  }
0xa0: {  	[sflag:s22] =	ssyncadd.s32 s3;
	_ =	sdelay $0x1  }
0xa1: {  	s23 =	simm.s32 $0x1B8B  }
0xa2: {  	_ =	swait.ge [sflag:s23], $0x1  }
0xa3: {  	[sflag:s23] =	ssyncset.done $0x0  }
0xa4: {  	s25 =	simm.s32 $0x1B8E;
	s24 =	sld [smem:$0x3FFE];
	[sflag:s23] =	ssyncadd.s32 $0xFFFFFFFF  }
0xa5: {  	s26 =	simm.s32 $execute0_lowered;
	[smem:$0x3FD2] =	sst s25  }
0xa6: {  	s4 =	sshll.u32 s26, $0x1;
	_ =	strace $0x8000004C;
	[dreg:$0x1] =	wrdreg $0xFFFFFFFF  }
0xa7: {  	s28 =	simm.s32 $_size_execute0_lowered;
	s2 =	sadd.s32 s2, s4;
	[dreg:$0x0] =	wrdreg $0x0  }
0xa8: {  	s4 =	sshll.u32 s28, $0x1;
	[dreg:$0x2] =	wrdreg s2  }
0xa9: {  	[dreg:$0x3] =	wrdreg s4  }
0xaa: {  	[dreg:$0x4] =	wrdreg $0xC0  }
0xab: {  	_ =	task [dreg:s6], $0x5FFFF  }
0xac: {  	[dreg:$0x1] =	wrdreg $0xFFFFFFFF  }
0xad: {  	[dreg:$0x0] =	wrdreg $0x60  }
0xae: {  	[dreg:$0x2] =	wrdreg s24  }
0xaf: {  	[dreg:$0x3] =	wrdreg $0x9  }
0xb0: {  	_ =	task.clear_ibuf [dreg:s6], $0x4FFFF;
	_ =	strace $0x9000004C  }
0xb1: {  	s29 =	simm.s32 $0x9;
	_ =	strace $0x8000004E  }
0xb2: {  	_ =	swait.ge [sflag:s29], $0x1  }
0xb3: {  	[sflag:s29] =	ssyncadd.s32 $0xFFFFFFFF  }
0xb4: {  	_ =	strace $0x9000004E  }
0xb5: {  	_ =	sfence  }
0xb6: {  	s30 =	sld [smem:$0x0];
	_ =	sdelay $0x2  }
0xb7: {  	s31 =	sshll.u32 s1, $0xD;
	s1 =	sshrl.u32 s1, $0x2  }
0xb8: {  	s3 =	sand.u32 $0x4000, s31;
	s1 =	sadd.s32 s1, s30  }
0xb9: {  	s0 =	sor.u32 s3, s0;
	s1 =	sshll.u32 s1, $0x11  }
0xba: {  	s0 =	sor.u32 s1, s0  }
0xbb: {  	s0 =	sadd.s32 $0x8F2B, s0  }
0xbc: {  	[sflag:s0] =	ssyncadd.remote.s32 $0x1  }
0xbd: {  	_ =	sfence.sel $0xFFFF  }
0xbe: {  	[dreg:$0x0] =	wrdreg $0xFFFFFFFF;
	(pc) =	sbr.abs _section_cstart, $3  }
0xbf: {  	[dreg:$0x1] =	wrdreg $0xFFFFFFFF  }
0xc0: {  	_ =	task.clear_ibuf [dreg:s6], $0x2FFFF;
	_ =	strace $0x9FFFFFFF  }
0xc1: {  	(tm) =	ssettm $0x7FFFFFFF  }
tec
execute0_lowered:
.L_overlay_start_1:
0x0: {  	(tag) =	ssettag $0x1  }
0x1: {  	s4 =	rddreg [dreg:$0x0]  }
0x2: {  	s0 =	rddreg [dreg:$0x1]  }
0x3: {  	s3 =	srdreg.scid;
	s1 =	stileid.u32;
	s2 =	simm.s32 $0x0  }
0x4: {  	s11 =	simm.s32 $0x80;
	s12 =	simm.s32 $0x3;
	s13 =	simm.s32 $0x5  }
0x5: {  	s14 =	simm.s32 $0x9000;
	s15 =	simm.s32 $0x4;
	s16 =	simm.s32 $0x0  }
0x6: {  	s5 =	sand.u32 $0x1, s3;
	s29 =	sshll.u32 s1, $0x1;
	s9 =	smul.u32 $0x50000, s1  }
0x7: {  	s6 =	sor.u32 s5, s29;
	s8 =	ssub.s32 $0x2, s5;
	s5 =	smul.u32 $0x28000, s5  }
0x8: {  	[smem:$0x7FF] =	sst s2;
	s3 =	sadd.s32 $0x5F8E00, s4;
	s7 =	smul.u32 $0xA00, s6  }
0x9: {  	s10 =	sadd.s32 $0x2A800, s4;
	_ =	strace $0x8000004D;
	s6 =	smul.u32 $0x140000, s6  }
.Ltmp0:
0xa: {  	s30 =	sshrl.u32 s8, $0x1;
	s9 =	sadd.s32 s9, s10;
	(pc) =	sbr.rel .LBB2_1-.Ltmp0, $4  }
0xb: {  	s8 =	ssub.s32 s8, s30;
	s31 =	sadd.s32 s5, s9;
	s7 =	sadd.s32 s7, s4  }
0xc: {  	s9 =	simm.s32 $0x5000;
	s6 =	sshrl.u32 s6, $0x3;
	s4 =	sadd.s32 $0x16800, s7  }
0xd: {  	s6 =	sadd.s32 s10, s6;
	s7 =	sadd.s32 $0xFFFFF800, s31;
	s10 =	simm.s32 $0x1  }
0xe: {  	s5 =	sadd.s32 $0x27800, s6;
	s6 =	smax.u32 s8, $0x1;
	s8 =	simm.s32 $0x6  }
.LBB2_7:
0xf: {  	_ =	swait.ge [sflag:s12], $0x4000  }
0x10: {  	[sflag:s12] =	ssyncset.done $0x0  }
0x11: {  	s16 =	sadd.s32 $0x1, s16;
	[sflag:s12] =	ssyncadd.s32 $0xFFFFC000  }
0x12: {  	[hbm4b:s5+s2] =	stream.linear.scatter [tilespmem:s14], [sflag:$0x5], $0x4000, $0x38;
	[tilespmem:$0x11000] =	vst v63  }
0x13: {  	p0 =	sne.s32 s16, s6;
	_ =	swait.ge [sflag:s15], $0x4000  }
.Ltmp1:
0x14: {  	[sflag:s15] =	ssyncset.done $0x0;
	(pc) =	sbr.rel @!p0 .LBB2_8-.Ltmp1, $4  }
0x15: {  	[sflag:s15] =	ssyncadd.s32 $0xFFFFC000  }
0x16: {  	_ =	swait.ge [sflag:s13], $0x4000  }
0x17: {  	[sflag:s13] =	ssyncset.done $0x0  }
0x18: {  	[sflag:s13] =	ssyncadd.s32 $0xFFFFC000  }
.LBB2_1:
0x19: {  	[tilespmem:s2], [sflag:$0x6] =	stream.linear.gather [hbm4b:s4+s2], $0x5000, $0x38;
	[tilespmem:$0x11000] =	vst v63  }
.Ltmp2:
0x1a: {  	_ = 	snop;
	(pc) =	sbr.rel .LBB2_2-.Ltmp2, $4  }
0x1b: {  	_ =	swait.ge [sflag:s8], $0x5000  }
0x1c: {  	s17 =	simm.s32 $0x80;
	[sflag:s8] =	ssyncset.done $0x0  }
0x1d: {  	s18 =	smov.u32 s7;
	s19 =	simm.s32 $0x0;
	[sflag:s8] =	ssyncadd.s32 $0xFFFFB000  }
0x1e: {  	[tilespmem:s9], [sflag:$0x1] =	stream.indirect.gather [hbm4b:s3+s11], $0x80, s2, s11, $0xb8;
	[tilespmem:$0x11000] =	vst v63  }
.LBB2_3:
0x1f: {  	s20 =	simm.s32 @!p0 $0x1  }
0x20: {  	s20 =	sshll.u32 s20, $0xE  }
0x21: {  	s20 =	sadd.s32 $0x5000, s20  }
0x22: {  	[tilespmem:s20], [sflag:$0x3] =	stream.indirect.gather.add.f32 [hbm:s3], $0x80, s17, s11, $0xb8;
	[tilespmem:$0x11000] =	vst v63  }
.LBB2_5:
0x23: {  	s20 =	sadd.s32 $0xFFFFFFFF, s19  }
0x24: {  	s21 =	sand.u32 $0xFF, s20  }
0x25: {  	s21 =	smul.u32 $0xAB, s21;
	_ =	sdelay $0x1  }
0x26: {  	s21 =	sshrl.u32 s21, $0x9  }
0x27: {  	s22 =	sand.u32 $0x1, s20;
	s21 =	smul.u32 $0x3, s21  }
0x28: {  	p0 =	seq.s32 s22, $0x1;
	s22 =	simm.s32 $0x3  }
0x29: {  	s22 =	simm.s32 @!p0 $0x2;
	s20 =	ssub.s32 s20, s21  }
0x2a: {  	_ =	swait.ge [sflag:s22], $0x4000;
	s20 =	sand.u32 $0xFF, s20  }
0x2b: {  	[sflag:s22] =	ssyncset.done $0x0;
	s21 =	simm.s32 $0x5;
	s20 =	sshll.u32 s20, $0xE  }
0x2c: {  	[sflag:s22] =	ssyncadd.s32 $0xFFFFC000;
	s21 =	simm.s32 @!p0 $0x4;
	s20 =	sadd.s32 $0x5000, s20  }
0x2d: {  	[hbm4b:s18+s2] =	stream.linear.scatter [tilespmem:s20], [sflag:s21], $0x4000, $0x38;
	[tilespmem:$0x11000] =	vst v63  }
.LBB2_6:
0x2e: {  	s19 =	sadd.s32 $0x1, s19  }
0x2f: {  	p0 =	sne.s32 s19, $0x50  }
.Ltmp3:
0x30: {  	_ = 	snop;
	(pc) =	sbr.rel @!p0 .LBB2_7-.Ltmp3, $2  }
0x31: {  	_ =	sdelay $0x2  }
0x32: {  	s18 =	sadd.s32 $0x800, s18;
	s17 =	sadd.s32 $0x100, s17  }
.LBB2_2:
0x33: {  	p1 =	slt.u32 s19, $0x2  }
0x34: {  	p0 =	seq.s32 @!p1 s19, $0x4F  }
0x35: {  	p0 =	por p1, !p0  }
0x36: {  	_ =	swait.ge [sflag:s10], $0x4000;
	s22 =	sand.u32 $0x1, s19;
	s20 =	smul.u32 @p0 $0xAB, s19  }
0x37: {  	[sflag:s10] =	ssyncset.done $0x0;
	p2 =	seq.s32 s22, $0x1  }
0x38: {  	s22 =	simm.s32 @!p1 $0x5;
	p3 =	por !p2, p1;
	s21 =	sadd.s32 @p0 $0xAB, s20  }
0x39: {  	[sflag:s10] =	ssyncadd.s32 $0xFFFFC000;
	s22 =	simm.s32 @p3 $0x4;
	s21 =	sshrl.u32 @p0 s21, $0x9  }
0x3a: {  	_ =	swait.ge @!p1 [sflag:s22], $0x4000;
	s21 =	sand.u32 @p0 $0x7F, s21  }
0x3b: {  	[sflag:s22] =	ssyncset.done @!p1 $0x0;
	s20 =	sshrl.u32 @p0 s20, $0x9;
	s21 =	smul.u32 @p0 $0x3, s21  }
0x3c: {  	[sflag:s22] =	ssyncadd.s32 @!p1 $0xFFFFC000;
	s20 =	sand.u32 @p0 $0x7F, s20  }
0x3d: {  	p1 =	por !p0, p2;
	s20 =	smul.u32 @p0 $0x3, s20;
	s21 =	ssub.s32 @p0 s19, s21  }
.Ltmp4:
0x3e: {  	s21 =	sadd.s32 @p0 $0x1, s21;
	(pc) =	sbr.rel @p1 .LBB2_3-.Ltmp4, $4  }
0x3f: {  	s21 =	sand.u32 @p0 $0xFF, s21  }
0x40: {  	s23 =	simm.s32 @p0 $0x80;
	s20 =	ssub.s32 @p0 s19, s20;
	s21 =	sshll.u32 @p0 s21, $0xE  }
0x41: {  	s22 =	sadd.s32 @p0 $0x80, s17;
	s20 =	sand.u32 @p0 $0xFF, s20;
	s21 =	sadd.s32 @p0 $0x5000, s21  }
0x42: {  	[tilespmem:s21], [sflag:$0x1] =	stream.indirect.gather @p0 [hbm4b:s3+s23], $0x80, s22, s23, $0xb8;
	[tilespmem:$0x11000] =	vst v63  }
0x43: {  	p0 =	seq.s32 s19, $0x0  }
.Ltmp5:
0x44: {  	_ = 	snop;
	(pc) =	sbr.rel @!p0 .LBB2_5-.Ltmp5, $4  }
.Ltmp6:
0x45: {  	_ = 	snop;
	(pc) =	sbr.rel @p0 .LBB2_6-.Ltmp6, $4  }
0x46: {  	s20 =	sshll.u32 s20, $0xE  }
0x47: {  	s20 =	sadd.s32 $0x5000, s20  }
0x48: {  	[tilespmem:s20], [sflag:$0x2] =	stream.indirect.gather.add.f32 [hbm:s3], $0x80, s17, s11, $0xb8;
	[tilespmem:$0x11000] =	vst v63  }
0x49: {  	_ = 	snop  }
.LBB2_8:
0x4a: {  	_ =	sfence.sel $0x180000  }
0x4b: {  	[bflag:$0x0] =	sbarrier.arrive $0xFFFF  }
0x4c: {  	p0 =	sne.s32 s1, $0x0;
	_ =	strace $0x9000004D  }
0x4d: {  	s0 =	sadd.s32 @!p0 $0x100000, s0;
	[bflag:$0x2] =	sbarrier.arrive $0xFFFF  }
0x4e: {  	[sflag:s0] =	ssyncadd.tile.s32 @!p0 $0x1;
	_ =	shalt  }
.Lfunc_end2:
_tile_overlayer_lowered:
.L_overlay_start_2:
0x4f: {  	(tag) =	ssettag $0x2  }
0x50: {  	s0 =	rddreg [dreg:$0x0];
	s2 =	stileid.u32  }
0x51: {  	s1 =	rddreg [dreg:$0x1];
	p0 =	sne.s32 s2, $0x0  }
0x52: {  	s3 =	rddreg [dreg:$0x2];
	[bflag:$0x3] =	sbarrier.arrive $0xFFFF;
	s2 =	simm.s32 @!p0 $0x1C06  }
0x53: {  	[timem:s3], [sflag:s2] =	dma.local @!p0 [hbm:s0], s1  }
0x54: {  	s0 =	simm.s32 @!p0 $0x6  }
0x55: {  	_ =	swait.ge @!p0 [sflag:s0], s1  }
0x56: {  	s1 =	ssub.s32 @!p0 $0x0, s1;
	[sflag:s0] =	ssyncset.done @!p0 $0x0  }
0x57: {  	[sflag:s0] =	ssyncadd.s32 @!p0 s1  }
0x58: {  	[bflag:$0x3] =	sbarrier.arrive $0xFFFF  }
0x59: {  	_ =	shalt  }

// kernel: kernel.28.cloned.1.call-start
scs
__scs_entry_jumppad:
0x0: {  	(pc) =	sbr.rel $0x88, $3  }
0x1: {  	(tag) =	ssettag $0x0;
	lr =	simm.s32 $0x1  }
0x2: {  	[smem:$0x3F92] =	sst lr;
	_ =	strace $0xD0000000  }
0x3: {  	_ = 	snop  }
0x4: {  	_ = 	snop  }
0x5: {  	_ = 	snop  }
0x6: {  	_ = 	snop  }
0x7: {  	_ = 	snop  }
__scs_overlays_trampoline_lowered:
0x8: {  	[smem:$0x3FA1] =	sst s0  }
0x9: {  	[smem:$0x3FA2] =	sst s1  }
0xa: {  	[smem:$0x3FA3] =	sst s2  }
0xb: {  	[smem:$0x3FA4] =	sst s3  }
0xc: {  	[smem:$0x3FA5] =	sst s4  }
0xd: {  	[smem:$0x3FA6] =	sst s5  }
0xe: {  	[smem:$0x3FA7] =	sst s6  }
0xf: {  	[smem:$0x3FA8] =	sst s7  }
0x10: {  	[smem:$0x3FA9] =	sst s8  }
0x11: {  	[smem:$0x3FAA] =	sst s9;
	s0 =	simm.s32 @!p0 $0x0  }
0x12: {  	s1 =	sld [smem:$0x3F90];
	s0 =	simm.s32 @p0 $0x1  }
0x13: {  	[smem:$0x3FAB] =	sst s0;
	s0 =	simm.s32 @!p1 $0x0  }
0x14: {  	s2 =	sld [smem:$0x3F8F];
	s0 =	simm.s32 @p1 $0x1  }
0x15: {  	[smem:$0x3FAC] =	sst s0;
	s0 =	simm.s32 @!p2 $0x0  }
0x16: {  	s3 =	sld [smem:$0x3FDB];
	s0 =	simm.s32 @p2 $0x1  }
0x17: {  	s4 =	simm.s32 $0x1BF5;
	[smem:$0x3FAE] =	sst s0  }
0x18: {  	s0 =	sld [smem:$0x3F91];
	_ =	swait.ge [sflag:s4], $0x0  }
0x19: {  	s7 =	sld [smem:$0x3F92]  }
0x1a: {  	s8 =	sadd.s32 $0xFFFFE003, lr  }
0x1b: {  	s9 =	sadd.s32 $0xFFFFFEF7, lr;
	s5 =	simm.s32 $0xFFFFFFFF;
	p2 =	slt.u32 s8, $0xFFFFF086  }
0x1c: {  	p1 =	slt.u32 s9, $0xF7A;
	s5 =	simm.s32 @!p2 $0x0  }
0x1d: {  	s5 =	simm.s32 @p1 $0x1;
	p0 =	seq.s32 s7, s2  }
0x1e: {  	s7 =	smul.u32 @!p0 $0xF7A, s2;
	p2 =	seq.s32 @!p0 s5, $0x0  }
0x1f: {  	s9 =	smul.u32 $0xF7A, s1;
	s8 =	simm.s32 @!p0 $0x1BF5;
	p2 =	por !p2, p0  }
0x20: {  	[sflag:s8] =	ssyncset.s32 @!p0 $0xFFFFF086;
	s6 =	sadd.s32 @!p0 s3, s7;
	s7 =	simm.s32 @!p0 $0x108  }
0x21: {  	s3 =	sadd.s32 s3, s9;
	s6 =	sadd.s32 @!p0 $0x88, s6;
	s7 =	simm.s32 @p2 $0x1082  }
0x22: {  	[simem:s7], [sflag:s8] =	dma.local @!p0 [hbm:s6], $0xF7A  }
0x23: {  	s9 =	sor.u32 $0xD0000000, s2;
	s6 =	simm.s32 $0x108;
	_ =	swait.ge @!p0 [sflag:s8], $0x0  }
0x24: {  	s3 =	sadd.s32 $0x88, s3;
	s6 =	simm.s32 @!p1 $0x1082;
	[sflag:s4] =	ssyncset.s32 $0xFFFFF086  }
0x25: {  	[simem:s6], [sflag:s4] =	dma.local [hbm:s3], $0xF7A  }
0x26: {  	[smem:$0x3F92] =	sst s1;
	(tag) =	ssettag s2;
	_ =	strace s9  }
0x27: {  	s1 =	sld [smem:$0x3FA2]  }
0x28: {  	s2 =	sld [smem:$0x3FA3]  }
0x29: {  	s4 =	sld [smem:$0x3FA5]  }
0x2a: {  	p0 =	seq.s32 s5, $0x0;
	s5 =	sld [smem:$0x3FA6]  }
0x2b: {  	s6 =	sld [smem:$0x3FA7]  }
0x2c: {  	s7 =	sld [smem:$0x3FA8]  }
0x2d: {  	s3 =	simm.s32 $0x108;
	s8 =	sld [smem:$0x3FA9]  }
0x2e: {  	s3 =	simm.s32 @!p0 $0x1082;
	s9 =	sld [smem:$0x3FAA]  }
0x2f: {  	lr =	sadd.s32 s0, s3;
	s0 =	sld [smem:$0x3FA1]  }
0x30: {  	s3 =	sld [smem:$0x3FA4]  }
0x31: {  	[smem:$0x3FAD] =	sst s10  }
0x32: {  	s10 =	sld [smem:$0x3FAB];
	_ =	sdelay $0x3  }
0x33: {  	p0 =	seq.s32 s10, $0x1;
	s10 =	sld [smem:$0x3FAD];
	_ =	sdelay $0x3  }
0x34: {  	[smem:$0x3FAD] =	sst s10  }
0x35: {  	s10 =	sld [smem:$0x3FAC];
	_ =	sdelay $0x3  }
0x36: {  	p1 =	seq.s32 s10, $0x1;
	s10 =	sld [smem:$0x3FAD];
	_ =	sdelay $0x3  }
0x37: {  	[smem:$0x3FAD] =	sst s10  }
0x38: {  	s10 =	sld [smem:$0x3FAE]  }
0x39: {  	_ = 	snop;
	(pc) =	sbr.ind lr, $3  }
0x3a: {  	_ = 	snop  }
0x3b: {  	_ = 	snop  }
0x3c: {  	p2 =	seq.s32 s10, $0x1;
	s10 =	sld [smem:$0x3FAD]  }
0x3d: {  	_ =	shalt  }
0x3e: {  	_ =	shalt  }
0x3f: {  	_ =	shalt  }
0x40: {  	_ =	shalt  }
0x41: {  	_ =	shalt  }
0x42: {  	_ =	shalt  }
0x43: {  	_ =	shalt  }
0x44: {  	_ =	shalt  }
0x45: {  	_ =	shalt  }
0x46: {  	_ =	shalt  }
0x47: {  	_ =	shalt  }
0x48: {  	_ =	shalt  }
0x49: {  	_ =	shalt  }
0x4a: {  	_ =	shalt  }
0x4b: {  	_ =	shalt  }
0x4c: {  	_ =	shalt  }
0x4d: {  	_ =	shalt  }
0x4e: {  	_ =	shalt  }
0x4f: {  	_ =	shalt  }
0x50: {  	_ =	shalt  }
0x51: {  	_ =	shalt  }
0x52: {  	_ =	shalt  }
0x53: {  	_ =	shalt  }
0x54: {  	_ =	shalt  }
0x55: {  	_ =	shalt  }
0x56: {  	_ =	shalt  }
0x57: {  	_ =	shalt  }
0x58: {  	_ =	shalt  }
0x59: {  	_ =	shalt  }
0x5a: {  	_ =	shalt  }
0x5b: {  	_ =	shalt  }
0x5c: {  	_ =	shalt  }
0x5d: {  	_ =	shalt  }
0x5e: {  	_ =	shalt  }
0x5f: {  	_ =	shalt  }
0x60: {  	_ =	shalt  }
0x61: {  	_ =	shalt  }
0x62: {  	_ =	shalt  }
0x63: {  	_ =	shalt  }
0x64: {  	_ =	shalt  }
0x65: {  	_ =	shalt  }
0x66: {  	_ =	shalt  }
0x67: {  	_ =	shalt  }
0x68: {  	_ =	shalt  }
0x69: {  	_ =	shalt  }
0x6a: {  	_ =	shalt  }
0x6b: {  	_ =	shalt  }
0x6c: {  	_ =	shalt  }
0x6d: {  	_ =	shalt  }
0x6e: {  	_ =	shalt  }
0x6f: {  	_ =	shalt  }
0x70: {  	_ =	shalt  }
0x71: {  	_ =	shalt  }
0x72: {  	_ =	shalt  }
0x73: {  	_ =	shalt  }
0x74: {  	_ =	shalt  }
0x75: {  	_ =	shalt  }
0x76: {  	_ =	shalt  }
0x77: {  	_ =	shalt  }
0x78: {  	_ =	shalt  }
0x79: {  	_ =	shalt  }
0x7a: {  	_ =	shalt  }
0x7b: {  	_ =	shalt  }
0x7c: {  	_ =	shalt  }
0x7d: {  	_ =	shalt  }
0x7e: {  	_ =	shalt  }
0x7f: {  	_ =	shalt  }
0x80: {  	_ =	shalt  }
0x81: {  	_ =	shalt  }
0x82: {  	_ =	shalt  }
0x83: {  	_ =	shalt  }
0x84: {  	_ =	shalt  }
0x85: {  	_ =	shalt  }
0x86: {  	_ =	shalt  }
0x87: {  	_ =	shalt  }
.Lfunc_end0:
.L_simem_size_0:
called_computation.3_lowered:
.L_overlay_start_0:
0x88: {  	s2 =	sld [smem:$0x3FD9]  }
0x89: {  	s3 =	sld [smem:$0x3FFE];
	_ =	sdelay $0x1  }
0x8a: {  	s1 =	srdreg.scid  }
0x8b: {  	s0 =	sand.u32 $0x1, s1  }
0x8c: {  	s16 =	sshll.u32 s0, $0xA;
	s2 =	sadd.s32 s3, s2  }
0x8d: {  	s2 =	sadd.s32 s2, s16  }
0x8e: {  	[smem:$0x3FB9] =	sst s2  }
0x8f: {  	_ = 	snop  }
0x90: {  	(tm) =	ssettm $0x1  }
0x91: {  	s17 =	sld [smem:$0x3FFB];
	_ =	sdelay $0x3  }
0x92: {  	_ =	strace s17  }
0x93: {  	s2 =	sld [smem:$0x3FFC];
	_ =	sdelay $0x3  }
0x94: {  	_ =	strace s2  }
0x95: {  	s2 =	sld [smem:$0x3FFD];
	_ =	sdelay $0x3  }
0x96: {  	_ =	strace s2  }
0x97: {  	_ =	strace $0x8FFFFFFF  }
0x98: {  	s18 =	sld [smem:$0x3FDB];
	_ =	sdelay $0x1  }
0x99: {  	s19 =	simm.s32 $_scs_section_size  }
0x9a: {  	s4 =	simm.s32 $_size__tile_overlayer_lowered;
	s5 =	simm.s32 $_tile_overlayer_lowered  }
0x9b: {  	s22 =	simm.s32 $0x1BFF;
	s21 =	sshll.u32 s5, $0x1;
	s2 =	sadd.s32 s19, s18  }
0x9c: {  	s6 =	simm.s32 $0x0;
	s20 =	sshll.u32 s4, $0x1;
	s4 =	sadd.s32 s21, s2  }
0x9d: {  	[timem:s6], [sflag:s22] =	dma.local [hbm:s4], s20  }
0x9e: {  	_ =	swait.ge [sflag:s22], s20  }
0x9f: {  	s3 =	ssub.s32 $0x0, s20;
	[sflag:s22] =	ssyncset.done $0x0  }
0xa0: {  	[sflag:s22] =	ssyncadd.s32 s3;
	_ =	sdelay $0x1  }
0xa1: {  	s23 =	simm.s32 $0x1B8B  }
0xa2: {  	_ =	swait.ge [sflag:s23], $0x1  }
0xa3: {  	[sflag:s23] =	ssyncset.done $0x0  }
0xa4: {  	s25 =	simm.s32 $0x1B8E;
	s24 =	sld [smem:$0x3FFE];
	[sflag:s23] =	ssyncadd.s32 $0xFFFFFFFF  }
0xa5: {  	s26 =	simm.s32 $execute0_lowered;
	[smem:$0x3FD2] =	sst s25  }
0xa6: {  	s4 =	sshll.u32 s26, $0x1;
	_ =	strace $0x8000004F;
	[dreg:$0x1] =	wrdreg $0xFFFFFFFF  }
0xa7: {  	s28 =	simm.s32 $_size_execute0_lowered;
	s2 =	sadd.s32 s2, s4;
	[dreg:$0x0] =	wrdreg $0x0  }
0xa8: {  	s4 =	sshll.u32 s28, $0x1;
	[dreg:$0x2] =	wrdreg s2  }
0xa9: {  	[dreg:$0x3] =	wrdreg s4  }
0xaa: {  	[dreg:$0x4] =	wrdreg $0xC0  }
0xab: {  	_ =	task [dreg:s6], $0x5FFFF  }
0xac: {  	[dreg:$0x1] =	wrdreg $0xFFFFFFFF  }
0xad: {  	[dreg:$0x0] =	wrdreg $0x60  }
0xae: {  	[dreg:$0x2] =	wrdreg s24  }
0xaf: {  	[dreg:$0x3] =	wrdreg $0xA8000  }
0xb0: {  	[dreg:$0x4] =	wrdreg $0x9  }
0xb1: {  	_ =	task.clear_ibuf [dreg:s6], $0x5FFFF;
	_ =	strace $0x9000004F  }
0xb2: {  	s29 =	simm.s32 $0x9;
	_ =	strace $0x80000051  }
0xb3: {  	_ =	swait.ge [sflag:s29], $0x1  }
0xb4: {  	[sflag:s29] =	ssyncadd.s32 $0xFFFFFFFF  }
0xb5: {  	_ =	strace $0x90000051  }
0xb6: {  	_ =	sfence  }
0xb7: {  	s30 =	sld [smem:$0x0];
	_ =	sdelay $0x2  }
0xb8: {  	s31 =	sshll.u32 s1, $0xD;
	s1 =	sshrl.u32 s1, $0x2  }
0xb9: {  	s3 =	sand.u32 $0x4000, s31;
	s1 =	sadd.s32 s1, s30  }
0xba: {  	s0 =	sor.u32 s3, s0;
	s1 =	sshll.u32 s1, $0x11  }
0xbb: {  	s0 =	sor.u32 s1, s0  }
0xbc: {  	s0 =	sadd.s32 $0x8F2B, s0  }
0xbd: {  	[sflag:s0] =	ssyncadd.remote.s32 $0x1  }
0xbe: {  	_ =	sfence.sel $0xFFFF  }
0xbf: {  	[dreg:$0x0] =	wrdreg $0xFFFFFFFF;
	(pc) =	sbr.abs _section_cstart, $3  }
0xc0: {  	[dreg:$0x1] =	wrdreg $0xFFFFFFFF  }
0xc1: {  	_ =	task.clear_ibuf [dreg:s6], $0x2FFFF;
	_ =	strace $0x9FFFFFFF  }
0xc2: {  	(tm) =	ssettm $0x7FFFFFFF  }
0xc3: {  	_ =	shalt  }
tec
execute0_lowered:
.L_overlay_start_1:
0x0: {  	(tag) =	ssettag $0x1  }
0x1: {  	s1 =	srdreg.scid;
	s5 =	rddreg [dreg:$0x0]  }
0x2: {  	s0 =	stileid.u32;
	s2 =	rddreg [dreg:$0x1]  }
0x3: {  	s3 =	simm.s32 $0x0;
	s15 =	simm.s32 $0x80;
	s16 =	simm.s32 $0x6800  }
0x4: {  	s17 =	simm.s32 $0x1;
	s18 =	simm.s32 $0x2;
	s19 =	simm.s32 $0x0  }
0x5: {  	s6 =	sand.u32 $0x1, s1;
	s1 =	rddreg [dreg:$0x2];
	s9 =	smul.u32 $0x14000, s0  }
0x6: {  	s26 =	sshll.u32 s0, $0x1;
	[smem:$0x7FF] =	sst s3;
	s13 =	smul.u32 $0x50000, s0  }
0x7: {  	s10 =	sadd.s32 $0xF84800, s5;
	s31 =	sshll.u32 s0, $0x6;
	s8 =	smul.u32 $0x140000, s6  }
0x8: {  	s7 =	sor.u32 s6, s26;
	s28 =	ssub.s32 $0x2, s6;
	s30 =	smul.u32 $0x28000, s6  }
0x9: {  	_ =	strace $0x80000050;
	s4 =	smul.u32 $0x500, s7;
	s12 =	sshrl.u32 s28, $0x1  }
0xa: {  	s7 =	smul.u32 $0x28000, s7;
	s29 =	sshrl.u32 s13, $0x2;
	s8 =	sadd.s32 s9, s8  }
0xb: {  	s9 =	ssub.s32 s28, s12;
	s14 =	sadd.s32 s29, s2;
	s12 =	sor.u32 $0x1C03, s31  }
0xc: {  	s11 =	sadd.s32 s4, s5;
	s4 =	sadd.s32 $0x5A3000, s5;
	s8 =	sshrl.u32 s8, $0x3  }
0xd: {  	s6 =	sadd.s32 s10, s7;
	s10 =	sadd.s32 s13, s10;
	s13 =	sshrl.u32 s14, $0x3  }
0xe: {  	s14 =	simm.s32 $0x2800;
	s8 =	sadd.s32 s8, s5;
	s5 =	sadd.s32 $0xC800, s11  }
0xf: {  	s10 =	sadd.s32 s30, s10;
	s11 =	simm.s32 $0x3;
	s7 =	sadd.s32 $0x5F8E00, s8  }
0x10: {  	s8 =	smax.u32 s9, $0x1;
	s9 =	sadd.s32 $0x800, s6;
	s10 =	sadd.s32 $0x1000, s10  }
.LBB2_1:
0x11: {  	[tilespmem:s3], [sflag:$0x3] =	stream.linear.gather [hbm4b:s5+s3], $0x2800, $0x38;
	[tilespmem:$0x1E800] =	vst v63  }
0x12: {  	_ =	swait.ge [sflag:s11], $0x2800  }
0x13: {  	[sflag:s11] =	ssyncset.done $0x0  }
0x14: {  	[sflag:s11] =	ssyncadd.s32 $0xFFFFD800  }
0x15: {  	[spmem:s13], [sflag:s12] =	dma.local [hbm:s4], $0x2800  }
0x16: {  	_ =	swait.ge [sflag:s11], $0x2800  }
0x17: {  	[sflag:s11] =	ssyncset.done $0x0  }
0x18: {  	[sflag:s11] =	ssyncadd.s32 $0xFFFFD800  }
0x19: {  	[bflag:$0x0] =	sbarrier.arrive $0xFFFF  }
0x1a: {  	[tilespmem:s14], [sflag:$0x1] =	stream.linear.gather [hbm4b:s6+s3], $0x4000, $0x38;
	[tilespmem:$0x1E800] =	vst v63  }
0x1b: {  	_ =	swait.ge [sflag:s17], $0x4000  }
0x1c: {  	[sflag:s17] =	ssyncset.done $0x0  }
0x1d: {  	[sflag:s17] =	ssyncadd.s32 $0xFFFFC000  }
0x1e: {  	[spmem:s2] =	stream.indirect.scatter.add.f32 [tilespmem:s14], [sflag:$0x2], $0x80, s3, s15, $0xb8;
	[tilespmem:$0x1E800] =	vst v63  }
0x1f: {  	_ = 	snop  }
0x20: {  	[tilespmem:s16], [sflag:$0x1] =	stream.linear.gather [hbm4b:s9+s3], $0x4000, $0x38;
	[tilespmem:$0x1E800] =	vst v63  }
0x21: {  	_ =	swait.ge [sflag:s17], $0x4000  }
0x22: {  	[sflag:s17] =	ssyncset.done $0x0  }
0x23: {  	[sflag:s17] =	ssyncadd.s32 $0xFFFFC000  }
0x24: {  	_ =	swait.ge [sflag:s18], $0x4000  }
0x25: {  	[sflag:s18] =	ssyncset.done $0x0  }
0x26: {  	[sflag:s18] =	ssyncadd.s32 $0xFFFFC000  }
0x27: {  	[spmem:s2] =	stream.indirect.scatter.add.f32 [tilespmem:s16], [sflag:$0x2], $0x80, s15, s15, $0xb8;
	[tilespmem:$0x1E800] =	vst v63  }
0x28: {  	s20 =	simm.s32 $0x2800  }
0x29: {  	[tilespmem:s20], [sflag:$0x1] =	stream.linear.gather [hbm4b:s10+s3], $0x4000, $0x38;
	[tilespmem:$0x1E800] =	vst v63  }
0x2a: {  	_ =	swait.ge [sflag:s17], $0x4000  }
0x2b: {  	s21 =	simm.s32 $0x100;
	s31 =	sand.u32 $0x1, s18;
	[sflag:s17] =	ssyncset.done $0x0  }
0x2c: {  	s24 =	simm.s32 $0x3;
	s25 =	simm.s32 $0x4;
	[sflag:s17] =	ssyncadd.s32 $0xFFFFC000  }
0x2d: {  	s23 =	sadd.s32 $0x800, s10;
	s22 =	sshll.u32 s31, $0xE;
	_ =	swait.ge [sflag:s18], $0x4000  }
0x2e: {  	s26 =	sshll.u32 s31, $0xE;
	s24 =	sand.u32 $0x1, s24;
	[sflag:s18] =	ssyncset.done $0x0  }
0x2f: {  	s26 =	sor.u32 $0x2800, s26;
	s20 =	simm.s32 $0x180;
	[sflag:s18] =	ssyncadd.s32 $0xFFFFC000  }
.LBB2_2:
0x30: {  	[spmem:s2] =	stream.indirect.scatter.add.f32 [tilespmem:s26], [sflag:$0x2], $0x80, s21, s15, $0xb8;
	[tilespmem:$0x1E800] =	vst v63  }
0x31: {  	s26 =	smov.u32 s25;
	s21 =	smov.u32 s20  }
0x32: {  	s28 =	sadd.s32 $0x1, s25;
	s29 =	ssub.s32 $0x6800, s22;
	s22 =	sshll.u32 s24, $0xE  }
0x33: {  	[tilespmem:s29], [sflag:$0x1] =	stream.linear.gather [hbm4b:s23+s3], $0x4000, $0x38;
	[tilespmem:$0x1E800] =	vst v63  }
0x34: {  	p0 =	sne.s32 s25, $0x4F;
	_ =	swait.ge [sflag:s17], $0x4000  }
.Ltmp0:
0x35: {  	[sflag:s17] =	ssyncset.done $0x0;
	(pc) =	sbr.rel @p0 .LBB2_2-.Ltmp0, $4  }
0x36: {  	[sflag:s17] =	ssyncadd.s32 $0xFFFFC000  }
0x37: {  	s23 =	sadd.s32 $0x800, s23;
	_ =	swait.ge [sflag:s18], $0x4000  }
0x38: {  	s20 =	sadd.s32 $0x80, s20;
	s24 =	sand.u32 $0x1, s26;
	[sflag:s18] =	ssyncset.done $0x0  }
0x39: {  	s26 =	sor.u32 $0x2800, s22;
	s25 =	smov.u32 s28;
	[sflag:s18] =	ssyncadd.s32 $0xFFFFC000  }
0x3a: {  	[spmem:s2] =	stream.indirect.scatter.add.f32 [tilespmem:s26], [sflag:$0x2], $0x80, s21, s15, $0xb8;
	[tilespmem:$0x1E800] =	vst v63  }
0x3b: {  	s30 =	ssub.s32 $0x6800, s22  }
0x3c: {  	[tilespmem:s30], [sflag:$0x1] =	stream.linear.gather [hbm4b:s23+s3], $0x4000, $0x38;
	[tilespmem:$0x1E800] =	vst v63  }
0x3d: {  	_ =	swait.ge [sflag:s17], $0x4000  }
0x3e: {  	[sflag:s17] =	ssyncset.done $0x0  }
0x3f: {  	[sflag:s17] =	ssyncadd.s32 $0xFFFFC000  }
0x40: {  	_ =	swait.ge [sflag:s18], $0x4000  }
0x41: {  	s31 =	sshll.u32 s24, $0xE;
	[sflag:s18] =	ssyncset.done $0x0  }
0x42: {  	s21 =	sor.u32 $0x2800, s31;
	[sflag:s18] =	ssyncadd.s32 $0xFFFFC000  }
0x43: {  	[spmem:s2] =	stream.indirect.scatter.add.f32 [tilespmem:s21], [sflag:$0x2], $0x80, s20, s15, $0xb8;
	[tilespmem:$0x1E800] =	vst v63  }
0x44: {  	_ =	swait.ge [sflag:s18], $0x4000  }
0x45: {  	s19 =	sadd.s32 $0x1, s19;
	[sflag:s18] =	ssyncset.done $0x0  }
0x46: {  	p0 =	sne.s32 s19, s8;
	[sflag:s18] =	ssyncadd.s32 $0xFFFFC000  }
.Ltmp1:
0x47: {  	[bflag:$0x0] =	sbarrier.arrive $0xFFFF;
	(pc) =	sbr.rel @p0 .LBB2_1-.Ltmp1, $4  }
0x48: {  	[hbm:s7], [sflag:s12] =	dma.local [spmem:s13], $0x2800  }
0x49: {  	_ =	swait.ge [sflag:s11], $0x2800  }
0x4a: {  	[sflag:s11] =	ssyncset.done $0x0  }
0x4b: {  	[sflag:s11] =	ssyncadd.s32 $0xFFFFD800  }
0x4c: {  	_ =	sfence.sel $0x180000  }
0x4d: {  	[bflag:$0x0] =	sbarrier.arrive $0xFFFF  }
0x4e: {  	p0 =	sne.s32 s0, $0x0;
	_ =	strace $0x90000050  }
0x4f: {  	s0 =	sadd.s32 @!p0 $0x100000, s1;
	[bflag:$0x2] =	sbarrier.arrive $0xFFFF  }
0x50: {  	[sflag:s0] =	ssyncadd.tile.s32 @!p0 $0x1;
	_ =	shalt  }
.Lfunc_end2:
_tile_overlayer_lowered:
.L_overlay_start_2:
0x51: {  	(tag) =	ssettag $0x2  }
0x52: {  	s0 =	rddreg [dreg:$0x0];
	s2 =	stileid.u32  }
0x53: {  	s1 =	rddreg [dreg:$0x1];
	p0 =	sne.s32 s2, $0x0  }
0x54: {  	s3 =	rddreg [dreg:$0x2];
	[bflag:$0x3] =	sbarrier.arrive $0xFFFF;
	s2 =	simm.s32 @!p0 $0x1C03  }
0x55: {  	[timem:s3], [sflag:s2] =	dma.local @!p0 [hbm:s0], s1  }
0x56: {  	s0 =	simm.s32 @!p0 $0x3  }
0x57: {  	_ =	swait.ge @!p0 [sflag:s0], s1  }
0x58: {  	s1 =	ssub.s32 @!p0 $0x0, s1;
	[sflag:s0] =	ssyncset.done @!p0 $0x0  }
0x59: {  	[sflag:s0] =	ssyncadd.s32 @!p0 s1  }
0x5a: {  	[bflag:$0x3] =	sbarrier.arrive $0xFFFF  }
0x5b: {  	_ =	shalt  }

// kernel: kernel.31.cloned.1.call-start
scs
__scs_entry_jumppad:
0x0: {  	(pc) =	sbr.rel $0x88, $3  }
0x1: {  	(tag) =	ssettag $0x0;
	lr =	simm.s32 $0x1  }
0x2: {  	[smem:$0x3F92] =	sst lr;
	_ =	strace $0xD0000000  }
0x3: {  	_ = 	snop  }
0x4: {  	_ = 	snop  }
0x5: {  	_ = 	snop  }
0x6: {  	_ = 	snop  }
0x7: {  	_ = 	snop  }
__scs_overlays_trampoline_lowered:
0x8: {  	[smem:$0x3FA1] =	sst s0  }
0x9: {  	[smem:$0x3FA2] =	sst s1  }
0xa: {  	[smem:$0x3FA3] =	sst s2  }
0xb: {  	[smem:$0x3FA4] =	sst s3  }
0xc: {  	[smem:$0x3FA5] =	sst s4  }
0xd: {  	[smem:$0x3FA6] =	sst s5  }
0xe: {  	[smem:$0x3FA7] =	sst s6  }
0xf: {  	[smem:$0x3FA8] =	sst s7  }
0x10: {  	[smem:$0x3FA9] =	sst s8  }
0x11: {  	[smem:$0x3FAA] =	sst s9;
	s0 =	simm.s32 @!p0 $0x0  }
0x12: {  	s1 =	sld [smem:$0x3F90];
	s0 =	simm.s32 @p0 $0x1  }
0x13: {  	[smem:$0x3FAB] =	sst s0;
	s0 =	simm.s32 @!p1 $0x0  }
0x14: {  	s2 =	sld [smem:$0x3F8F];
	s0 =	simm.s32 @p1 $0x1  }
0x15: {  	[smem:$0x3FAC] =	sst s0;
	s0 =	simm.s32 @!p2 $0x0  }
0x16: {  	s3 =	sld [smem:$0x3FDB];
	s0 =	simm.s32 @p2 $0x1  }
0x17: {  	s4 =	simm.s32 $0x1BF5;
	[smem:$0x3FAE] =	sst s0  }
0x18: {  	s0 =	sld [smem:$0x3F91];
	_ =	swait.ge [sflag:s4], $0x0  }
0x19: {  	s7 =	sld [smem:$0x3F92]  }
0x1a: {  	s8 =	sadd.s32 $0xFFFFE003, lr  }
0x1b: {  	s9 =	sadd.s32 $0xFFFFFEF7, lr;
	s5 =	simm.s32 $0xFFFFFFFF;
	p2 =	slt.u32 s8, $0xFFFFF086  }
0x1c: {  	p1 =	slt.u32 s9, $0xF7A;
	s5 =	simm.s32 @!p2 $0x0  }
0x1d: {  	s5 =	simm.s32 @p1 $0x1;
	p0 =	seq.s32 s7, s2  }
0x1e: {  	s7 =	smul.u32 @!p0 $0xF7A, s2;
	p2 =	seq.s32 @!p0 s5, $0x0  }
0x1f: {  	s9 =	smul.u32 $0xF7A, s1;
	s8 =	simm.s32 @!p0 $0x1BF5;
	p2 =	por !p2, p0  }
0x20: {  	[sflag:s8] =	ssyncset.s32 @!p0 $0xFFFFF086;
	s6 =	sadd.s32 @!p0 s3, s7;
	s7 =	simm.s32 @!p0 $0x108  }
0x21: {  	s3 =	sadd.s32 s3, s9;
	s6 =	sadd.s32 @!p0 $0x88, s6;
	s7 =	simm.s32 @p2 $0x1082  }
0x22: {  	[simem:s7], [sflag:s8] =	dma.local @!p0 [hbm:s6], $0xF7A  }
0x23: {  	s9 =	sor.u32 $0xD0000000, s2;
	s6 =	simm.s32 $0x108;
	_ =	swait.ge @!p0 [sflag:s8], $0x0  }
0x24: {  	s3 =	sadd.s32 $0x88, s3;
	s6 =	simm.s32 @!p1 $0x1082;
	[sflag:s4] =	ssyncset.s32 $0xFFFFF086  }
0x25: {  	[simem:s6], [sflag:s4] =	dma.local [hbm:s3], $0xF7A  }
0x26: {  	[smem:$0x3F92] =	sst s1;
	(tag) =	ssettag s2;
	_ =	strace s9  }
0x27: {  	s1 =	sld [smem:$0x3FA2]  }
0x28: {  	s2 =	sld [smem:$0x3FA3]  }
0x29: {  	s4 =	sld [smem:$0x3FA5]  }
0x2a: {  	p0 =	seq.s32 s5, $0x0;
	s5 =	sld [smem:$0x3FA6]  }
0x2b: {  	s6 =	sld [smem:$0x3FA7]  }
0x2c: {  	s7 =	sld [smem:$0x3FA8]  }
0x2d: {  	s3 =	simm.s32 $0x108;
	s8 =	sld [smem:$0x3FA9]  }
0x2e: {  	s3 =	simm.s32 @!p0 $0x1082;
	s9 =	sld [smem:$0x3FAA]  }
0x2f: {  	lr =	sadd.s32 s0, s3;
	s0 =	sld [smem:$0x3FA1]  }
0x30: {  	s3 =	sld [smem:$0x3FA4]  }
0x31: {  	[smem:$0x3FAD] =	sst s10  }
0x32: {  	s10 =	sld [smem:$0x3FAB];
	_ =	sdelay $0x3  }
0x33: {  	p0 =	seq.s32 s10, $0x1;
	s10 =	sld [smem:$0x3FAD];
	_ =	sdelay $0x3  }
0x34: {  	[smem:$0x3FAD] =	sst s10  }
0x35: {  	s10 =	sld [smem:$0x3FAC];
	_ =	sdelay $0x3  }
0x36: {  	p1 =	seq.s32 s10, $0x1;
	s10 =	sld [smem:$0x3FAD];
	_ =	sdelay $0x3  }
0x37: {  	[smem:$0x3FAD] =	sst s10  }
0x38: {  	s10 =	sld [smem:$0x3FAE]  }
0x39: {  	_ = 	snop;
	(pc) =	sbr.ind lr, $3  }
0x3a: {  	_ = 	snop  }
0x3b: {  	_ = 	snop  }
0x3c: {  	p2 =	seq.s32 s10, $0x1;
	s10 =	sld [smem:$0x3FAD]  }
0x3d: {  	_ =	shalt  }
0x3e: {  	_ =	shalt  }
0x3f: {  	_ =	shalt  }
0x40: {  	_ =	shalt  }
0x41: {  	_ =	shalt  }
0x42: {  	_ =	shalt  }
0x43: {  	_ =	shalt  }
0x44: {  	_ =	shalt  }
0x45: {  	_ =	shalt  }
0x46: {  	_ =	shalt  }
0x47: {  	_ =	shalt  }
0x48: {  	_ =	shalt  }
0x49: {  	_ =	shalt  }
0x4a: {  	_ =	shalt  }
0x4b: {  	_ =	shalt  }
0x4c: {  	_ =	shalt  }
0x4d: {  	_ =	shalt  }
0x4e: {  	_ =	shalt  }
0x4f: {  	_ =	shalt  }
0x50: {  	_ =	shalt  }
0x51: {  	_ =	shalt  }
0x52: {  	_ =	shalt  }
0x53: {  	_ =	shalt  }
0x54: {  	_ =	shalt  }
0x55: {  	_ =	shalt  }
0x56: {  	_ =	shalt  }
0x57: {  	_ =	shalt  }
0x58: {  	_ =	shalt  }
0x59: {  	_ =	shalt  }
0x5a: {  	_ =	shalt  }
0x5b: {  	_ =	shalt  }
0x5c: {  	_ =	shalt  }
0x5d: {  	_ =	shalt  }
0x5e: {  	_ =	shalt  }
0x5f: {  	_ =	shalt  }
0x60: {  	_ =	shalt  }
0x61: {  	_ =	shalt  }
0x62: {  	_ =	shalt  }
0x63: {  	_ =	shalt  }
0x64: {  	_ =	shalt  }
0x65: {  	_ =	shalt  }
0x66: {  	_ =	shalt  }
0x67: {  	_ =	shalt  }
0x68: {  	_ =	shalt  }
0x69: {  	_ =	shalt  }
0x6a: {  	_ =	shalt  }
0x6b: {  	_ =	shalt  }
0x6c: {  	_ =	shalt  }
0x6d: {  	_ =	shalt  }
0x6e: {  	_ =	shalt  }
0x6f: {  	_ =	shalt  }
0x70: {  	_ =	shalt  }
0x71: {  	_ =	shalt  }
0x72: {  	_ =	shalt  }
0x73: {  	_ =	shalt  }
0x74: {  	_ =	shalt  }
0x75: {  	_ =	shalt  }
0x76: {  	_ =	shalt  }
0x77: {  	_ =	shalt  }
0x78: {  	_ =	shalt  }
0x79: {  	_ =	shalt  }
0x7a: {  	_ =	shalt  }
0x7b: {  	_ =	shalt  }
0x7c: {  	_ =	shalt  }
0x7d: {  	_ =	shalt  }
0x7e: {  	_ =	shalt  }
0x7f: {  	_ =	shalt  }
0x80: {  	_ =	shalt  }
0x81: {  	_ =	shalt  }
0x82: {  	_ =	shalt  }
0x83: {  	_ =	shalt  }
0x84: {  	_ =	shalt  }
0x85: {  	_ =	shalt  }
0x86: {  	_ =	shalt  }
0x87: {  	_ =	shalt  }
.Lfunc_end0:
.L_simem_size_0:
called_computation.4_lowered:
.L_overlay_start_0:
0x88: {  	s2 =	sld [smem:$0x3FD9]  }
0x89: {  	s3 =	sld [smem:$0x3FFE];
	_ =	sdelay $0x1  }
0x8a: {  	s1 =	srdreg.scid  }
0x8b: {  	s0 =	sand.u32 $0x1, s1  }
0x8c: {  	s16 =	sshll.u32 s0, $0xA;
	s2 =	sadd.s32 s3, s2  }
0x8d: {  	s2 =	sadd.s32 s2, s16  }
0x8e: {  	[smem:$0x3FB9] =	sst s2  }
0x8f: {  	_ = 	snop  }
0x90: {  	(tm) =	ssettm $0x1  }
0x91: {  	s17 =	sld [smem:$0x3FFB];
	_ =	sdelay $0x3  }
0x92: {  	_ =	strace s17  }
0x93: {  	s2 =	sld [smem:$0x3FFC];
	_ =	sdelay $0x3  }
0x94: {  	_ =	strace s2  }
0x95: {  	s2 =	sld [smem:$0x3FFD];
	_ =	sdelay $0x3  }
0x96: {  	_ =	strace s2  }
0x97: {  	_ =	strace $0x8FFFFFFF  }
0x98: {  	s18 =	sld [smem:$0x3FDB];
	_ =	sdelay $0x1  }
0x99: {  	s19 =	simm.s32 $_scs_section_size  }
0x9a: {  	s4 =	simm.s32 $_size__tile_overlayer_lowered;
	s5 =	simm.s32 $_tile_overlayer_lowered  }
0x9b: {  	s22 =	simm.s32 $0x1BFF;
	s21 =	sshll.u32 s5, $0x1;
	s2 =	sadd.s32 s19, s18  }
0x9c: {  	s6 =	simm.s32 $0x0;
	s20 =	sshll.u32 s4, $0x1;
	s4 =	sadd.s32 s21, s2  }
0x9d: {  	[timem:s6], [sflag:s22] =	dma.local [hbm:s4], s20  }
0x9e: {  	_ =	swait.ge [sflag:s22], s20  }
0x9f: {  	s3 =	ssub.s32 $0x0, s20;
	[sflag:s22] =	ssyncset.done $0x0  }
0xa0: {  	[sflag:s22] =	ssyncadd.s32 s3;
	_ =	sdelay $0x1  }
0xa1: {  	s23 =	simm.s32 $0x1B8B  }
0xa2: {  	_ =	swait.ge [sflag:s23], $0x1  }
0xa3: {  	[sflag:s23] =	ssyncset.done $0x0  }
0xa4: {  	s25 =	simm.s32 $0x1B8E;
	s24 =	sld [smem:$0x3FFE];
	[sflag:s23] =	ssyncadd.s32 $0xFFFFFFFF  }
0xa5: {  	s26 =	simm.s32 $execute0_lowered;
	[smem:$0x3FD2] =	sst s25  }
0xa6: {  	s4 =	sshll.u32 s26, $0x1;
	_ =	strace $0x80000052;
	[dreg:$0x1] =	wrdreg $0xFFFFFFFF  }
0xa7: {  	s28 =	simm.s32 $_size_execute0_lowered;
	s2 =	sadd.s32 s2, s4;
	[dreg:$0x0] =	wrdreg $0x0  }
0xa8: {  	s4 =	sshll.u32 s28, $0x1;
	[dreg:$0x2] =	wrdreg s2  }
0xa9: {  	[dreg:$0x3] =	wrdreg s4  }
0xaa: {  	[dreg:$0x4] =	wrdreg $0xC0  }
0xab: {  	_ =	task [dreg:s6], $0x5FFFF  }
0xac: {  	[dreg:$0x1] =	wrdreg $0xFFFFFFFF  }
0xad: {  	[dreg:$0x0] =	wrdreg $0x60  }
0xae: {  	[dreg:$0x2] =	wrdreg s24  }
0xaf: {  	[dreg:$0x3] =	wrdreg $0x9  }
0xb0: {  	_ =	task.clear_ibuf [dreg:s6], $0x4FFFF;
	_ =	strace $0x90000052  }
0xb1: {  	s29 =	simm.s32 $0x9;
	_ =	strace $0x80000054  }
0xb2: {  	_ =	swait.ge [sflag:s29], $0x1  }
0xb3: {  	[sflag:s29] =	ssyncadd.s32 $0xFFFFFFFF  }
0xb4: {  	_ =	strace $0x90000054  }
0xb5: {  	_ =	sfence  }
0xb6: {  	s30 =	sld [smem:$0x0];
	_ =	sdelay $0x2  }
0xb7: {  	s31 =	sshll.u32 s1, $0xD;
	s1 =	sshrl.u32 s1, $0x2  }
0xb8: {  	s3 =	sand.u32 $0x4000, s31;
	s1 =	sadd.s32 s1, s30  }
0xb9: {  	s0 =	sor.u32 s3, s0;
	s1 =	sshll.u32 s1, $0x11  }
0xba: {  	s0 =	sor.u32 s1, s0  }
0xbb: {  	s0 =	sadd.s32 $0x8F2B, s0  }
0xbc: {  	[sflag:s0] =	ssyncadd.remote.s32 $0x1  }
0xbd: {  	_ =	sfence.sel $0xFFFF  }
0xbe: {  	[dreg:$0x0] =	wrdreg $0xFFFFFFFF;
	(pc) =	sbr.abs _section_cstart, $3  }
0xbf: {  	[dreg:$0x1] =	wrdreg $0xFFFFFFFF  }
0xc0: {  	_ =	task.clear_ibuf [dreg:s6], $0x2FFFF;
	_ =	strace $0x9FFFFFFF  }
0xc1: {  	(tm) =	ssettm $0x7FFFFFFF  }
tec
execute0_lowered:
.L_overlay_start_1:
0x0: {  	(tag) =	ssettag $0x1  }
0x1: {  	s4 =	rddreg [dreg:$0x0]  }
0x2: {  	s0 =	rddreg [dreg:$0x1]  }
0x3: {  	s3 =	srdreg.scid;
	s1 =	stileid.u32;
	s2 =	simm.s32 $0x0  }
0x4: {  	s11 =	simm.s32 $0x80;
	s12 =	simm.s32 $0x3;
	s13 =	simm.s32 $0x5  }
0x5: {  	s14 =	simm.s32 $0x9000;
	s15 =	simm.s32 $0x4;
	s16 =	simm.s32 $0x0  }
0x6: {  	s5 =	sand.u32 $0x1, s3;
	s29 =	sshll.u32 s1, $0x1;
	s9 =	smul.u32 $0x50000, s1  }
0x7: {  	s6 =	sor.u32 s5, s29;
	s8 =	ssub.s32 $0x2, s5;
	s5 =	smul.u32 $0x28000, s5  }
0x8: {  	[smem:$0x7FF] =	sst s2;
	s3 =	sadd.s32 $0x5F8E00, s4;
	s7 =	smul.u32 $0xA00, s6  }
0x9: {  	s10 =	sadd.s32 $0x2A800, s4;
	_ =	strace $0x80000053;
	s6 =	smul.u32 $0x140000, s6  }
.Ltmp0:
0xa: {  	s30 =	sshrl.u32 s8, $0x1;
	s9 =	sadd.s32 s9, s10;
	(pc) =	sbr.rel .LBB2_1-.Ltmp0, $4  }
0xb: {  	s8 =	ssub.s32 s8, s30;
	s31 =	sadd.s32 s5, s9;
	s7 =	sadd.s32 s7, s4  }
0xc: {  	s9 =	simm.s32 $0x5000;
	s6 =	sshrl.u32 s6, $0x3;
	s4 =	sadd.s32 $0x16800, s7  }
0xd: {  	s6 =	sadd.s32 s10, s6;
	s7 =	sadd.s32 $0xFFFFF800, s31;
	s10 =	simm.s32 $0x1  }
0xe: {  	s5 =	sadd.s32 $0x27800, s6;
	s6 =	smax.u32 s8, $0x1;
	s8 =	simm.s32 $0x6  }
.LBB2_7:
0xf: {  	_ =	swait.ge [sflag:s12], $0x4000  }
0x10: {  	[sflag:s12] =	ssyncset.done $0x0  }
0x11: {  	s16 =	sadd.s32 $0x1, s16;
	[sflag:s12] =	ssyncadd.s32 $0xFFFFC000  }
0x12: {  	[hbm4b:s5+s2] =	stream.linear.scatter [tilespmem:s14], [sflag:$0x5], $0x4000, $0x38;
	[tilespmem:$0x11000] =	vst v63  }
0x13: {  	p0 =	sne.s32 s16, s6;
	_ =	swait.ge [sflag:s15], $0x4000  }
.Ltmp1:
0x14: {  	[sflag:s15] =	ssyncset.done $0x0;
	(pc) =	sbr.rel @!p0 .LBB2_8-.Ltmp1, $4  }
0x15: {  	[sflag:s15] =	ssyncadd.s32 $0xFFFFC000  }
0x16: {  	_ =	swait.ge [sflag:s13], $0x4000  }
0x17: {  	[sflag:s13] =	ssyncset.done $0x0  }
0x18: {  	[sflag:s13] =	ssyncadd.s32 $0xFFFFC000  }
.LBB2_1:
0x19: {  	[tilespmem:s2], [sflag:$0x6] =	stream.linear.gather [hbm4b:s4+s2], $0x5000, $0x38;
	[tilespmem:$0x11000] =	vst v63  }
.Ltmp2:
0x1a: {  	_ = 	snop;
	(pc) =	sbr.rel .LBB2_2-.Ltmp2, $4  }
0x1b: {  	_ =	swait.ge [sflag:s8], $0x5000  }
0x1c: {  	s17 =	simm.s32 $0x80;
	[sflag:s8] =	ssyncset.done $0x0  }
0x1d: {  	s18 =	smov.u32 s7;
	s19 =	simm.s32 $0x0;
	[sflag:s8] =	ssyncadd.s32 $0xFFFFB000  }
0x1e: {  	[tilespmem:s9], [sflag:$0x1] =	stream.indirect.gather [hbm4b:s3+s11], $0x80, s2, s11, $0xb8;
	[tilespmem:$0x11000] =	vst v63  }
.LBB2_3:
0x1f: {  	s20 =	simm.s32 @!p0 $0x1  }
0x20: {  	s20 =	sshll.u32 s20, $0xE  }
0x21: {  	s20 =	sadd.s32 $0x5000, s20  }
0x22: {  	[tilespmem:s20], [sflag:$0x3] =	stream.indirect.gather.add.f32 [hbm:s3], $0x80, s17, s11, $0xb8;
	[tilespmem:$0x11000] =	vst v63  }
.LBB2_5:
0x23: {  	s20 =	sadd.s32 $0xFFFFFFFF, s19  }
0x24: {  	s21 =	sand.u32 $0xFF, s20  }
0x25: {  	s21 =	smul.u32 $0xAB, s21;
	_ =	sdelay $0x1  }
0x26: {  	s21 =	sshrl.u32 s21, $0x9  }
0x27: {  	s22 =	sand.u32 $0x1, s20;
	s21 =	smul.u32 $0x3, s21  }
0x28: {  	p0 =	seq.s32 s22, $0x1;
	s22 =	simm.s32 $0x3  }
0x29: {  	s22 =	simm.s32 @!p0 $0x2;
	s20 =	ssub.s32 s20, s21  }
0x2a: {  	_ =	swait.ge [sflag:s22], $0x4000;
	s20 =	sand.u32 $0xFF, s20  }
0x2b: {  	[sflag:s22] =	ssyncset.done $0x0;
	s21 =	simm.s32 $0x5;
	s20 =	sshll.u32 s20, $0xE  }
0x2c: {  	[sflag:s22] =	ssyncadd.s32 $0xFFFFC000;
	s21 =	simm.s32 @!p0 $0x4;
	s20 =	sadd.s32 $0x5000, s20  }
0x2d: {  	[hbm4b:s18+s2] =	stream.linear.scatter [tilespmem:s20], [sflag:s21], $0x4000, $0x38;
	[tilespmem:$0x11000] =	vst v63  }
.LBB2_6:
0x2e: {  	s19 =	sadd.s32 $0x1, s19  }
0x2f: {  	p0 =	sne.s32 s19, $0x50  }
.Ltmp3:
0x30: {  	_ = 	snop;
	(pc) =	sbr.rel @!p0 .LBB2_7-.Ltmp3, $2  }
0x31: {  	_ =	sdelay $0x2  }
0x32: {  	s18 =	sadd.s32 $0x800, s18;
	s17 =	sadd.s32 $0x100, s17  }
.LBB2_2:
0x33: {  	p1 =	slt.u32 s19, $0x2  }
0x34: {  	p0 =	seq.s32 @!p1 s19, $0x4F  }
0x35: {  	p0 =	por p1, !p0  }
0x36: {  	_ =	swait.ge [sflag:s10], $0x4000;
	s22 =	sand.u32 $0x1, s19;
	s20 =	smul.u32 @p0 $0xAB, s19  }
0x37: {  	[sflag:s10] =	ssyncset.done $0x0;
	p2 =	seq.s32 s22, $0x1  }
0x38: {  	s22 =	simm.s32 @!p1 $0x5;
	p3 =	por !p2, p1;
	s21 =	sadd.s32 @p0 $0xAB, s20  }
0x39: {  	[sflag:s10] =	ssyncadd.s32 $0xFFFFC000;
	s22 =	simm.s32 @p3 $0x4;
	s21 =	sshrl.u32 @p0 s21, $0x9  }
0x3a: {  	_ =	swait.ge @!p1 [sflag:s22], $0x4000;
	s21 =	sand.u32 @p0 $0x7F, s21  }
0x3b: {  	[sflag:s22] =	ssyncset.done @!p1 $0x0;
	s20 =	sshrl.u32 @p0 s20, $0x9;
	s21 =	smul.u32 @p0 $0x3, s21  }
0x3c: {  	[sflag:s22] =	ssyncadd.s32 @!p1 $0xFFFFC000;
	s20 =	sand.u32 @p0 $0x7F, s20  }
0x3d: {  	p1 =	por !p0, p2;
	s20 =	smul.u32 @p0 $0x3, s20;
	s21 =	ssub.s32 @p0 s19, s21  }
.Ltmp4:
0x3e: {  	s21 =	sadd.s32 @p0 $0x1, s21;
	(pc) =	sbr.rel @p1 .LBB2_3-.Ltmp4, $4  }
0x3f: {  	s21 =	sand.u32 @p0 $0xFF, s21  }
0x40: {  	s23 =	simm.s32 @p0 $0x80;
	s20 =	ssub.s32 @p0 s19, s20;
	s21 =	sshll.u32 @p0 s21, $0xE  }
0x41: {  	s22 =	sadd.s32 @p0 $0x80, s17;
	s20 =	sand.u32 @p0 $0xFF, s20;
	s21 =	sadd.s32 @p0 $0x5000, s21  }
0x42: {  	[tilespmem:s21], [sflag:$0x1] =	stream.indirect.gather @p0 [hbm4b:s3+s23], $0x80, s22, s23, $0xb8;
	[tilespmem:$0x11000] =	vst v63  }
0x43: {  	p0 =	seq.s32 s19, $0x0  }
.Ltmp5:
0x44: {  	_ = 	snop;
	(pc) =	sbr.rel @!p0 .LBB2_5-.Ltmp5, $4  }
.Ltmp6:
0x45: {  	_ = 	snop;
	(pc) =	sbr.rel @p0 .LBB2_6-.Ltmp6, $4  }
0x46: {  	s20 =	sshll.u32 s20, $0xE  }
0x47: {  	s20 =	sadd.s32 $0x5000, s20  }
0x48: {  	[tilespmem:s20], [sflag:$0x2] =	stream.indirect.gather.add.f32 [hbm:s3], $0x80, s17, s11, $0xb8;
	[tilespmem:$0x11000] =	vst v63  }
0x49: {  	_ = 	snop  }
.LBB2_8:
0x4a: {  	_ =	sfence.sel $0x180000  }
0x4b: {  	[bflag:$0x0] =	sbarrier.arrive $0xFFFF  }
0x4c: {  	p0 =	sne.s32 s1, $0x0;
	_ =	strace $0x90000053  }
0x4d: {  	s0 =	sadd.s32 @!p0 $0x100000, s0;
	[bflag:$0x2] =	sbarrier.arrive $0xFFFF  }
0x4e: {  	[sflag:s0] =	ssyncadd.tile.s32 @!p0 $0x1;
	_ =	shalt  }
.Lfunc_end2:
_tile_overlayer_lowered:
.L_overlay_start_2:
0x4f: {  	(tag) =	ssettag $0x2  }
0x50: {  	s0 =	rddreg [dreg:$0x0];
	s2 =	stileid.u32  }
0x51: {  	s1 =	rddreg [dreg:$0x1];
	p0 =	sne.s32 s2, $0x0  }
0x52: {  	s3 =	rddreg [dreg:$0x2];
	[bflag:$0x3] =	sbarrier.arrive $0xFFFF;
	s2 =	simm.s32 @!p0 $0x1C06  }
0x53: {  	[timem:s3], [sflag:s2] =	dma.local @!p0 [hbm:s0], s1  }
0x54: {  	s0 =	simm.s32 @!p0 $0x6  }
0x55: {  	_ =	swait.ge @!p0 [sflag:s0], s1  }
0x56: {  	s1 =	ssub.s32 @!p0 $0x0, s1;
	[sflag:s0] =	ssyncset.done @!p0 $0x0  }
0x57: {  	[sflag:s0] =	ssyncadd.s32 @!p0 s1  }
0x58: {  	[bflag:$0x3] =	sbarrier.arrive $0xFFFF  }
0x59: {  	_ =	shalt  }

// kernel: kernel.34.cloned.1.call-start
scs
__scs_entry_jumppad:
0x0: {  	(pc) =	sbr.rel $0x88, $3  }
0x1: {  	(tag) =	ssettag $0x0;
	lr =	simm.s32 $0x1  }
0x2: {  	[smem:$0x3F92] =	sst lr;
	_ =	strace $0xD0000000  }
0x3: {  	_ = 	snop  }
0x4: {  	_ = 	snop  }
0x5: {  	_ = 	snop  }
0x6: {  	_ = 	snop  }
0x7: {  	_ = 	snop  }
__scs_overlays_trampoline_lowered:
0x8: {  	[smem:$0x3FA1] =	sst s0  }
0x9: {  	[smem:$0x3FA2] =	sst s1  }
0xa: {  	[smem:$0x3FA3] =	sst s2  }
0xb: {  	[smem:$0x3FA4] =	sst s3  }
0xc: {  	[smem:$0x3FA5] =	sst s4  }
0xd: {  	[smem:$0x3FA6] =	sst s5  }
0xe: {  	[smem:$0x3FA7] =	sst s6  }
0xf: {  	[smem:$0x3FA8] =	sst s7  }
0x10: {  	[smem:$0x3FA9] =	sst s8  }
0x11: {  	[smem:$0x3FAA] =	sst s9;
	s0 =	simm.s32 @!p0 $0x0  }
0x12: {  	s1 =	sld [smem:$0x3F90];
	s0 =	simm.s32 @p0 $0x1  }
0x13: {  	[smem:$0x3FAB] =	sst s0;
	s0 =	simm.s32 @!p1 $0x0  }
0x14: {  	s2 =	sld [smem:$0x3F8F];
	s0 =	simm.s32 @p1 $0x1  }
0x15: {  	[smem:$0x3FAC] =	sst s0;
	s0 =	simm.s32 @!p2 $0x0  }
0x16: {  	s3 =	sld [smem:$0x3FDB];
	s0 =	simm.s32 @p2 $0x1  }
0x17: {  	s4 =	simm.s32 $0x1BF5;
	[smem:$0x3FAE] =	sst s0  }
0x18: {  	s0 =	sld [smem:$0x3F91];
	_ =	swait.ge [sflag:s4], $0x0  }
0x19: {  	s7 =	sld [smem:$0x3F92]  }
0x1a: {  	s8 =	sadd.s32 $0xFFFFE003, lr  }
0x1b: {  	s9 =	sadd.s32 $0xFFFFFEF7, lr;
	s5 =	simm.s32 $0xFFFFFFFF;
	p2 =	slt.u32 s8, $0xFFFFF086  }
0x1c: {  	p1 =	slt.u32 s9, $0xF7A;
	s5 =	simm.s32 @!p2 $0x0  }
0x1d: {  	s5 =	simm.s32 @p1 $0x1;
	p0 =	seq.s32 s7, s2  }
0x1e: {  	s7 =	smul.u32 @!p0 $0xF7A, s2;
	p2 =	seq.s32 @!p0 s5, $0x0  }
0x1f: {  	s9 =	smul.u32 $0xF7A, s1;
	s8 =	simm.s32 @!p0 $0x1BF5;
	p2 =	por !p2, p0  }
0x20: {  	[sflag:s8] =	ssyncset.s32 @!p0 $0xFFFFF086;
	s6 =	sadd.s32 @!p0 s3, s7;
	s7 =	simm.s32 @!p0 $0x108  }
0x21: {  	s3 =	sadd.s32 s3, s9;
	s6 =	sadd.s32 @!p0 $0x88, s6;
	s7 =	simm.s32 @p2 $0x1082  }
0x22: {  	[simem:s7], [sflag:s8] =	dma.local @!p0 [hbm:s6], $0xF7A  }
0x23: {  	s9 =	sor.u32 $0xD0000000, s2;
	s6 =	simm.s32 $0x108;
	_ =	swait.ge @!p0 [sflag:s8], $0x0  }
0x24: {  	s3 =	sadd.s32 $0x88, s3;
	s6 =	simm.s32 @!p1 $0x1082;
	[sflag:s4] =	ssyncset.s32 $0xFFFFF086  }
0x25: {  	[simem:s6], [sflag:s4] =	dma.local [hbm:s3], $0xF7A  }
0x26: {  	[smem:$0x3F92] =	sst s1;
	(tag) =	ssettag s2;
	_ =	strace s9  }
0x27: {  	s1 =	sld [smem:$0x3FA2]  }
0x28: {  	s2 =	sld [smem:$0x3FA3]  }
0x29: {  	s4 =	sld [smem:$0x3FA5]  }
0x2a: {  	p0 =	seq.s32 s5, $0x0;
	s5 =	sld [smem:$0x3FA6]  }
0x2b: {  	s6 =	sld [smem:$0x3FA7]  }
0x2c: {  	s7 =	sld [smem:$0x3FA8]  }
0x2d: {  	s3 =	simm.s32 $0x108;
	s8 =	sld [smem:$0x3FA9]  }
0x2e: {  	s3 =	simm.s32 @!p0 $0x1082;
	s9 =	sld [smem:$0x3FAA]  }
0x2f: {  	lr =	sadd.s32 s0, s3;
	s0 =	sld [smem:$0x3FA1]  }
0x30: {  	s3 =	sld [smem:$0x3FA4]  }
0x31: {  	[smem:$0x3FAD] =	sst s10  }
0x32: {  	s10 =	sld [smem:$0x3FAB];
	_ =	sdelay $0x3  }
0x33: {  	p0 =	seq.s32 s10, $0x1;
	s10 =	sld [smem:$0x3FAD];
	_ =	sdelay $0x3  }
0x34: {  	[smem:$0x3FAD] =	sst s10  }
0x35: {  	s10 =	sld [smem:$0x3FAC];
	_ =	sdelay $0x3  }
0x36: {  	p1 =	seq.s32 s10, $0x1;
	s10 =	sld [smem:$0x3FAD];
	_ =	sdelay $0x3  }
0x37: {  	[smem:$0x3FAD] =	sst s10  }
0x38: {  	s10 =	sld [smem:$0x3FAE]  }
0x39: {  	_ = 	snop;
	(pc) =	sbr.ind lr, $3  }
0x3a: {  	_ = 	snop  }
0x3b: {  	_ = 	snop  }
0x3c: {  	p2 =	seq.s32 s10, $0x1;
	s10 =	sld [smem:$0x3FAD]  }
0x3d: {  	_ =	shalt  }
0x3e: {  	_ =	shalt  }
0x3f: {  	_ =	shalt  }
0x40: {  	_ =	shalt  }
0x41: {  	_ =	shalt  }
0x42: {  	_ =	shalt  }
0x43: {  	_ =	shalt  }
0x44: {  	_ =	shalt  }
0x45: {  	_ =	shalt  }
0x46: {  	_ =	shalt  }
0x47: {  	_ =	shalt  }
0x48: {  	_ =	shalt  }
0x49: {  	_ =	shalt  }
0x4a: {  	_ =	shalt  }
0x4b: {  	_ =	shalt  }
0x4c: {  	_ =	shalt  }
0x4d: {  	_ =	shalt  }
0x4e: {  	_ =	shalt  }
0x4f: {  	_ =	shalt  }
0x50: {  	_ =	shalt  }
0x51: {  	_ =	shalt  }
0x52: {  	_ =	shalt  }
0x53: {  	_ =	shalt  }
0x54: {  	_ =	shalt  }
0x55: {  	_ =	shalt  }
0x56: {  	_ =	shalt  }
0x57: {  	_ =	shalt  }
0x58: {  	_ =	shalt  }
0x59: {  	_ =	shalt  }
0x5a: {  	_ =	shalt  }
0x5b: {  	_ =	shalt  }
0x5c: {  	_ =	shalt  }
0x5d: {  	_ =	shalt  }
0x5e: {  	_ =	shalt  }
0x5f: {  	_ =	shalt  }
0x60: {  	_ =	shalt  }
0x61: {  	_ =	shalt  }
0x62: {  	_ =	shalt  }
0x63: {  	_ =	shalt  }
0x64: {  	_ =	shalt  }
0x65: {  	_ =	shalt  }
0x66: {  	_ =	shalt  }
0x67: {  	_ =	shalt  }
0x68: {  	_ =	shalt  }
0x69: {  	_ =	shalt  }
0x6a: {  	_ =	shalt  }
0x6b: {  	_ =	shalt  }
0x6c: {  	_ =	shalt  }
0x6d: {  	_ =	shalt  }
0x6e: {  	_ =	shalt  }
0x6f: {  	_ =	shalt  }
0x70: {  	_ =	shalt  }
0x71: {  	_ =	shalt  }
0x72: {  	_ =	shalt  }
0x73: {  	_ =	shalt  }
0x74: {  	_ =	shalt  }
0x75: {  	_ =	shalt  }
0x76: {  	_ =	shalt  }
0x77: {  	_ =	shalt  }
0x78: {  	_ =	shalt  }
0x79: {  	_ =	shalt  }
0x7a: {  	_ =	shalt  }
0x7b: {  	_ =	shalt  }
0x7c: {  	_ =	shalt  }
0x7d: {  	_ =	shalt  }
0x7e: {  	_ =	shalt  }
0x7f: {  	_ =	shalt  }
0x80: {  	_ =	shalt  }
0x81: {  	_ =	shalt  }
0x82: {  	_ =	shalt  }
0x83: {  	_ =	shalt  }
0x84: {  	_ =	shalt  }
0x85: {  	_ =	shalt  }
0x86: {  	_ =	shalt  }
0x87: {  	_ =	shalt  }
.Lfunc_end0:
.L_simem_size_0:
called_computation.5_lowered:
.L_overlay_start_0:
0x88: {  	s2 =	sld [smem:$0x3FD9]  }
0x89: {  	s3 =	sld [smem:$0x3FFE];
	_ =	sdelay $0x1  }
0x8a: {  	s1 =	srdreg.scid  }
0x8b: {  	s0 =	sand.u32 $0x1, s1  }
0x8c: {  	s16 =	sshll.u32 s0, $0xA;
	s2 =	sadd.s32 s3, s2  }
0x8d: {  	s2 =	sadd.s32 s2, s16  }
0x8e: {  	[smem:$0x3FB9] =	sst s2  }
0x8f: {  	_ = 	snop  }
0x90: {  	(tm) =	ssettm $0x1  }
0x91: {  	s17 =	sld [smem:$0x3FFB];
	_ =	sdelay $0x3  }
0x92: {  	_ =	strace s17  }
0x93: {  	s2 =	sld [smem:$0x3FFC];
	_ =	sdelay $0x3  }
0x94: {  	_ =	strace s2  }
0x95: {  	s2 =	sld [smem:$0x3FFD];
	_ =	sdelay $0x3  }
0x96: {  	_ =	strace s2  }
0x97: {  	_ =	strace $0x8FFFFFFF  }
0x98: {  	s18 =	sld [smem:$0x3FDB];
	_ =	sdelay $0x1  }
0x99: {  	s19 =	simm.s32 $_scs_section_size  }
0x9a: {  	s4 =	simm.s32 $_size__tile_overlayer_lowered;
	s5 =	simm.s32 $_tile_overlayer_lowered  }
0x9b: {  	s22 =	simm.s32 $0x1BFF;
	s21 =	sshll.u32 s5, $0x1;
	s2 =	sadd.s32 s19, s18  }
0x9c: {  	s6 =	simm.s32 $0x0;
	s20 =	sshll.u32 s4, $0x1;
	s4 =	sadd.s32 s21, s2  }
0x9d: {  	[timem:s6], [sflag:s22] =	dma.local [hbm:s4], s20  }
0x9e: {  	_ =	swait.ge [sflag:s22], s20  }
0x9f: {  	s3 =	ssub.s32 $0x0, s20;
	[sflag:s22] =	ssyncset.done $0x0  }
0xa0: {  	[sflag:s22] =	ssyncadd.s32 s3;
	_ =	sdelay $0x1  }
0xa1: {  	s23 =	simm.s32 $0x1B8B  }
0xa2: {  	_ =	swait.ge [sflag:s23], $0x1  }
0xa3: {  	[sflag:s23] =	ssyncset.done $0x0  }
0xa4: {  	s25 =	simm.s32 $0x1B8E;
	s24 =	sld [smem:$0x3FFE];
	[sflag:s23] =	ssyncadd.s32 $0xFFFFFFFF  }
0xa5: {  	s26 =	simm.s32 $execute0_lowered;
	[smem:$0x3FD2] =	sst s25  }
0xa6: {  	s4 =	sshll.u32 s26, $0x1;
	_ =	strace $0x80000055;
	[dreg:$0x1] =	wrdreg $0xFFFFFFFF  }
0xa7: {  	s28 =	simm.s32 $_size_execute0_lowered;
	s2 =	sadd.s32 s2, s4;
	[dreg:$0x0] =	wrdreg $0x0  }
0xa8: {  	s4 =	sshll.u32 s28, $0x1;
	[dreg:$0x2] =	wrdreg s2  }
0xa9: {  	[dreg:$0x3] =	wrdreg s4  }
0xaa: {  	[dreg:$0x4] =	wrdreg $0xC0  }
0xab: {  	_ =	task [dreg:s6], $0x5FFFF  }
0xac: {  	[dreg:$0x1] =	wrdreg $0xFFFFFFFF  }
0xad: {  	[dreg:$0x0] =	wrdreg $0x60  }
0xae: {  	[dreg:$0x2] =	wrdreg s24  }
0xaf: {  	[dreg:$0x3] =	wrdreg $0xA8000  }
0xb0: {  	[dreg:$0x4] =	wrdreg $0x9  }
0xb1: {  	_ =	task.clear_ibuf [dreg:s6], $0x5FFFF;
	_ =	strace $0x90000055  }
0xb2: {  	s29 =	simm.s32 $0x9;
	_ =	strace $0x80000057  }
0xb3: {  	_ =	swait.ge [sflag:s29], $0x1  }
0xb4: {  	[sflag:s29] =	ssyncadd.s32 $0xFFFFFFFF  }
0xb5: {  	_ =	strace $0x90000057  }
0xb6: {  	_ =	sfence  }
0xb7: {  	s30 =	sld [smem:$0x0];
	_ =	sdelay $0x2  }
0xb8: {  	s31 =	sshll.u32 s1, $0xD;
	s1 =	sshrl.u32 s1, $0x2  }
0xb9: {  	s3 =	sand.u32 $0x4000, s31;
	s1 =	sadd.s32 s1, s30  }
0xba: {  	s0 =	sor.u32 s3, s0;
	s1 =	sshll.u32 s1, $0x11  }
0xbb: {  	s0 =	sor.u32 s1, s0  }
0xbc: {  	s0 =	sadd.s32 $0x8F2B, s0  }
0xbd: {  	[sflag:s0] =	ssyncadd.remote.s32 $0x1  }
0xbe: {  	_ =	sfence.sel $0xFFFF  }
0xbf: {  	[dreg:$0x0] =	wrdreg $0xFFFFFFFF;
	(pc) =	sbr.abs _section_cstart, $3  }
0xc0: {  	[dreg:$0x1] =	wrdreg $0xFFFFFFFF  }
0xc1: {  	_ =	task.clear_ibuf [dreg:s6], $0x2FFFF;
	_ =	strace $0x9FFFFFFF  }
0xc2: {  	(tm) =	ssettm $0x7FFFFFFF  }
0xc3: {  	_ =	shalt  }
tec
execute0_lowered:
.L_overlay_start_1:
0x0: {  	(tag) =	ssettag $0x1  }
0x1: {  	s1 =	srdreg.scid;
	s5 =	rddreg [dreg:$0x0]  }
0x2: {  	s0 =	stileid.u32;
	s2 =	rddreg [dreg:$0x1]  }
0x3: {  	s3 =	simm.s32 $0x0;
	s15 =	simm.s32 $0x80;
	s16 =	simm.s32 $0x6800  }
0x4: {  	s17 =	simm.s32 $0x1;
	s18 =	simm.s32 $0x2;
	s19 =	simm.s32 $0x0  }
0x5: {  	s6 =	sand.u32 $0x1, s1;
	s1 =	rddreg [dreg:$0x2];
	s9 =	smul.u32 $0x14000, s0  }
0x6: {  	s26 =	sshll.u32 s0, $0x1;
	[smem:$0x7FF] =	sst s3;
	s13 =	smul.u32 $0x50000, s0  }
0x7: {  	s10 =	sadd.s32 $0xF84800, s5;
	s31 =	sshll.u32 s0, $0x6;
	s8 =	smul.u32 $0x140000, s6  }
0x8: {  	s7 =	sor.u32 s6, s26;
	s28 =	ssub.s32 $0x2, s6;
	s30 =	smul.u32 $0x28000, s6  }
0x9: {  	_ =	strace $0x80000056;
	s4 =	smul.u32 $0x500, s7;
	s12 =	sshrl.u32 s28, $0x1  }
0xa: {  	s7 =	smul.u32 $0x28000, s7;
	s29 =	sshrl.u32 s13, $0x2;
	s8 =	sadd.s32 s9, s8  }
0xb: {  	s9 =	ssub.s32 s28, s12;
	s14 =	sadd.s32 s29, s2;
	s12 =	sor.u32 $0x1C03, s31  }
0xc: {  	s11 =	sadd.s32 s4, s5;
	s4 =	sadd.s32 $0x5A3000, s5;
	s8 =	sshrl.u32 s8, $0x3  }
0xd: {  	s6 =	sadd.s32 s10, s7;
	s10 =	sadd.s32 s13, s10;
	s13 =	sshrl.u32 s14, $0x3  }
0xe: {  	s14 =	simm.s32 $0x2800;
	s8 =	sadd.s32 s8, s5;
	s5 =	sadd.s32 $0xC800, s11  }
0xf: {  	s10 =	sadd.s32 s30, s10;
	s11 =	simm.s32 $0x3;
	s7 =	sadd.s32 $0x16800, s8  }
0x10: {  	s8 =	smax.u32 s9, $0x1;
	s9 =	sadd.s32 $0x800, s6;
	s10 =	sadd.s32 $0x1000, s10  }
.LBB2_1:
0x11: {  	[tilespmem:s3], [sflag:$0x3] =	stream.linear.gather [hbm4b:s5+s3], $0x2800, $0x38;
	[tilespmem:$0x1E800] =	vst v63  }
0x12: {  	_ =	swait.ge [sflag:s11], $0x2800  }
0x13: {  	[sflag:s11] =	ssyncset.done $0x0  }
0x14: {  	[sflag:s11] =	ssyncadd.s32 $0xFFFFD800  }
0x15: {  	[spmem:s13], [sflag:s12] =	dma.local [hbm:s4], $0x2800  }
0x16: {  	_ =	swait.ge [sflag:s11], $0x2800  }
0x17: {  	[sflag:s11] =	ssyncset.done $0x0  }
0x18: {  	[sflag:s11] =	ssyncadd.s32 $0xFFFFD800  }
0x19: {  	[bflag:$0x0] =	sbarrier.arrive $0xFFFF  }
0x1a: {  	[tilespmem:s14], [sflag:$0x1] =	stream.linear.gather [hbm4b:s6+s3], $0x4000, $0x38;
	[tilespmem:$0x1E800] =	vst v63  }
0x1b: {  	_ =	swait.ge [sflag:s17], $0x4000  }
0x1c: {  	[sflag:s17] =	ssyncset.done $0x0  }
0x1d: {  	[sflag:s17] =	ssyncadd.s32 $0xFFFFC000  }
0x1e: {  	[spmem:s2] =	stream.indirect.scatter.add.f32 [tilespmem:s14], [sflag:$0x2], $0x80, s3, s15, $0xb8;
	[tilespmem:$0x1E800] =	vst v63  }
0x1f: {  	_ = 	snop  }
0x20: {  	[tilespmem:s16], [sflag:$0x1] =	stream.linear.gather [hbm4b:s9+s3], $0x4000, $0x38;
	[tilespmem:$0x1E800] =	vst v63  }
0x21: {  	_ =	swait.ge [sflag:s17], $0x4000  }
0x22: {  	[sflag:s17] =	ssyncset.done $0x0  }
0x23: {  	[sflag:s17] =	ssyncadd.s32 $0xFFFFC000  }
0x24: {  	_ =	swait.ge [sflag:s18], $0x4000  }
0x25: {  	[sflag:s18] =	ssyncset.done $0x0  }
0x26: {  	[sflag:s18] =	ssyncadd.s32 $0xFFFFC000  }
0x27: {  	[spmem:s2] =	stream.indirect.scatter.add.f32 [tilespmem:s16], [sflag:$0x2], $0x80, s15, s15, $0xb8;
	[tilespmem:$0x1E800] =	vst v63  }
0x28: {  	s20 =	simm.s32 $0x2800  }
0x29: {  	[tilespmem:s20], [sflag:$0x1] =	stream.linear.gather [hbm4b:s10+s3], $0x4000, $0x38;
	[tilespmem:$0x1E800] =	vst v63  }
0x2a: {  	_ =	swait.ge [sflag:s17], $0x4000  }
0x2b: {  	s21 =	simm.s32 $0x100;
	s31 =	sand.u32 $0x1, s18;
	[sflag:s17] =	ssyncset.done $0x0  }
0x2c: {  	s24 =	simm.s32 $0x3;
	s25 =	simm.s32 $0x4;
	[sflag:s17] =	ssyncadd.s32 $0xFFFFC000  }
0x2d: {  	s23 =	sadd.s32 $0x800, s10;
	s22 =	sshll.u32 s31, $0xE;
	_ =	swait.ge [sflag:s18], $0x4000  }
0x2e: {  	s26 =	sshll.u32 s31, $0xE;
	s24 =	sand.u32 $0x1, s24;
	[sflag:s18] =	ssyncset.done $0x0  }
0x2f: {  	s26 =	sor.u32 $0x2800, s26;
	s20 =	simm.s32 $0x180;
	[sflag:s18] =	ssyncadd.s32 $0xFFFFC000  }
.LBB2_2:
0x30: {  	[spmem:s2] =	stream.indirect.scatter.add.f32 [tilespmem:s26], [sflag:$0x2], $0x80, s21, s15, $0xb8;
	[tilespmem:$0x1E800] =	vst v63  }
0x31: {  	s26 =	smov.u32 s25;
	s21 =	smov.u32 s20  }
0x32: {  	s28 =	sadd.s32 $0x1, s25;
	s29 =	ssub.s32 $0x6800, s22;
	s22 =	sshll.u32 s24, $0xE  }
0x33: {  	[tilespmem:s29], [sflag:$0x1] =	stream.linear.gather [hbm4b:s23+s3], $0x4000, $0x38;
	[tilespmem:$0x1E800] =	vst v63  }
0x34: {  	p0 =	sne.s32 s25, $0x4F;
	_ =	swait.ge [sflag:s17], $0x4000  }
.Ltmp0:
0x35: {  	[sflag:s17] =	ssyncset.done $0x0;
	(pc) =	sbr.rel @p0 .LBB2_2-.Ltmp0, $4  }
0x36: {  	[sflag:s17] =	ssyncadd.s32 $0xFFFFC000  }
0x37: {  	s23 =	sadd.s32 $0x800, s23;
	_ =	swait.ge [sflag:s18], $0x4000  }
0x38: {  	s20 =	sadd.s32 $0x80, s20;
	s24 =	sand.u32 $0x1, s26;
	[sflag:s18] =	ssyncset.done $0x0  }
0x39: {  	s26 =	sor.u32 $0x2800, s22;
	s25 =	smov.u32 s28;
	[sflag:s18] =	ssyncadd.s32 $0xFFFFC000  }
0x3a: {  	[spmem:s2] =	stream.indirect.scatter.add.f32 [tilespmem:s26], [sflag:$0x2], $0x80, s21, s15, $0xb8;
	[tilespmem:$0x1E800] =	vst v63  }
0x3b: {  	s30 =	ssub.s32 $0x6800, s22  }
0x3c: {  	[tilespmem:s30], [sflag:$0x1] =	stream.linear.gather [hbm4b:s23+s3], $0x4000, $0x38;
	[tilespmem:$0x1E800] =	vst v63  }
0x3d: {  	_ =	swait.ge [sflag:s17], $0x4000  }
0x3e: {  	[sflag:s17] =	ssyncset.done $0x0  }
0x3f: {  	[sflag:s17] =	ssyncadd.s32 $0xFFFFC000  }
0x40: {  	_ =	swait.ge [sflag:s18], $0x4000  }
0x41: {  	s31 =	sshll.u32 s24, $0xE;
	[sflag:s18] =	ssyncset.done $0x0  }
0x42: {  	s21 =	sor.u32 $0x2800, s31;
	[sflag:s18] =	ssyncadd.s32 $0xFFFFC000  }
0x43: {  	[spmem:s2] =	stream.indirect.scatter.add.f32 [tilespmem:s21], [sflag:$0x2], $0x80, s20, s15, $0xb8;
	[tilespmem:$0x1E800] =	vst v63  }
0x44: {  	_ =	swait.ge [sflag:s18], $0x4000  }
0x45: {  	s19 =	sadd.s32 $0x1, s19;
	[sflag:s18] =	ssyncset.done $0x0  }
0x46: {  	p0 =	sne.s32 s19, s8;
	[sflag:s18] =	ssyncadd.s32 $0xFFFFC000  }
.Ltmp1:
0x47: {  	[bflag:$0x0] =	sbarrier.arrive $0xFFFF;
	(pc) =	sbr.rel @p0 .LBB2_1-.Ltmp1, $4  }
0x48: {  	[hbm:s7], [sflag:s12] =	dma.local [spmem:s13], $0x2800  }
0x49: {  	_ =	swait.ge [sflag:s11], $0x2800  }
0x4a: {  	[sflag:s11] =	ssyncset.done $0x0  }
0x4b: {  	[sflag:s11] =	ssyncadd.s32 $0xFFFFD800  }
0x4c: {  	_ =	sfence.sel $0x180000  }
0x4d: {  	[bflag:$0x0] =	sbarrier.arrive $0xFFFF  }
0x4e: {  	p0 =	sne.s32 s0, $0x0;
	_ =	strace $0x90000056  }
0x4f: {  	s0 =	sadd.s32 @!p0 $0x100000, s1;
	[bflag:$0x2] =	sbarrier.arrive $0xFFFF  }
0x50: {  	[sflag:s0] =	ssyncadd.tile.s32 @!p0 $0x1;
	_ =	shalt  }
.Lfunc_end2:
_tile_overlayer_lowered:
.L_overlay_start_2:
0x51: {  	(tag) =	ssettag $0x2  }
0x52: {  	s0 =	rddreg [dreg:$0x0];
	s2 =	stileid.u32  }
0x53: {  	s1 =	rddreg [dreg:$0x1];
	p0 =	sne.s32 s2, $0x0  }
0x54: {  	s3 =	rddreg [dreg:$0x2];
	[bflag:$0x3] =	sbarrier.arrive $0xFFFF;
	s2 =	simm.s32 @!p0 $0x1C03  }
0x55: {  	[timem:s3], [sflag:s2] =	dma.local @!p0 [hbm:s0], s1  }
0x56: {  	s0 =	simm.s32 @!p0 $0x3  }
0x57: {  	_ =	swait.ge @!p0 [sflag:s0], s1  }
0x58: {  	s1 =	ssub.s32 @!p0 $0x0, s1;
	[sflag:s0] =	ssyncset.done @!p0 $0x0  }
0x59: {  	[sflag:s0] =	ssyncadd.s32 @!p0 s1  }
0x5a: {  	[bflag:$0x3] =	sbarrier.arrive $0xFFFF  }
0x5b: {  	_ =	shalt  }

</sc_bundles>
